<compile_context>
chip_gen: v7x
topology: tpu7x:2x2x1
jax: 0.10.2.dev20260603
libtpu: 0.0.44.dev20260713+nightly
codegen_flags: <defaults>
</compile_context>

<pallas_src>
import functools

import jax
import jax.numpy as jnp
from jax import lax
from jax.experimental import pallas as pl
from jax.experimental.pallas import tpu as pltpu
from jax.experimental.pallas import tpu_sc as plsc

VOCAB = 100000
EMB_DIM = 300
PAD_TOKEN = 0
B, NK, L = 1024, 16, 20

NUM_SEG = B * NK
NC, NS = 2, 16
NW = NC * NS
SEG_PER_W = NUM_SEG // NW
S = 4
PITCH = 384
ROWS = S * L
NCHUNK = SEG_PER_W // S
OUT_STAGE = 64

OFFS = tuple(range(0, EMB_DIM - 16, 16)) + (EMB_DIM - 16,)


def _pool_kernel(idx_hbm, table_hbm, out_hbm, idx2, rows2, out_v,
                 sem0, sem1):
    wid = lax.axis_index("s") * NC + lax.axis_index("c")
    wbase = wid * SEG_PER_W
    sems = (sem0, sem1)

    def copy_idx(g, slot):
        pltpu.sync_copy(idx_hbm.at[pl.ds((wbase + g * S) * L, ROWS)],
                        idx2.at[slot])

    def start_gather(slot):
        pltpu.async_copy(table_hbm.at[idx2.at[slot]], rows2.at[slot],
                         sems[slot])

    def wait_gather(slot):
        pltpu.make_async_copy(table_hbm.at[idx2.at[slot]], rows2.at[slot],
                              sems[slot]).wait()

    def compute_chunk(g2, slot):
        lane = lax.iota(jnp.int32, 16)
        tail_mask = lane >= 12
        stage_base = (g2 % (OUT_STAGE // (2 * S))) * 2 * S + slot * S
        for s in range(S):
            base = s * L

            def row_body(r, accs, _base=base, _slot=slot):
                row = _base + r
                return tuple(a + rows2[_slot, row, pl.ds(off, 16)]
                             for a, off in zip(accs, OFFS))

            accs = lax.fori_loop(
                0, L, row_body,
                tuple(jnp.zeros((16,), jnp.float32) for _ in OFFS))

            w1 = idx2[slot, pl.ds(base, 16)]
            w2 = idx2[slot, pl.ds(base + 4, 16)]
            cnt = (jnp.sum((w1 != PAD_TOKEN).astype(jnp.int32))
                   + jnp.sum(((w2 != PAD_TOKEN) & tail_mask).astype(jnp.int32)))
            cnt_vec = jnp.full((16,), cnt).astype(jnp.float32)

            for a, off in zip(accs, OFFS):
                out_v[stage_base + s, pl.ds(off, 16)] = a / cnt_vec

    copy_idx(0, 0)
    start_gather(0)

    def super_body(g2, carry):
        g = g2 * 2
        copy_idx(g + 1, 1)
        start_gather(1)
        wait_gather(0)
        compute_chunk(g2, 0)
        @pl.when(g2 < NCHUNK // 2 - 1)
        def _():
            copy_idx(g + 2, 0)
            start_gather(0)
        wait_gather(1)
        compute_chunk(g2, 1)

        @pl.when(g2 % (OUT_STAGE // (2 * S)) == OUT_STAGE // (2 * S) - 1)
        def _():
            pltpu.sync_copy(
                out_v,
                out_hbm.at[pl.ds(wbase + (g2 + 1) * 2 * S - OUT_STAGE,
                                 OUT_STAGE)])
        return carry

    lax.fori_loop(0, NCHUNK // 2, super_body, 0)


PAD_BLK = 2048


def _pad_body(xt_ref, o_ref):
    o_ref[:, :EMB_DIM] = xt_ref[...].T


def _pad_table(table_t):
    return pl.pallas_call(
        _pad_body,
        grid=((VOCAB + PAD_BLK - 1) // PAD_BLK,),
        in_specs=[pl.BlockSpec((EMB_DIM, PAD_BLK), lambda i: (0, i))],
        out_specs=pl.BlockSpec((PAD_BLK, PITCH), lambda i: (i, 0)),
        out_shape=jax.ShapeDtypeStruct((VOCAB, PITCH), jnp.float32),
    )(table_t)


def _emb_pool(x_flat, table_padded):
    mesh = plsc.VectorSubcoreMesh(core_axis_name="c", subcore_axis_name="s")
    fn = functools.partial(
        pl.kernel,
        mesh=mesh,
        out_type=jax.ShapeDtypeStruct((NUM_SEG, EMB_DIM), jnp.float32),
        scratch_types=[
            pltpu.VMEM((2, ROWS), jnp.int32),
            pltpu.VMEM((2, ROWS, PITCH), jnp.float32),
            pltpu.VMEM((OUT_STAGE, EMB_DIM), jnp.float32),
            pltpu.SemaphoreType.DMA,
            pltpu.SemaphoreType.DMA,
        ],
        compiler_params=pltpu.CompilerParams(
            use_tc_tiling_on_sc=True, needs_layout_passes=False),
    )(_pool_kernel)
    return fn(x_flat, table_padded)


def kernel(x, table):
    out = _emb_pool(x.reshape(-1), _pad_table(table.T))
    return out.reshape(B, NK, EMB_DIM)

# --- scband reference (transcript-rebuilt; emitter-appended) ---
"""Pipeline reference for scband-word-embedding-24945170055667 (READ-ONLY COPY).

The authoritative reference and input builder live on the scoring server;
editing this copy changes nothing except your own understanding.
"""

import jax, jax.numpy as jnp
import numpy as np

VOCAB = 100000
EMB_DIM = 300
PAD_TOKEN = 0
B, NK, L = 1024, 16, 20


def setup_inputs(seed: int = 0) -> dict:
    key = jax.random.key(seed)
    k1, k2 = jax.random.split(key)
    # tokenised sequences (b x N*K x max_seq_len)
    x = jax.random.randint(k1, (B, NK, L), 0, VOCAB, dtype=jnp.int32)
    # pretrained embedding table: uniform in [-1, 1), PAD row zeroed (mirrors get_embedding_weights)
    table = jax.random.uniform(k2, (VOCAB, EMB_DIM), dtype=jnp.float32, minval=-1.0, maxval=1.0)
    table = table.at[PAD_TOKEN].set(0.0)
    return {"x": x, "table": table}


def reference(x, table):
    # nn.Embedding lookup -> gather rows of the table
    text_embedding = jnp.take(table, x, axis=0)  # (B, NK, L, EMB_DIM)
    # mean pooling strat: mask out PAD tokens, divide summed embedding by true seq lens
    padding_mask = jnp.where(x != PAD_TOKEN, 1, 0)
    seq_lens = jnp.sum(padding_mask, axis=-1, keepdims=True).astype(jnp.float32)  # (B, NK, 1)
    pooled = jnp.sum(text_embedding, axis=2) / seq_lens  # (B, NK, EMB_DIM)
    return pooled

if __name__ == "__main__":
    import jax
    _d = setup_inputs()
    print(jax.jit(kernel)(*tuple(_d.values())))

</pallas_src>

<mosaic_0001>
#map = affine_map<(d0, d1) -> (0)>
#map1 = affine_map<(d0, d1) -> (0, 0)>
module attributes {stable_mosaic.version = 14 : i64} {
  func.func @_pool_kernel(%arg0: i32, %arg1: i32, %arg2: memref<327680xi32, #tpu.memory_space<hbm>>, %arg3: memref<100000x384xf32, #tpu.memory_space<hbm>>, %arg4: memref<16384x300xf32, #tpu.memory_space<hbm>>, %arg5: memref<2x80xi32, #tpu.memory_space<vmem>>, %arg6: memref<2x80x384xf32, #tpu.memory_space<vmem>>, %arg7: memref<64x300xf32, #tpu.memory_space<vmem>>, %arg8: memref<!tpu.dma_semaphore, #tpu.memory_space<semaphore_mem>>, %arg9: memref<!tpu.dma_semaphore, #tpu.memory_space<semaphore_mem>>) attributes {dimension_semantics = [#tpu.dimension_semantics<core_parallel>, #tpu.dimension_semantics<subcore_parallel>], iteration_bounds = array<i64: 2, 16>, scalar_prefetch = 0 : i64, scratch_operands = 5 : i64, tpu.core_type = #tpu.core_type<sc_vector_subcore>, window_params = [{transform_indices = #map}, {transform_indices = #map1}, {transform_indices = #map1}]} {
    %mul3A = arith.constant 2 : i32
    %mul3A_0 = arith.muli %arg1, %mul3A : i32
    %add3A = arith.addi %mul3A_0, %arg0 : i32
    %mul3A_1 = arith.constant 512 : i32
    %mul3A_2 = arith.muli %add3A, %mul3A_1 : i32
    %add3A_3 = arith.constant 0 : i32
    %add3A_4 = arith.addi %mul3A_2, %add3A_3 : i32
    %mul3A_5 = arith.constant 20 : i32
    %mul3A_6 = arith.muli %add3A_4, %mul3A_5 : i32
    %run_scoped3A = arith.constant 0 : i32
    "tpu.region"() ({
      %run_scoped3A_23 = tpu.sem_alloc : memref<!tpu.dma_semaphore, #tpu.memory_space<semaphore_mem>>
      %dma_start3A_24 = arith.constant 0 : i32
      %dma_start3A_25 = tpu.memref_slice %arg5[%run_scoped3A, %dma_start3A_24] : memref<2x80xi32, #tpu.memory_space<vmem>> -> memref<1x80xi32, #tpu.memory_space<vmem>>
      %dma_start3A_26 = tpu.memref_squeeze %dma_start3A_25 : memref<1x80xi32, #tpu.memory_space<vmem>> -> memref<80xi32, #tpu.memory_space<vmem>>
      %dma_start3A_27 = tpu.memref_slice %arg2[%mul3A_6] : memref<327680xi32, #tpu.memory_space<hbm>> -> memref<80xi32, #tpu.memory_space<hbm>>
      %dma_start3A_28 = arith.constant 0 : i32
      %dma_start3A_29 = tpu.memref_slice %arg5[%run_scoped3A, %dma_start3A_28] : memref<2x80xi32, #tpu.memory_space<vmem>> -> memref<1x80xi32, #tpu.memory_space<vmem>>
      %dma_start3A_30 = tpu.memref_squeeze %dma_start3A_29 : memref<1x80xi32, #tpu.memory_space<vmem>> -> memref<80xi32, #tpu.memory_space<vmem>>
      %dma_start3A_31 = tpu.memref_slice %arg2[%mul3A_6] : memref<327680xi32, #tpu.memory_space<hbm>> -> memref<80xi32, #tpu.memory_space<hbm>>
      tpu.enqueue_dma source(%dma_start3A_31 : memref<80xi32, #tpu.memory_space<hbm>>) target(%dma_start3A_30 : memref<80xi32, #tpu.memory_space<vmem>>) target_semaphore(%run_scoped3A_23 : memref<!tpu.dma_semaphore, #tpu.memory_space<semaphore_mem>>)
      %dma_wait3A = arith.constant 0 : i32
      %dma_wait3A_32 = tpu.memref_slice %arg5[%run_scoped3A, %dma_wait3A] : memref<2x80xi32, #tpu.memory_space<vmem>> -> memref<1x80xi32, #tpu.memory_space<vmem>>
      %dma_wait3A_33 = tpu.memref_squeeze %dma_wait3A_32 : memref<1x80xi32, #tpu.memory_space<vmem>> -> memref<80xi32, #tpu.memory_space<vmem>>
      %dma_wait3A_34 = tpu.memref_slice %arg2[%mul3A_6] : memref<327680xi32, #tpu.memory_space<hbm>> -> memref<80xi32, #tpu.memory_space<hbm>>
      %dma_wait3A_35 = arith.constant 0 : i32
      %dma_wait3A_36 = tpu.memref_slice %arg5[%run_scoped3A, %dma_wait3A_35] : memref<2x80xi32, #tpu.memory_space<vmem>> -> memref<1x80xi32, #tpu.memory_space<vmem>>
      %dma_wait3A_37 = tpu.memref_squeeze %dma_wait3A_36 : memref<1x80xi32, #tpu.memory_space<vmem>> -> memref<80xi32, #tpu.memory_space<vmem>>
      %dma_wait3A_38 = tpu.memref_slice %arg2[%mul3A_6] : memref<327680xi32, #tpu.memory_space<hbm>> -> memref<80xi32, #tpu.memory_space<hbm>>
      tpu.wait_dma2 semaphore(%run_scoped3A_23 : memref<!tpu.dma_semaphore, #tpu.memory_space<semaphore_mem>>) src(%dma_wait3A_38 : memref<80xi32, #tpu.memory_space<hbm>>) dst(%dma_wait3A_37 : memref<80xi32, #tpu.memory_space<vmem>>)
      tpu.yield
    }) : () -> ()
    %dma_start3A = arith.constant 0 : i32
    %dma_start3A_7 = arith.constant 0 : i32
    %dma_start3A_8 = arith.constant 0 : i32
    %dma_start3A_9 = arith.constant 0 : i32
    %dma_start3A_10 = tpu.memref_slice %arg6[%dma_start3A_7, %dma_start3A_8, %dma_start3A_9] : memref<2x80x384xf32, #tpu.memory_space<vmem>> -> memref<1x80x384xf32, #tpu.memory_space<vmem>>
    %dma_start3A_11 = tpu.memref_squeeze %dma_start3A_10 : memref<1x80x384xf32, #tpu.memory_space<vmem>> -> memref<80x384xf32, #tpu.memory_space<vmem>>
    %dma_start3A_12 = arith.constant 0 : i32
    %dma_start3A_13 = tpu.memref_slice %arg5[%dma_start3A, %dma_start3A_12] : memref<2x80xi32, #tpu.memory_space<vmem>> -> memref<1x80xi32, #tpu.memory_space<vmem>>
    %dma_start3A_14 = tpu.memref_squeeze %dma_start3A_13 : memref<1x80xi32, #tpu.memory_space<vmem>> -> memref<80xi32, #tpu.memory_space<vmem>>
    %dma_start3A_15 = arith.constant 0 : i32
    %dma_start3A_16 = arith.constant 0 : i32
    %dma_start3A_17 = tpu.memref_slice %arg3[%dma_start3A_15, %dma_start3A_16] : memref<100000x384xf32, #tpu.memory_space<hbm>> -> memref<100000x384xf32, #tpu.memory_space<hbm>>
    tpu.enqueue_indirect_dma source(%dma_start3A_17 : memref<100000x384xf32, #tpu.memory_space<hbm>>) target(%dma_start3A_11 : memref<80x384xf32, #tpu.memory_space<vmem>>) offsets(%dma_start3A_14 : memref<80xi32, #tpu.memory_space<vmem>>) semaphore(%arg8 : memref<!tpu.dma_semaphore, #tpu.memory_space<semaphore_mem>>)
    %scan3A = arith.constant 0 : i32
    %scan3A_18 = arith.constant 0 : i32
    %scan3A_19 = arith.constant 64 : i32
    %scan3A_20 = arith.addi %scan3A_18, %scan3A_19 : i32
    %scan3A_21 = arith.constant 1 : i32
    scf.for %scan3A_23 = %scan3A_18 to %scan3A_20 step %scan3A_21  : i32 {
      %mul3A_24 = arith.constant 2 : i32
      %mul3A_25 = arith.muli %scan3A_23, %mul3A_24 : i32
      %add3A_26 = arith.constant 1 : i32
      %add3A_27 = arith.addi %mul3A_25, %add3A_26 : i32
      %mul3A_28 = arith.constant 4 : i32
      %mul3A_29 = arith.muli %add3A_27, %mul3A_28 : i32
      %add3A_30 = arith.addi %mul3A_2, %mul3A_29 : i32
      %mul3A_31 = arith.constant 20 : i32
      %mul3A_32 = arith.muli %add3A_30, %mul3A_31 : i32
      %run_scoped3A_33 = arith.constant 1 : i32
      "tpu.region"() ({
        %run_scoped3A_1619 = tpu.sem_alloc : memref<!tpu.dma_semaphore, #tpu.memory_space<semaphore_mem>>
        %dma_start3A_1620 = arith.constant 0 : i32
        %dma_start3A_1621 = tpu.memref_slice %arg5[%run_scoped3A_33, %dma_start3A_1620] : memref<2x80xi32, #tpu.memory_space<vmem>> -> memref<1x80xi32, #tpu.memory_space<vmem>>
        %dma_start3A_1622 = tpu.memref_squeeze %dma_start3A_1621 : memref<1x80xi32, #tpu.memory_space<vmem>> -> memref<80xi32, #tpu.memory_space<vmem>>
        %dma_start3A_1623 = tpu.memref_slice %arg2[%mul3A_32] : memref<327680xi32, #tpu.memory_space<hbm>> -> memref<80xi32, #tpu.memory_space<hbm>>
        %dma_start3A_1624 = arith.constant 0 : i32
        %dma_start3A_1625 = tpu.memref_slice %arg5[%run_scoped3A_33, %dma_start3A_1624] : memref<2x80xi32, #tpu.memory_space<vmem>> -> memref<1x80xi32, #tpu.memory_space<vmem>>
        %dma_start3A_1626 = tpu.memref_squeeze %dma_start3A_1625 : memref<1x80xi32, #tpu.memory_space<vmem>> -> memref<80xi32, #tpu.memory_space<vmem>>
        %dma_start3A_1627 = tpu.memref_slice %arg2[%mul3A_32] : memref<327680xi32, #tpu.memory_space<hbm>> -> memref<80xi32, #tpu.memory_space<hbm>>
        tpu.enqueue_dma source(%dma_start3A_1627 : memref<80xi32, #tpu.memory_space<hbm>>) target(%dma_start3A_1626 : memref<80xi32, #tpu.memory_space<vmem>>) target_semaphore(%run_scoped3A_1619 : memref<!tpu.dma_semaphore, #tpu.memory_space<semaphore_mem>>)
        %dma_wait3A_1628 = arith.constant 0 : i32
        %dma_wait3A_1629 = tpu.memref_slice %arg5[%run_scoped3A_33, %dma_wait3A_1628] : memref<2x80xi32, #tpu.memory_space<vmem>> -> memref<1x80xi32, #tpu.memory_space<vmem>>
        %dma_wait3A_1630 = tpu.memref_squeeze %dma_wait3A_1629 : memref<1x80xi32, #tpu.memory_space<vmem>> -> memref<80xi32, #tpu.memory_space<vmem>>
        %dma_wait3A_1631 = tpu.memref_slice %arg2[%mul3A_32] : memref<327680xi32, #tpu.memory_space<hbm>> -> memref<80xi32, #tpu.memory_space<hbm>>
        %dma_wait3A_1632 = arith.constant 0 : i32
        %dma_wait3A_1633 = tpu.memref_slice %arg5[%run_scoped3A_33, %dma_wait3A_1632] : memref<2x80xi32, #tpu.memory_space<vmem>> -> memref<1x80xi32, #tpu.memory_space<vmem>>
        %dma_wait3A_1634 = tpu.memref_squeeze %dma_wait3A_1633 : memref<1x80xi32, #tpu.memory_space<vmem>> -> memref<80xi32, #tpu.memory_space<vmem>>
        %dma_wait3A_1635 = tpu.memref_slice %arg2[%mul3A_32] : memref<327680xi32, #tpu.memory_space<hbm>> -> memref<80xi32, #tpu.memory_space<hbm>>
        tpu.wait_dma2 semaphore(%run_scoped3A_1619 : memref<!tpu.dma_semaphore, #tpu.memory_space<semaphore_mem>>) src(%dma_wait3A_1635 : memref<80xi32, #tpu.memory_space<hbm>>) dst(%dma_wait3A_1634 : memref<80xi32, #tpu.memory_space<vmem>>)
        tpu.yield
      }) : () -> ()
      %dma_start3A_34 = arith.constant 1 : i32
      %dma_start3A_35 = arith.constant 1 : i32
      %dma_start3A_36 = arith.constant 0 : i32
      %dma_start3A_37 = arith.constant 0 : i32
      %dma_start3A_38 = tpu.memref_slice %arg6[%dma_start3A_35, %dma_start3A_36, %dma_start3A_37] : memref<2x80x384xf32, #tpu.memory_space<vmem>> -> memref<1x80x384xf32, #tpu.memory_space<vmem>>
      %dma_start3A_39 = tpu.memref_squeeze %dma_start3A_38 : memref<1x80x384xf32, #tpu.memory_space<vmem>> -> memref<80x384xf32, #tpu.memory_space<vmem>>
      %dma_start3A_40 = arith.constant 0 : i32
      %dma_start3A_41 = tpu.memref_slice %arg5[%dma_start3A_34, %dma_start3A_40] : memref<2x80xi32, #tpu.memory_space<vmem>> -> memref<1x80xi32, #tpu.memory_space<vmem>>
      %dma_start3A_42 = tpu.memref_squeeze %dma_start3A_41 : memref<1x80xi32, #tpu.memory_space<vmem>> -> memref<80xi32, #tpu.memory_space<vmem>>
      %dma_start3A_43 = arith.constant 0 : i32
      %dma_start3A_44 = arith.constant 0 : i32
      %dma_start3A_45 = tpu.memref_slice %arg3[%dma_start3A_43, %dma_start3A_44] : memref<100000x384xf32, #tpu.memory_space<hbm>> -> memref<100000x384xf32, #tpu.memory_space<hbm>>
      tpu.enqueue_indirect_dma source(%dma_start3A_45 : memref<100000x384xf32, #tpu.memory_space<hbm>>) target(%dma_start3A_39 : memref<80x384xf32, #tpu.memory_space<vmem>>) offsets(%dma_start3A_42 : memref<80xi32, #tpu.memory_space<vmem>>) semaphore(%arg9 : memref<!tpu.dma_semaphore, #tpu.memory_space<semaphore_mem>>)
      %dma_wait3A = arith.constant 0 : i32
      %dma_wait3A_46 = arith.constant 0 : i32
      %dma_wait3A_47 = arith.constant 0 : i32
      %dma_wait3A_48 = arith.constant 0 : i32
      %dma_wait3A_49 = tpu.memref_slice %arg6[%dma_wait3A_46, %dma_wait3A_47, %dma_wait3A_48] : memref<2x80x384xf32, #tpu.memory_space<vmem>> -> memref<1x80x384xf32, #tpu.memory_space<vmem>>
      %dma_wait3A_50 = tpu.memref_squeeze %dma_wait3A_49 : memref<1x80x384xf32, #tpu.memory_space<vmem>> -> memref<80x384xf32, #tpu.memory_space<vmem>>
      %dma_wait3A_51 = arith.constant 0 : i32
      %dma_wait3A_52 = tpu.memref_slice %arg5[%dma_wait3A, %dma_wait3A_51] : memref<2x80xi32, #tpu.memory_space<vmem>> -> memref<1x80xi32, #tpu.memory_space<vmem>>
      %dma_wait3A_53 = tpu.memref_squeeze %dma_wait3A_52 : memref<1x80xi32, #tpu.memory_space<vmem>> -> memref<80xi32, #tpu.memory_space<vmem>>
      %dma_wait3A_54 = arith.constant 0 : i32
      %dma_wait3A_55 = arith.constant 0 : i32
      %dma_wait3A_56 = tpu.memref_slice %arg3[%dma_wait3A_54, %dma_wait3A_55] : memref<100000x384xf32, #tpu.memory_space<hbm>> -> memref<100000x384xf32, #tpu.memory_space<hbm>>
      tpu.wait_indirect_dma semaphore(%arg8 : memref<!tpu.dma_semaphore, #tpu.memory_space<semaphore_mem>>) src(%dma_wait3A_56 : memref<100000x384xf32, #tpu.memory_space<hbm>>) dst(%dma_wait3A_50 : memref<80x384xf32, #tpu.memory_space<vmem>>)
      %iota3A = tpu.iota {dimensions = array<i32: 0>} : vector<16xi32>
      %ge3A = arith.constant 12 : i32
      %ge3A_57 = vector.broadcast %ge3A : i32 to vector<16xi32>
      %ge3A_58 = arith.cmpi sge, %iota3A, %ge3A_57 : vector<16xi32>
      %jit3A = arith.constant 8 : i32
      %eq3A = arith.constant 0 : i32
      %eq3A_59 = arith.cmpi eq, %jit3A, %eq3A : i32
      %jit3A_60 = arith.constant 1 : i32
      %select_n3A = arith.select %eq3A_59, %jit3A_60, %jit3A : i32
      %rem3A = arith.remsi %scan3A_23, %select_n3A : i32
      %ne3A = arith.constant 0 : i32
      %ne3A_61 = arith.cmpi ne, %rem3A, %ne3A : i32
      %lt3A = arith.constant 0 : i32
      %lt3A_62 = arith.cmpi slt, %rem3A, %lt3A : i32
      %lt3A_63 = arith.constant 0 : i32
      %lt3A_64 = arith.cmpi slt, %select_n3A, %lt3A_63 : i32
      %ne3A_65 = arith.xori %lt3A_62, %lt3A_64 : i1
      %and3A = arith.andi %ne3A_65, %ne3A_61 : i1
      %add3A_66 = arith.addi %rem3A, %select_n3A : i32
      %select_n3A_67 = arith.select %and3A, %add3A_66, %rem3A : i32
      %mul3A_68 = arith.constant 2 : i32
      %mul3A_69 = arith.muli %select_n3A_67, %mul3A_68 : i32
      %mul3A_70 = arith.constant 4 : i32
      %mul3A_71 = arith.muli %mul3A_69, %mul3A_70 : i32
      %add3A_72 = arith.constant 0 : i32
      %add3A_73 = arith.addi %mul3A_71, %add3A_72 : i32
      %broadcast_in_dim3A = arith.constant 0.000000e+00 : f32
      %broadcast_in_dim3A_74 = vector.broadcast %broadcast_in_dim3A : f32 to vector<16xf32>
      %broadcast_in_dim3A_75 = arith.constant 0.000000e+00 : f32
      %broadcast_in_dim3A_76 = vector.broadcast %broadcast_in_dim3A_75 : f32 to vector<16xf32>
      %broadcast_in_dim3A_77 = arith.constant 0.000000e+00 : f32
      %broadcast_in_dim3A_78 = vector.broadcast %broadcast_in_dim3A_77 : f32 to vector<16xf32>
      %broadcast_in_dim3A_79 = arith.constant 0.000000e+00 : f32
      %broadcast_in_dim3A_80 = vector.broadcast %broadcast_in_dim3A_79 : f32 to vector<16xf32>
      %broadcast_in_dim3A_81 = arith.constant 0.000000e+00 : f32
      %broadcast_in_dim3A_82 = vector.broadcast %broadcast_in_dim3A_81 : f32 to vector<16xf32>
      %broadcast_in_dim3A_83 = arith.constant 0.000000e+00 : f32
      %broadcast_in_dim3A_84 = vector.broadcast %broadcast_in_dim3A_83 : f32 to vector<16xf32>
      %broadcast_in_dim3A_85 = arith.constant 0.000000e+00 : f32
      %broadcast_in_dim3A_86 = vector.broadcast %broadcast_in_dim3A_85 : f32 to vector<16xf32>
      %broadcast_in_dim3A_87 = arith.constant 0.000000e+00 : f32
      %broadcast_in_dim3A_88 = vector.broadcast %broadcast_in_dim3A_87 : f32 to vector<16xf32>
      %broadcast_in_dim3A_89 = arith.constant 0.000000e+00 : f32
      %broadcast_in_dim3A_90 = vector.broadcast %broadcast_in_dim3A_89 : f32 to vector<16xf32>
      %broadcast_in_dim3A_91 = arith.constant 0.000000e+00 : f32
      %broadcast_in_dim3A_92 = vector.broadcast %broadcast_in_dim3A_91 : f32 to vector<16xf32>
      %broadcast_in_dim3A_93 = arith.constant 0.000000e+00 : f32
      %broadcast_in_dim3A_94 = vector.broadcast %broadcast_in_dim3A_93 : f32 to vector<16xf32>
      %broadcast_in_dim3A_95 = arith.constant 0.000000e+00 : f32
      %broadcast_in_dim3A_96 = vector.broadcast %broadcast_in_dim3A_95 : f32 to vector<16xf32>
      %broadcast_in_dim3A_97 = arith.constant 0.000000e+00 : f32
      %broadcast_in_dim3A_98 = vector.broadcast %broadcast_in_dim3A_97 : f32 to vector<16xf32>
      %broadcast_in_dim3A_99 = arith.constant 0.000000e+00 : f32
      %broadcast_in_dim3A_100 = vector.broadcast %broadcast_in_dim3A_99 : f32 to vector<16xf32>
      %broadcast_in_dim3A_101 = arith.constant 0.000000e+00 : f32
      %broadcast_in_dim3A_102 = vector.broadcast %broadcast_in_dim3A_101 : f32 to vector<16xf32>
      %broadcast_in_dim3A_103 = arith.constant 0.000000e+00 : f32
      %broadcast_in_dim3A_104 = vector.broadcast %broadcast_in_dim3A_103 : f32 to vector<16xf32>
      %broadcast_in_dim3A_105 = arith.constant 0.000000e+00 : f32
      %broadcast_in_dim3A_106 = vector.broadcast %broadcast_in_dim3A_105 : f32 to vector<16xf32>
      %broadcast_in_dim3A_107 = arith.constant 0.000000e+00 : f32
      %broadcast_in_dim3A_108 = vector.broadcast %broadcast_in_dim3A_107 : f32 to vector<16xf32>
      %broadcast_in_dim3A_109 = arith.constant 0.000000e+00 : f32
      %broadcast_in_dim3A_110 = vector.broadcast %broadcast_in_dim3A_109 : f32 to vector<16xf32>
      %scan3A_111 = arith.constant 0 : i32
      %scan3A_112 = arith.constant 20 : i32
      %scan3A_113 = arith.addi %scan3A_111, %scan3A_112 : i32
      %scan3A_114 = arith.constant 1 : i32
      %scan3A_115:19 = scf.for %scan3A_1619 = %scan3A_111 to %scan3A_113 step %scan3A_114 iter_args(%scan3A_1620 = %broadcast_in_dim3A_74, %scan3A_1621 = %broadcast_in_dim3A_76, %scan3A_1622 = %broadcast_in_dim3A_78, %scan3A_1623 = %broadcast_in_dim3A_80, %scan3A_1624 = %broadcast_in_dim3A_82, %scan3A_1625 = %broadcast_in_dim3A_84, %scan3A_1626 = %broadcast_in_dim3A_86, %scan3A_1627 = %broadcast_in_dim3A_88, %scan3A_1628 = %broadcast_in_dim3A_90, %scan3A_1629 = %broadcast_in_dim3A_92, %scan3A_1630 = %broadcast_in_dim3A_94, %scan3A_1631 = %broadcast_in_dim3A_96, %scan3A_1632 = %broadcast_in_dim3A_98, %scan3A_1633 = %broadcast_in_dim3A_100, %scan3A_1634 = %broadcast_in_dim3A_102, %scan3A_1635 = %broadcast_in_dim3A_104, %scan3A_1636 = %broadcast_in_dim3A_106, %scan3A_1637 = %broadcast_in_dim3A_108, %scan3A_1638 = %broadcast_in_dim3A_110) -> (vector<16xf32>, vector<16xf32>, vector<16xf32>, vector<16xf32>, vector<16xf32>, vector<16xf32>, vector<16xf32>, vector<16xf32>, vector<16xf32>, vector<16xf32>, vector<16xf32>, vector<16xf32>, vector<16xf32>, vector<16xf32>, vector<16xf32>, vector<16xf32>, vector<16xf32>, vector<16xf32>, vector<16xf32>)  : i32 {
        %add3A_1639 = arith.constant 0 : i32
        %add3A_1640 = arith.addi %add3A_1639, %scan3A_1619 : i32
        %get3A_1641 = arith.constant 0 : i32
        %get3A_1642 = arith.index_cast %get3A_1641 : i32 to index
        %get3A_1643 = arith.index_cast %add3A_1640 : i32 to index
        %get3A_1644 = arith.constant 0 : index
        %get3A_1645 = tpu.vector_load %arg6[%get3A_1642, %get3A_1643, %get3A_1644] {strides = array<i32>} : memref<2x80x384xf32, #tpu.memory_space<vmem>>, vector<16xf32>,
        %add3A_1646 = arith.addf %scan3A_1620, %get3A_1645 : vector<16xf32>
        %get3A_1647 = arith.constant 0 : i32
        %get3A_1648 = arith.index_cast %get3A_1647 : i32 to index
        %get3A_1649 = arith.index_cast %add3A_1640 : i32 to index
        %get3A_1650 = arith.constant 16 : index
        %get3A_1651 = tpu.vector_load %arg6[%get3A_1648, %get3A_1649, %get3A_1650] {strides = array<i32>} : memref<2x80x384xf32, #tpu.memory_space<vmem>>, vector<16xf32>,
        %add3A_1652 = arith.addf %scan3A_1621, %get3A_1651 : vector<16xf32>
        %get3A_1653 = arith.constant 0 : i32
        %get3A_1654 = arith.index_cast %get3A_1653 : i32 to index
        %get3A_1655 = arith.index_cast %add3A_1640 : i32 to index
        %get3A_1656 = arith.constant 32 : index
        %get3A_1657 = tpu.vector_load %arg6[%get3A_1654, %get3A_1655, %get3A_1656] {strides = array<i32>} : memref<2x80x384xf32, #tpu.memory_space<vmem>>, vector<16xf32>,
        %add3A_1658 = arith.addf %scan3A_1622, %get3A_1657 : vector<16xf32>
        %get3A_1659 = arith.constant 0 : i32
        %get3A_1660 = arith.index_cast %get3A_1659 : i32 to index
        %get3A_1661 = arith.index_cast %add3A_1640 : i32 to index
        %get3A_1662 = arith.constant 48 : index
        %get3A_1663 = tpu.vector_load %arg6[%get3A_1660, %get3A_1661, %get3A_1662] {strides = array<i32>} : memref<2x80x384xf32, #tpu.memory_space<vmem>>, vector<16xf32>,
        %add3A_1664 = arith.addf %scan3A_1623, %get3A_1663 : vector<16xf32>
        %get3A_1665 = arith.constant 0 : i32
        %get3A_1666 = arith.index_cast %get3A_1665 : i32 to index
        %get3A_1667 = arith.index_cast %add3A_1640 : i32 to index
        %get3A_1668 = arith.constant 64 : index
        %get3A_1669 = tpu.vector_load %arg6[%get3A_1666, %get3A_1667, %get3A_1668] {strides = array<i32>} : memref<2x80x384xf32, #tpu.memory_space<vmem>>, vector<16xf32>,
        %add3A_1670 = arith.addf %scan3A_1624, %get3A_1669 : vector<16xf32>
        %get3A_1671 = arith.constant 0 : i32
        %get3A_1672 = arith.index_cast %get3A_1671 : i32 to index
        %get3A_1673 = arith.index_cast %add3A_1640 : i32 to index
        %get3A_1674 = arith.constant 80 : index
        %get3A_1675 = tpu.vector_load %arg6[%get3A_1672, %get3A_1673, %get3A_1674] {strides = array<i32>} : memref<2x80x384xf32, #tpu.memory_space<vmem>>, vector<16xf32>,
        %add3A_1676 = arith.addf %scan3A_1625, %get3A_1675 : vector<16xf32>
        %get3A_1677 = arith.constant 0 : i32
        %get3A_1678 = arith.index_cast %get3A_1677 : i32 to index
        %get3A_1679 = arith.index_cast %add3A_1640 : i32 to index
        %get3A_1680 = arith.constant 96 : index
        %get3A_1681 = tpu.vector_load %arg6[%get3A_1678, %get3A_1679, %get3A_1680] {strides = array<i32>} : memref<2x80x384xf32, #tpu.memory_space<vmem>>, vector<16xf32>,
        %add3A_1682 = arith.addf %scan3A_1626, %get3A_1681 : vector<16xf32>
        %get3A_1683 = arith.constant 0 : i32
        %get3A_1684 = arith.index_cast %get3A_1683 : i32 to index
        %get3A_1685 = arith.index_cast %add3A_1640 : i32 to index
        %get3A_1686 = arith.constant 112 : index
        %get3A_1687 = tpu.vector_load %arg6[%get3A_1684, %get3A_1685, %get3A_1686] {strides = array<i32>} : memref<2x80x384xf32, #tpu.memory_space<vmem>>, vector<16xf32>,
        %add3A_1688 = arith.addf %scan3A_1627, %get3A_1687 : vector<16xf32>
        %get3A_1689 = arith.constant 0 : i32
        %get3A_1690 = arith.index_cast %get3A_1689 : i32 to index
        %get3A_1691 = arith.index_cast %add3A_1640 : i32 to index
        %get3A_1692 = arith.constant 128 : index
        %get3A_1693 = tpu.vector_load %arg6[%get3A_1690, %get3A_1691, %get3A_1692] {strides = array<i32>} : memref<2x80x384xf32, #tpu.memory_space<vmem>>, vector<16xf32>,
        %add3A_1694 = arith.addf %scan3A_1628, %get3A_1693 : vector<16xf32>
        %get3A_1695 = arith.constant 0 : i32
        %get3A_1696 = arith.index_cast %get3A_1695 : i32 to index
        %get3A_1697 = arith.index_cast %add3A_1640 : i32 to index
        %get3A_1698 = arith.constant 144 : index
        %get3A_1699 = tpu.vector_load %arg6[%get3A_1696, %get3A_1697, %get3A_1698] {strides = array<i32>} : memref<2x80x384xf32, #tpu.memory_space<vmem>>, vector<16xf32>,
        %add3A_1700 = arith.addf %scan3A_1629, %get3A_1699 : vector<16xf32>
        %get3A_1701 = arith.constant 0 : i32
        %get3A_1702 = arith.index_cast %get3A_1701 : i32 to index
        %get3A_1703 = arith.index_cast %add3A_1640 : i32 to index
        %get3A_1704 = arith.constant 160 : index
        %get3A_1705 = tpu.vector_load %arg6[%get3A_1702, %get3A_1703, %get3A_1704] {strides = array<i32>} : memref<2x80x384xf32, #tpu.memory_space<vmem>>, vector<16xf32>,
        %add3A_1706 = arith.addf %scan3A_1630, %get3A_1705 : vector<16xf32>
        %get3A_1707 = arith.constant 0 : i32
        %get3A_1708 = arith.index_cast %get3A_1707 : i32 to index
        %get3A_1709 = arith.index_cast %add3A_1640 : i32 to index
        %get3A_1710 = arith.constant 176 : index
        %get3A_1711 = tpu.vector_load %arg6[%get3A_1708, %get3A_1709, %get3A_1710] {strides = array<i32>} : memref<2x80x384xf32, #tpu.memory_space<vmem>>, vector<16xf32>,
        %add3A_1712 = arith.addf %scan3A_1631, %get3A_1711 : vector<16xf32>
        %get3A_1713 = arith.constant 0 : i32
        %get3A_1714 = arith.index_cast %get3A_1713 : i32 to index
        %get3A_1715 = arith.index_cast %add3A_1640 : i32 to index
        %get3A_1716 = arith.constant 192 : index
        %get3A_1717 = tpu.vector_load %arg6[%get3A_1714, %get3A_1715, %get3A_1716] {strides = array<i32>} : memref<2x80x384xf32, #tpu.memory_space<vmem>>, vector<16xf32>,
        %add3A_1718 = arith.addf %scan3A_1632, %get3A_1717 : vector<16xf32>
        %get3A_1719 = arith.constant 0 : i32
        %get3A_1720 = arith.index_cast %get3A_1719 : i32 to index
        %get3A_1721 = arith.index_cast %add3A_1640 : i32 to index
        %get3A_1722 = arith.constant 208 : index
        %get3A_1723 = tpu.vector_load %arg6[%get3A_1720, %get3A_1721, %get3A_1722] {strides = array<i32>} : memref<2x80x384xf32, #tpu.memory_space<vmem>>, vector<16xf32>,
        %add3A_1724 = arith.addf %scan3A_1633, %get3A_1723 : vector<16xf32>
        %get3A_1725 = arith.constant 0 : i32
        %get3A_1726 = arith.index_cast %get3A_1725 : i32 to index
        %get3A_1727 = arith.index_cast %add3A_1640 : i32 to index
        %get3A_1728 = arith.constant 224 : index
        %get3A_1729 = tpu.vector_load %arg6[%get3A_1726, %get3A_1727, %get3A_1728] {strides = array<i32>} : memref<2x80x384xf32, #tpu.memory_space<vmem>>, vector<16xf32>,
        %add3A_1730 = arith.addf %scan3A_1634, %get3A_1729 : vector<16xf32>
        %get3A_1731 = arith.constant 0 : i32
        %get3A_1732 = arith.index_cast %get3A_1731 : i32 to index
        %get3A_1733 = arith.index_cast %add3A_1640 : i32 to index
        %get3A_1734 = arith.constant 240 : index
        %get3A_1735 = tpu.vector_load %arg6[%get3A_1732, %get3A_1733, %get3A_1734] {strides = array<i32>} : memref<2x80x384xf32, #tpu.memory_space<vmem>>, vector<16xf32>,
        %add3A_1736 = arith.addf %scan3A_1635, %get3A_1735 : vector<16xf32>
        %get3A_1737 = arith.constant 0 : i32
        %get3A_1738 = arith.index_cast %get3A_1737 : i32 to index
        %get3A_1739 = arith.index_cast %add3A_1640 : i32 to index
        %get3A_1740 = arith.constant 256 : index
        %get3A_1741 = tpu.vector_load %arg6[%get3A_1738, %get3A_1739, %get3A_1740] {strides = array<i32>} : memref<2x80x384xf32, #tpu.memory_space<vmem>>, vector<16xf32>,
        %add3A_1742 = arith.addf %scan3A_1636, %get3A_1741 : vector<16xf32>
        %get3A_1743 = arith.constant 0 : i32
        %get3A_1744 = arith.index_cast %get3A_1743 : i32 to index
        %get3A_1745 = arith.index_cast %add3A_1640 : i32 to index
        %get3A_1746 = arith.constant 272 : index
        %get3A_1747 = tpu.vector_load %arg6[%get3A_1744, %get3A_1745, %get3A_1746] {strides = array<i32>} : memref<2x80x384xf32, #tpu.memory_space<vmem>>, vector<16xf32>,
        %add3A_1748 = arith.addf %scan3A_1637, %get3A_1747 : vector<16xf32>
        %get3A_1749 = arith.constant 0 : i32
        %get3A_1750 = arith.index_cast %get3A_1749 : i32 to index
        %get3A_1751 = arith.index_cast %add3A_1640 : i32 to index
        %get3A_1752 = arith.constant 284 : index
        %get3A_1753 = tpu.vector_load %arg6[%get3A_1750, %get3A_1751, %get3A_1752] {strides = array<i32>} : memref<2x80x384xf32, #tpu.memory_space<vmem>>, vector<16xf32>,
        %add3A_1754 = arith.addf %scan3A_1638, %get3A_1753 : vector<16xf32>
        scf.yield %add3A_1646, %add3A_1652, %add3A_1658, %add3A_1664, %add3A_1670, %add3A_1676, %add3A_1682, %add3A_1688, %add3A_1694, %add3A_1700, %add3A_1706, %add3A_1712, %add3A_1718, %add3A_1724, %add3A_1730, %add3A_1736, %add3A_1742, %add3A_1748, %add3A_1754 : vector<16xf32>, vector<16xf32>, vector<16xf32>, vector<16xf32>, vector<16xf32>, vector<16xf32>, vector<16xf32>, vector<16xf32>, vector<16xf32>, vector<16xf32>, vector<16xf32>, vector<16xf32>, vector<16xf32>, vector<16xf32>, vector<16xf32>, vector<16xf32>, vector<16xf32>, vector<16xf32>, vector<16xf32>
      }
      %scan3A_116 = arith.constant 20 : i32
      %get3A = arith.constant 0 : i32
      %get3A_117 = arith.index_cast %get3A : i32 to index
      %get3A_118 = arith.constant 0 : index
      %get3A_119 = tpu.vector_load %arg5[%get3A_117, %get3A_118] {strides = array<i32>} : memref<2x80xi32, #tpu.memory_space<vmem>>, vector<16xi32>,
      %get3A_120 = arith.constant 0 : i32
      %get3A_121 = arith.index_cast %get3A_120 : i32 to index
      %get3A_122 = arith.constant 4 : index
      %get3A_123 = tpu.vector_load %arg5[%get3A_121, %get3A_122] {strides = array<i32>} : memref<2x80xi32, #tpu.memory_space<vmem>>, vector<16xi32>,
      %ne3A_124 = arith.constant 0 : i32
      %ne3A_125 = vector.broadcast %ne3A_124 : i32 to vector<16xi32>
      %ne3A_126 = arith.cmpi ne, %get3A_119, %ne3A_125 : vector<16xi32>
      %convert_element_type3A = arith.extui %ne3A_126 : vector<16xi1> to vector<16xi32>
      %reduce_sum3A = arith.constant true
      %reduce_sum3A_127 = vector.broadcast %reduce_sum3A : i1 to vector<16xi1>
      %reduce_sum3A_128 = tpu.scan <sum>, %convert_element_type3A masked %reduce_sum3A_127 : vector<16xi32>, vector<16xi1> -> vector<16xi32>
      %reduce_sum3A_129 = vector.extract %reduce_sum3A_128[15] : i32 from vector<16xi32>
      %ne3A_130 = arith.constant 0 : i32
      %ne3A_131 = vector.broadcast %ne3A_130 : i32 to vector<16xi32>
      %ne3A_132 = arith.cmpi ne, %get3A_123, %ne3A_131 : vector<16xi32>
      %and3A_133 = arith.andi %ne3A_132, %ge3A_58 : vector<16xi1>
      %convert_element_type3A_134 = arith.extui %and3A_133 : vector<16xi1> to vector<16xi32>
      %reduce_sum3A_135 = arith.constant true
      %reduce_sum3A_136 = vector.broadcast %reduce_sum3A_135 : i1 to vector<16xi1>
      %reduce_sum3A_137 = tpu.scan <sum>, %convert_element_type3A_134 masked %reduce_sum3A_136 : vector<16xi32>, vector<16xi1> -> vector<16xi32>
      %reduce_sum3A_138 = vector.extract %reduce_sum3A_137[15] : i32 from vector<16xi32>
      %add3A_139 = arith.addi %reduce_sum3A_129, %reduce_sum3A_138 : i32
      %broadcast_in_dim3A_140 = vector.broadcast %add3A_139 : i32 to vector<16xi32>
      %convert_element_type3A_141 = arith.sitofp %broadcast_in_dim3A_140 : vector<16xi32> to vector<16xf32>
      %div3A = arith.divf %scan3A_115#0, %convert_element_type3A_141 : vector<16xf32>
      %add3A_142 = arith.constant 0 : i32
      %add3A_143 = arith.addi %add3A_73, %add3A_142 : i32
      %swap3A = arith.index_cast %add3A_143 : i32 to index
      %swap3A_144 = arith.constant 0 : index
      %swap3A_145 = tpu.vector_load %arg7[%swap3A, %swap3A_144] {strides = array<i32>} : memref<64x300xf32, #tpu.memory_space<vmem>>, vector<16xf32>,
      tpu.vector_store %arg7[%swap3A, %swap3A_144], %div3A {strides = array<i32>} : memref<64x300xf32, #tpu.memory_space<vmem>>, vector<16xf32>,
      %div3A_146 = arith.divf %scan3A_115#1, %convert_element_type3A_141 : vector<16xf32>
      %add3A_147 = arith.constant 0 : i32
      %add3A_148 = arith.addi %add3A_73, %add3A_147 : i32
      %swap3A_149 = arith.index_cast %add3A_148 : i32 to index
      %swap3A_150 = arith.constant 16 : index
      %swap3A_151 = tpu.vector_load %arg7[%swap3A_149, %swap3A_150] {strides = array<i32>} : memref<64x300xf32, #tpu.memory_space<vmem>>, vector<16xf32>,
      tpu.vector_store %arg7[%swap3A_149, %swap3A_150], %div3A_146 {strides = array<i32>} : memref<64x300xf32, #tpu.memory_space<vmem>>, vector<16xf32>,
      %div3A_152 = arith.divf %scan3A_115#2, %convert_element_type3A_141 : vector<16xf32>
      %add3A_153 = arith.constant 0 : i32
      %add3A_154 = arith.addi %add3A_73, %add3A_153 : i32
      %swap3A_155 = arith.index_cast %add3A_154 : i32 to index
      %swap3A_156 = arith.constant 32 : index
      %swap3A_157 = tpu.vector_load %arg7[%swap3A_155, %swap3A_156] {strides = array<i32>} : memref<64x300xf32, #tpu.memory_space<vmem>>, vector<16xf32>,
      tpu.vector_store %arg7[%swap3A_155, %swap3A_156], %div3A_152 {strides = array<i32>} : memref<64x300xf32, #tpu.memory_space<vmem>>, vector<16xf32>,
      %div3A_158 = arith.divf %scan3A_115#3, %convert_element_type3A_141 : vector<16xf32>
      %add3A_159 = arith.constant 0 : i32
      %add3A_160 = arith.addi %add3A_73, %add3A_159 : i32
      %swap3A_161 = arith.index_cast %add3A_160 : i32 to index
      %swap3A_162 = arith.constant 48 : index
      %swap3A_163 = tpu.vector_load %arg7[%swap3A_161, %swap3A_162] {strides = array<i32>} : memref<64x300xf32, #tpu.memory_space<vmem>>, vector<16xf32>,
      tpu.vector_store %arg7[%swap3A_161, %swap3A_162], %div3A_158 {strides = array<i32>} : memref<64x300xf32, #tpu.memory_space<vmem>>, vector<16xf32>,
      %div3A_164 = arith.divf %scan3A_115#4, %convert_element_type3A_141 : vector<16xf32>
      %add3A_165 = arith.constant 0 : i32
      %add3A_166 = arith.addi %add3A_73, %add3A_165 : i32
      %swap3A_167 = arith.index_cast %add3A_166 : i32 to index
      %swap3A_168 = arith.constant 64 : index
      %swap3A_169 = tpu.vector_load %arg7[%swap3A_167, %swap3A_168] {strides = array<i32>} : memref<64x300xf32, #tpu.memory_space<vmem>>, vector<16xf32>,
      tpu.vector_store %arg7[%swap3A_167, %swap3A_168], %div3A_164 {strides = array<i32>} : memref<64x300xf32, #tpu.memory_space<vmem>>, vector<16xf32>,
      %div3A_170 = arith.divf %scan3A_115#5, %convert_element_type3A_141 : vector<16xf32>
      %add3A_171 = arith.constant 0 : i32
      %add3A_172 = arith.addi %add3A_73, %add3A_171 : i32
      %swap3A_173 = arith.index_cast %add3A_172 : i32 to index
      %swap3A_174 = arith.constant 80 : index
      %swap3A_175 = tpu.vector_load %arg7[%swap3A_173, %swap3A_174] {strides = array<i32>} : memref<64x300xf32, #tpu.memory_space<vmem>>, vector<16xf32>,
      tpu.vector_store %arg7[%swap3A_173, %swap3A_174], %div3A_170 {strides = array<i32>} : memref<64x300xf32, #tpu.memory_space<vmem>>, vector<16xf32>,
      %div3A_176 = arith.divf %scan3A_115#6, %convert_element_type3A_141 : vector<16xf32>
      %add3A_177 = arith.constant 0 : i32
      %add3A_178 = arith.addi %add3A_73, %add3A_177 : i32
      %swap3A_179 = arith.index_cast %add3A_178 : i32 to index
      %swap3A_180 = arith.constant 96 : index
      %swap3A_181 = tpu.vector_load %arg7[%swap3A_179, %swap3A_180] {strides = array<i32>} : memref<64x300xf32, #tpu.memory_space<vmem>>, vector<16xf32>,
      tpu.vector_store %arg7[%swap3A_179, %swap3A_180], %div3A_176 {strides = array<i32>} : memref<64x300xf32, #tpu.memory_space<vmem>>, vector<16xf32>,
      %div3A_182 = arith.divf %scan3A_115#7, %convert_element_type3A_141 : vector<16xf32>
      %add3A_183 = arith.constant 0 : i32
      %add3A_184 = arith.addi %add3A_73, %add3A_183 : i32
      %swap3A_185 = arith.index_cast %add3A_184 : i32 to index
      %swap3A_186 = arith.constant 112 : index
      %swap3A_187 = tpu.vector_load %arg7[%swap3A_185, %swap3A_186] {strides = array<i32>} : memref<64x300xf32, #tpu.memory_space<vmem>>, vector<16xf32>,
      tpu.vector_store %arg7[%swap3A_185, %swap3A_186], %div3A_182 {strides = array<i32>} : memref<64x300xf32, #tpu.memory_space<vmem>>, vector<16xf32>,
      %div3A_188 = arith.divf %scan3A_115#8, %convert_element_type3A_141 : vector<16xf32>
      %add3A_189 = arith.constant 0 : i32
      %add3A_190 = arith.addi %add3A_73, %add3A_189 : i32
      %swap3A_191 = arith.index_cast %add3A_190 : i32 to index
      %swap3A_192 = arith.constant 128 : index
      %swap3A_193 = tpu.vector_load %arg7[%swap3A_191, %swap3A_192] {strides = array<i32>} : memref<64x300xf32, #tpu.memory_space<vmem>>, vector<16xf32>,
      tpu.vector_store %arg7[%swap3A_191, %swap3A_192], %div3A_188 {strides = array<i32>} : memref<64x300xf32, #tpu.memory_space<vmem>>, vector<16xf32>,
      %div3A_194 = arith.divf %scan3A_115#9, %convert_element_type3A_141 : vector<16xf32>
      %add3A_195 = arith.constant 0 : i32
      %add3A_196 = arith.addi %add3A_73, %add3A_195 : i32
      %swap3A_197 = arith.index_cast %add3A_196 : i32 to index
      %swap3A_198 = arith.constant 144 : index
      %swap3A_199 = tpu.vector_load %arg7[%swap3A_197, %swap3A_198] {strides = array<i32>} : memref<64x300xf32, #tpu.memory_space<vmem>>, vector<16xf32>,
      tpu.vector_store %arg7[%swap3A_197, %swap3A_198], %div3A_194 {strides = array<i32>} : memref<64x300xf32, #tpu.memory_space<vmem>>, vector<16xf32>,
      %div3A_200 = arith.divf %scan3A_115#10, %convert_element_type3A_141 : vector<16xf32>
      %add3A_201 = arith.constant 0 : i32
      %add3A_202 = arith.addi %add3A_73, %add3A_201 : i32
      %swap3A_203 = arith.index_cast %add3A_202 : i32 to index
      %swap3A_204 = arith.constant 160 : index
      %swap3A_205 = tpu.vector_load %arg7[%swap3A_203, %swap3A_204] {strides = array<i32>} : memref<64x300xf32, #tpu.memory_space<vmem>>, vector<16xf32>,
      tpu.vector_store %arg7[%swap3A_203, %swap3A_204], %div3A_200 {strides = array<i32>} : memref<64x300xf32, #tpu.memory_space<vmem>>, vector<16xf32>,
      %div3A_206 = arith.divf %scan3A_115#11, %convert_element_type3A_141 : vector<16xf32>
      %add3A_207 = arith.constant 0 : i32
      %add3A_208 = arith.addi %add3A_73, %add3A_207 : i32
      %swap3A_209 = arith.index_cast %add3A_208 : i32 to index
      %swap3A_210 = arith.constant 176 : index
      %swap3A_211 = tpu.vector_load %arg7[%swap3A_209, %swap3A_210] {strides = array<i32>} : memref<64x300xf32, #tpu.memory_space<vmem>>, vector<16xf32>,
      tpu.vector_store %arg7[%swap3A_209, %swap3A_210], %div3A_206 {strides = array<i32>} : memref<64x300xf32, #tpu.memory_space<vmem>>, vector<16xf32>,
      %div3A_212 = arith.divf %scan3A_115#12, %convert_element_type3A_141 : vector<16xf32>
      %add3A_213 = arith.constant 0 : i32
      %add3A_214 = arith.addi %add3A_73, %add3A_213 : i32
      %swap3A_215 = arith.index_cast %add3A_214 : i32 to index
      %swap3A_216 = arith.constant 192 : index
      %swap3A_217 = tpu.vector_load %arg7[%swap3A_215, %swap3A_216] {strides = array<i32>} : memref<64x300xf32, #tpu.memory_space<vmem>>, vector<16xf32>,
      tpu.vector_store %arg7[%swap3A_215, %swap3A_216], %div3A_212 {strides = array<i32>} : memref<64x300xf32, #tpu.memory_space<vmem>>, vector<16xf32>,
      %div3A_218 = arith.divf %scan3A_115#13, %convert_element_type3A_141 : vector<16xf32>
      %add3A_219 = arith.constant 0 : i32
      %add3A_220 = arith.addi %add3A_73, %add3A_219 : i32
      %swap3A_221 = arith.index_cast %add3A_220 : i32 to index
      %swap3A_222 = arith.constant 208 : index
      %swap3A_223 = tpu.vector_load %arg7[%swap3A_221, %swap3A_222] {strides = array<i32>} : memref<64x300xf32, #tpu.memory_space<vmem>>, vector<16xf32>,
      tpu.vector_store %arg7[%swap3A_221, %swap3A_222], %div3A_218 {strides = array<i32>} : memref<64x300xf32, #tpu.memory_space<vmem>>, vector<16xf32>,
      %div3A_224 = arith.divf %scan3A_115#14, %convert_element_type3A_141 : vector<16xf32>
      %add3A_225 = arith.constant 0 : i32
      %add3A_226 = arith.addi %add3A_73, %add3A_225 : i32
      %swap3A_227 = arith.index_cast %add3A_226 : i32 to index
      %swap3A_228 = arith.constant 224 : index
      %swap3A_229 = tpu.vector_load %arg7[%swap3A_227, %swap3A_228] {strides = array<i32>} : memref<64x300xf32, #tpu.memory_space<vmem>>, vector<16xf32>,
      tpu.vector_store %arg7[%swap3A_227, %swap3A_228], %div3A_224 {strides = array<i32>} : memref<64x300xf32, #tpu.memory_space<vmem>>, vector<16xf32>,
      %div3A_230 = arith.divf %scan3A_115#15, %convert_element_type3A_141 : vector<16xf32>
      %add3A_231 = arith.constant 0 : i32
      %add3A_232 = arith.addi %add3A_73, %add3A_231 : i32
      %swap3A_233 = arith.index_cast %add3A_232 : i32 to index
      %swap3A_234 = arith.constant 240 : index
      %swap3A_235 = tpu.vector_load %arg7[%swap3A_233, %swap3A_234] {strides = array<i32>} : memref<64x300xf32, #tpu.memory_space<vmem>>, vector<16xf32>,
      tpu.vector_store %arg7[%swap3A_233, %swap3A_234], %div3A_230 {strides = array<i32>} : memref<64x300xf32, #tpu.memory_space<vmem>>, vector<16xf32>,
      %div3A_236 = arith.divf %scan3A_115#16, %convert_element_type3A_141 : vector<16xf32>
      %add3A_237 = arith.constant 0 : i32
      %add3A_238 = arith.addi %add3A_73, %add3A_237 : i32
      %swap3A_239 = arith.index_cast %add3A_238 : i32 to index
      %swap3A_240 = arith.constant 256 : index
      %swap3A_241 = tpu.vector_load %arg7[%swap3A_239, %swap3A_240] {strides = array<i32>} : memref<64x300xf32, #tpu.memory_space<vmem>>, vector<16xf32>,
      tpu.vector_store %arg7[%swap3A_239, %swap3A_240], %div3A_236 {strides = array<i32>} : memref<64x300xf32, #tpu.memory_space<vmem>>, vector<16xf32>,
      %div3A_242 = arith.divf %scan3A_115#17, %convert_element_type3A_141 : vector<16xf32>
      %add3A_243 = arith.constant 0 : i32
      %add3A_244 = arith.addi %add3A_73, %add3A_243 : i32
      %swap3A_245 = arith.index_cast %add3A_244 : i32 to index
      %swap3A_246 = arith.constant 272 : index
      %swap3A_247 = tpu.vector_load %arg7[%swap3A_245, %swap3A_246] {strides = array<i32>} : memref<64x300xf32, #tpu.memory_space<vmem>>, vector<16xf32>,
      tpu.vector_store %arg7[%swap3A_245, %swap3A_246], %div3A_242 {strides = array<i32>} : memref<64x300xf32, #tpu.memory_space<vmem>>, vector<16xf32>,
      %div3A_248 = arith.divf %scan3A_115#18, %convert_element_type3A_141 : vector<16xf32>
      %add3A_249 = arith.constant 0 : i32
      %add3A_250 = arith.addi %add3A_73, %add3A_249 : i32
      %swap3A_251 = arith.index_cast %add3A_250 : i32 to index
      %swap3A_252 = arith.constant 284 : index
      %swap3A_253 = tpu.vector_load %arg7[%swap3A_251, %swap3A_252] {strides = array<i32>} : memref<64x300xf32, #tpu.memory_space<vmem>>, vector<16xf32>,
      tpu.vector_store %arg7[%swap3A_251, %swap3A_252], %div3A_248 {strides = array<i32>} : memref<64x300xf32, #tpu.memory_space<vmem>>, vector<16xf32>,
      %broadcast_in_dim3A_254 = arith.constant 0.000000e+00 : f32
      %broadcast_in_dim3A_255 = vector.broadcast %broadcast_in_dim3A_254 : f32 to vector<16xf32>
      %broadcast_in_dim3A_256 = arith.constant 0.000000e+00 : f32
      %broadcast_in_dim3A_257 = vector.broadcast %broadcast_in_dim3A_256 : f32 to vector<16xf32>
      %broadcast_in_dim3A_258 = arith.constant 0.000000e+00 : f32
      %broadcast_in_dim3A_259 = vector.broadcast %broadcast_in_dim3A_258 : f32 to vector<16xf32>
      %broadcast_in_dim3A_260 = arith.constant 0.000000e+00 : f32
      %broadcast_in_dim3A_261 = vector.broadcast %broadcast_in_dim3A_260 : f32 to vector<16xf32>
      %broadcast_in_dim3A_262 = arith.constant 0.000000e+00 : f32
      %broadcast_in_dim3A_263 = vector.broadcast %broadcast_in_dim3A_262 : f32 to vector<16xf32>
      %broadcast_in_dim3A_264 = arith.constant 0.000000e+00 : f32
      %broadcast_in_dim3A_265 = vector.broadcast %broadcast_in_dim3A_264 : f32 to vector<16xf32>
      %broadcast_in_dim3A_266 = arith.constant 0.000000e+00 : f32
      %broadcast_in_dim3A_267 = vector.broadcast %broadcast_in_dim3A_266 : f32 to vector<16xf32>
      %broadcast_in_dim3A_268 = arith.constant 0.000000e+00 : f32
      %broadcast_in_dim3A_269 = vector.broadcast %broadcast_in_dim3A_268 : f32 to vector<16xf32>
      %broadcast_in_dim3A_270 = arith.constant 0.000000e+00 : f32
      %broadcast_in_dim3A_271 = vector.broadcast %broadcast_in_dim3A_270 : f32 to vector<16xf32>
      %broadcast_in_dim3A_272 = arith.constant 0.000000e+00 : f32
      %broadcast_in_dim3A_273 = vector.broadcast %broadcast_in_dim3A_272 : f32 to vector<16xf32>
      %broadcast_in_dim3A_274 = arith.constant 0.000000e+00 : f32
      %broadcast_in_dim3A_275 = vector.broadcast %broadcast_in_dim3A_274 : f32 to vector<16xf32>
      %broadcast_in_dim3A_276 = arith.constant 0.000000e+00 : f32
      %broadcast_in_dim3A_277 = vector.broadcast %broadcast_in_dim3A_276 : f32 to vector<16xf32>
      %broadcast_in_dim3A_278 = arith.constant 0.000000e+00 : f32
      %broadcast_in_dim3A_279 = vector.broadcast %broadcast_in_dim3A_278 : f32 to vector<16xf32>
      %broadcast_in_dim3A_280 = arith.constant 0.000000e+00 : f32
      %broadcast_in_dim3A_281 = vector.broadcast %broadcast_in_dim3A_280 : f32 to vector<16xf32>
      %broadcast_in_dim3A_282 = arith.constant 0.000000e+00 : f32
      %broadcast_in_dim3A_283 = vector.broadcast %broadcast_in_dim3A_282 : f32 to vector<16xf32>
      %broadcast_in_dim3A_284 = arith.constant 0.000000e+00 : f32
      %broadcast_in_dim3A_285 = vector.broadcast %broadcast_in_dim3A_284 : f32 to vector<16xf32>
      %broadcast_in_dim3A_286 = arith.constant 0.000000e+00 : f32
      %broadcast_in_dim3A_287 = vector.broadcast %broadcast_in_dim3A_286 : f32 to vector<16xf32>
      %broadcast_in_dim3A_288 = arith.constant 0.000000e+00 : f32
      %broadcast_in_dim3A_289 = vector.broadcast %broadcast_in_dim3A_288 : f32 to vector<16xf32>
      %broadcast_in_dim3A_290 = arith.constant 0.000000e+00 : f32
      %broadcast_in_dim3A_291 = vector.broadcast %broadcast_in_dim3A_290 : f32 to vector<16xf32>
      %scan3A_292 = arith.constant 0 : i32
      %scan3A_293 = arith.constant 20 : i32
      %scan3A_294 = arith.addi %scan3A_292, %scan3A_293 : i32
      %scan3A_295 = arith.constant 1 : i32
      %scan3A_296:19 = scf.for %scan3A_1619 = %scan3A_292 to %scan3A_294 step %scan3A_295 iter_args(%scan3A_1620 = %broadcast_in_dim3A_255, %scan3A_1621 = %broadcast_in_dim3A_257, %scan3A_1622 = %broadcast_in_dim3A_259, %scan3A_1623 = %broadcast_in_dim3A_261, %scan3A_1624 = %broadcast_in_dim3A_263, %scan3A_1625 = %broadcast_in_dim3A_265, %scan3A_1626 = %broadcast_in_dim3A_267, %scan3A_1627 = %broadcast_in_dim3A_269, %scan3A_1628 = %broadcast_in_dim3A_271, %scan3A_1629 = %broadcast_in_dim3A_273, %scan3A_1630 = %broadcast_in_dim3A_275, %scan3A_1631 = %broadcast_in_dim3A_277, %scan3A_1632 = %broadcast_in_dim3A_279, %scan3A_1633 = %broadcast_in_dim3A_281, %scan3A_1634 = %broadcast_in_dim3A_283, %scan3A_1635 = %broadcast_in_dim3A_285, %scan3A_1636 = %broadcast_in_dim3A_287, %scan3A_1637 = %broadcast_in_dim3A_289, %scan3A_1638 = %broadcast_in_dim3A_291) -> (vector<16xf32>, vector<16xf32>, vector<16xf32>, vector<16xf32>, vector<16xf32>, vector<16xf32>, vector<16xf32>, vector<16xf32>, vector<16xf32>, vector<16xf32>, vector<16xf32>, vector<16xf32>, vector<16xf32>, vector<16xf32>, vector<16xf32>, vector<16xf32>, vector<16xf32>, vector<16xf32>, vector<16xf32>)  : i32 {
        %add3A_1639 = arith.constant 20 : i32
        %add3A_1640 = arith.addi %add3A_1639, %scan3A_1619 : i32
        %get3A_1641 = arith.constant 0 : i32
        %get3A_1642 = arith.index_cast %get3A_1641 : i32 to index
        %get3A_1643 = arith.index_cast %add3A_1640 : i32 to index
        %get3A_1644 = arith.constant 0 : index
        %get3A_1645 = tpu.vector_load %arg6[%get3A_1642, %get3A_1643, %get3A_1644] {strides = array<i32>} : memref<2x80x384xf32, #tpu.memory_space<vmem>>, vector<16xf32>,
        %add3A_1646 = arith.addf %scan3A_1620, %get3A_1645 : vector<16xf32>
        %get3A_1647 = arith.constant 0 : i32
        %get3A_1648 = arith.index_cast %get3A_1647 : i32 to index
        %get3A_1649 = arith.index_cast %add3A_1640 : i32 to index
        %get3A_1650 = arith.constant 16 : index
        %get3A_1651 = tpu.vector_load %arg6[%get3A_1648, %get3A_1649, %get3A_1650] {strides = array<i32>} : memref<2x80x384xf32, #tpu.memory_space<vmem>>, vector<16xf32>,
        %add3A_1652 = arith.addf %scan3A_1621, %get3A_1651 : vector<16xf32>
        %get3A_1653 = arith.constant 0 : i32
        %get3A_1654 = arith.index_cast %get3A_1653 : i32 to index
        %get3A_1655 = arith.index_cast %add3A_1640 : i32 to index
        %get3A_1656 = arith.constant 32 : index
        %get3A_1657 = tpu.vector_load %arg6[%get3A_1654, %get3A_1655, %get3A_1656] {strides = array<i32>} : memref<2x80x384xf32, #tpu.memory_space<vmem>>, vector<16xf32>,
        %add3A_1658 = arith.addf %scan3A_1622, %get3A_1657 : vector<16xf32>
        %get3A_1659 = arith.constant 0 : i32
        %get3A_1660 = arith.index_cast %get3A_1659 : i32 to index
        %get3A_1661 = arith.index_cast %add3A_1640 : i32 to index
        %get3A_1662 = arith.constant 48 : index
        %get3A_1663 = tpu.vector_load %arg6[%get3A_1660, %get3A_1661, %get3A_1662] {strides = array<i32>} : memref<2x80x384xf32, #tpu.memory_space<vmem>>, vector<16xf32>,
        %add3A_1664 = arith.addf %scan3A_1623, %get3A_1663 : vector<16xf32>
        %get3A_1665 = arith.constant 0 : i32
        %get3A_1666 = arith.index_cast %get3A_1665 : i32 to index
        %get3A_1667 = arith.index_cast %add3A_1640 : i32 to index
        %get3A_1668 = arith.constant 64 : index
        %get3A_1669 = tpu.vector_load %arg6[%get3A_1666, %get3A_1667, %get3A_1668] {strides = array<i32>} : memref<2x80x384xf32, #tpu.memory_space<vmem>>, vector<16xf32>,
        %add3A_1670 = arith.addf %scan3A_1624, %get3A_1669 : vector<16xf32>
        %get3A_1671 = arith.constant 0 : i32
        %get3A_1672 = arith.index_cast %get3A_1671 : i32 to index
        %get3A_1673 = arith.index_cast %add3A_1640 : i32 to index
        %get3A_1674 = arith.constant 80 : index
        %get3A_1675 = tpu.vector_load %arg6[%get3A_1672, %get3A_1673, %get3A_1674] {strides = array<i32>} : memref<2x80x384xf32, #tpu.memory_space<vmem>>, vector<16xf32>,
        %add3A_1676 = arith.addf %scan3A_1625, %get3A_1675 : vector<16xf32>
        %get3A_1677 = arith.constant 0 : i32
        %get3A_1678 = arith.index_cast %get3A_1677 : i32 to index
        %get3A_1679 = arith.index_cast %add3A_1640 : i32 to index
        %get3A_1680 = arith.constant 96 : index
        %get3A_1681 = tpu.vector_load %arg6[%get3A_1678, %get3A_1679, %get3A_1680] {strides = array<i32>} : memref<2x80x384xf32, #tpu.memory_space<vmem>>, vector<16xf32>,
        %add3A_1682 = arith.addf %scan3A_1626, %get3A_1681 : vector<16xf32>
        %get3A_1683 = arith.constant 0 : i32
        %get3A_1684 = arith.index_cast %get3A_1683 : i32 to index
        %get3A_1685 = arith.index_cast %add3A_1640 : i32 to index
        %get3A_1686 = arith.constant 112 : index
        %get3A_1687 = tpu.vector_load %arg6[%get3A_1684, %get3A_1685, %get3A_1686] {strides = array<i32>} : memref<2x80x384xf32, #tpu.memory_space<vmem>>, vector<16xf32>,
        %add3A_1688 = arith.addf %scan3A_1627, %get3A_1687 : vector<16xf32>
        %get3A_1689 = arith.constant 0 : i32
        %get3A_1690 = arith.index_cast %get3A_1689 : i32 to index
        %get3A_1691 = arith.index_cast %add3A_1640 : i32 to index
        %get3A_1692 = arith.constant 128 : index
        %get3A_1693 = tpu.vector_load %arg6[%get3A_1690, %get3A_1691, %get3A_1692] {strides = array<i32>} : memref<2x80x384xf32, #tpu.memory_space<vmem>>, vector<16xf32>,
        %add3A_1694 = arith.addf %scan3A_1628, %get3A_1693 : vector<16xf32>
        %get3A_1695 = arith.constant 0 : i32
        %get3A_1696 = arith.index_cast %get3A_1695 : i32 to index
        %get3A_1697 = arith.index_cast %add3A_1640 : i32 to index
        %get3A_1698 = arith.constant 144 : index
        %get3A_1699 = tpu.vector_load %arg6[%get3A_1696, %get3A_1697, %get3A_1698] {strides = array<i32>} : memref<2x80x384xf32, #tpu.memory_space<vmem>>, vector<16xf32>,
        %add3A_1700 = arith.addf %scan3A_1629, %get3A_1699 : vector<16xf32>
        %get3A_1701 = arith.constant 0 : i32
        %get3A_1702 = arith.index_cast %get3A_1701 : i32 to index
        %get3A_1703 = arith.index_cast %add3A_1640 : i32 to index
        %get3A_1704 = arith.constant 160 : index
        %get3A_1705 = tpu.vector_load %arg6[%get3A_1702, %get3A_1703, %get3A_1704] {strides = array<i32>} : memref<2x80x384xf32, #tpu.memory_space<vmem>>, vector<16xf32>,
        %add3A_1706 = arith.addf %scan3A_1630, %get3A_1705 : vector<16xf32>
        %get3A_1707 = arith.constant 0 : i32
        %get3A_1708 = arith.index_cast %get3A_1707 : i32 to index
        %get3A_1709 = arith.index_cast %add3A_1640 : i32 to index
        %get3A_1710 = arith.constant 176 : index
        %get3A_1711 = tpu.vector_load %arg6[%get3A_1708, %get3A_1709, %get3A_1710] {strides = array<i32>} : memref<2x80x384xf32, #tpu.memory_space<vmem>>, vector<16xf32>,
        %add3A_1712 = arith.addf %scan3A_1631, %get3A_1711 : vector<16xf32>
        %get3A_1713 = arith.constant 0 : i32
        %get3A_1714 = arith.index_cast %get3A_1713 : i32 to index
        %get3A_1715 = arith.index_cast %add3A_1640 : i32 to index
        %get3A_1716 = arith.constant 192 : index
        %get3A_1717 = tpu.vector_load %arg6[%get3A_1714, %get3A_1715, %get3A_1716] {strides = array<i32>} : memref<2x80x384xf32, #tpu.memory_space<vmem>>, vector<16xf32>,
        %add3A_1718 = arith.addf %scan3A_1632, %get3A_1717 : vector<16xf32>
        %get3A_1719 = arith.constant 0 : i32
        %get3A_1720 = arith.index_cast %get3A_1719 : i32 to index
        %get3A_1721 = arith.index_cast %add3A_1640 : i32 to index
        %get3A_1722 = arith.constant 208 : index
        %get3A_1723 = tpu.vector_load %arg6[%get3A_1720, %get3A_1721, %get3A_1722] {strides = array<i32>} : memref<2x80x384xf32, #tpu.memory_space<vmem>>, vector<16xf32>,
        %add3A_1724 = arith.addf %scan3A_1633, %get3A_1723 : vector<16xf32>
        %get3A_1725 = arith.constant 0 : i32
        %get3A_1726 = arith.index_cast %get3A_1725 : i32 to index
        %get3A_1727 = arith.index_cast %add3A_1640 : i32 to index
        %get3A_1728 = arith.constant 224 : index
        %get3A_1729 = tpu.vector_load %arg6[%get3A_1726, %get3A_1727, %get3A_1728] {strides = array<i32>} : memref<2x80x384xf32, #tpu.memory_space<vmem>>, vector<16xf32>,
        %add3A_1730 = arith.addf %scan3A_1634, %get3A_1729 : vector<16xf32>
        %get3A_1731 = arith.constant 0 : i32
        %get3A_1732 = arith.index_cast %get3A_1731 : i32 to index
        %get3A_1733 = arith.index_cast %add3A_1640 : i32 to index
        %get3A_1734 = arith.constant 240 : index
        %get3A_1735 = tpu.vector_load %arg6[%get3A_1732, %get3A_1733, %get3A_1734] {strides = array<i32>} : memref<2x80x384xf32, #tpu.memory_space<vmem>>, vector<16xf32>,
        %add3A_1736 = arith.addf %scan3A_1635, %get3A_1735 : vector<16xf32>
        %get3A_1737 = arith.constant 0 : i32
        %get3A_1738 = arith.index_cast %get3A_1737 : i32 to index
        %get3A_1739 = arith.index_cast %add3A_1640 : i32 to index
        %get3A_1740 = arith.constant 256 : index
        %get3A_1741 = tpu.vector_load %arg6[%get3A_1738, %get3A_1739, %get3A_1740] {strides = array<i32>} : memref<2x80x384xf32, #tpu.memory_space<vmem>>, vector<16xf32>,
        %add3A_1742 = arith.addf %scan3A_1636, %get3A_1741 : vector<16xf32>
        %get3A_1743 = arith.constant 0 : i32
        %get3A_1744 = arith.index_cast %get3A_1743 : i32 to index
        %get3A_1745 = arith.index_cast %add3A_1640 : i32 to index
        %get3A_1746 = arith.constant 272 : index
        %get3A_1747 = tpu.vector_load %arg6[%get3A_1744, %get3A_1745, %get3A_1746] {strides = array<i32>} : memref<2x80x384xf32, #tpu.memory_space<vmem>>, vector<16xf32>,
        %add3A_1748 = arith.addf %scan3A_1637, %get3A_1747 : vector<16xf32>
        %get3A_1749 = arith.constant 0 : i32
        %get3A_1750 = arith.index_cast %get3A_1749 : i32 to index
        %get3A_1751 = arith.index_cast %add3A_1640 : i32 to index
        %get3A_1752 = arith.constant 284 : index
        %get3A_1753 = tpu.vector_load %arg6[%get3A_1750, %get3A_1751, %get3A_1752] {strides = array<i32>} : memref<2x80x384xf32, #tpu.memory_space<vmem>>, vector<16xf32>,
        %add3A_1754 = arith.addf %scan3A_1638, %get3A_1753 : vector<16xf32>
        scf.yield %add3A_1646, %add3A_1652, %add3A_1658, %add3A_1664, %add3A_1670, %add3A_1676, %add3A_1682, %add3A_1688, %add3A_1694, %add3A_1700, %add3A_1706, %add3A_1712, %add3A_1718, %add3A_1724, %add3A_1730, %add3A_1736, %add3A_1742, %add3A_1748, %add3A_1754 : vector<16xf32>, vector<16xf32>, vector<16xf32>, vector<16xf32>, vector<16xf32>, vector<16xf32>, vector<16xf32>, vector<16xf32>, vector<16xf32>, vector<16xf32>, vector<16xf32>, vector<16xf32>, vector<16xf32>, vector<16xf32>, vector<16xf32>, vector<16xf32>, vector<16xf32>, vector<16xf32>, vector<16xf32>
      }
      %scan3A_297 = arith.constant 20 : i32
      %get3A_298 = arith.constant 0 : i32
      %get3A_299 = arith.index_cast %get3A_298 : i32 to index
      %get3A_300 = arith.constant 20 : index
      %get3A_301 = tpu.vector_load %arg5[%get3A_299, %get3A_300] {strides = array<i32>} : memref<2x80xi32, #tpu.memory_space<vmem>>, vector<16xi32>,
      %get3A_302 = arith.constant 0 : i32
      %get3A_303 = arith.index_cast %get3A_302 : i32 to index
      %get3A_304 = arith.constant 24 : index
      %get3A_305 = tpu.vector_load %arg5[%get3A_303, %get3A_304] {strides = array<i32>} : memref<2x80xi32, #tpu.memory_space<vmem>>, vector<16xi32>,
      %ne3A_306 = arith.constant 0 : i32
      %ne3A_307 = vector.broadcast %ne3A_306 : i32 to vector<16xi32>
      %ne3A_308 = arith.cmpi ne, %get3A_301, %ne3A_307 : vector<16xi32>
      %convert_element_type3A_309 = arith.extui %ne3A_308 : vector<16xi1> to vector<16xi32>
      %reduce_sum3A_310 = arith.constant true
      %reduce_sum3A_311 = vector.broadcast %reduce_sum3A_310 : i1 to vector<16xi1>
      %reduce_sum3A_312 = tpu.scan <sum>, %convert_element_type3A_309 masked %reduce_sum3A_311 : vector<16xi32>, vector<16xi1> -> vector<16xi32>
      %reduce_sum3A_313 = vector.extract %reduce_sum3A_312[15] : i32 from vector<16xi32>
      %ne3A_314 = arith.constant 0 : i32
      %ne3A_315 = vector.broadcast %ne3A_314 : i32 to vector<16xi32>
      %ne3A_316 = arith.cmpi ne, %get3A_305, %ne3A_315 : vector<16xi32>
      %and3A_317 = arith.andi %ne3A_316, %ge3A_58 : vector<16xi1>
      %convert_element_type3A_318 = arith.extui %and3A_317 : vector<16xi1> to vector<16xi32>
      %reduce_sum3A_319 = arith.constant true
      %reduce_sum3A_320 = vector.broadcast %reduce_sum3A_319 : i1 to vector<16xi1>
      %reduce_sum3A_321 = tpu.scan <sum>, %convert_element_type3A_318 masked %reduce_sum3A_320 : vector<16xi32>, vector<16xi1> -> vector<16xi32>
      %reduce_sum3A_322 = vector.extract %reduce_sum3A_321[15] : i32 from vector<16xi32>
      %add3A_323 = arith.addi %reduce_sum3A_313, %reduce_sum3A_322 : i32
      %broadcast_in_dim3A_324 = vector.broadcast %add3A_323 : i32 to vector<16xi32>
      %convert_element_type3A_325 = arith.sitofp %broadcast_in_dim3A_324 : vector<16xi32> to vector<16xf32>
      %div3A_326 = arith.divf %scan3A_296#0, %convert_element_type3A_325 : vector<16xf32>
      %add3A_327 = arith.constant 1 : i32
      %add3A_328 = arith.addi %add3A_73, %add3A_327 : i32
      %swap3A_329 = arith.index_cast %add3A_328 : i32 to index
      %swap3A_330 = arith.constant 0 : index
      %swap3A_331 = tpu.vector_load %arg7[%swap3A_329, %swap3A_330] {strides = array<i32>} : memref<64x300xf32, #tpu.memory_space<vmem>>, vector<16xf32>,
      tpu.vector_store %arg7[%swap3A_329, %swap3A_330], %div3A_326 {strides = array<i32>} : memref<64x300xf32, #tpu.memory_space<vmem>>, vector<16xf32>,
      %div3A_332 = arith.divf %scan3A_296#1, %convert_element_type3A_325 : vector<16xf32>
      %add3A_333 = arith.constant 1 : i32
      %add3A_334 = arith.addi %add3A_73, %add3A_333 : i32
      %swap3A_335 = arith.index_cast %add3A_334 : i32 to index
      %swap3A_336 = arith.constant 16 : index
      %swap3A_337 = tpu.vector_load %arg7[%swap3A_335, %swap3A_336] {strides = array<i32>} : memref<64x300xf32, #tpu.memory_space<vmem>>, vector<16xf32>,
      tpu.vector_store %arg7[%swap3A_335, %swap3A_336], %div3A_332 {strides = array<i32>} : memref<64x300xf32, #tpu.memory_space<vmem>>, vector<16xf32>,
      %div3A_338 = arith.divf %scan3A_296#2, %convert_element_type3A_325 : vector<16xf32>
      %add3A_339 = arith.constant 1 : i32
      %add3A_340 = arith.addi %add3A_73, %add3A_339 : i32
      %swap3A_341 = arith.index_cast %add3A_340 : i32 to index
      %swap3A_342 = arith.constant 32 : index
      %swap3A_343 = tpu.vector_load %arg7[%swap3A_341, %swap3A_342] {strides = array<i32>} : memref<64x300xf32, #tpu.memory_space<vmem>>, vector<16xf32>,
      tpu.vector_store %arg7[%swap3A_341, %swap3A_342], %div3A_338 {strides = array<i32>} : memref<64x300xf32, #tpu.memory_space<vmem>>, vector<16xf32>,
      %div3A_344 = arith.divf %scan3A_296#3, %convert_element_type3A_325 : vector<16xf32>
      %add3A_345 = arith.constant 1 : i32
      %add3A_346 = arith.addi %add3A_73, %add3A_345 : i32
      %swap3A_347 = arith.index_cast %add3A_346 : i32 to index
      %swap3A_348 = arith.constant 48 : index
      %swap3A_349 = tpu.vector_load %arg7[%swap3A_347, %swap3A_348] {strides = array<i32>} : memref<64x300xf32, #tpu.memory_space<vmem>>, vector<16xf32>,
      tpu.vector_store %arg7[%swap3A_347, %swap3A_348], %div3A_344 {strides = array<i32>} : memref<64x300xf32, #tpu.memory_space<vmem>>, vector<16xf32>,
      %div3A_350 = arith.divf %scan3A_296#4, %convert_element_type3A_325 : vector<16xf32>
      %add3A_351 = arith.constant 1 : i32
      %add3A_352 = arith.addi %add3A_73, %add3A_351 : i32
      %swap3A_353 = arith.index_cast %add3A_352 : i32 to index
      %swap3A_354 = arith.constant 64 : index
      %swap3A_355 = tpu.vector_load %arg7[%swap3A_353, %swap3A_354] {strides = array<i32>} : memref<64x300xf32, #tpu.memory_space<vmem>>, vector<16xf32>,
      tpu.vector_store %arg7[%swap3A_353, %swap3A_354], %div3A_350 {strides = array<i32>} : memref<64x300xf32, #tpu.memory_space<vmem>>, vector<16xf32>,
      %div3A_356 = arith.divf %scan3A_296#5, %convert_element_type3A_325 : vector<16xf32>
      %add3A_357 = arith.constant 1 : i32
      %add3A_358 = arith.addi %add3A_73, %add3A_357 : i32
      %swap3A_359 = arith.index_cast %add3A_358 : i32 to index
      %swap3A_360 = arith.constant 80 : index
      %swap3A_361 = tpu.vector_load %arg7[%swap3A_359, %swap3A_360] {strides = array<i32>} : memref<64x300xf32, #tpu.memory_space<vmem>>, vector<16xf32>,
      tpu.vector_store %arg7[%swap3A_359, %swap3A_360], %div3A_356 {strides = array<i32>} : memref<64x300xf32, #tpu.memory_space<vmem>>, vector<16xf32>,
      %div3A_362 = arith.divf %scan3A_296#6, %convert_element_type3A_325 : vector<16xf32>
      %add3A_363 = arith.constant 1 : i32
      %add3A_364 = arith.addi %add3A_73, %add3A_363 : i32
      %swap3A_365 = arith.index_cast %add3A_364 : i32 to index
      %swap3A_366 = arith.constant 96 : index
      %swap3A_367 = tpu.vector_load %arg7[%swap3A_365, %swap3A_366] {strides = array<i32>} : memref<64x300xf32, #tpu.memory_space<vmem>>, vector<16xf32>,
      tpu.vector_store %arg7[%swap3A_365, %swap3A_366], %div3A_362 {strides = array<i32>} : memref<64x300xf32, #tpu.memory_space<vmem>>, vector<16xf32>,
      %div3A_368 = arith.divf %scan3A_296#7, %convert_element_type3A_325 : vector<16xf32>
      %add3A_369 = arith.constant 1 : i32
      %add3A_370 = arith.addi %add3A_73, %add3A_369 : i32
      %swap3A_371 = arith.index_cast %add3A_370 : i32 to index
      %swap3A_372 = arith.constant 112 : index
      %swap3A_373 = tpu.vector_load %arg7[%swap3A_371, %swap3A_372] {strides = array<i32>} : memref<64x300xf32, #tpu.memory_space<vmem>>, vector<16xf32>,
      tpu.vector_store %arg7[%swap3A_371, %swap3A_372], %div3A_368 {strides = array<i32>} : memref<64x300xf32, #tpu.memory_space<vmem>>, vector<16xf32>,
      %div3A_374 = arith.divf %scan3A_296#8, %convert_element_type3A_325 : vector<16xf32>
      %add3A_375 = arith.constant 1 : i32
      %add3A_376 = arith.addi %add3A_73, %add3A_375 : i32
      %swap3A_377 = arith.index_cast %add3A_376 : i32 to index
      %swap3A_378 = arith.constant 128 : index
      %swap3A_379 = tpu.vector_load %arg7[%swap3A_377, %swap3A_378] {strides = array<i32>} : memref<64x300xf32, #tpu.memory_space<vmem>>, vector<16xf32>,
      tpu.vector_store %arg7[%swap3A_377, %swap3A_378], %div3A_374 {strides = array<i32>} : memref<64x300xf32, #tpu.memory_space<vmem>>, vector<16xf32>,
      %div3A_380 = arith.divf %scan3A_296#9, %convert_element_type3A_325 : vector<16xf32>
      %add3A_381 = arith.constant 1 : i32
      %add3A_382 = arith.addi %add3A_73, %add3A_381 : i32
      %swap3A_383 = arith.index_cast %add3A_382 : i32 to index
      %swap3A_384 = arith.constant 144 : index
      %swap3A_385 = tpu.vector_load %arg7[%swap3A_383, %swap3A_384] {strides = array<i32>} : memref<64x300xf32, #tpu.memory_space<vmem>>, vector<16xf32>,
      tpu.vector_store %arg7[%swap3A_383, %swap3A_384], %div3A_380 {strides = array<i32>} : memref<64x300xf32, #tpu.memory_space<vmem>>, vector<16xf32>,
      %div3A_386 = arith.divf %scan3A_296#10, %convert_element_type3A_325 : vector<16xf32>
      %add3A_387 = arith.constant 1 : i32
      %add3A_388 = arith.addi %add3A_73, %add3A_387 : i32
      %swap3A_389 = arith.index_cast %add3A_388 : i32 to index
      %swap3A_390 = arith.constant 160 : index
      %swap3A_391 = tpu.vector_load %arg7[%swap3A_389, %swap3A_390] {strides = array<i32>} : memref<64x300xf32, #tpu.memory_space<vmem>>, vector<16xf32>,
      tpu.vector_store %arg7[%swap3A_389, %swap3A_390], %div3A_386 {strides = array<i32>} : memref<64x300xf32, #tpu.memory_space<vmem>>, vector<16xf32>,
      %div3A_392 = arith.divf %scan3A_296#11, %convert_element_type3A_325 : vector<16xf32>
      %add3A_393 = arith.constant 1 : i32
      %add3A_394 = arith.addi %add3A_73, %add3A_393 : i32
      %swap3A_395 = arith.index_cast %add3A_394 : i32 to index
      %swap3A_396 = arith.constant 176 : index
      %swap3A_397 = tpu.vector_load %arg7[%swap3A_395, %swap3A_396] {strides = array<i32>} : memref<64x300xf32, #tpu.memory_space<vmem>>, vector<16xf32>,
      tpu.vector_store %arg7[%swap3A_395, %swap3A_396], %div3A_392 {strides = array<i32>} : memref<64x300xf32, #tpu.memory_space<vmem>>, vector<16xf32>,
      %div3A_398 = arith.divf %scan3A_296#12, %convert_element_type3A_325 : vector<16xf32>
      %add3A_399 = arith.constant 1 : i32
      %add3A_400 = arith.addi %add3A_73, %add3A_399 : i32
      %swap3A_401 = arith.index_cast %add3A_400 : i32 to index
      %swap3A_402 = arith.constant 192 : index
      %swap3A_403 = tpu.vector_load %arg7[%swap3A_401, %swap3A_402] {strides = array<i32>} : memref<64x300xf32, #tpu.memory_space<vmem>>, vector<16xf32>,
      tpu.vector_store %arg7[%swap3A_401, %swap3A_402], %div3A_398 {strides = array<i32>} : memref<64x300xf32, #tpu.memory_space<vmem>>, vector<16xf32>,
      %div3A_404 = arith.divf %scan3A_296#13, %convert_element_type3A_325 : vector<16xf32>
      %add3A_405 = arith.constant 1 : i32
      %add3A_406 = arith.addi %add3A_73, %add3A_405 : i32
      %swap3A_407 = arith.index_cast %add3A_406 : i32 to index
      %swap3A_408 = arith.constant 208 : index
      %swap3A_409 = tpu.vector_load %arg7[%swap3A_407, %swap3A_408] {strides = array<i32>} : memref<64x300xf32, #tpu.memory_space<vmem>>, vector<16xf32>,
      tpu.vector_store %arg7[%swap3A_407, %swap3A_408], %div3A_404 {strides = array<i32>} : memref<64x300xf32, #tpu.memory_space<vmem>>, vector<16xf32>,
      %div3A_410 = arith.divf %scan3A_296#14, %convert_element_type3A_325 : vector<16xf32>
      %add3A_411 = arith.constant 1 : i32
      %add3A_412 = arith.addi %add3A_73, %add3A_411 : i32
      %swap3A_413 = arith.index_cast %add3A_412 : i32 to index
      %swap3A_414 = arith.constant 224 : index
      %swap3A_415 = tpu.vector_load %arg7[%swap3A_413, %swap3A_414] {strides = array<i32>} : memref<64x300xf32, #tpu.memory_space<vmem>>, vector<16xf32>,
      tpu.vector_store %arg7[%swap3A_413, %swap3A_414], %div3A_410 {strides = array<i32>} : memref<64x300xf32, #tpu.memory_space<vmem>>, vector<16xf32>,
      %div3A_416 = arith.divf %scan3A_296#15, %convert_element_type3A_325 : vector<16xf32>
      %add3A_417 = arith.constant 1 : i32
      %add3A_418 = arith.addi %add3A_73, %add3A_417 : i32
      %swap3A_419 = arith.index_cast %add3A_418 : i32 to index
      %swap3A_420 = arith.constant 240 : index
      %swap3A_421 = tpu.vector_load %arg7[%swap3A_419, %swap3A_420] {strides = array<i32>} : memref<64x300xf32, #tpu.memory_space<vmem>>, vector<16xf32>,
      tpu.vector_store %arg7[%swap3A_419, %swap3A_420], %div3A_416 {strides = array<i32>} : memref<64x300xf32, #tpu.memory_space<vmem>>, vector<16xf32>,
      %div3A_422 = arith.divf %scan3A_296#16, %convert_element_type3A_325 : vector<16xf32>
      %add3A_423 = arith.constant 1 : i32
      %add3A_424 = arith.addi %add3A_73, %add3A_423 : i32
      %swap3A_425 = arith.index_cast %add3A_424 : i32 to index
      %swap3A_426 = arith.constant 256 : index
      %swap3A_427 = tpu.vector_load %arg7[%swap3A_425, %swap3A_426] {strides = array<i32>} : memref<64x300xf32, #tpu.memory_space<vmem>>, vector<16xf32>,
      tpu.vector_store %arg7[%swap3A_425, %swap3A_426], %div3A_422 {strides = array<i32>} : memref<64x300xf32, #tpu.memory_space<vmem>>, vector<16xf32>,
      %div3A_428 = arith.divf %scan3A_296#17, %convert_element_type3A_325 : vector<16xf32>
      %add3A_429 = arith.constant 1 : i32
      %add3A_430 = arith.addi %add3A_73, %add3A_429 : i32
      %swap3A_431 = arith.index_cast %add3A_430 : i32 to index
      %swap3A_432 = arith.constant 272 : index
      %swap3A_433 = tpu.vector_load %arg7[%swap3A_431, %swap3A_432] {strides = array<i32>} : memref<64x300xf32, #tpu.memory_space<vmem>>, vector<16xf32>,
      tpu.vector_store %arg7[%swap3A_431, %swap3A_432], %div3A_428 {strides = array<i32>} : memref<64x300xf32, #tpu.memory_space<vmem>>, vector<16xf32>,
      %div3A_434 = arith.divf %scan3A_296#18, %convert_element_type3A_325 : vector<16xf32>
      %add3A_435 = arith.constant 1 : i32
      %add3A_436 = arith.addi %add3A_73, %add3A_435 : i32
      %swap3A_437 = arith.index_cast %add3A_436 : i32 to index
      %swap3A_438 = arith.constant 284 : index
      %swap3A_439 = tpu.vector_load %arg7[%swap3A_437, %swap3A_438] {strides = array<i32>} : memref<64x300xf32, #tpu.memory_space<vmem>>, vector<16xf32>,
      tpu.vector_store %arg7[%swap3A_437, %swap3A_438], %div3A_434 {strides = array<i32>} : memref<64x300xf32, #tpu.memory_space<vmem>>, vector<16xf32>,
      %broadcast_in_dim3A_440 = arith.constant 0.000000e+00 : f32
      %broadcast_in_dim3A_441 = vector.broadcast %broadcast_in_dim3A_440 : f32 to vector<16xf32>
      %broadcast_in_dim3A_442 = arith.constant 0.000000e+00 : f32
      %broadcast_in_dim3A_443 = vector.broadcast %broadcast_in_dim3A_442 : f32 to vector<16xf32>
      %broadcast_in_dim3A_444 = arith.constant 0.000000e+00 : f32
      %broadcast_in_dim3A_445 = vector.broadcast %broadcast_in_dim3A_444 : f32 to vector<16xf32>
      %broadcast_in_dim3A_446 = arith.constant 0.000000e+00 : f32
      %broadcast_in_dim3A_447 = vector.broadcast %broadcast_in_dim3A_446 : f32 to vector<16xf32>
      %broadcast_in_dim3A_448 = arith.constant 0.000000e+00 : f32
      %broadcast_in_dim3A_449 = vector.broadcast %broadcast_in_dim3A_448 : f32 to vector<16xf32>
      %broadcast_in_dim3A_450 = arith.constant 0.000000e+00 : f32
      %broadcast_in_dim3A_451 = vector.broadcast %broadcast_in_dim3A_450 : f32 to vector<16xf32>
      %broadcast_in_dim3A_452 = arith.constant 0.000000e+00 : f32
      %broadcast_in_dim3A_453 = vector.broadcast %broadcast_in_dim3A_452 : f32 to vector<16xf32>
      %broadcast_in_dim3A_454 = arith.constant 0.000000e+00 : f32
      %broadcast_in_dim3A_455 = vector.broadcast %broadcast_in_dim3A_454 : f32 to vector<16xf32>
      %broadcast_in_dim3A_456 = arith.constant 0.000000e+00 : f32
      %broadcast_in_dim3A_457 = vector.broadcast %broadcast_in_dim3A_456 : f32 to vector<16xf32>
      %broadcast_in_dim3A_458 = arith.constant 0.000000e+00 : f32
      %broadcast_in_dim3A_459 = vector.broadcast %broadcast_in_dim3A_458 : f32 to vector<16xf32>
      %broadcast_in_dim3A_460 = arith.constant 0.000000e+00 : f32
      %broadcast_in_dim3A_461 = vector.broadcast %broadcast_in_dim3A_460 : f32 to vector<16xf32>
      %broadcast_in_dim3A_462 = arith.constant 0.000000e+00 : f32
      %broadcast_in_dim3A_463 = vector.broadcast %broadcast_in_dim3A_462 : f32 to vector<16xf32>
      %broadcast_in_dim3A_464 = arith.constant 0.000000e+00 : f32
      %broadcast_in_dim3A_465 = vector.broadcast %broadcast_in_dim3A_464 : f32 to vector<16xf32>
      %broadcast_in_dim3A_466 = arith.constant 0.000000e+00 : f32
      %broadcast_in_dim3A_467 = vector.broadcast %broadcast_in_dim3A_466 : f32 to vector<16xf32>
      %broadcast_in_dim3A_468 = arith.constant 0.000000e+00 : f32
      %broadcast_in_dim3A_469 = vector.broadcast %broadcast_in_dim3A_468 : f32 to vector<16xf32>
      %broadcast_in_dim3A_470 = arith.constant 0.000000e+00 : f32
      %broadcast_in_dim3A_471 = vector.broadcast %broadcast_in_dim3A_470 : f32 to vector<16xf32>
      %broadcast_in_dim3A_472 = arith.constant 0.000000e+00 : f32
      %broadcast_in_dim3A_473 = vector.broadcast %broadcast_in_dim3A_472 : f32 to vector<16xf32>
      %broadcast_in_dim3A_474 = arith.constant 0.000000e+00 : f32
      %broadcast_in_dim3A_475 = vector.broadcast %broadcast_in_dim3A_474 : f32 to vector<16xf32>
      %broadcast_in_dim3A_476 = arith.constant 0.000000e+00 : f32
      %broadcast_in_dim3A_477 = vector.broadcast %broadcast_in_dim3A_476 : f32 to vector<16xf32>
      %scan3A_478 = arith.constant 0 : i32
      %scan3A_479 = arith.constant 20 : i32
      %scan3A_480 = arith.addi %scan3A_478, %scan3A_479 : i32
      %scan3A_481 = arith.constant 1 : i32
      %scan3A_482:19 = scf.for %scan3A_1619 = %scan3A_478 to %scan3A_480 step %scan3A_481 iter_args(%scan3A_1620 = %broadcast_in_dim3A_441, %scan3A_1621 = %broadcast_in_dim3A_443, %scan3A_1622 = %broadcast_in_dim3A_445, %scan3A_1623 = %broadcast_in_dim3A_447, %scan3A_1624 = %broadcast_in_dim3A_449, %scan3A_1625 = %broadcast_in_dim3A_451, %scan3A_1626 = %broadcast_in_dim3A_453, %scan3A_1627 = %broadcast_in_dim3A_455, %scan3A_1628 = %broadcast_in_dim3A_457, %scan3A_1629 = %broadcast_in_dim3A_459, %scan3A_1630 = %broadcast_in_dim3A_461, %scan3A_1631 = %broadcast_in_dim3A_463, %scan3A_1632 = %broadcast_in_dim3A_465, %scan3A_1633 = %broadcast_in_dim3A_467, %scan3A_1634 = %broadcast_in_dim3A_469, %scan3A_1635 = %broadcast_in_dim3A_471, %scan3A_1636 = %broadcast_in_dim3A_473, %scan3A_1637 = %broadcast_in_dim3A_475, %scan3A_1638 = %broadcast_in_dim3A_477) -> (vector<16xf32>, vector<16xf32>, vector<16xf32>, vector<16xf32>, vector<16xf32>, vector<16xf32>, vector<16xf32>, vector<16xf32>, vector<16xf32>, vector<16xf32>, vector<16xf32>, vector<16xf32>, vector<16xf32>, vector<16xf32>, vector<16xf32>, vector<16xf32>, vector<16xf32>, vector<16xf32>, vector<16xf32>)  : i32 {
        %add3A_1639 = arith.constant 40 : i32
        %add3A_1640 = arith.addi %add3A_1639, %scan3A_1619 : i32
        %get3A_1641 = arith.constant 0 : i32
        %get3A_1642 = arith.index_cast %get3A_1641 : i32 to index
        %get3A_1643 = arith.index_cast %add3A_1640 : i32 to index
        %get3A_1644 = arith.constant 0 : index
        %get3A_1645 = tpu.vector_load %arg6[%get3A_1642, %get3A_1643, %get3A_1644] {strides = array<i32>} : memref<2x80x384xf32, #tpu.memory_space<vmem>>, vector<16xf32>,
        %add3A_1646 = arith.addf %scan3A_1620, %get3A_1645 : vector<16xf32>
        %get3A_1647 = arith.constant 0 : i32
        %get3A_1648 = arith.index_cast %get3A_1647 : i32 to index
        %get3A_1649 = arith.index_cast %add3A_1640 : i32 to index
        %get3A_1650 = arith.constant 16 : index
        %get3A_1651 = tpu.vector_load %arg6[%get3A_1648, %get3A_1649, %get3A_1650] {strides = array<i32>} : memref<2x80x384xf32, #tpu.memory_space<vmem>>, vector<16xf32>,
        %add3A_1652 = arith.addf %scan3A_1621, %get3A_1651 : vector<16xf32>
        %get3A_1653 = arith.constant 0 : i32
        %get3A_1654 = arith.index_cast %get3A_1653 : i32 to index
        %get3A_1655 = arith.index_cast %add3A_1640 : i32 to index
        %get3A_1656 = arith.constant 32 : index
        %get3A_1657 = tpu.vector_load %arg6[%get3A_1654, %get3A_1655, %get3A_1656] {strides = array<i32>} : memref<2x80x384xf32, #tpu.memory_space<vmem>>, vector<16xf32>,
        %add3A_1658 = arith.addf %scan3A_1622, %get3A_1657 : vector<16xf32>
        %get3A_1659 = arith.constant 0 : i32
        %get3A_1660 = arith.index_cast %get3A_1659 : i32 to index
        %get3A_1661 = arith.index_cast %add3A_1640 : i32 to index
        %get3A_1662 = arith.constant 48 : index
        %get3A_1663 = tpu.vector_load %arg6[%get3A_1660, %get3A_1661, %get3A_1662] {strides = array<i32>} : memref<2x80x384xf32, #tpu.memory_space<vmem>>, vector<16xf32>,
        %add3A_1664 = arith.addf %scan3A_1623, %get3A_1663 : vector<16xf32>
        %get3A_1665 = arith.constant 0 : i32
        %get3A_1666 = arith.index_cast %get3A_1665 : i32 to index
        %get3A_1667 = arith.index_cast %add3A_1640 : i32 to index
        %get3A_1668 = arith.constant 64 : index
        %get3A_1669 = tpu.vector_load %arg6[%get3A_1666, %get3A_1667, %get3A_1668] {strides = array<i32>} : memref<2x80x384xf32, #tpu.memory_space<vmem>>, vector<16xf32>,
        %add3A_1670 = arith.addf %scan3A_1624, %get3A_1669 : vector<16xf32>
        %get3A_1671 = arith.constant 0 : i32
        %get3A_1672 = arith.index_cast %get3A_1671 : i32 to index
        %get3A_1673 = arith.index_cast %add3A_1640 : i32 to index
        %get3A_1674 = arith.constant 80 : index
        %get3A_1675 = tpu.vector_load %arg6[%get3A_1672, %get3A_1673, %get3A_1674] {strides = array<i32>} : memref<2x80x384xf32, #tpu.memory_space<vmem>>, vector<16xf32>,
        %add3A_1676 = arith.addf %scan3A_1625, %get3A_1675 : vector<16xf32>
        %get3A_1677 = arith.constant 0 : i32
        %get3A_1678 = arith.index_cast %get3A_1677 : i32 to index
        %get3A_1679 = arith.index_cast %add3A_1640 : i32 to index
        %get3A_1680 = arith.constant 96 : index
        %get3A_1681 = tpu.vector_load %arg6[%get3A_1678, %get3A_1679, %get3A_1680] {strides = array<i32>} : memref<2x80x384xf32, #tpu.memory_space<vmem>>, vector<16xf32>,
        %add3A_1682 = arith.addf %scan3A_1626, %get3A_1681 : vector<16xf32>
        %get3A_1683 = arith.constant 0 : i32
        %get3A_1684 = arith.index_cast %get3A_1683 : i32 to index
        %get3A_1685 = arith.index_cast %add3A_1640 : i32 to index
        %get3A_1686 = arith.constant 112 : index
        %get3A_1687 = tpu.vector_load %arg6[%get3A_1684, %get3A_1685, %get3A_1686] {strides = array<i32>} : memref<2x80x384xf32, #tpu.memory_space<vmem>>, vector<16xf32>,
        %add3A_1688 = arith.addf %scan3A_1627, %get3A_1687 : vector<16xf32>
        %get3A_1689 = arith.constant 0 : i32
        %get3A_1690 = arith.index_cast %get3A_1689 : i32 to index
        %get3A_1691 = arith.index_cast %add3A_1640 : i32 to index
        %get3A_1692 = arith.constant 128 : index
        %get3A_1693 = tpu.vector_load %arg6[%get3A_1690, %get3A_1691, %get3A_1692] {strides = array<i32>} : memref<2x80x384xf32, #tpu.memory_space<vmem>>, vector<16xf32>,
        %add3A_1694 = arith.addf %scan3A_1628, %get3A_1693 : vector<16xf32>
        %get3A_1695 = arith.constant 0 : i32
        %get3A_1696 = arith.index_cast %get3A_1695 : i32 to index
        %get3A_1697 = arith.index_cast %add3A_1640 : i32 to index
        %get3A_1698 = arith.constant 144 : index
        %get3A_1699 = tpu.vector_load %arg6[%get3A_1696, %get3A_1697, %get3A_1698] {strides = array<i32>} : memref<2x80x384xf32, #tpu.memory_space<vmem>>, vector<16xf32>,
        %add3A_1700 = arith.addf %scan3A_1629, %get3A_1699 : vector<16xf32>
        %get3A_1701 = arith.constant 0 : i32
        %get3A_1702 = arith.index_cast %get3A_1701 : i32 to index
        %get3A_1703 = arith.index_cast %add3A_1640 : i32 to index
        %get3A_1704 = arith.constant 160 : index
        %get3A_1705 = tpu.vector_load %arg6[%get3A_1702, %get3A_1703, %get3A_1704] {strides = array<i32>} : memref<2x80x384xf32, #tpu.memory_space<vmem>>, vector<16xf32>,
        %add3A_1706 = arith.addf %scan3A_1630, %get3A_1705 : vector<16xf32>
        %get3A_1707 = arith.constant 0 : i32
        %get3A_1708 = arith.index_cast %get3A_1707 : i32 to index
        %get3A_1709 = arith.index_cast %add3A_1640 : i32 to index
        %get3A_1710 = arith.constant 176 : index
        %get3A_1711 = tpu.vector_load %arg6[%get3A_1708, %get3A_1709, %get3A_1710] {strides = array<i32>} : memref<2x80x384xf32, #tpu.memory_space<vmem>>, vector<16xf32>,
        %add3A_1712 = arith.addf %scan3A_1631, %get3A_1711 : vector<16xf32>
        %get3A_1713 = arith.constant 0 : i32
        %get3A_1714 = arith.index_cast %get3A_1713 : i32 to index
        %get3A_1715 = arith.index_cast %add3A_1640 : i32 to index
        %get3A_1716 = arith.constant 192 : index
        %get3A_1717 = tpu.vector_load %arg6[%get3A_1714, %get3A_1715, %get3A_1716] {strides = array<i32>} : memref<2x80x384xf32, #tpu.memory_space<vmem>>, vector<16xf32>,
        %add3A_1718 = arith.addf %scan3A_1632, %get3A_1717 : vector<16xf32>
        %get3A_1719 = arith.constant 0 : i32
        %get3A_1720 = arith.index_cast %get3A_1719 : i32 to index
        %get3A_1721 = arith.index_cast %add3A_1640 : i32 to index
        %get3A_1722 = arith.constant 208 : index
        %get3A_1723 = tpu.vector_load %arg6[%get3A_1720, %get3A_1721, %get3A_1722] {strides = array<i32>} : memref<2x80x384xf32, #tpu.memory_space<vmem>>, vector<16xf32>,
        %add3A_1724 = arith.addf %scan3A_1633, %get3A_1723 : vector<16xf32>
        %get3A_1725 = arith.constant 0 : i32
        %get3A_1726 = arith.index_cast %get3A_1725 : i32 to index
        %get3A_1727 = arith.index_cast %add3A_1640 : i32 to index
        %get3A_1728 = arith.constant 224 : index
        %get3A_1729 = tpu.vector_load %arg6[%get3A_1726, %get3A_1727, %get3A_1728] {strides = array<i32>} : memref<2x80x384xf32, #tpu.memory_space<vmem>>, vector<16xf32>,
        %add3A_1730 = arith.addf %scan3A_1634, %get3A_1729 : vector<16xf32>
        %get3A_1731 = arith.constant 0 : i32
        %get3A_1732 = arith.index_cast %get3A_1731 : i32 to index
        %get3A_1733 = arith.index_cast %add3A_1640 : i32 to index
        %get3A_1734 = arith.constant 240 : index
        %get3A_1735 = tpu.vector_load %arg6[%get3A_1732, %get3A_1733, %get3A_1734] {strides = array<i32>} : memref<2x80x384xf32, #tpu.memory_space<vmem>>, vector<16xf32>,
        %add3A_1736 = arith.addf %scan3A_1635, %get3A_1735 : vector<16xf32>
        %get3A_1737 = arith.constant 0 : i32
        %get3A_1738 = arith.index_cast %get3A_1737 : i32 to index
        %get3A_1739 = arith.index_cast %add3A_1640 : i32 to index
        %get3A_1740 = arith.constant 256 : index
        %get3A_1741 = tpu.vector_load %arg6[%get3A_1738, %get3A_1739, %get3A_1740] {strides = array<i32>} : memref<2x80x384xf32, #tpu.memory_space<vmem>>, vector<16xf32>,
        %add3A_1742 = arith.addf %scan3A_1636, %get3A_1741 : vector<16xf32>
        %get3A_1743 = arith.constant 0 : i32
        %get3A_1744 = arith.index_cast %get3A_1743 : i32 to index
        %get3A_1745 = arith.index_cast %add3A_1640 : i32 to index
        %get3A_1746 = arith.constant 272 : index
        %get3A_1747 = tpu.vector_load %arg6[%get3A_1744, %get3A_1745, %get3A_1746] {strides = array<i32>} : memref<2x80x384xf32, #tpu.memory_space<vmem>>, vector<16xf32>,
        %add3A_1748 = arith.addf %scan3A_1637, %get3A_1747 : vector<16xf32>
        %get3A_1749 = arith.constant 0 : i32
        %get3A_1750 = arith.index_cast %get3A_1749 : i32 to index
        %get3A_1751 = arith.index_cast %add3A_1640 : i32 to index
        %get3A_1752 = arith.constant 284 : index
        %get3A_1753 = tpu.vector_load %arg6[%get3A_1750, %get3A_1751, %get3A_1752] {strides = array<i32>} : memref<2x80x384xf32, #tpu.memory_space<vmem>>, vector<16xf32>,
        %add3A_1754 = arith.addf %scan3A_1638, %get3A_1753 : vector<16xf32>
        scf.yield %add3A_1646, %add3A_1652, %add3A_1658, %add3A_1664, %add3A_1670, %add3A_1676, %add3A_1682, %add3A_1688, %add3A_1694, %add3A_1700, %add3A_1706, %add3A_1712, %add3A_1718, %add3A_1724, %add3A_1730, %add3A_1736, %add3A_1742, %add3A_1748, %add3A_1754 : vector<16xf32>, vector<16xf32>, vector<16xf32>, vector<16xf32>, vector<16xf32>, vector<16xf32>, vector<16xf32>, vector<16xf32>, vector<16xf32>, vector<16xf32>, vector<16xf32>, vector<16xf32>, vector<16xf32>, vector<16xf32>, vector<16xf32>, vector<16xf32>, vector<16xf32>, vector<16xf32>, vector<16xf32>
      }
      %scan3A_483 = arith.constant 20 : i32
      %get3A_484 = arith.constant 0 : i32
      %get3A_485 = arith.index_cast %get3A_484 : i32 to index
      %get3A_486 = arith.constant 40 : index
      %get3A_487 = tpu.vector_load %arg5[%get3A_485, %get3A_486] {strides = array<i32>} : memref<2x80xi32, #tpu.memory_space<vmem>>, vector<16xi32>,
      %get3A_488 = arith.constant 0 : i32
      %get3A_489 = arith.index_cast %get3A_488 : i32 to index
      %get3A_490 = arith.constant 44 : index
      %get3A_491 = tpu.vector_load %arg5[%get3A_489, %get3A_490] {strides = array<i32>} : memref<2x80xi32, #tpu.memory_space<vmem>>, vector<16xi32>,
      %ne3A_492 = arith.constant 0 : i32
      %ne3A_493 = vector.broadcast %ne3A_492 : i32 to vector<16xi32>
      %ne3A_494 = arith.cmpi ne, %get3A_487, %ne3A_493 : vector<16xi32>
      %convert_element_type3A_495 = arith.extui %ne3A_494 : vector<16xi1> to vector<16xi32>
      %reduce_sum3A_496 = arith.constant true
      %reduce_sum3A_497 = vector.broadcast %reduce_sum3A_496 : i1 to vector<16xi1>
      %reduce_sum3A_498 = tpu.scan <sum>, %convert_element_type3A_495 masked %reduce_sum3A_497 : vector<16xi32>, vector<16xi1> -> vector<16xi32>
      %reduce_sum3A_499 = vector.extract %reduce_sum3A_498[15] : i32 from vector<16xi32>
      %ne3A_500 = arith.constant 0 : i32
      %ne3A_501 = vector.broadcast %ne3A_500 : i32 to vector<16xi32>
      %ne3A_502 = arith.cmpi ne, %get3A_491, %ne3A_501 : vector<16xi32>
      %and3A_503 = arith.andi %ne3A_502, %ge3A_58 : vector<16xi1>
      %convert_element_type3A_504 = arith.extui %and3A_503 : vector<16xi1> to vector<16xi32>
      %reduce_sum3A_505 = arith.constant true
      %reduce_sum3A_506 = vector.broadcast %reduce_sum3A_505 : i1 to vector<16xi1>
      %reduce_sum3A_507 = tpu.scan <sum>, %convert_element_type3A_504 masked %reduce_sum3A_506 : vector<16xi32>, vector<16xi1> -> vector<16xi32>
      %reduce_sum3A_508 = vector.extract %reduce_sum3A_507[15] : i32 from vector<16xi32>
      %add3A_509 = arith.addi %reduce_sum3A_499, %reduce_sum3A_508 : i32
      %broadcast_in_dim3A_510 = vector.broadcast %add3A_509 : i32 to vector<16xi32>
      %convert_element_type3A_511 = arith.sitofp %broadcast_in_dim3A_510 : vector<16xi32> to vector<16xf32>
      %div3A_512 = arith.divf %scan3A_482#0, %convert_element_type3A_511 : vector<16xf32>
      %add3A_513 = arith.constant 2 : i32
      %add3A_514 = arith.addi %add3A_73, %add3A_513 : i32
      %swap3A_515 = arith.index_cast %add3A_514 : i32 to index
      %swap3A_516 = arith.constant 0 : index
      %swap3A_517 = tpu.vector_load %arg7[%swap3A_515, %swap3A_516] {strides = array<i32>} : memref<64x300xf32, #tpu.memory_space<vmem>>, vector<16xf32>,
      tpu.vector_store %arg7[%swap3A_515, %swap3A_516], %div3A_512 {strides = array<i32>} : memref<64x300xf32, #tpu.memory_space<vmem>>, vector<16xf32>,
      %div3A_518 = arith.divf %scan3A_482#1, %convert_element_type3A_511 : vector<16xf32>
      %add3A_519 = arith.constant 2 : i32
      %add3A_520 = arith.addi %add3A_73, %add3A_519 : i32
      %swap3A_521 = arith.index_cast %add3A_520 : i32 to index
      %swap3A_522 = arith.constant 16 : index
      %swap3A_523 = tpu.vector_load %arg7[%swap3A_521, %swap3A_522] {strides = array<i32>} : memref<64x300xf32, #tpu.memory_space<vmem>>, vector<16xf32>,
      tpu.vector_store %arg7[%swap3A_521, %swap3A_522], %div3A_518 {strides = array<i32>} : memref<64x300xf32, #tpu.memory_space<vmem>>, vector<16xf32>,
      %div3A_524 = arith.divf %scan3A_482#2, %convert_element_type3A_511 : vector<16xf32>
      %add3A_525 = arith.constant 2 : i32
      %add3A_526 = arith.addi %add3A_73, %add3A_525 : i32
      %swap3A_527 = arith.index_cast %add3A_526 : i32 to index
      %swap3A_528 = arith.constant 32 : index
      %swap3A_529 = tpu.vector_load %arg7[%swap3A_527, %swap3A_528] {strides = array<i32>} : memref<64x300xf32, #tpu.memory_space<vmem>>, vector<16xf32>,
      tpu.vector_store %arg7[%swap3A_527, %swap3A_528], %div3A_524 {strides = array<i32>} : memref<64x300xf32, #tpu.memory_space<vmem>>, vector<16xf32>,
      %div3A_530 = arith.divf %scan3A_482#3, %convert_element_type3A_511 : vector<16xf32>
      %add3A_531 = arith.constant 2 : i32
      %add3A_532 = arith.addi %add3A_73, %add3A_531 : i32
      %swap3A_533 = arith.index_cast %add3A_532 : i32 to index
      %swap3A_534 = arith.constant 48 : index
      %swap3A_535 = tpu.vector_load %arg7[%swap3A_533, %swap3A_534] {strides = array<i32>} : memref<64x300xf32, #tpu.memory_space<vmem>>, vector<16xf32>,
      tpu.vector_store %arg7[%swap3A_533, %swap3A_534], %div3A_530 {strides = array<i32>} : memref<64x300xf32, #tpu.memory_space<vmem>>, vector<16xf32>,
      %div3A_536 = arith.divf %scan3A_482#4, %convert_element_type3A_511 : vector<16xf32>
      %add3A_537 = arith.constant 2 : i32
      %add3A_538 = arith.addi %add3A_73, %add3A_537 : i32
      %swap3A_539 = arith.index_cast %add3A_538 : i32 to index
      %swap3A_540 = arith.constant 64 : index
      %swap3A_541 = tpu.vector_load %arg7[%swap3A_539, %swap3A_540] {strides = array<i32>} : memref<64x300xf32, #tpu.memory_space<vmem>>, vector<16xf32>,
      tpu.vector_store %arg7[%swap3A_539, %swap3A_540], %div3A_536 {strides = array<i32>} : memref<64x300xf32, #tpu.memory_space<vmem>>, vector<16xf32>,
      %div3A_542 = arith.divf %scan3A_482#5, %convert_element_type3A_511 : vector<16xf32>
      %add3A_543 = arith.constant 2 : i32
      %add3A_544 = arith.addi %add3A_73, %add3A_543 : i32
      %swap3A_545 = arith.index_cast %add3A_544 : i32 to index
      %swap3A_546 = arith.constant 80 : index
      %swap3A_547 = tpu.vector_load %arg7[%swap3A_545, %swap3A_546] {strides = array<i32>} : memref<64x300xf32, #tpu.memory_space<vmem>>, vector<16xf32>,
      tpu.vector_store %arg7[%swap3A_545, %swap3A_546], %div3A_542 {strides = array<i32>} : memref<64x300xf32, #tpu.memory_space<vmem>>, vector<16xf32>,
      %div3A_548 = arith.divf %scan3A_482#6, %convert_element_type3A_511 : vector<16xf32>
      %add3A_549 = arith.constant 2 : i32
      %add3A_550 = arith.addi %add3A_73, %add3A_549 : i32
      %swap3A_551 = arith.index_cast %add3A_550 : i32 to index
      %swap3A_552 = arith.constant 96 : index
      %swap3A_553 = tpu.vector_load %arg7[%swap3A_551, %swap3A_552] {strides = array<i32>} : memref<64x300xf32, #tpu.memory_space<vmem>>, vector<16xf32>,
      tpu.vector_store %arg7[%swap3A_551, %swap3A_552], %div3A_548 {strides = array<i32>} : memref<64x300xf32, #tpu.memory_space<vmem>>, vector<16xf32>,
      %div3A_554 = arith.divf %scan3A_482#7, %convert_element_type3A_511 : vector<16xf32>
      %add3A_555 = arith.constant 2 : i32
      %add3A_556 = arith.addi %add3A_73, %add3A_555 : i32
      %swap3A_557 = arith.index_cast %add3A_556 : i32 to index
      %swap3A_558 = arith.constant 112 : index
      %swap3A_559 = tpu.vector_load %arg7[%swap3A_557, %swap3A_558] {strides = array<i32>} : memref<64x300xf32, #tpu.memory_space<vmem>>, vector<16xf32>,
      tpu.vector_store %arg7[%swap3A_557, %swap3A_558], %div3A_554 {strides = array<i32>} : memref<64x300xf32, #tpu.memory_space<vmem>>, vector<16xf32>,
      %div3A_560 = arith.divf %scan3A_482#8, %convert_element_type3A_511 : vector<16xf32>
      %add3A_561 = arith.constant 2 : i32
      %add3A_562 = arith.addi %add3A_73, %add3A_561 : i32
      %swap3A_563 = arith.index_cast %add3A_562 : i32 to index
      %swap3A_564 = arith.constant 128 : index
      %swap3A_565 = tpu.vector_load %arg7[%swap3A_563, %swap3A_564] {strides = array<i32>} : memref<64x300xf32, #tpu.memory_space<vmem>>, vector<16xf32>,
      tpu.vector_store %arg7[%swap3A_563, %swap3A_564], %div3A_560 {strides = array<i32>} : memref<64x300xf32, #tpu.memory_space<vmem>>, vector<16xf32>,
      %div3A_566 = arith.divf %scan3A_482#9, %convert_element_type3A_511 : vector<16xf32>
      %add3A_567 = arith.constant 2 : i32
      %add3A_568 = arith.addi %add3A_73, %add3A_567 : i32
      %swap3A_569 = arith.index_cast %add3A_568 : i32 to index
      %swap3A_570 = arith.constant 144 : index
      %swap3A_571 = tpu.vector_load %arg7[%swap3A_569, %swap3A_570] {strides = array<i32>} : memref<64x300xf32, #tpu.memory_space<vmem>>, vector<16xf32>,
      tpu.vector_store %arg7[%swap3A_569, %swap3A_570], %div3A_566 {strides = array<i32>} : memref<64x300xf32, #tpu.memory_space<vmem>>, vector<16xf32>,
      %div3A_572 = arith.divf %scan3A_482#10, %convert_element_type3A_511 : vector<16xf32>
      %add3A_573 = arith.constant 2 : i32
      %add3A_574 = arith.addi %add3A_73, %add3A_573 : i32
      %swap3A_575 = arith.index_cast %add3A_574 : i32 to index
      %swap3A_576 = arith.constant 160 : index
      %swap3A_577 = tpu.vector_load %arg7[%swap3A_575, %swap3A_576] {strides = array<i32>} : memref<64x300xf32, #tpu.memory_space<vmem>>, vector<16xf32>,
      tpu.vector_store %arg7[%swap3A_575, %swap3A_576], %div3A_572 {strides = array<i32>} : memref<64x300xf32, #tpu.memory_space<vmem>>, vector<16xf32>,
      %div3A_578 = arith.divf %scan3A_482#11, %convert_element_type3A_511 : vector<16xf32>
      %add3A_579 = arith.constant 2 : i32
      %add3A_580 = arith.addi %add3A_73, %add3A_579 : i32
      %swap3A_581 = arith.index_cast %add3A_580 : i32 to index
      %swap3A_582 = arith.constant 176 : index
      %swap3A_583 = tpu.vector_load %arg7[%swap3A_581, %swap3A_582] {strides = array<i32>} : memref<64x300xf32, #tpu.memory_space<vmem>>, vector<16xf32>,
      tpu.vector_store %arg7[%swap3A_581, %swap3A_582], %div3A_578 {strides = array<i32>} : memref<64x300xf32, #tpu.memory_space<vmem>>, vector<16xf32>,
      %div3A_584 = arith.divf %scan3A_482#12, %convert_element_type3A_511 : vector<16xf32>
      %add3A_585 = arith.constant 2 : i32
      %add3A_586 = arith.addi %add3A_73, %add3A_585 : i32
      %swap3A_587 = arith.index_cast %add3A_586 : i32 to index
      %swap3A_588 = arith.constant 192 : index
      %swap3A_589 = tpu.vector_load %arg7[%swap3A_587, %swap3A_588] {strides = array<i32>} : memref<64x300xf32, #tpu.memory_space<vmem>>, vector<16xf32>,
      tpu.vector_store %arg7[%swap3A_587, %swap3A_588], %div3A_584 {strides = array<i32>} : memref<64x300xf32, #tpu.memory_space<vmem>>, vector<16xf32>,
      %div3A_590 = arith.divf %scan3A_482#13, %convert_element_type3A_511 : vector<16xf32>
      %add3A_591 = arith.constant 2 : i32
      %add3A_592 = arith.addi %add3A_73, %add3A_591 : i32
      %swap3A_593 = arith.index_cast %add3A_592 : i32 to index
      %swap3A_594 = arith.constant 208 : index
      %swap3A_595 = tpu.vector_load %arg7[%swap3A_593, %swap3A_594] {strides = array<i32>} : memref<64x300xf32, #tpu.memory_space<vmem>>, vector<16xf32>,
      tpu.vector_store %arg7[%swap3A_593, %swap3A_594], %div3A_590 {strides = array<i32>} : memref<64x300xf32, #tpu.memory_space<vmem>>, vector<16xf32>,
      %div3A_596 = arith.divf %scan3A_482#14, %convert_element_type3A_511 : vector<16xf32>
      %add3A_597 = arith.constant 2 : i32
      %add3A_598 = arith.addi %add3A_73, %add3A_597 : i32
      %swap3A_599 = arith.index_cast %add3A_598 : i32 to index
      %swap3A_600 = arith.constant 224 : index
      %swap3A_601 = tpu.vector_load %arg7[%swap3A_599, %swap3A_600] {strides = array<i32>} : memref<64x300xf32, #tpu.memory_space<vmem>>, vector<16xf32>,
      tpu.vector_store %arg7[%swap3A_599, %swap3A_600], %div3A_596 {strides = array<i32>} : memref<64x300xf32, #tpu.memory_space<vmem>>, vector<16xf32>,
      %div3A_602 = arith.divf %scan3A_482#15, %convert_element_type3A_511 : vector<16xf32>
      %add3A_603 = arith.constant 2 : i32
      %add3A_604 = arith.addi %add3A_73, %add3A_603 : i32
      %swap3A_605 = arith.index_cast %add3A_604 : i32 to index
      %swap3A_606 = arith.constant 240 : index
      %swap3A_607 = tpu.vector_load %arg7[%swap3A_605, %swap3A_606] {strides = array<i32>} : memref<64x300xf32, #tpu.memory_space<vmem>>, vector<16xf32>,
      tpu.vector_store %arg7[%swap3A_605, %swap3A_606], %div3A_602 {strides = array<i32>} : memref<64x300xf32, #tpu.memory_space<vmem>>, vector<16xf32>,
      %div3A_608 = arith.divf %scan3A_482#16, %convert_element_type3A_511 : vector<16xf32>
      %add3A_609 = arith.constant 2 : i32
      %add3A_610 = arith.addi %add3A_73, %add3A_609 : i32
      %swap3A_611 = arith.index_cast %add3A_610 : i32 to index
      %swap3A_612 = arith.constant 256 : index
      %swap3A_613 = tpu.vector_load %arg7[%swap3A_611, %swap3A_612] {strides = array<i32>} : memref<64x300xf32, #tpu.memory_space<vmem>>, vector<16xf32>,
      tpu.vector_store %arg7[%swap3A_611, %swap3A_612], %div3A_608 {strides = array<i32>} : memref<64x300xf32, #tpu.memory_space<vmem>>, vector<16xf32>,
      %div3A_614 = arith.divf %scan3A_482#17, %convert_element_type3A_511 : vector<16xf32>
      %add3A_615 = arith.constant 2 : i32
      %add3A_616 = arith.addi %add3A_73, %add3A_615 : i32
      %swap3A_617 = arith.index_cast %add3A_616 : i32 to index
      %swap3A_618 = arith.constant 272 : index
      %swap3A_619 = tpu.vector_load %arg7[%swap3A_617, %swap3A_618] {strides = array<i32>} : memref<64x300xf32, #tpu.memory_space<vmem>>, vector<16xf32>,
      tpu.vector_store %arg7[%swap3A_617, %swap3A_618], %div3A_614 {strides = array<i32>} : memref<64x300xf32, #tpu.memory_space<vmem>>, vector<16xf32>,
      %div3A_620 = arith.divf %scan3A_482#18, %convert_element_type3A_511 : vector<16xf32>
      %add3A_621 = arith.constant 2 : i32
      %add3A_622 = arith.addi %add3A_73, %add3A_621 : i32
      %swap3A_623 = arith.index_cast %add3A_622 : i32 to index
      %swap3A_624 = arith.constant 284 : index
      %swap3A_625 = tpu.vector_load %arg7[%swap3A_623, %swap3A_624] {strides = array<i32>} : memref<64x300xf32, #tpu.memory_space<vmem>>, vector<16xf32>,
      tpu.vector_store %arg7[%swap3A_623, %swap3A_624], %div3A_620 {strides = array<i32>} : memref<64x300xf32, #tpu.memory_space<vmem>>, vector<16xf32>,
      %broadcast_in_dim3A_626 = arith.constant 0.000000e+00 : f32
      %broadcast_in_dim3A_627 = vector.broadcast %broadcast_in_dim3A_626 : f32 to vector<16xf32>
      %broadcast_in_dim3A_628 = arith.constant 0.000000e+00 : f32
      %broadcast_in_dim3A_629 = vector.broadcast %broadcast_in_dim3A_628 : f32 to vector<16xf32>
      %broadcast_in_dim3A_630 = arith.constant 0.000000e+00 : f32
      %broadcast_in_dim3A_631 = vector.broadcast %broadcast_in_dim3A_630 : f32 to vector<16xf32>
      %broadcast_in_dim3A_632 = arith.constant 0.000000e+00 : f32
      %broadcast_in_dim3A_633 = vector.broadcast %broadcast_in_dim3A_632 : f32 to vector<16xf32>
      %broadcast_in_dim3A_634 = arith.constant 0.000000e+00 : f32
      %broadcast_in_dim3A_635 = vector.broadcast %broadcast_in_dim3A_634 : f32 to vector<16xf32>
      %broadcast_in_dim3A_636 = arith.constant 0.000000e+00 : f32
      %broadcast_in_dim3A_637 = vector.broadcast %broadcast_in_dim3A_636 : f32 to vector<16xf32>
      %broadcast_in_dim3A_638 = arith.constant 0.000000e+00 : f32
      %broadcast_in_dim3A_639 = vector.broadcast %broadcast_in_dim3A_638 : f32 to vector<16xf32>
      %broadcast_in_dim3A_640 = arith.constant 0.000000e+00 : f32
      %broadcast_in_dim3A_641 = vector.broadcast %broadcast_in_dim3A_640 : f32 to vector<16xf32>
      %broadcast_in_dim3A_642 = arith.constant 0.000000e+00 : f32
      %broadcast_in_dim3A_643 = vector.broadcast %broadcast_in_dim3A_642 : f32 to vector<16xf32>
      %broadcast_in_dim3A_644 = arith.constant 0.000000e+00 : f32
      %broadcast_in_dim3A_645 = vector.broadcast %broadcast_in_dim3A_644 : f32 to vector<16xf32>
      %broadcast_in_dim3A_646 = arith.constant 0.000000e+00 : f32
      %broadcast_in_dim3A_647 = vector.broadcast %broadcast_in_dim3A_646 : f32 to vector<16xf32>
      %broadcast_in_dim3A_648 = arith.constant 0.000000e+00 : f32
      %broadcast_in_dim3A_649 = vector.broadcast %broadcast_in_dim3A_648 : f32 to vector<16xf32>
      %broadcast_in_dim3A_650 = arith.constant 0.000000e+00 : f32
      %broadcast_in_dim3A_651 = vector.broadcast %broadcast_in_dim3A_650 : f32 to vector<16xf32>
      %broadcast_in_dim3A_652 = arith.constant 0.000000e+00 : f32
      %broadcast_in_dim3A_653 = vector.broadcast %broadcast_in_dim3A_652 : f32 to vector<16xf32>
      %broadcast_in_dim3A_654 = arith.constant 0.000000e+00 : f32
      %broadcast_in_dim3A_655 = vector.broadcast %broadcast_in_dim3A_654 : f32 to vector<16xf32>
      %broadcast_in_dim3A_656 = arith.constant 0.000000e+00 : f32
      %broadcast_in_dim3A_657 = vector.broadcast %broadcast_in_dim3A_656 : f32 to vector<16xf32>
      %broadcast_in_dim3A_658 = arith.constant 0.000000e+00 : f32
      %broadcast_in_dim3A_659 = vector.broadcast %broadcast_in_dim3A_658 : f32 to vector<16xf32>
      %broadcast_in_dim3A_660 = arith.constant 0.000000e+00 : f32
      %broadcast_in_dim3A_661 = vector.broadcast %broadcast_in_dim3A_660 : f32 to vector<16xf32>
      %broadcast_in_dim3A_662 = arith.constant 0.000000e+00 : f32
      %broadcast_in_dim3A_663 = vector.broadcast %broadcast_in_dim3A_662 : f32 to vector<16xf32>
      %scan3A_664 = arith.constant 0 : i32
      %scan3A_665 = arith.constant 20 : i32
      %scan3A_666 = arith.addi %scan3A_664, %scan3A_665 : i32
      %scan3A_667 = arith.constant 1 : i32
      %scan3A_668:19 = scf.for %scan3A_1619 = %scan3A_664 to %scan3A_666 step %scan3A_667 iter_args(%scan3A_1620 = %broadcast_in_dim3A_627, %scan3A_1621 = %broadcast_in_dim3A_629, %scan3A_1622 = %broadcast_in_dim3A_631, %scan3A_1623 = %broadcast_in_dim3A_633, %scan3A_1624 = %broadcast_in_dim3A_635, %scan3A_1625 = %broadcast_in_dim3A_637, %scan3A_1626 = %broadcast_in_dim3A_639, %scan3A_1627 = %broadcast_in_dim3A_641, %scan3A_1628 = %broadcast_in_dim3A_643, %scan3A_1629 = %broadcast_in_dim3A_645, %scan3A_1630 = %broadcast_in_dim3A_647, %scan3A_1631 = %broadcast_in_dim3A_649, %scan3A_1632 = %broadcast_in_dim3A_651, %scan3A_1633 = %broadcast_in_dim3A_653, %scan3A_1634 = %broadcast_in_dim3A_655, %scan3A_1635 = %broadcast_in_dim3A_657, %scan3A_1636 = %broadcast_in_dim3A_659, %scan3A_1637 = %broadcast_in_dim3A_661, %scan3A_1638 = %broadcast_in_dim3A_663) -> (vector<16xf32>, vector<16xf32>, vector<16xf32>, vector<16xf32>, vector<16xf32>, vector<16xf32>, vector<16xf32>, vector<16xf32>, vector<16xf32>, vector<16xf32>, vector<16xf32>, vector<16xf32>, vector<16xf32>, vector<16xf32>, vector<16xf32>, vector<16xf32>, vector<16xf32>, vector<16xf32>, vector<16xf32>)  : i32 {
        %add3A_1639 = arith.constant 60 : i32
        %add3A_1640 = arith.addi %add3A_1639, %scan3A_1619 : i32
        %get3A_1641 = arith.constant 0 : i32
        %get3A_1642 = arith.index_cast %get3A_1641 : i32 to index
        %get3A_1643 = arith.index_cast %add3A_1640 : i32 to index
        %get3A_1644 = arith.constant 0 : index
        %get3A_1645 = tpu.vector_load %arg6[%get3A_1642, %get3A_1643, %get3A_1644] {strides = array<i32>} : memref<2x80x384xf32, #tpu.memory_space<vmem>>, vector<16xf32>,
        %add3A_1646 = arith.addf %scan3A_1620, %get3A_1645 : vector<16xf32>
        %get3A_1647 = arith.constant 0 : i32
        %get3A_1648 = arith.index_cast %get3A_1647 : i32 to index
        %get3A_1649 = arith.index_cast %add3A_1640 : i32 to index
        %get3A_1650 = arith.constant 16 : index
        %get3A_1651 = tpu.vector_load %arg6[%get3A_1648, %get3A_1649, %get3A_1650] {strides = array<i32>} : memref<2x80x384xf32, #tpu.memory_space<vmem>>, vector<16xf32>,
        %add3A_1652 = arith.addf %scan3A_1621, %get3A_1651 : vector<16xf32>
        %get3A_1653 = arith.constant 0 : i32
        %get3A_1654 = arith.index_cast %get3A_1653 : i32 to index
        %get3A_1655 = arith.index_cast %add3A_1640 : i32 to index
        %get3A_1656 = arith.constant 32 : index
        %get3A_1657 = tpu.vector_load %arg6[%get3A_1654, %get3A_1655, %get3A_1656] {strides = array<i32>} : memref<2x80x384xf32, #tpu.memory_space<vmem>>, vector<16xf32>,
        %add3A_1658 = arith.addf %scan3A_1622, %get3A_1657 : vector<16xf32>
        %get3A_1659 = arith.constant 0 : i32
        %get3A_1660 = arith.index_cast %get3A_1659 : i32 to index
        %get3A_1661 = arith.index_cast %add3A_1640 : i32 to index
        %get3A_1662 = arith.constant 48 : index
        %get3A_1663 = tpu.vector_load %arg6[%get3A_1660, %get3A_1661, %get3A_1662] {strides = array<i32>} : memref<2x80x384xf32, #tpu.memory_space<vmem>>, vector<16xf32>,
        %add3A_1664 = arith.addf %scan3A_1623, %get3A_1663 : vector<16xf32>
        %get3A_1665 = arith.constant 0 : i32
        %get3A_1666 = arith.index_cast %get3A_1665 : i32 to index
        %get3A_1667 = arith.index_cast %add3A_1640 : i32 to index
        %get3A_1668 = arith.constant 64 : index
        %get3A_1669 = tpu.vector_load %arg6[%get3A_1666, %get3A_1667, %get3A_1668] {strides = array<i32>} : memref<2x80x384xf32, #tpu.memory_space<vmem>>, vector<16xf32>,
        %add3A_1670 = arith.addf %scan3A_1624, %get3A_1669 : vector<16xf32>
        %get3A_1671 = arith.constant 0 : i32
        %get3A_1672 = arith.index_cast %get3A_1671 : i32 to index
        %get3A_1673 = arith.index_cast %add3A_1640 : i32 to index
        %get3A_1674 = arith.constant 80 : index
        %get3A_1675 = tpu.vector_load %arg6[%get3A_1672, %get3A_1673, %get3A_1674] {strides = array<i32>} : memref<2x80x384xf32, #tpu.memory_space<vmem>>, vector<16xf32>,
        %add3A_1676 = arith.addf %scan3A_1625, %get3A_1675 : vector<16xf32>
        %get3A_1677 = arith.constant 0 : i32
        %get3A_1678 = arith.index_cast %get3A_1677 : i32 to index
        %get3A_1679 = arith.index_cast %add3A_1640 : i32 to index
        %get3A_1680 = arith.constant 96 : index
        %get3A_1681 = tpu.vector_load %arg6[%get3A_1678, %get3A_1679, %get3A_1680] {strides = array<i32>} : memref<2x80x384xf32, #tpu.memory_space<vmem>>, vector<16xf32>,
        %add3A_1682 = arith.addf %scan3A_1626, %get3A_1681 : vector<16xf32>
        %get3A_1683 = arith.constant 0 : i32
        %get3A_1684 = arith.index_cast %get3A_1683 : i32 to index
        %get3A_1685 = arith.index_cast %add3A_1640 : i32 to index
        %get3A_1686 = arith.constant 112 : index
        %get3A_1687 = tpu.vector_load %arg6[%get3A_1684, %get3A_1685, %get3A_1686] {strides = array<i32>} : memref<2x80x384xf32, #tpu.memory_space<vmem>>, vector<16xf32>,
        %add3A_1688 = arith.addf %scan3A_1627, %get3A_1687 : vector<16xf32>
        %get3A_1689 = arith.constant 0 : i32
        %get3A_1690 = arith.index_cast %get3A_1689 : i32 to index
        %get3A_1691 = arith.index_cast %add3A_1640 : i32 to index
        %get3A_1692 = arith.constant 128 : index
        %get3A_1693 = tpu.vector_load %arg6[%get3A_1690, %get3A_1691, %get3A_1692] {strides = array<i32>} : memref<2x80x384xf32, #tpu.memory_space<vmem>>, vector<16xf32>,
        %add3A_1694 = arith.addf %scan3A_1628, %get3A_1693 : vector<16xf32>
        %get3A_1695 = arith.constant 0 : i32
        %get3A_1696 = arith.index_cast %get3A_1695 : i32 to index
        %get3A_1697 = arith.index_cast %add3A_1640 : i32 to index
        %get3A_1698 = arith.constant 144 : index
        %get3A_1699 = tpu.vector_load %arg6[%get3A_1696, %get3A_1697, %get3A_1698] {strides = array<i32>} : memref<2x80x384xf32, #tpu.memory_space<vmem>>, vector<16xf32>,
        %add3A_1700 = arith.addf %scan3A_1629, %get3A_1699 : vector<16xf32>
        %get3A_1701 = arith.constant 0 : i32
        %get3A_1702 = arith.index_cast %get3A_1701 : i32 to index
        %get3A_1703 = arith.index_cast %add3A_1640 : i32 to index
        %get3A_1704 = arith.constant 160 : index
        %get3A_1705 = tpu.vector_load %arg6[%get3A_1702, %get3A_1703, %get3A_1704] {strides = array<i32>} : memref<2x80x384xf32, #tpu.memory_space<vmem>>, vector<16xf32>,
        %add3A_1706 = arith.addf %scan3A_1630, %get3A_1705 : vector<16xf32>
        %get3A_1707 = arith.constant 0 : i32
        %get3A_1708 = arith.index_cast %get3A_1707 : i32 to index
        %get3A_1709 = arith.index_cast %add3A_1640 : i32 to index
        %get3A_1710 = arith.constant 176 : index
        %get3A_1711 = tpu.vector_load %arg6[%get3A_1708, %get3A_1709, %get3A_1710] {strides = array<i32>} : memref<2x80x384xf32, #tpu.memory_space<vmem>>, vector<16xf32>,
        %add3A_1712 = arith.addf %scan3A_1631, %get3A_1711 : vector<16xf32>
        %get3A_1713 = arith.constant 0 : i32
        %get3A_1714 = arith.index_cast %get3A_1713 : i32 to index
        %get3A_1715 = arith.index_cast %add3A_1640 : i32 to index
        %get3A_1716 = arith.constant 192 : index
        %get3A_1717 = tpu.vector_load %arg6[%get3A_1714, %get3A_1715, %get3A_1716] {strides = array<i32>} : memref<2x80x384xf32, #tpu.memory_space<vmem>>, vector<16xf32>,
        %add3A_1718 = arith.addf %scan3A_1632, %get3A_1717 : vector<16xf32>
        %get3A_1719 = arith.constant 0 : i32
        %get3A_1720 = arith.index_cast %get3A_1719 : i32 to index
        %get3A_1721 = arith.index_cast %add3A_1640 : i32 to index
        %get3A_1722 = arith.constant 208 : index
        %get3A_1723 = tpu.vector_load %arg6[%get3A_1720, %get3A_1721, %get3A_1722] {strides = array<i32>} : memref<2x80x384xf32, #tpu.memory_space<vmem>>, vector<16xf32>,
        %add3A_1724 = arith.addf %scan3A_1633, %get3A_1723 : vector<16xf32>
        %get3A_1725 = arith.constant 0 : i32
        %get3A_1726 = arith.index_cast %get3A_1725 : i32 to index
        %get3A_1727 = arith.index_cast %add3A_1640 : i32 to index
        %get3A_1728 = arith.constant 224 : index
        %get3A_1729 = tpu.vector_load %arg6[%get3A_1726, %get3A_1727, %get3A_1728] {strides = array<i32>} : memref<2x80x384xf32, #tpu.memory_space<vmem>>, vector<16xf32>,
        %add3A_1730 = arith.addf %scan3A_1634, %get3A_1729 : vector<16xf32>
        %get3A_1731 = arith.constant 0 : i32
        %get3A_1732 = arith.index_cast %get3A_1731 : i32 to index
        %get3A_1733 = arith.index_cast %add3A_1640 : i32 to index
        %get3A_1734 = arith.constant 240 : index
        %get3A_1735 = tpu.vector_load %arg6[%get3A_1732, %get3A_1733, %get3A_1734] {strides = array<i32>} : memref<2x80x384xf32, #tpu.memory_space<vmem>>, vector<16xf32>,
        %add3A_1736 = arith.addf %scan3A_1635, %get3A_1735 : vector<16xf32>
        %get3A_1737 = arith.constant 0 : i32
        %get3A_1738 = arith.index_cast %get3A_1737 : i32 to index
        %get3A_1739 = arith.index_cast %add3A_1640 : i32 to index
        %get3A_1740 = arith.constant 256 : index
        %get3A_1741 = tpu.vector_load %arg6[%get3A_1738, %get3A_1739, %get3A_1740] {strides = array<i32>} : memref<2x80x384xf32, #tpu.memory_space<vmem>>, vector<16xf32>,
        %add3A_1742 = arith.addf %scan3A_1636, %get3A_1741 : vector<16xf32>
        %get3A_1743 = arith.constant 0 : i32
        %get3A_1744 = arith.index_cast %get3A_1743 : i32 to index
        %get3A_1745 = arith.index_cast %add3A_1640 : i32 to index
        %get3A_1746 = arith.constant 272 : index
        %get3A_1747 = tpu.vector_load %arg6[%get3A_1744, %get3A_1745, %get3A_1746] {strides = array<i32>} : memref<2x80x384xf32, #tpu.memory_space<vmem>>, vector<16xf32>,
        %add3A_1748 = arith.addf %scan3A_1637, %get3A_1747 : vector<16xf32>
        %get3A_1749 = arith.constant 0 : i32
        %get3A_1750 = arith.index_cast %get3A_1749 : i32 to index
        %get3A_1751 = arith.index_cast %add3A_1640 : i32 to index
        %get3A_1752 = arith.constant 284 : index
        %get3A_1753 = tpu.vector_load %arg6[%get3A_1750, %get3A_1751, %get3A_1752] {strides = array<i32>} : memref<2x80x384xf32, #tpu.memory_space<vmem>>, vector<16xf32>,
        %add3A_1754 = arith.addf %scan3A_1638, %get3A_1753 : vector<16xf32>
        scf.yield %add3A_1646, %add3A_1652, %add3A_1658, %add3A_1664, %add3A_1670, %add3A_1676, %add3A_1682, %add3A_1688, %add3A_1694, %add3A_1700, %add3A_1706, %add3A_1712, %add3A_1718, %add3A_1724, %add3A_1730, %add3A_1736, %add3A_1742, %add3A_1748, %add3A_1754 : vector<16xf32>, vector<16xf32>, vector<16xf32>, vector<16xf32>, vector<16xf32>, vector<16xf32>, vector<16xf32>, vector<16xf32>, vector<16xf32>, vector<16xf32>, vector<16xf32>, vector<16xf32>, vector<16xf32>, vector<16xf32>, vector<16xf32>, vector<16xf32>, vector<16xf32>, vector<16xf32>, vector<16xf32>
      }
      %scan3A_669 = arith.constant 20 : i32
      %get3A_670 = arith.constant 0 : i32
      %get3A_671 = arith.index_cast %get3A_670 : i32 to index
      %get3A_672 = arith.constant 60 : index
      %get3A_673 = tpu.vector_load %arg5[%get3A_671, %get3A_672] {strides = array<i32>} : memref<2x80xi32, #tpu.memory_space<vmem>>, vector<16xi32>,
      %get3A_674 = arith.constant 0 : i32
      %get3A_675 = arith.index_cast %get3A_674 : i32 to index
      %get3A_676 = arith.constant 64 : index
      %get3A_677 = tpu.vector_load %arg5[%get3A_675, %get3A_676] {strides = array<i32>} : memref<2x80xi32, #tpu.memory_space<vmem>>, vector<16xi32>,
      %ne3A_678 = arith.constant 0 : i32
      %ne3A_679 = vector.broadcast %ne3A_678 : i32 to vector<16xi32>
      %ne3A_680 = arith.cmpi ne, %get3A_673, %ne3A_679 : vector<16xi32>
      %convert_element_type3A_681 = arith.extui %ne3A_680 : vector<16xi1> to vector<16xi32>
      %reduce_sum3A_682 = arith.constant true
      %reduce_sum3A_683 = vector.broadcast %reduce_sum3A_682 : i1 to vector<16xi1>
      %reduce_sum3A_684 = tpu.scan <sum>, %convert_element_type3A_681 masked %reduce_sum3A_683 : vector<16xi32>, vector<16xi1> -> vector<16xi32>
      %reduce_sum3A_685 = vector.extract %reduce_sum3A_684[15] : i32 from vector<16xi32>
      %ne3A_686 = arith.constant 0 : i32
      %ne3A_687 = vector.broadcast %ne3A_686 : i32 to vector<16xi32>
      %ne3A_688 = arith.cmpi ne, %get3A_677, %ne3A_687 : vector<16xi32>
      %and3A_689 = arith.andi %ne3A_688, %ge3A_58 : vector<16xi1>
      %convert_element_type3A_690 = arith.extui %and3A_689 : vector<16xi1> to vector<16xi32>
      %reduce_sum3A_691 = arith.constant true
      %reduce_sum3A_692 = vector.broadcast %reduce_sum3A_691 : i1 to vector<16xi1>
      %reduce_sum3A_693 = tpu.scan <sum>, %convert_element_type3A_690 masked %reduce_sum3A_692 : vector<16xi32>, vector<16xi1> -> vector<16xi32>
      %reduce_sum3A_694 = vector.extract %reduce_sum3A_693[15] : i32 from vector<16xi32>
      %add3A_695 = arith.addi %reduce_sum3A_685, %reduce_sum3A_694 : i32
      %broadcast_in_dim3A_696 = vector.broadcast %add3A_695 : i32 to vector<16xi32>
      %convert_element_type3A_697 = arith.sitofp %broadcast_in_dim3A_696 : vector<16xi32> to vector<16xf32>
      %div3A_698 = arith.divf %scan3A_668#0, %convert_element_type3A_697 : vector<16xf32>
      %add3A_699 = arith.constant 3 : i32
      %add3A_700 = arith.addi %add3A_73, %add3A_699 : i32
      %swap3A_701 = arith.index_cast %add3A_700 : i32 to index
      %swap3A_702 = arith.constant 0 : index
      %swap3A_703 = tpu.vector_load %arg7[%swap3A_701, %swap3A_702] {strides = array<i32>} : memref<64x300xf32, #tpu.memory_space<vmem>>, vector<16xf32>,
      tpu.vector_store %arg7[%swap3A_701, %swap3A_702], %div3A_698 {strides = array<i32>} : memref<64x300xf32, #tpu.memory_space<vmem>>, vector<16xf32>,
      %div3A_704 = arith.divf %scan3A_668#1, %convert_element_type3A_697 : vector<16xf32>
      %add3A_705 = arith.constant 3 : i32
      %add3A_706 = arith.addi %add3A_73, %add3A_705 : i32
      %swap3A_707 = arith.index_cast %add3A_706 : i32 to index
      %swap3A_708 = arith.constant 16 : index
      %swap3A_709 = tpu.vector_load %arg7[%swap3A_707, %swap3A_708] {strides = array<i32>} : memref<64x300xf32, #tpu.memory_space<vmem>>, vector<16xf32>,
      tpu.vector_store %arg7[%swap3A_707, %swap3A_708], %div3A_704 {strides = array<i32>} : memref<64x300xf32, #tpu.memory_space<vmem>>, vector<16xf32>,
      %div3A_710 = arith.divf %scan3A_668#2, %convert_element_type3A_697 : vector<16xf32>
      %add3A_711 = arith.constant 3 : i32
      %add3A_712 = arith.addi %add3A_73, %add3A_711 : i32
      %swap3A_713 = arith.index_cast %add3A_712 : i32 to index
      %swap3A_714 = arith.constant 32 : index
      %swap3A_715 = tpu.vector_load %arg7[%swap3A_713, %swap3A_714] {strides = array<i32>} : memref<64x300xf32, #tpu.memory_space<vmem>>, vector<16xf32>,
      tpu.vector_store %arg7[%swap3A_713, %swap3A_714], %div3A_710 {strides = array<i32>} : memref<64x300xf32, #tpu.memory_space<vmem>>, vector<16xf32>,
      %div3A_716 = arith.divf %scan3A_668#3, %convert_element_type3A_697 : vector<16xf32>
      %add3A_717 = arith.constant 3 : i32
      %add3A_718 = arith.addi %add3A_73, %add3A_717 : i32
      %swap3A_719 = arith.index_cast %add3A_718 : i32 to index
      %swap3A_720 = arith.constant 48 : index
      %swap3A_721 = tpu.vector_load %arg7[%swap3A_719, %swap3A_720] {strides = array<i32>} : memref<64x300xf32, #tpu.memory_space<vmem>>, vector<16xf32>,
      tpu.vector_store %arg7[%swap3A_719, %swap3A_720], %div3A_716 {strides = array<i32>} : memref<64x300xf32, #tpu.memory_space<vmem>>, vector<16xf32>,
      %div3A_722 = arith.divf %scan3A_668#4, %convert_element_type3A_697 : vector<16xf32>
      %add3A_723 = arith.constant 3 : i32
      %add3A_724 = arith.addi %add3A_73, %add3A_723 : i32
      %swap3A_725 = arith.index_cast %add3A_724 : i32 to index
      %swap3A_726 = arith.constant 64 : index
      %swap3A_727 = tpu.vector_load %arg7[%swap3A_725, %swap3A_726] {strides = array<i32>} : memref<64x300xf32, #tpu.memory_space<vmem>>, vector<16xf32>,
      tpu.vector_store %arg7[%swap3A_725, %swap3A_726], %div3A_722 {strides = array<i32>} : memref<64x300xf32, #tpu.memory_space<vmem>>, vector<16xf32>,
      %div3A_728 = arith.divf %scan3A_668#5, %convert_element_type3A_697 : vector<16xf32>
      %add3A_729 = arith.constant 3 : i32
      %add3A_730 = arith.addi %add3A_73, %add3A_729 : i32
      %swap3A_731 = arith.index_cast %add3A_730 : i32 to index
      %swap3A_732 = arith.constant 80 : index
      %swap3A_733 = tpu.vector_load %arg7[%swap3A_731, %swap3A_732] {strides = array<i32>} : memref<64x300xf32, #tpu.memory_space<vmem>>, vector<16xf32>,
      tpu.vector_store %arg7[%swap3A_731, %swap3A_732], %div3A_728 {strides = array<i32>} : memref<64x300xf32, #tpu.memory_space<vmem>>, vector<16xf32>,
      %div3A_734 = arith.divf %scan3A_668#6, %convert_element_type3A_697 : vector<16xf32>
      %add3A_735 = arith.constant 3 : i32
      %add3A_736 = arith.addi %add3A_73, %add3A_735 : i32
      %swap3A_737 = arith.index_cast %add3A_736 : i32 to index
      %swap3A_738 = arith.constant 96 : index
      %swap3A_739 = tpu.vector_load %arg7[%swap3A_737, %swap3A_738] {strides = array<i32>} : memref<64x300xf32, #tpu.memory_space<vmem>>, vector<16xf32>,
      tpu.vector_store %arg7[%swap3A_737, %swap3A_738], %div3A_734 {strides = array<i32>} : memref<64x300xf32, #tpu.memory_space<vmem>>, vector<16xf32>,
      %div3A_740 = arith.divf %scan3A_668#7, %convert_element_type3A_697 : vector<16xf32>
      %add3A_741 = arith.constant 3 : i32
      %add3A_742 = arith.addi %add3A_73, %add3A_741 : i32
      %swap3A_743 = arith.index_cast %add3A_742 : i32 to index
      %swap3A_744 = arith.constant 112 : index
      %swap3A_745 = tpu.vector_load %arg7[%swap3A_743, %swap3A_744] {strides = array<i32>} : memref<64x300xf32, #tpu.memory_space<vmem>>, vector<16xf32>,
      tpu.vector_store %arg7[%swap3A_743, %swap3A_744], %div3A_740 {strides = array<i32>} : memref<64x300xf32, #tpu.memory_space<vmem>>, vector<16xf32>,
      %div3A_746 = arith.divf %scan3A_668#8, %convert_element_type3A_697 : vector<16xf32>
      %add3A_747 = arith.constant 3 : i32
      %add3A_748 = arith.addi %add3A_73, %add3A_747 : i32
      %swap3A_749 = arith.index_cast %add3A_748 : i32 to index
      %swap3A_750 = arith.constant 128 : index
      %swap3A_751 = tpu.vector_load %arg7[%swap3A_749, %swap3A_750] {strides = array<i32>} : memref<64x300xf32, #tpu.memory_space<vmem>>, vector<16xf32>,
      tpu.vector_store %arg7[%swap3A_749, %swap3A_750], %div3A_746 {strides = array<i32>} : memref<64x300xf32, #tpu.memory_space<vmem>>, vector<16xf32>,
      %div3A_752 = arith.divf %scan3A_668#9, %convert_element_type3A_697 : vector<16xf32>
      %add3A_753 = arith.constant 3 : i32
      %add3A_754 = arith.addi %add3A_73, %add3A_753 : i32
      %swap3A_755 = arith.index_cast %add3A_754 : i32 to index
      %swap3A_756 = arith.constant 144 : index
      %swap3A_757 = tpu.vector_load %arg7[%swap3A_755, %swap3A_756] {strides = array<i32>} : memref<64x300xf32, #tpu.memory_space<vmem>>, vector<16xf32>,
      tpu.vector_store %arg7[%swap3A_755, %swap3A_756], %div3A_752 {strides = array<i32>} : memref<64x300xf32, #tpu.memory_space<vmem>>, vector<16xf32>,
      %div3A_758 = arith.divf %scan3A_668#10, %convert_element_type3A_697 : vector<16xf32>
      %add3A_759 = arith.constant 3 : i32
      %add3A_760 = arith.addi %add3A_73, %add3A_759 : i32
      %swap3A_761 = arith.index_cast %add3A_760 : i32 to index
      %swap3A_762 = arith.constant 160 : index
      %swap3A_763 = tpu.vector_load %arg7[%swap3A_761, %swap3A_762] {strides = array<i32>} : memref<64x300xf32, #tpu.memory_space<vmem>>, vector<16xf32>,
      tpu.vector_store %arg7[%swap3A_761, %swap3A_762], %div3A_758 {strides = array<i32>} : memref<64x300xf32, #tpu.memory_space<vmem>>, vector<16xf32>,
      %div3A_764 = arith.divf %scan3A_668#11, %convert_element_type3A_697 : vector<16xf32>
      %add3A_765 = arith.constant 3 : i32
      %add3A_766 = arith.addi %add3A_73, %add3A_765 : i32
      %swap3A_767 = arith.index_cast %add3A_766 : i32 to index
      %swap3A_768 = arith.constant 176 : index
      %swap3A_769 = tpu.vector_load %arg7[%swap3A_767, %swap3A_768] {strides = array<i32>} : memref<64x300xf32, #tpu.memory_space<vmem>>, vector<16xf32>,
      tpu.vector_store %arg7[%swap3A_767, %swap3A_768], %div3A_764 {strides = array<i32>} : memref<64x300xf32, #tpu.memory_space<vmem>>, vector<16xf32>,
      %div3A_770 = arith.divf %scan3A_668#12, %convert_element_type3A_697 : vector<16xf32>
      %add3A_771 = arith.constant 3 : i32
      %add3A_772 = arith.addi %add3A_73, %add3A_771 : i32
      %swap3A_773 = arith.index_cast %add3A_772 : i32 to index
      %swap3A_774 = arith.constant 192 : index
      %swap3A_775 = tpu.vector_load %arg7[%swap3A_773, %swap3A_774] {strides = array<i32>} : memref<64x300xf32, #tpu.memory_space<vmem>>, vector<16xf32>,
      tpu.vector_store %arg7[%swap3A_773, %swap3A_774], %div3A_770 {strides = array<i32>} : memref<64x300xf32, #tpu.memory_space<vmem>>, vector<16xf32>,
      %div3A_776 = arith.divf %scan3A_668#13, %convert_element_type3A_697 : vector<16xf32>
      %add3A_777 = arith.constant 3 : i32
      %add3A_778 = arith.addi %add3A_73, %add3A_777 : i32
      %swap3A_779 = arith.index_cast %add3A_778 : i32 to index
      %swap3A_780 = arith.constant 208 : index
      %swap3A_781 = tpu.vector_load %arg7[%swap3A_779, %swap3A_780] {strides = array<i32>} : memref<64x300xf32, #tpu.memory_space<vmem>>, vector<16xf32>,
      tpu.vector_store %arg7[%swap3A_779, %swap3A_780], %div3A_776 {strides = array<i32>} : memref<64x300xf32, #tpu.memory_space<vmem>>, vector<16xf32>,
      %div3A_782 = arith.divf %scan3A_668#14, %convert_element_type3A_697 : vector<16xf32>
      %add3A_783 = arith.constant 3 : i32
      %add3A_784 = arith.addi %add3A_73, %add3A_783 : i32
      %swap3A_785 = arith.index_cast %add3A_784 : i32 to index
      %swap3A_786 = arith.constant 224 : index
      %swap3A_787 = tpu.vector_load %arg7[%swap3A_785, %swap3A_786] {strides = array<i32>} : memref<64x300xf32, #tpu.memory_space<vmem>>, vector<16xf32>,
      tpu.vector_store %arg7[%swap3A_785, %swap3A_786], %div3A_782 {strides = array<i32>} : memref<64x300xf32, #tpu.memory_space<vmem>>, vector<16xf32>,
      %div3A_788 = arith.divf %scan3A_668#15, %convert_element_type3A_697 : vector<16xf32>
      %add3A_789 = arith.constant 3 : i32
      %add3A_790 = arith.addi %add3A_73, %add3A_789 : i32
      %swap3A_791 = arith.index_cast %add3A_790 : i32 to index
      %swap3A_792 = arith.constant 240 : index
      %swap3A_793 = tpu.vector_load %arg7[%swap3A_791, %swap3A_792] {strides = array<i32>} : memref<64x300xf32, #tpu.memory_space<vmem>>, vector<16xf32>,
      tpu.vector_store %arg7[%swap3A_791, %swap3A_792], %div3A_788 {strides = array<i32>} : memref<64x300xf32, #tpu.memory_space<vmem>>, vector<16xf32>,
      %div3A_794 = arith.divf %scan3A_668#16, %convert_element_type3A_697 : vector<16xf32>
      %add3A_795 = arith.constant 3 : i32
      %add3A_796 = arith.addi %add3A_73, %add3A_795 : i32
      %swap3A_797 = arith.index_cast %add3A_796 : i32 to index
      %swap3A_798 = arith.constant 256 : index
      %swap3A_799 = tpu.vector_load %arg7[%swap3A_797, %swap3A_798] {strides = array<i32>} : memref<64x300xf32, #tpu.memory_space<vmem>>, vector<16xf32>,
      tpu.vector_store %arg7[%swap3A_797, %swap3A_798], %div3A_794 {strides = array<i32>} : memref<64x300xf32, #tpu.memory_space<vmem>>, vector<16xf32>,
      %div3A_800 = arith.divf %scan3A_668#17, %convert_element_type3A_697 : vector<16xf32>
      %add3A_801 = arith.constant 3 : i32
      %add3A_802 = arith.addi %add3A_73, %add3A_801 : i32
      %swap3A_803 = arith.index_cast %add3A_802 : i32 to index
      %swap3A_804 = arith.constant 272 : index
      %swap3A_805 = tpu.vector_load %arg7[%swap3A_803, %swap3A_804] {strides = array<i32>} : memref<64x300xf32, #tpu.memory_space<vmem>>, vector<16xf32>,
      tpu.vector_store %arg7[%swap3A_803, %swap3A_804], %div3A_800 {strides = array<i32>} : memref<64x300xf32, #tpu.memory_space<vmem>>, vector<16xf32>,
      %div3A_806 = arith.divf %scan3A_668#18, %convert_element_type3A_697 : vector<16xf32>
      %add3A_807 = arith.constant 3 : i32
      %add3A_808 = arith.addi %add3A_73, %add3A_807 : i32
      %swap3A_809 = arith.index_cast %add3A_808 : i32 to index
      %swap3A_810 = arith.constant 284 : index
      %swap3A_811 = tpu.vector_load %arg7[%swap3A_809, %swap3A_810] {strides = array<i32>} : memref<64x300xf32, #tpu.memory_space<vmem>>, vector<16xf32>,
      tpu.vector_store %arg7[%swap3A_809, %swap3A_810], %div3A_806 {strides = array<i32>} : memref<64x300xf32, #tpu.memory_space<vmem>>, vector<16xf32>,
      %lt3A_812 = arith.constant 63 : i32
      %lt3A_813 = arith.cmpi slt, %scan3A_23, %lt3A_812 : i32
      %convert_element_type3A_814 = arith.extui %lt3A_813 : i1 to i32
      %cond3A = arith.constant 0 : i32
      %cond3A_815 = arith.cmpi ne, %convert_element_type3A_814, %cond3A : i32
      scf.if %cond3A_815 {
        %add3A_1619 = arith.constant 2 : i32
        %add3A_1620 = arith.addi %mul3A_25, %add3A_1619 : i32
        %mul3A_1621 = arith.constant 4 : i32
        %mul3A_1622 = arith.muli %add3A_1620, %mul3A_1621 : i32
        %add3A_1623 = arith.addi %mul3A_2, %mul3A_1622 : i32
        %mul3A_1624 = arith.constant 20 : i32
        %mul3A_1625 = arith.muli %add3A_1623, %mul3A_1624 : i32
        %run_scoped3A_1626 = arith.constant 0 : i32
        "tpu.region"() ({
          %run_scoped3A_1639 = tpu.sem_alloc : memref<!tpu.dma_semaphore, #tpu.memory_space<semaphore_mem>>
          %dma_start3A_1640 = arith.constant 0 : i32
          %dma_start3A_1641 = tpu.memref_slice %arg5[%run_scoped3A_1626, %dma_start3A_1640] : memref<2x80xi32, #tpu.memory_space<vmem>> -> memref<1x80xi32, #tpu.memory_space<vmem>>
          %dma_start3A_1642 = tpu.memref_squeeze %dma_start3A_1641 : memref<1x80xi32, #tpu.memory_space<vmem>> -> memref<80xi32, #tpu.memory_space<vmem>>
          %dma_start3A_1643 = tpu.memref_slice %arg2[%mul3A_1625] : memref<327680xi32, #tpu.memory_space<hbm>> -> memref<80xi32, #tpu.memory_space<hbm>>
          %dma_start3A_1644 = arith.constant 0 : i32
          %dma_start3A_1645 = tpu.memref_slice %arg5[%run_scoped3A_1626, %dma_start3A_1644] : memref<2x80xi32, #tpu.memory_space<vmem>> -> memref<1x80xi32, #tpu.memory_space<vmem>>
          %dma_start3A_1646 = tpu.memref_squeeze %dma_start3A_1645 : memref<1x80xi32, #tpu.memory_space<vmem>> -> memref<80xi32, #tpu.memory_space<vmem>>
          %dma_start3A_1647 = tpu.memref_slice %arg2[%mul3A_1625] : memref<327680xi32, #tpu.memory_space<hbm>> -> memref<80xi32, #tpu.memory_space<hbm>>
          tpu.enqueue_dma source(%dma_start3A_1647 : memref<80xi32, #tpu.memory_space<hbm>>) target(%dma_start3A_1646 : memref<80xi32, #tpu.memory_space<vmem>>) target_semaphore(%run_scoped3A_1639 : memref<!tpu.dma_semaphore, #tpu.memory_space<semaphore_mem>>)
          %dma_wait3A_1648 = arith.constant 0 : i32
          %dma_wait3A_1649 = tpu.memref_slice %arg5[%run_scoped3A_1626, %dma_wait3A_1648] : memref<2x80xi32, #tpu.memory_space<vmem>> -> memref<1x80xi32, #tpu.memory_space<vmem>>
          %dma_wait3A_1650 = tpu.memref_squeeze %dma_wait3A_1649 : memref<1x80xi32, #tpu.memory_space<vmem>> -> memref<80xi32, #tpu.memory_space<vmem>>
          %dma_wait3A_1651 = tpu.memref_slice %arg2[%mul3A_1625] : memref<327680xi32, #tpu.memory_space<hbm>> -> memref<80xi32, #tpu.memory_space<hbm>>
          %dma_wait3A_1652 = arith.constant 0 : i32
          %dma_wait3A_1653 = tpu.memref_slice %arg5[%run_scoped3A_1626, %dma_wait3A_1652] : memref<2x80xi32, #tpu.memory_space<vmem>> -> memref<1x80xi32, #tpu.memory_space<vmem>>
          %dma_wait3A_1654 = tpu.memref_squeeze %dma_wait3A_1653 : memref<1x80xi32, #tpu.memory_space<vmem>> -> memref<80xi32, #tpu.memory_space<vmem>>
          %dma_wait3A_1655 = tpu.memref_slice %arg2[%mul3A_1625] : memref<327680xi32, #tpu.memory_space<hbm>> -> memref<80xi32, #tpu.memory_space<hbm>>
          tpu.wait_dma2 semaphore(%run_scoped3A_1639 : memref<!tpu.dma_semaphore, #tpu.memory_space<semaphore_mem>>) src(%dma_wait3A_1655 : memref<80xi32, #tpu.memory_space<hbm>>) dst(%dma_wait3A_1654 : memref<80xi32, #tpu.memory_space<vmem>>)
          tpu.yield
        }) : () -> ()
        %dma_start3A_1627 = arith.constant 0 : i32
        %dma_start3A_1628 = arith.constant 0 : i32
        %dma_start3A_1629 = arith.constant 0 : i32
        %dma_start3A_1630 = arith.constant 0 : i32
        %dma_start3A_1631 = tpu.memref_slice %arg6[%dma_start3A_1628, %dma_start3A_1629, %dma_start3A_1630] : memref<2x80x384xf32, #tpu.memory_space<vmem>> -> memref<1x80x384xf32, #tpu.memory_space<vmem>>
        %dma_start3A_1632 = tpu.memref_squeeze %dma_start3A_1631 : memref<1x80x384xf32, #tpu.memory_space<vmem>> -> memref<80x384xf32, #tpu.memory_space<vmem>>
        %dma_start3A_1633 = arith.constant 0 : i32
        %dma_start3A_1634 = tpu.memref_slice %arg5[%dma_start3A_1627, %dma_start3A_1633] : memref<2x80xi32, #tpu.memory_space<vmem>> -> memref<1x80xi32, #tpu.memory_space<vmem>>
        %dma_start3A_1635 = tpu.memref_squeeze %dma_start3A_1634 : memref<1x80xi32, #tpu.memory_space<vmem>> -> memref<80xi32, #tpu.memory_space<vmem>>
        %dma_start3A_1636 = arith.constant 0 : i32
        %dma_start3A_1637 = arith.constant 0 : i32
        %dma_start3A_1638 = tpu.memref_slice %arg3[%dma_start3A_1636, %dma_start3A_1637] : memref<100000x384xf32, #tpu.memory_space<hbm>> -> memref<100000x384xf32, #tpu.memory_space<hbm>>
        tpu.enqueue_indirect_dma source(%dma_start3A_1638 : memref<100000x384xf32, #tpu.memory_space<hbm>>) target(%dma_start3A_1632 : memref<80x384xf32, #tpu.memory_space<vmem>>) offsets(%dma_start3A_1635 : memref<80xi32, #tpu.memory_space<vmem>>) semaphore(%arg8 : memref<!tpu.dma_semaphore, #tpu.memory_space<semaphore_mem>>)
      } else {
      }
      %dma_wait3A_816 = arith.constant 1 : i32
      %dma_wait3A_817 = arith.constant 1 : i32
      %dma_wait3A_818 = arith.constant 0 : i32
      %dma_wait3A_819 = arith.constant 0 : i32
      %dma_wait3A_820 = tpu.memref_slice %arg6[%dma_wait3A_817, %dma_wait3A_818, %dma_wait3A_819] : memref<2x80x384xf32, #tpu.memory_space<vmem>> -> memref<1x80x384xf32, #tpu.memory_space<vmem>>
      %dma_wait3A_821 = tpu.memref_squeeze %dma_wait3A_820 : memref<1x80x384xf32, #tpu.memory_space<vmem>> -> memref<80x384xf32, #tpu.memory_space<vmem>>
      %dma_wait3A_822 = arith.constant 0 : i32
      %dma_wait3A_823 = tpu.memref_slice %arg5[%dma_wait3A_816, %dma_wait3A_822] : memref<2x80xi32, #tpu.memory_space<vmem>> -> memref<1x80xi32, #tpu.memory_space<vmem>>
      %dma_wait3A_824 = tpu.memref_squeeze %dma_wait3A_823 : memref<1x80xi32, #tpu.memory_space<vmem>> -> memref<80xi32, #tpu.memory_space<vmem>>
      %dma_wait3A_825 = arith.constant 0 : i32
      %dma_wait3A_826 = arith.constant 0 : i32
      %dma_wait3A_827 = tpu.memref_slice %arg3[%dma_wait3A_825, %dma_wait3A_826] : memref<100000x384xf32, #tpu.memory_space<hbm>> -> memref<100000x384xf32, #tpu.memory_space<hbm>>
      tpu.wait_indirect_dma semaphore(%arg9 : memref<!tpu.dma_semaphore, #tpu.memory_space<semaphore_mem>>) src(%dma_wait3A_827 : memref<100000x384xf32, #tpu.memory_space<hbm>>) dst(%dma_wait3A_821 : memref<80x384xf32, #tpu.memory_space<vmem>>)
      %iota3A_828 = tpu.iota {dimensions = array<i32: 0>} : vector<16xi32>
      %ge3A_829 = arith.constant 12 : i32
      %ge3A_830 = vector.broadcast %ge3A_829 : i32 to vector<16xi32>
      %ge3A_831 = arith.cmpi sge, %iota3A_828, %ge3A_830 : vector<16xi32>
      %jit3A_832 = arith.constant 8 : i32
      %eq3A_833 = arith.constant 0 : i32
      %eq3A_834 = arith.cmpi eq, %jit3A_832, %eq3A_833 : i32
      %jit3A_835 = arith.constant 1 : i32
      %select_n3A_836 = arith.select %eq3A_834, %jit3A_835, %jit3A_832 : i32
      %rem3A_837 = arith.remsi %scan3A_23, %select_n3A_836 : i32
      %ne3A_838 = arith.constant 0 : i32
      %ne3A_839 = arith.cmpi ne, %rem3A_837, %ne3A_838 : i32
      %lt3A_840 = arith.constant 0 : i32
      %lt3A_841 = arith.cmpi slt, %rem3A_837, %lt3A_840 : i32
      %lt3A_842 = arith.constant 0 : i32
      %lt3A_843 = arith.cmpi slt, %select_n3A_836, %lt3A_842 : i32
      %ne3A_844 = arith.xori %lt3A_841, %lt3A_843 : i1
      %and3A_845 = arith.andi %ne3A_844, %ne3A_839 : i1
      %add3A_846 = arith.addi %rem3A_837, %select_n3A_836 : i32
      %select_n3A_847 = arith.select %and3A_845, %add3A_846, %rem3A_837 : i32
      %mul3A_848 = arith.constant 2 : i32
      %mul3A_849 = arith.muli %select_n3A_847, %mul3A_848 : i32
      %mul3A_850 = arith.constant 4 : i32
      %mul3A_851 = arith.muli %mul3A_849, %mul3A_850 : i32
      %add3A_852 = arith.constant 4 : i32
      %add3A_853 = arith.addi %mul3A_851, %add3A_852 : i32
      %broadcast_in_dim3A_854 = arith.constant 0.000000e+00 : f32
      %broadcast_in_dim3A_855 = vector.broadcast %broadcast_in_dim3A_854 : f32 to vector<16xf32>
      %broadcast_in_dim3A_856 = arith.constant 0.000000e+00 : f32
      %broadcast_in_dim3A_857 = vector.broadcast %broadcast_in_dim3A_856 : f32 to vector<16xf32>
      %broadcast_in_dim3A_858 = arith.constant 0.000000e+00 : f32
      %broadcast_in_dim3A_859 = vector.broadcast %broadcast_in_dim3A_858 : f32 to vector<16xf32>
      %broadcast_in_dim3A_860 = arith.constant 0.000000e+00 : f32
      %broadcast_in_dim3A_861 = vector.broadcast %broadcast_in_dim3A_860 : f32 to vector<16xf32>
      %broadcast_in_dim3A_862 = arith.constant 0.000000e+00 : f32
      %broadcast_in_dim3A_863 = vector.broadcast %broadcast_in_dim3A_862 : f32 to vector<16xf32>
      %broadcast_in_dim3A_864 = arith.constant 0.000000e+00 : f32
      %broadcast_in_dim3A_865 = vector.broadcast %broadcast_in_dim3A_864 : f32 to vector<16xf32>
      %broadcast_in_dim3A_866 = arith.constant 0.000000e+00 : f32
      %broadcast_in_dim3A_867 = vector.broadcast %broadcast_in_dim3A_866 : f32 to vector<16xf32>
      %broadcast_in_dim3A_868 = arith.constant 0.000000e+00 : f32
      %broadcast_in_dim3A_869 = vector.broadcast %broadcast_in_dim3A_868 : f32 to vector<16xf32>
      %broadcast_in_dim3A_870 = arith.constant 0.000000e+00 : f32
      %broadcast_in_dim3A_871 = vector.broadcast %broadcast_in_dim3A_870 : f32 to vector<16xf32>
      %broadcast_in_dim3A_872 = arith.constant 0.000000e+00 : f32
      %broadcast_in_dim3A_873 = vector.broadcast %broadcast_in_dim3A_872 : f32 to vector<16xf32>
      %broadcast_in_dim3A_874 = arith.constant 0.000000e+00 : f32
      %broadcast_in_dim3A_875 = vector.broadcast %broadcast_in_dim3A_874 : f32 to vector<16xf32>
      %broadcast_in_dim3A_876 = arith.constant 0.000000e+00 : f32
      %broadcast_in_dim3A_877 = vector.broadcast %broadcast_in_dim3A_876 : f32 to vector<16xf32>
      %broadcast_in_dim3A_878 = arith.constant 0.000000e+00 : f32
      %broadcast_in_dim3A_879 = vector.broadcast %broadcast_in_dim3A_878 : f32 to vector<16xf32>
      %broadcast_in_dim3A_880 = arith.constant 0.000000e+00 : f32
      %broadcast_in_dim3A_881 = vector.broadcast %broadcast_in_dim3A_880 : f32 to vector<16xf32>
      %broadcast_in_dim3A_882 = arith.constant 0.000000e+00 : f32
      %broadcast_in_dim3A_883 = vector.broadcast %broadcast_in_dim3A_882 : f32 to vector<16xf32>
      %broadcast_in_dim3A_884 = arith.constant 0.000000e+00 : f32
      %broadcast_in_dim3A_885 = vector.broadcast %broadcast_in_dim3A_884 : f32 to vector<16xf32>
      %broadcast_in_dim3A_886 = arith.constant 0.000000e+00 : f32
      %broadcast_in_dim3A_887 = vector.broadcast %broadcast_in_dim3A_886 : f32 to vector<16xf32>
      %broadcast_in_dim3A_888 = arith.constant 0.000000e+00 : f32
      %broadcast_in_dim3A_889 = vector.broadcast %broadcast_in_dim3A_888 : f32 to vector<16xf32>
      %broadcast_in_dim3A_890 = arith.constant 0.000000e+00 : f32
      %broadcast_in_dim3A_891 = vector.broadcast %broadcast_in_dim3A_890 : f32 to vector<16xf32>
      %scan3A_892 = arith.constant 0 : i32
      %scan3A_893 = arith.constant 20 : i32
      %scan3A_894 = arith.addi %scan3A_892, %scan3A_893 : i32
      %scan3A_895 = arith.constant 1 : i32
      %scan3A_896:19 = scf.for %scan3A_1619 = %scan3A_892 to %scan3A_894 step %scan3A_895 iter_args(%scan3A_1620 = %broadcast_in_dim3A_855, %scan3A_1621 = %broadcast_in_dim3A_857, %scan3A_1622 = %broadcast_in_dim3A_859, %scan3A_1623 = %broadcast_in_dim3A_861, %scan3A_1624 = %broadcast_in_dim3A_863, %scan3A_1625 = %broadcast_in_dim3A_865, %scan3A_1626 = %broadcast_in_dim3A_867, %scan3A_1627 = %broadcast_in_dim3A_869, %scan3A_1628 = %broadcast_in_dim3A_871, %scan3A_1629 = %broadcast_in_dim3A_873, %scan3A_1630 = %broadcast_in_dim3A_875, %scan3A_1631 = %broadcast_in_dim3A_877, %scan3A_1632 = %broadcast_in_dim3A_879, %scan3A_1633 = %broadcast_in_dim3A_881, %scan3A_1634 = %broadcast_in_dim3A_883, %scan3A_1635 = %broadcast_in_dim3A_885, %scan3A_1636 = %broadcast_in_dim3A_887, %scan3A_1637 = %broadcast_in_dim3A_889, %scan3A_1638 = %broadcast_in_dim3A_891) -> (vector<16xf32>, vector<16xf32>, vector<16xf32>, vector<16xf32>, vector<16xf32>, vector<16xf32>, vector<16xf32>, vector<16xf32>, vector<16xf32>, vector<16xf32>, vector<16xf32>, vector<16xf32>, vector<16xf32>, vector<16xf32>, vector<16xf32>, vector<16xf32>, vector<16xf32>, vector<16xf32>, vector<16xf32>)  : i32 {
        %add3A_1639 = arith.constant 0 : i32
        %add3A_1640 = arith.addi %add3A_1639, %scan3A_1619 : i32
        %get3A_1641 = arith.constant 1 : i32
        %get3A_1642 = arith.index_cast %get3A_1641 : i32 to index
        %get3A_1643 = arith.index_cast %add3A_1640 : i32 to index
        %get3A_1644 = arith.constant 0 : index
        %get3A_1645 = tpu.vector_load %arg6[%get3A_1642, %get3A_1643, %get3A_1644] {strides = array<i32>} : memref<2x80x384xf32, #tpu.memory_space<vmem>>, vector<16xf32>,
        %add3A_1646 = arith.addf %scan3A_1620, %get3A_1645 : vector<16xf32>
        %get3A_1647 = arith.constant 1 : i32
        %get3A_1648 = arith.index_cast %get3A_1647 : i32 to index
        %get3A_1649 = arith.index_cast %add3A_1640 : i32 to index
        %get3A_1650 = arith.constant 16 : index
        %get3A_1651 = tpu.vector_load %arg6[%get3A_1648, %get3A_1649, %get3A_1650] {strides = array<i32>} : memref<2x80x384xf32, #tpu.memory_space<vmem>>, vector<16xf32>,
        %add3A_1652 = arith.addf %scan3A_1621, %get3A_1651 : vector<16xf32>
        %get3A_1653 = arith.constant 1 : i32
        %get3A_1654 = arith.index_cast %get3A_1653 : i32 to index
        %get3A_1655 = arith.index_cast %add3A_1640 : i32 to index
        %get3A_1656 = arith.constant 32 : index
        %get3A_1657 = tpu.vector_load %arg6[%get3A_1654, %get3A_1655, %get3A_1656] {strides = array<i32>} : memref<2x80x384xf32, #tpu.memory_space<vmem>>, vector<16xf32>,
        %add3A_1658 = arith.addf %scan3A_1622, %get3A_1657 : vector<16xf32>
        %get3A_1659 = arith.constant 1 : i32
        %get3A_1660 = arith.index_cast %get3A_1659 : i32 to index
        %get3A_1661 = arith.index_cast %add3A_1640 : i32 to index
        %get3A_1662 = arith.constant 48 : index
        %get3A_1663 = tpu.vector_load %arg6[%get3A_1660, %get3A_1661, %get3A_1662] {strides = array<i32>} : memref<2x80x384xf32, #tpu.memory_space<vmem>>, vector<16xf32>,
        %add3A_1664 = arith.addf %scan3A_1623, %get3A_1663 : vector<16xf32>
        %get3A_1665 = arith.constant 1 : i32
        %get3A_1666 = arith.index_cast %get3A_1665 : i32 to index
        %get3A_1667 = arith.index_cast %add3A_1640 : i32 to index
        %get3A_1668 = arith.constant 64 : index
        %get3A_1669 = tpu.vector_load %arg6[%get3A_1666, %get3A_1667, %get3A_1668] {strides = array<i32>} : memref<2x80x384xf32, #tpu.memory_space<vmem>>, vector<16xf32>,
        %add3A_1670 = arith.addf %scan3A_1624, %get3A_1669 : vector<16xf32>
        %get3A_1671 = arith.constant 1 : i32
        %get3A_1672 = arith.index_cast %get3A_1671 : i32 to index
        %get3A_1673 = arith.index_cast %add3A_1640 : i32 to index
        %get3A_1674 = arith.constant 80 : index
        %get3A_1675 = tpu.vector_load %arg6[%get3A_1672, %get3A_1673, %get3A_1674] {strides = array<i32>} : memref<2x80x384xf32, #tpu.memory_space<vmem>>, vector<16xf32>,
        %add3A_1676 = arith.addf %scan3A_1625, %get3A_1675 : vector<16xf32>
        %get3A_1677 = arith.constant 1 : i32
        %get3A_1678 = arith.index_cast %get3A_1677 : i32 to index
        %get3A_1679 = arith.index_cast %add3A_1640 : i32 to index
        %get3A_1680 = arith.constant 96 : index
        %get3A_1681 = tpu.vector_load %arg6[%get3A_1678, %get3A_1679, %get3A_1680] {strides = array<i32>} : memref<2x80x384xf32, #tpu.memory_space<vmem>>, vector<16xf32>,
        %add3A_1682 = arith.addf %scan3A_1626, %get3A_1681 : vector<16xf32>
        %get3A_1683 = arith.constant 1 : i32
        %get3A_1684 = arith.index_cast %get3A_1683 : i32 to index
        %get3A_1685 = arith.index_cast %add3A_1640 : i32 to index
        %get3A_1686 = arith.constant 112 : index
        %get3A_1687 = tpu.vector_load %arg6[%get3A_1684, %get3A_1685, %get3A_1686] {strides = array<i32>} : memref<2x80x384xf32, #tpu.memory_space<vmem>>, vector<16xf32>,
        %add3A_1688 = arith.addf %scan3A_1627, %get3A_1687 : vector<16xf32>
        %get3A_1689 = arith.constant 1 : i32
        %get3A_1690 = arith.index_cast %get3A_1689 : i32 to index
        %get3A_1691 = arith.index_cast %add3A_1640 : i32 to index
        %get3A_1692 = arith.constant 128 : index
        %get3A_1693 = tpu.vector_load %arg6[%get3A_1690, %get3A_1691, %get3A_1692] {strides = array<i32>} : memref<2x80x384xf32, #tpu.memory_space<vmem>>, vector<16xf32>,
        %add3A_1694 = arith.addf %scan3A_1628, %get3A_1693 : vector<16xf32>
        %get3A_1695 = arith.constant 1 : i32
        %get3A_1696 = arith.index_cast %get3A_1695 : i32 to index
        %get3A_1697 = arith.index_cast %add3A_1640 : i32 to index
        %get3A_1698 = arith.constant 144 : index
        %get3A_1699 = tpu.vector_load %arg6[%get3A_1696, %get3A_1697, %get3A_1698] {strides = array<i32>} : memref<2x80x384xf32, #tpu.memory_space<vmem>>, vector<16xf32>,
        %add3A_1700 = arith.addf %scan3A_1629, %get3A_1699 : vector<16xf32>
        %get3A_1701 = arith.constant 1 : i32
        %get3A_1702 = arith.index_cast %get3A_1701 : i32 to index
        %get3A_1703 = arith.index_cast %add3A_1640 : i32 to index
        %get3A_1704 = arith.constant 160 : index
        %get3A_1705 = tpu.vector_load %arg6[%get3A_1702, %get3A_1703, %get3A_1704] {strides = array<i32>} : memref<2x80x384xf32, #tpu.memory_space<vmem>>, vector<16xf32>,
        %add3A_1706 = arith.addf %scan3A_1630, %get3A_1705 : vector<16xf32>
        %get3A_1707 = arith.constant 1 : i32
        %get3A_1708 = arith.index_cast %get3A_1707 : i32 to index
        %get3A_1709 = arith.index_cast %add3A_1640 : i32 to index
        %get3A_1710 = arith.constant 176 : index
        %get3A_1711 = tpu.vector_load %arg6[%get3A_1708, %get3A_1709, %get3A_1710] {strides = array<i32>} : memref<2x80x384xf32, #tpu.memory_space<vmem>>, vector<16xf32>,
        %add3A_1712 = arith.addf %scan3A_1631, %get3A_1711 : vector<16xf32>
        %get3A_1713 = arith.constant 1 : i32
        %get3A_1714 = arith.index_cast %get3A_1713 : i32 to index
        %get3A_1715 = arith.index_cast %add3A_1640 : i32 to index
        %get3A_1716 = arith.constant 192 : index
        %get3A_1717 = tpu.vector_load %arg6[%get3A_1714, %get3A_1715, %get3A_1716] {strides = array<i32>} : memref<2x80x384xf32, #tpu.memory_space<vmem>>, vector<16xf32>,
        %add3A_1718 = arith.addf %scan3A_1632, %get3A_1717 : vector<16xf32>
        %get3A_1719 = arith.constant 1 : i32
        %get3A_1720 = arith.index_cast %get3A_1719 : i32 to index
        %get3A_1721 = arith.index_cast %add3A_1640 : i32 to index
        %get3A_1722 = arith.constant 208 : index
        %get3A_1723 = tpu.vector_load %arg6[%get3A_1720, %get3A_1721, %get3A_1722] {strides = array<i32>} : memref<2x80x384xf32, #tpu.memory_space<vmem>>, vector<16xf32>,
        %add3A_1724 = arith.addf %scan3A_1633, %get3A_1723 : vector<16xf32>
        %get3A_1725 = arith.constant 1 : i32
        %get3A_1726 = arith.index_cast %get3A_1725 : i32 to index
        %get3A_1727 = arith.index_cast %add3A_1640 : i32 to index
        %get3A_1728 = arith.constant 224 : index
        %get3A_1729 = tpu.vector_load %arg6[%get3A_1726, %get3A_1727, %get3A_1728] {strides = array<i32>} : memref<2x80x384xf32, #tpu.memory_space<vmem>>, vector<16xf32>,
        %add3A_1730 = arith.addf %scan3A_1634, %get3A_1729 : vector<16xf32>
        %get3A_1731 = arith.constant 1 : i32
        %get3A_1732 = arith.index_cast %get3A_1731 : i32 to index
        %get3A_1733 = arith.index_cast %add3A_1640 : i32 to index
        %get3A_1734 = arith.constant 240 : index
        %get3A_1735 = tpu.vector_load %arg6[%get3A_1732, %get3A_1733, %get3A_1734] {strides = array<i32>} : memref<2x80x384xf32, #tpu.memory_space<vmem>>, vector<16xf32>,
        %add3A_1736 = arith.addf %scan3A_1635, %get3A_1735 : vector<16xf32>
        %get3A_1737 = arith.constant 1 : i32
        %get3A_1738 = arith.index_cast %get3A_1737 : i32 to index
        %get3A_1739 = arith.index_cast %add3A_1640 : i32 to index
        %get3A_1740 = arith.constant 256 : index
        %get3A_1741 = tpu.vector_load %arg6[%get3A_1738, %get3A_1739, %get3A_1740] {strides = array<i32>} : memref<2x80x384xf32, #tpu.memory_space<vmem>>, vector<16xf32>,
        %add3A_1742 = arith.addf %scan3A_1636, %get3A_1741 : vector<16xf32>
        %get3A_1743 = arith.constant 1 : i32
        %get3A_1744 = arith.index_cast %get3A_1743 : i32 to index
        %get3A_1745 = arith.index_cast %add3A_1640 : i32 to index
        %get3A_1746 = arith.constant 272 : index
        %get3A_1747 = tpu.vector_load %arg6[%get3A_1744, %get3A_1745, %get3A_1746] {strides = array<i32>} : memref<2x80x384xf32, #tpu.memory_space<vmem>>, vector<16xf32>,
        %add3A_1748 = arith.addf %scan3A_1637, %get3A_1747 : vector<16xf32>
        %get3A_1749 = arith.constant 1 : i32
        %get3A_1750 = arith.index_cast %get3A_1749 : i32 to index
        %get3A_1751 = arith.index_cast %add3A_1640 : i32 to index
        %get3A_1752 = arith.constant 284 : index
        %get3A_1753 = tpu.vector_load %arg6[%get3A_1750, %get3A_1751, %get3A_1752] {strides = array<i32>} : memref<2x80x384xf32, #tpu.memory_space<vmem>>, vector<16xf32>,
        %add3A_1754 = arith.addf %scan3A_1638, %get3A_1753 : vector<16xf32>
        scf.yield %add3A_1646, %add3A_1652, %add3A_1658, %add3A_1664, %add3A_1670, %add3A_1676, %add3A_1682, %add3A_1688, %add3A_1694, %add3A_1700, %add3A_1706, %add3A_1712, %add3A_1718, %add3A_1724, %add3A_1730, %add3A_1736, %add3A_1742, %add3A_1748, %add3A_1754 : vector<16xf32>, vector<16xf32>, vector<16xf32>, vector<16xf32>, vector<16xf32>, vector<16xf32>, vector<16xf32>, vector<16xf32>, vector<16xf32>, vector<16xf32>, vector<16xf32>, vector<16xf32>, vector<16xf32>, vector<16xf32>, vector<16xf32>, vector<16xf32>, vector<16xf32>, vector<16xf32>, vector<16xf32>
      }
      %scan3A_897 = arith.constant 20 : i32
      %get3A_898 = arith.constant 1 : i32
      %get3A_899 = arith.index_cast %get3A_898 : i32 to index
      %get3A_900 = arith.constant 0 : index
      %get3A_901 = tpu.vector_load %arg5[%get3A_899, %get3A_900] {strides = array<i32>} : memref<2x80xi32, #tpu.memory_space<vmem>>, vector<16xi32>,
      %get3A_902 = arith.constant 1 : i32
      %get3A_903 = arith.index_cast %get3A_902 : i32 to index
      %get3A_904 = arith.constant 4 : index
      %get3A_905 = tpu.vector_load %arg5[%get3A_903, %get3A_904] {strides = array<i32>} : memref<2x80xi32, #tpu.memory_space<vmem>>, vector<16xi32>,
      %ne3A_906 = arith.constant 0 : i32
      %ne3A_907 = vector.broadcast %ne3A_906 : i32 to vector<16xi32>
      %ne3A_908 = arith.cmpi ne, %get3A_901, %ne3A_907 : vector<16xi32>
      %convert_element_type3A_909 = arith.extui %ne3A_908 : vector<16xi1> to vector<16xi32>
      %reduce_sum3A_910 = arith.constant true
      %reduce_sum3A_911 = vector.broadcast %reduce_sum3A_910 : i1 to vector<16xi1>
      %reduce_sum3A_912 = tpu.scan <sum>, %convert_element_type3A_909 masked %reduce_sum3A_911 : vector<16xi32>, vector<16xi1> -> vector<16xi32>
      %reduce_sum3A_913 = vector.extract %reduce_sum3A_912[15] : i32 from vector<16xi32>
      %ne3A_914 = arith.constant 0 : i32
      %ne3A_915 = vector.broadcast %ne3A_914 : i32 to vector<16xi32>
      %ne3A_916 = arith.cmpi ne, %get3A_905, %ne3A_915 : vector<16xi32>
      %and3A_917 = arith.andi %ne3A_916, %ge3A_831 : vector<16xi1>
      %convert_element_type3A_918 = arith.extui %and3A_917 : vector<16xi1> to vector<16xi32>
      %reduce_sum3A_919 = arith.constant true
      %reduce_sum3A_920 = vector.broadcast %reduce_sum3A_919 : i1 to vector<16xi1>
      %reduce_sum3A_921 = tpu.scan <sum>, %convert_element_type3A_918 masked %reduce_sum3A_920 : vector<16xi32>, vector<16xi1> -> vector<16xi32>
      %reduce_sum3A_922 = vector.extract %reduce_sum3A_921[15] : i32 from vector<16xi32>
      %add3A_923 = arith.addi %reduce_sum3A_913, %reduce_sum3A_922 : i32
      %broadcast_in_dim3A_924 = vector.broadcast %add3A_923 : i32 to vector<16xi32>
      %convert_element_type3A_925 = arith.sitofp %broadcast_in_dim3A_924 : vector<16xi32> to vector<16xf32>
      %div3A_926 = arith.divf %scan3A_896#0, %convert_element_type3A_925 : vector<16xf32>
      %add3A_927 = arith.constant 0 : i32
      %add3A_928 = arith.addi %add3A_853, %add3A_927 : i32
      %swap3A_929 = arith.index_cast %add3A_928 : i32 to index
      %swap3A_930 = arith.constant 0 : index
      %swap3A_931 = tpu.vector_load %arg7[%swap3A_929, %swap3A_930] {strides = array<i32>} : memref<64x300xf32, #tpu.memory_space<vmem>>, vector<16xf32>,
      tpu.vector_store %arg7[%swap3A_929, %swap3A_930], %div3A_926 {strides = array<i32>} : memref<64x300xf32, #tpu.memory_space<vmem>>, vector<16xf32>,
      %div3A_932 = arith.divf %scan3A_896#1, %convert_element_type3A_925 : vector<16xf32>
      %add3A_933 = arith.constant 0 : i32
      %add3A_934 = arith.addi %add3A_853, %add3A_933 : i32
      %swap3A_935 = arith.index_cast %add3A_934 : i32 to index
      %swap3A_936 = arith.constant 16 : index
      %swap3A_937 = tpu.vector_load %arg7[%swap3A_935, %swap3A_936] {strides = array<i32>} : memref<64x300xf32, #tpu.memory_space<vmem>>, vector<16xf32>,
      tpu.vector_store %arg7[%swap3A_935, %swap3A_936], %div3A_932 {strides = array<i32>} : memref<64x300xf32, #tpu.memory_space<vmem>>, vector<16xf32>,
      %div3A_938 = arith.divf %scan3A_896#2, %convert_element_type3A_925 : vector<16xf32>
      %add3A_939 = arith.constant 0 : i32
      %add3A_940 = arith.addi %add3A_853, %add3A_939 : i32
      %swap3A_941 = arith.index_cast %add3A_940 : i32 to index
      %swap3A_942 = arith.constant 32 : index
      %swap3A_943 = tpu.vector_load %arg7[%swap3A_941, %swap3A_942] {strides = array<i32>} : memref<64x300xf32, #tpu.memory_space<vmem>>, vector<16xf32>,
      tpu.vector_store %arg7[%swap3A_941, %swap3A_942], %div3A_938 {strides = array<i32>} : memref<64x300xf32, #tpu.memory_space<vmem>>, vector<16xf32>,
      %div3A_944 = arith.divf %scan3A_896#3, %convert_element_type3A_925 : vector<16xf32>
      %add3A_945 = arith.constant 0 : i32
      %add3A_946 = arith.addi %add3A_853, %add3A_945 : i32
      %swap3A_947 = arith.index_cast %add3A_946 : i32 to index
      %swap3A_948 = arith.constant 48 : index
      %swap3A_949 = tpu.vector_load %arg7[%swap3A_947, %swap3A_948] {strides = array<i32>} : memref<64x300xf32, #tpu.memory_space<vmem>>, vector<16xf32>,
      tpu.vector_store %arg7[%swap3A_947, %swap3A_948], %div3A_944 {strides = array<i32>} : memref<64x300xf32, #tpu.memory_space<vmem>>, vector<16xf32>,
      %div3A_950 = arith.divf %scan3A_896#4, %convert_element_type3A_925 : vector<16xf32>
      %add3A_951 = arith.constant 0 : i32
      %add3A_952 = arith.addi %add3A_853, %add3A_951 : i32
      %swap3A_953 = arith.index_cast %add3A_952 : i32 to index
      %swap3A_954 = arith.constant 64 : index
      %swap3A_955 = tpu.vector_load %arg7[%swap3A_953, %swap3A_954] {strides = array<i32>} : memref<64x300xf32, #tpu.memory_space<vmem>>, vector<16xf32>,
      tpu.vector_store %arg7[%swap3A_953, %swap3A_954], %div3A_950 {strides = array<i32>} : memref<64x300xf32, #tpu.memory_space<vmem>>, vector<16xf32>,
      %div3A_956 = arith.divf %scan3A_896#5, %convert_element_type3A_925 : vector<16xf32>
      %add3A_957 = arith.constant 0 : i32
      %add3A_958 = arith.addi %add3A_853, %add3A_957 : i32
      %swap3A_959 = arith.index_cast %add3A_958 : i32 to index
      %swap3A_960 = arith.constant 80 : index
      %swap3A_961 = tpu.vector_load %arg7[%swap3A_959, %swap3A_960] {strides = array<i32>} : memref<64x300xf32, #tpu.memory_space<vmem>>, vector<16xf32>,
      tpu.vector_store %arg7[%swap3A_959, %swap3A_960], %div3A_956 {strides = array<i32>} : memref<64x300xf32, #tpu.memory_space<vmem>>, vector<16xf32>,
      %div3A_962 = arith.divf %scan3A_896#6, %convert_element_type3A_925 : vector<16xf32>
      %add3A_963 = arith.constant 0 : i32
      %add3A_964 = arith.addi %add3A_853, %add3A_963 : i32
      %swap3A_965 = arith.index_cast %add3A_964 : i32 to index
      %swap3A_966 = arith.constant 96 : index
      %swap3A_967 = tpu.vector_load %arg7[%swap3A_965, %swap3A_966] {strides = array<i32>} : memref<64x300xf32, #tpu.memory_space<vmem>>, vector<16xf32>,
      tpu.vector_store %arg7[%swap3A_965, %swap3A_966], %div3A_962 {strides = array<i32>} : memref<64x300xf32, #tpu.memory_space<vmem>>, vector<16xf32>,
      %div3A_968 = arith.divf %scan3A_896#7, %convert_element_type3A_925 : vector<16xf32>
      %add3A_969 = arith.constant 0 : i32
      %add3A_970 = arith.addi %add3A_853, %add3A_969 : i32
      %swap3A_971 = arith.index_cast %add3A_970 : i32 to index
      %swap3A_972 = arith.constant 112 : index
      %swap3A_973 = tpu.vector_load %arg7[%swap3A_971, %swap3A_972] {strides = array<i32>} : memref<64x300xf32, #tpu.memory_space<vmem>>, vector<16xf32>,
      tpu.vector_store %arg7[%swap3A_971, %swap3A_972], %div3A_968 {strides = array<i32>} : memref<64x300xf32, #tpu.memory_space<vmem>>, vector<16xf32>,
      %div3A_974 = arith.divf %scan3A_896#8, %convert_element_type3A_925 : vector<16xf32>
      %add3A_975 = arith.constant 0 : i32
      %add3A_976 = arith.addi %add3A_853, %add3A_975 : i32
      %swap3A_977 = arith.index_cast %add3A_976 : i32 to index
      %swap3A_978 = arith.constant 128 : index
      %swap3A_979 = tpu.vector_load %arg7[%swap3A_977, %swap3A_978] {strides = array<i32>} : memref<64x300xf32, #tpu.memory_space<vmem>>, vector<16xf32>,
      tpu.vector_store %arg7[%swap3A_977, %swap3A_978], %div3A_974 {strides = array<i32>} : memref<64x300xf32, #tpu.memory_space<vmem>>, vector<16xf32>,
      %div3A_980 = arith.divf %scan3A_896#9, %convert_element_type3A_925 : vector<16xf32>
      %add3A_981 = arith.constant 0 : i32
      %add3A_982 = arith.addi %add3A_853, %add3A_981 : i32
      %swap3A_983 = arith.index_cast %add3A_982 : i32 to index
      %swap3A_984 = arith.constant 144 : index
      %swap3A_985 = tpu.vector_load %arg7[%swap3A_983, %swap3A_984] {strides = array<i32>} : memref<64x300xf32, #tpu.memory_space<vmem>>, vector<16xf32>,
      tpu.vector_store %arg7[%swap3A_983, %swap3A_984], %div3A_980 {strides = array<i32>} : memref<64x300xf32, #tpu.memory_space<vmem>>, vector<16xf32>,
      %div3A_986 = arith.divf %scan3A_896#10, %convert_element_type3A_925 : vector<16xf32>
      %add3A_987 = arith.constant 0 : i32
      %add3A_988 = arith.addi %add3A_853, %add3A_987 : i32
      %swap3A_989 = arith.index_cast %add3A_988 : i32 to index
      %swap3A_990 = arith.constant 160 : index
      %swap3A_991 = tpu.vector_load %arg7[%swap3A_989, %swap3A_990] {strides = array<i32>} : memref<64x300xf32, #tpu.memory_space<vmem>>, vector<16xf32>,
      tpu.vector_store %arg7[%swap3A_989, %swap3A_990], %div3A_986 {strides = array<i32>} : memref<64x300xf32, #tpu.memory_space<vmem>>, vector<16xf32>,
      %div3A_992 = arith.divf %scan3A_896#11, %convert_element_type3A_925 : vector<16xf32>
      %add3A_993 = arith.constant 0 : i32
      %add3A_994 = arith.addi %add3A_853, %add3A_993 : i32
      %swap3A_995 = arith.index_cast %add3A_994 : i32 to index
      %swap3A_996 = arith.constant 176 : index
      %swap3A_997 = tpu.vector_load %arg7[%swap3A_995, %swap3A_996] {strides = array<i32>} : memref<64x300xf32, #tpu.memory_space<vmem>>, vector<16xf32>,
      tpu.vector_store %arg7[%swap3A_995, %swap3A_996], %div3A_992 {strides = array<i32>} : memref<64x300xf32, #tpu.memory_space<vmem>>, vector<16xf32>,
      %div3A_998 = arith.divf %scan3A_896#12, %convert_element_type3A_925 : vector<16xf32>
      %add3A_999 = arith.constant 0 : i32
      %add3A_1000 = arith.addi %add3A_853, %add3A_999 : i32
      %swap3A_1001 = arith.index_cast %add3A_1000 : i32 to index
      %swap3A_1002 = arith.constant 192 : index
      %swap3A_1003 = tpu.vector_load %arg7[%swap3A_1001, %swap3A_1002] {strides = array<i32>} : memref<64x300xf32, #tpu.memory_space<vmem>>, vector<16xf32>,
      tpu.vector_store %arg7[%swap3A_1001, %swap3A_1002], %div3A_998 {strides = array<i32>} : memref<64x300xf32, #tpu.memory_space<vmem>>, vector<16xf32>,
      %div3A_1004 = arith.divf %scan3A_896#13, %convert_element_type3A_925 : vector<16xf32>
      %add3A_1005 = arith.constant 0 : i32
      %add3A_1006 = arith.addi %add3A_853, %add3A_1005 : i32
      %swap3A_1007 = arith.index_cast %add3A_1006 : i32 to index
      %swap3A_1008 = arith.constant 208 : index
      %swap3A_1009 = tpu.vector_load %arg7[%swap3A_1007, %swap3A_1008] {strides = array<i32>} : memref<64x300xf32, #tpu.memory_space<vmem>>, vector<16xf32>,
      tpu.vector_store %arg7[%swap3A_1007, %swap3A_1008], %div3A_1004 {strides = array<i32>} : memref<64x300xf32, #tpu.memory_space<vmem>>, vector<16xf32>,
      %div3A_1010 = arith.divf %scan3A_896#14, %convert_element_type3A_925 : vector<16xf32>
      %add3A_1011 = arith.constant 0 : i32
      %add3A_1012 = arith.addi %add3A_853, %add3A_1011 : i32
      %swap3A_1013 = arith.index_cast %add3A_1012 : i32 to index
      %swap3A_1014 = arith.constant 224 : index
      %swap3A_1015 = tpu.vector_load %arg7[%swap3A_1013, %swap3A_1014] {strides = array<i32>} : memref<64x300xf32, #tpu.memory_space<vmem>>, vector<16xf32>,
      tpu.vector_store %arg7[%swap3A_1013, %swap3A_1014], %div3A_1010 {strides = array<i32>} : memref<64x300xf32, #tpu.memory_space<vmem>>, vector<16xf32>,
      %div3A_1016 = arith.divf %scan3A_896#15, %convert_element_type3A_925 : vector<16xf32>
      %add3A_1017 = arith.constant 0 : i32
      %add3A_1018 = arith.addi %add3A_853, %add3A_1017 : i32
      %swap3A_1019 = arith.index_cast %add3A_1018 : i32 to index
      %swap3A_1020 = arith.constant 240 : index
      %swap3A_1021 = tpu.vector_load %arg7[%swap3A_1019, %swap3A_1020] {strides = array<i32>} : memref<64x300xf32, #tpu.memory_space<vmem>>, vector<16xf32>,
      tpu.vector_store %arg7[%swap3A_1019, %swap3A_1020], %div3A_1016 {strides = array<i32>} : memref<64x300xf32, #tpu.memory_space<vmem>>, vector<16xf32>,
      %div3A_1022 = arith.divf %scan3A_896#16, %convert_element_type3A_925 : vector<16xf32>
      %add3A_1023 = arith.constant 0 : i32
      %add3A_1024 = arith.addi %add3A_853, %add3A_1023 : i32
      %swap3A_1025 = arith.index_cast %add3A_1024 : i32 to index
      %swap3A_1026 = arith.constant 256 : index
      %swap3A_1027 = tpu.vector_load %arg7[%swap3A_1025, %swap3A_1026] {strides = array<i32>} : memref<64x300xf32, #tpu.memory_space<vmem>>, vector<16xf32>,
      tpu.vector_store %arg7[%swap3A_1025, %swap3A_1026], %div3A_1022 {strides = array<i32>} : memref<64x300xf32, #tpu.memory_space<vmem>>, vector<16xf32>,
      %div3A_1028 = arith.divf %scan3A_896#17, %convert_element_type3A_925 : vector<16xf32>
      %add3A_1029 = arith.constant 0 : i32
      %add3A_1030 = arith.addi %add3A_853, %add3A_1029 : i32
      %swap3A_1031 = arith.index_cast %add3A_1030 : i32 to index
      %swap3A_1032 = arith.constant 272 : index
      %swap3A_1033 = tpu.vector_load %arg7[%swap3A_1031, %swap3A_1032] {strides = array<i32>} : memref<64x300xf32, #tpu.memory_space<vmem>>, vector<16xf32>,
      tpu.vector_store %arg7[%swap3A_1031, %swap3A_1032], %div3A_1028 {strides = array<i32>} : memref<64x300xf32, #tpu.memory_space<vmem>>, vector<16xf32>,
      %div3A_1034 = arith.divf %scan3A_896#18, %convert_element_type3A_925 : vector<16xf32>
      %add3A_1035 = arith.constant 0 : i32
      %add3A_1036 = arith.addi %add3A_853, %add3A_1035 : i32
      %swap3A_1037 = arith.index_cast %add3A_1036 : i32 to index
      %swap3A_1038 = arith.constant 284 : index
      %swap3A_1039 = tpu.vector_load %arg7[%swap3A_1037, %swap3A_1038] {strides = array<i32>} : memref<64x300xf32, #tpu.memory_space<vmem>>, vector<16xf32>,
      tpu.vector_store %arg7[%swap3A_1037, %swap3A_1038], %div3A_1034 {strides = array<i32>} : memref<64x300xf32, #tpu.memory_space<vmem>>, vector<16xf32>,
      %broadcast_in_dim3A_1040 = arith.constant 0.000000e+00 : f32
      %broadcast_in_dim3A_1041 = vector.broadcast %broadcast_in_dim3A_1040 : f32 to vector<16xf32>
      %broadcast_in_dim3A_1042 = arith.constant 0.000000e+00 : f32
      %broadcast_in_dim3A_1043 = vector.broadcast %broadcast_in_dim3A_1042 : f32 to vector<16xf32>
      %broadcast_in_dim3A_1044 = arith.constant 0.000000e+00 : f32
      %broadcast_in_dim3A_1045 = vector.broadcast %broadcast_in_dim3A_1044 : f32 to vector<16xf32>
      %broadcast_in_dim3A_1046 = arith.constant 0.000000e+00 : f32
      %broadcast_in_dim3A_1047 = vector.broadcast %broadcast_in_dim3A_1046 : f32 to vector<16xf32>
      %broadcast_in_dim3A_1048 = arith.constant 0.000000e+00 : f32
      %broadcast_in_dim3A_1049 = vector.broadcast %broadcast_in_dim3A_1048 : f32 to vector<16xf32>
      %broadcast_in_dim3A_1050 = arith.constant 0.000000e+00 : f32
      %broadcast_in_dim3A_1051 = vector.broadcast %broadcast_in_dim3A_1050 : f32 to vector<16xf32>
      %broadcast_in_dim3A_1052 = arith.constant 0.000000e+00 : f32
      %broadcast_in_dim3A_1053 = vector.broadcast %broadcast_in_dim3A_1052 : f32 to vector<16xf32>
      %broadcast_in_dim3A_1054 = arith.constant 0.000000e+00 : f32
      %broadcast_in_dim3A_1055 = vector.broadcast %broadcast_in_dim3A_1054 : f32 to vector<16xf32>
      %broadcast_in_dim3A_1056 = arith.constant 0.000000e+00 : f32
      %broadcast_in_dim3A_1057 = vector.broadcast %broadcast_in_dim3A_1056 : f32 to vector<16xf32>
      %broadcast_in_dim3A_1058 = arith.constant 0.000000e+00 : f32
      %broadcast_in_dim3A_1059 = vector.broadcast %broadcast_in_dim3A_1058 : f32 to vector<16xf32>
      %broadcast_in_dim3A_1060 = arith.constant 0.000000e+00 : f32
      %broadcast_in_dim3A_1061 = vector.broadcast %broadcast_in_dim3A_1060 : f32 to vector<16xf32>
      %broadcast_in_dim3A_1062 = arith.constant 0.000000e+00 : f32
      %broadcast_in_dim3A_1063 = vector.broadcast %broadcast_in_dim3A_1062 : f32 to vector<16xf32>
      %broadcast_in_dim3A_1064 = arith.constant 0.000000e+00 : f32
      %broadcast_in_dim3A_1065 = vector.broadcast %broadcast_in_dim3A_1064 : f32 to vector<16xf32>
      %broadcast_in_dim3A_1066 = arith.constant 0.000000e+00 : f32
      %broadcast_in_dim3A_1067 = vector.broadcast %broadcast_in_dim3A_1066 : f32 to vector<16xf32>
      %broadcast_in_dim3A_1068 = arith.constant 0.000000e+00 : f32
      %broadcast_in_dim3A_1069 = vector.broadcast %broadcast_in_dim3A_1068 : f32 to vector<16xf32>
      %broadcast_in_dim3A_1070 = arith.constant 0.000000e+00 : f32
      %broadcast_in_dim3A_1071 = vector.broadcast %broadcast_in_dim3A_1070 : f32 to vector<16xf32>
      %broadcast_in_dim3A_1072 = arith.constant 0.000000e+00 : f32
      %broadcast_in_dim3A_1073 = vector.broadcast %broadcast_in_dim3A_1072 : f32 to vector<16xf32>
      %broadcast_in_dim3A_1074 = arith.constant 0.000000e+00 : f32
      %broadcast_in_dim3A_1075 = vector.broadcast %broadcast_in_dim3A_1074 : f32 to vector<16xf32>
      %broadcast_in_dim3A_1076 = arith.constant 0.000000e+00 : f32
      %broadcast_in_dim3A_1077 = vector.broadcast %broadcast_in_dim3A_1076 : f32 to vector<16xf32>
      %scan3A_1078 = arith.constant 0 : i32
      %scan3A_1079 = arith.constant 20 : i32
      %scan3A_1080 = arith.addi %scan3A_1078, %scan3A_1079 : i32
      %scan3A_1081 = arith.constant 1 : i32
      %scan3A_1082:19 = scf.for %scan3A_1619 = %scan3A_1078 to %scan3A_1080 step %scan3A_1081 iter_args(%scan3A_1620 = %broadcast_in_dim3A_1041, %scan3A_1621 = %broadcast_in_dim3A_1043, %scan3A_1622 = %broadcast_in_dim3A_1045, %scan3A_1623 = %broadcast_in_dim3A_1047, %scan3A_1624 = %broadcast_in_dim3A_1049, %scan3A_1625 = %broadcast_in_dim3A_1051, %scan3A_1626 = %broadcast_in_dim3A_1053, %scan3A_1627 = %broadcast_in_dim3A_1055, %scan3A_1628 = %broadcast_in_dim3A_1057, %scan3A_1629 = %broadcast_in_dim3A_1059, %scan3A_1630 = %broadcast_in_dim3A_1061, %scan3A_1631 = %broadcast_in_dim3A_1063, %scan3A_1632 = %broadcast_in_dim3A_1065, %scan3A_1633 = %broadcast_in_dim3A_1067, %scan3A_1634 = %broadcast_in_dim3A_1069, %scan3A_1635 = %broadcast_in_dim3A_1071, %scan3A_1636 = %broadcast_in_dim3A_1073, %scan3A_1637 = %broadcast_in_dim3A_1075, %scan3A_1638 = %broadcast_in_dim3A_1077) -> (vector<16xf32>, vector<16xf32>, vector<16xf32>, vector<16xf32>, vector<16xf32>, vector<16xf32>, vector<16xf32>, vector<16xf32>, vector<16xf32>, vector<16xf32>, vector<16xf32>, vector<16xf32>, vector<16xf32>, vector<16xf32>, vector<16xf32>, vector<16xf32>, vector<16xf32>, vector<16xf32>, vector<16xf32>)  : i32 {
        %add3A_1639 = arith.constant 20 : i32
        %add3A_1640 = arith.addi %add3A_1639, %scan3A_1619 : i32
        %get3A_1641 = arith.constant 1 : i32
        %get3A_1642 = arith.index_cast %get3A_1641 : i32 to index
        %get3A_1643 = arith.index_cast %add3A_1640 : i32 to index
        %get3A_1644 = arith.constant 0 : index
        %get3A_1645 = tpu.vector_load %arg6[%get3A_1642, %get3A_1643, %get3A_1644] {strides = array<i32>} : memref<2x80x384xf32, #tpu.memory_space<vmem>>, vector<16xf32>,
        %add3A_1646 = arith.addf %scan3A_1620, %get3A_1645 : vector<16xf32>
        %get3A_1647 = arith.constant 1 : i32
        %get3A_1648 = arith.index_cast %get3A_1647 : i32 to index
        %get3A_1649 = arith.index_cast %add3A_1640 : i32 to index
        %get3A_1650 = arith.constant 16 : index
        %get3A_1651 = tpu.vector_load %arg6[%get3A_1648, %get3A_1649, %get3A_1650] {strides = array<i32>} : memref<2x80x384xf32, #tpu.memory_space<vmem>>, vector<16xf32>,
        %add3A_1652 = arith.addf %scan3A_1621, %get3A_1651 : vector<16xf32>
        %get3A_1653 = arith.constant 1 : i32
        %get3A_1654 = arith.index_cast %get3A_1653 : i32 to index
        %get3A_1655 = arith.index_cast %add3A_1640 : i32 to index
        %get3A_1656 = arith.constant 32 : index
        %get3A_1657 = tpu.vector_load %arg6[%get3A_1654, %get3A_1655, %get3A_1656] {strides = array<i32>} : memref<2x80x384xf32, #tpu.memory_space<vmem>>, vector<16xf32>,
        %add3A_1658 = arith.addf %scan3A_1622, %get3A_1657 : vector<16xf32>
        %get3A_1659 = arith.constant 1 : i32
        %get3A_1660 = arith.index_cast %get3A_1659 : i32 to index
        %get3A_1661 = arith.index_cast %add3A_1640 : i32 to index
        %get3A_1662 = arith.constant 48 : index
        %get3A_1663 = tpu.vector_load %arg6[%get3A_1660, %get3A_1661, %get3A_1662] {strides = array<i32>} : memref<2x80x384xf32, #tpu.memory_space<vmem>>, vector<16xf32>,
        %add3A_1664 = arith.addf %scan3A_1623, %get3A_1663 : vector<16xf32>
        %get3A_1665 = arith.constant 1 : i32
        %get3A_1666 = arith.index_cast %get3A_1665 : i32 to index
        %get3A_1667 = arith.index_cast %add3A_1640 : i32 to index
        %get3A_1668 = arith.constant 64 : index
        %get3A_1669 = tpu.vector_load %arg6[%get3A_1666, %get3A_1667, %get3A_1668] {strides = array<i32>} : memref<2x80x384xf32, #tpu.memory_space<vmem>>, vector<16xf32>,
        %add3A_1670 = arith.addf %scan3A_1624, %get3A_1669 : vector<16xf32>
        %get3A_1671 = arith.constant 1 : i32
        %get3A_1672 = arith.index_cast %get3A_1671 : i32 to index
        %get3A_1673 = arith.index_cast %add3A_1640 : i32 to index
        %get3A_1674 = arith.constant 80 : index
        %get3A_1675 = tpu.vector_load %arg6[%get3A_1672, %get3A_1673, %get3A_1674] {strides = array<i32>} : memref<2x80x384xf32, #tpu.memory_space<vmem>>, vector<16xf32>,
        %add3A_1676 = arith.addf %scan3A_1625, %get3A_1675 : vector<16xf32>
        %get3A_1677 = arith.constant 1 : i32
        %get3A_1678 = arith.index_cast %get3A_1677 : i32 to index
        %get3A_1679 = arith.index_cast %add3A_1640 : i32 to index
        %get3A_1680 = arith.constant 96 : index
        %get3A_1681 = tpu.vector_load %arg6[%get3A_1678, %get3A_1679, %get3A_1680] {strides = array<i32>} : memref<2x80x384xf32, #tpu.memory_space<vmem>>, vector<16xf32>,
        %add3A_1682 = arith.addf %scan3A_1626, %get3A_1681 : vector<16xf32>
        %get3A_1683 = arith.constant 1 : i32
        %get3A_1684 = arith.index_cast %get3A_1683 : i32 to index
        %get3A_1685 = arith.index_cast %add3A_1640 : i32 to index
        %get3A_1686 = arith.constant 112 : index
        %get3A_1687 = tpu.vector_load %arg6[%get3A_1684, %get3A_1685, %get3A_1686] {strides = array<i32>} : memref<2x80x384xf32, #tpu.memory_space<vmem>>, vector<16xf32>,
        %add3A_1688 = arith.addf %scan3A_1627, %get3A_1687 : vector<16xf32>
        %get3A_1689 = arith.constant 1 : i32
        %get3A_1690 = arith.index_cast %get3A_1689 : i32 to index
        %get3A_1691 = arith.index_cast %add3A_1640 : i32 to index
        %get3A_1692 = arith.constant 128 : index
        %get3A_1693 = tpu.vector_load %arg6[%get3A_1690, %get3A_1691, %get3A_1692] {strides = array<i32>} : memref<2x80x384xf32, #tpu.memory_space<vmem>>, vector<16xf32>,
        %add3A_1694 = arith.addf %scan3A_1628, %get3A_1693 : vector<16xf32>
        %get3A_1695 = arith.constant 1 : i32
        %get3A_1696 = arith.index_cast %get3A_1695 : i32 to index
        %get3A_1697 = arith.index_cast %add3A_1640 : i32 to index
        %get3A_1698 = arith.constant 144 : index
        %get3A_1699 = tpu.vector_load %arg6[%get3A_1696, %get3A_1697, %get3A_1698] {strides = array<i32>} : memref<2x80x384xf32, #tpu.memory_space<vmem>>, vector<16xf32>,
        %add3A_1700 = arith.addf %scan3A_1629, %get3A_1699 : vector<16xf32>
        %get3A_1701 = arith.constant 1 : i32
        %get3A_1702 = arith.index_cast %get3A_1701 : i32 to index
        %get3A_1703 = arith.index_cast %add3A_1640 : i32 to index
        %get3A_1704 = arith.constant 160 : index
        %get3A_1705 = tpu.vector_load %arg6[%get3A_1702, %get3A_1703, %get3A_1704] {strides = array<i32>} : memref<2x80x384xf32, #tpu.memory_space<vmem>>, vector<16xf32>,
        %add3A_1706 = arith.addf %scan3A_1630, %get3A_1705 : vector<16xf32>
        %get3A_1707 = arith.constant 1 : i32
        %get3A_1708 = arith.index_cast %get3A_1707 : i32 to index
        %get3A_1709 = arith.index_cast %add3A_1640 : i32 to index
        %get3A_1710 = arith.constant 176 : index
        %get3A_1711 = tpu.vector_load %arg6[%get3A_1708, %get3A_1709, %get3A_1710] {strides = array<i32>} : memref<2x80x384xf32, #tpu.memory_space<vmem>>, vector<16xf32>,
        %add3A_1712 = arith.addf %scan3A_1631, %get3A_1711 : vector<16xf32>
        %get3A_1713 = arith.constant 1 : i32
        %get3A_1714 = arith.index_cast %get3A_1713 : i32 to index
        %get3A_1715 = arith.index_cast %add3A_1640 : i32 to index
        %get3A_1716 = arith.constant 192 : index
        %get3A_1717 = tpu.vector_load %arg6[%get3A_1714, %get3A_1715, %get3A_1716] {strides = array<i32>} : memref<2x80x384xf32, #tpu.memory_space<vmem>>, vector<16xf32>,
        %add3A_1718 = arith.addf %scan3A_1632, %get3A_1717 : vector<16xf32>
        %get3A_1719 = arith.constant 1 : i32
        %get3A_1720 = arith.index_cast %get3A_1719 : i32 to index
        %get3A_1721 = arith.index_cast %add3A_1640 : i32 to index
        %get3A_1722 = arith.constant 208 : index
        %get3A_1723 = tpu.vector_load %arg6[%get3A_1720, %get3A_1721, %get3A_1722] {strides = array<i32>} : memref<2x80x384xf32, #tpu.memory_space<vmem>>, vector<16xf32>,
        %add3A_1724 = arith.addf %scan3A_1633, %get3A_1723 : vector<16xf32>
        %get3A_1725 = arith.constant 1 : i32
        %get3A_1726 = arith.index_cast %get3A_1725 : i32 to index
        %get3A_1727 = arith.index_cast %add3A_1640 : i32 to index
        %get3A_1728 = arith.constant 224 : index
        %get3A_1729 = tpu.vector_load %arg6[%get3A_1726, %get3A_1727, %get3A_1728] {strides = array<i32>} : memref<2x80x384xf32, #tpu.memory_space<vmem>>, vector<16xf32>,
        %add3A_1730 = arith.addf %scan3A_1634, %get3A_1729 : vector<16xf32>
        %get3A_1731 = arith.constant 1 : i32
        %get3A_1732 = arith.index_cast %get3A_1731 : i32 to index
        %get3A_1733 = arith.index_cast %add3A_1640 : i32 to index
        %get3A_1734 = arith.constant 240 : index
        %get3A_1735 = tpu.vector_load %arg6[%get3A_1732, %get3A_1733, %get3A_1734] {strides = array<i32>} : memref<2x80x384xf32, #tpu.memory_space<vmem>>, vector<16xf32>,
        %add3A_1736 = arith.addf %scan3A_1635, %get3A_1735 : vector<16xf32>
        %get3A_1737 = arith.constant 1 : i32
        %get3A_1738 = arith.index_cast %get3A_1737 : i32 to index
        %get3A_1739 = arith.index_cast %add3A_1640 : i32 to index
        %get3A_1740 = arith.constant 256 : index
        %get3A_1741 = tpu.vector_load %arg6[%get3A_1738, %get3A_1739, %get3A_1740] {strides = array<i32>} : memref<2x80x384xf32, #tpu.memory_space<vmem>>, vector<16xf32>,
        %add3A_1742 = arith.addf %scan3A_1636, %get3A_1741 : vector<16xf32>
        %get3A_1743 = arith.constant 1 : i32
        %get3A_1744 = arith.index_cast %get3A_1743 : i32 to index
        %get3A_1745 = arith.index_cast %add3A_1640 : i32 to index
        %get3A_1746 = arith.constant 272 : index
        %get3A_1747 = tpu.vector_load %arg6[%get3A_1744, %get3A_1745, %get3A_1746] {strides = array<i32>} : memref<2x80x384xf32, #tpu.memory_space<vmem>>, vector<16xf32>,
        %add3A_1748 = arith.addf %scan3A_1637, %get3A_1747 : vector<16xf32>
        %get3A_1749 = arith.constant 1 : i32
        %get3A_1750 = arith.index_cast %get3A_1749 : i32 to index
        %get3A_1751 = arith.index_cast %add3A_1640 : i32 to index
        %get3A_1752 = arith.constant 284 : index
        %get3A_1753 = tpu.vector_load %arg6[%get3A_1750, %get3A_1751, %get3A_1752] {strides = array<i32>} : memref<2x80x384xf32, #tpu.memory_space<vmem>>, vector<16xf32>,
        %add3A_1754 = arith.addf %scan3A_1638, %get3A_1753 : vector<16xf32>
        scf.yield %add3A_1646, %add3A_1652, %add3A_1658, %add3A_1664, %add3A_1670, %add3A_1676, %add3A_1682, %add3A_1688, %add3A_1694, %add3A_1700, %add3A_1706, %add3A_1712, %add3A_1718, %add3A_1724, %add3A_1730, %add3A_1736, %add3A_1742, %add3A_1748, %add3A_1754 : vector<16xf32>, vector<16xf32>, vector<16xf32>, vector<16xf32>, vector<16xf32>, vector<16xf32>, vector<16xf32>, vector<16xf32>, vector<16xf32>, vector<16xf32>, vector<16xf32>, vector<16xf32>, vector<16xf32>, vector<16xf32>, vector<16xf32>, vector<16xf32>, vector<16xf32>, vector<16xf32>, vector<16xf32>
      }
      %scan3A_1083 = arith.constant 20 : i32
      %get3A_1084 = arith.constant 1 : i32
      %get3A_1085 = arith.index_cast %get3A_1084 : i32 to index
      %get3A_1086 = arith.constant 20 : index
      %get3A_1087 = tpu.vector_load %arg5[%get3A_1085, %get3A_1086] {strides = array<i32>} : memref<2x80xi32, #tpu.memory_space<vmem>>, vector<16xi32>,
      %get3A_1088 = arith.constant 1 : i32
      %get3A_1089 = arith.index_cast %get3A_1088 : i32 to index
      %get3A_1090 = arith.constant 24 : index
      %get3A_1091 = tpu.vector_load %arg5[%get3A_1089, %get3A_1090] {strides = array<i32>} : memref<2x80xi32, #tpu.memory_space<vmem>>, vector<16xi32>,
      %ne3A_1092 = arith.constant 0 : i32
      %ne3A_1093 = vector.broadcast %ne3A_1092 : i32 to vector<16xi32>
      %ne3A_1094 = arith.cmpi ne, %get3A_1087, %ne3A_1093 : vector<16xi32>
      %convert_element_type3A_1095 = arith.extui %ne3A_1094 : vector<16xi1> to vector<16xi32>
      %reduce_sum3A_1096 = arith.constant true
      %reduce_sum3A_1097 = vector.broadcast %reduce_sum3A_1096 : i1 to vector<16xi1>
      %reduce_sum3A_1098 = tpu.scan <sum>, %convert_element_type3A_1095 masked %reduce_sum3A_1097 : vector<16xi32>, vector<16xi1> -> vector<16xi32>
      %reduce_sum3A_1099 = vector.extract %reduce_sum3A_1098[15] : i32 from vector<16xi32>
      %ne3A_1100 = arith.constant 0 : i32
      %ne3A_1101 = vector.broadcast %ne3A_1100 : i32 to vector<16xi32>
      %ne3A_1102 = arith.cmpi ne, %get3A_1091, %ne3A_1101 : vector<16xi32>
      %and3A_1103 = arith.andi %ne3A_1102, %ge3A_831 : vector<16xi1>
      %convert_element_type3A_1104 = arith.extui %and3A_1103 : vector<16xi1> to vector<16xi32>
      %reduce_sum3A_1105 = arith.constant true
      %reduce_sum3A_1106 = vector.broadcast %reduce_sum3A_1105 : i1 to vector<16xi1>
      %reduce_sum3A_1107 = tpu.scan <sum>, %convert_element_type3A_1104 masked %reduce_sum3A_1106 : vector<16xi32>, vector<16xi1> -> vector<16xi32>
      %reduce_sum3A_1108 = vector.extract %reduce_sum3A_1107[15] : i32 from vector<16xi32>
      %add3A_1109 = arith.addi %reduce_sum3A_1099, %reduce_sum3A_1108 : i32
      %broadcast_in_dim3A_1110 = vector.broadcast %add3A_1109 : i32 to vector<16xi32>
      %convert_element_type3A_1111 = arith.sitofp %broadcast_in_dim3A_1110 : vector<16xi32> to vector<16xf32>
      %div3A_1112 = arith.divf %scan3A_1082#0, %convert_element_type3A_1111 : vector<16xf32>
      %add3A_1113 = arith.constant 1 : i32
      %add3A_1114 = arith.addi %add3A_853, %add3A_1113 : i32
      %swap3A_1115 = arith.index_cast %add3A_1114 : i32 to index
      %swap3A_1116 = arith.constant 0 : index
      %swap3A_1117 = tpu.vector_load %arg7[%swap3A_1115, %swap3A_1116] {strides = array<i32>} : memref<64x300xf32, #tpu.memory_space<vmem>>, vector<16xf32>,
      tpu.vector_store %arg7[%swap3A_1115, %swap3A_1116], %div3A_1112 {strides = array<i32>} : memref<64x300xf32, #tpu.memory_space<vmem>>, vector<16xf32>,
      %div3A_1118 = arith.divf %scan3A_1082#1, %convert_element_type3A_1111 : vector<16xf32>
      %add3A_1119 = arith.constant 1 : i32
      %add3A_1120 = arith.addi %add3A_853, %add3A_1119 : i32
      %swap3A_1121 = arith.index_cast %add3A_1120 : i32 to index
      %swap3A_1122 = arith.constant 16 : index
      %swap3A_1123 = tpu.vector_load %arg7[%swap3A_1121, %swap3A_1122] {strides = array<i32>} : memref<64x300xf32, #tpu.memory_space<vmem>>, vector<16xf32>,
      tpu.vector_store %arg7[%swap3A_1121, %swap3A_1122], %div3A_1118 {strides = array<i32>} : memref<64x300xf32, #tpu.memory_space<vmem>>, vector<16xf32>,
      %div3A_1124 = arith.divf %scan3A_1082#2, %convert_element_type3A_1111 : vector<16xf32>
      %add3A_1125 = arith.constant 1 : i32
      %add3A_1126 = arith.addi %add3A_853, %add3A_1125 : i32
      %swap3A_1127 = arith.index_cast %add3A_1126 : i32 to index
      %swap3A_1128 = arith.constant 32 : index
      %swap3A_1129 = tpu.vector_load %arg7[%swap3A_1127, %swap3A_1128] {strides = array<i32>} : memref<64x300xf32, #tpu.memory_space<vmem>>, vector<16xf32>,
      tpu.vector_store %arg7[%swap3A_1127, %swap3A_1128], %div3A_1124 {strides = array<i32>} : memref<64x300xf32, #tpu.memory_space<vmem>>, vector<16xf32>,
      %div3A_1130 = arith.divf %scan3A_1082#3, %convert_element_type3A_1111 : vector<16xf32>
      %add3A_1131 = arith.constant 1 : i32
      %add3A_1132 = arith.addi %add3A_853, %add3A_1131 : i32
      %swap3A_1133 = arith.index_cast %add3A_1132 : i32 to index
      %swap3A_1134 = arith.constant 48 : index
      %swap3A_1135 = tpu.vector_load %arg7[%swap3A_1133, %swap3A_1134] {strides = array<i32>} : memref<64x300xf32, #tpu.memory_space<vmem>>, vector<16xf32>,
      tpu.vector_store %arg7[%swap3A_1133, %swap3A_1134], %div3A_1130 {strides = array<i32>} : memref<64x300xf32, #tpu.memory_space<vmem>>, vector<16xf32>,
      %div3A_1136 = arith.divf %scan3A_1082#4, %convert_element_type3A_1111 : vector<16xf32>
      %add3A_1137 = arith.constant 1 : i32
      %add3A_1138 = arith.addi %add3A_853, %add3A_1137 : i32
      %swap3A_1139 = arith.index_cast %add3A_1138 : i32 to index
      %swap3A_1140 = arith.constant 64 : index
      %swap3A_1141 = tpu.vector_load %arg7[%swap3A_1139, %swap3A_1140] {strides = array<i32>} : memref<64x300xf32, #tpu.memory_space<vmem>>, vector<16xf32>,
      tpu.vector_store %arg7[%swap3A_1139, %swap3A_1140], %div3A_1136 {strides = array<i32>} : memref<64x300xf32, #tpu.memory_space<vmem>>, vector<16xf32>,
      %div3A_1142 = arith.divf %scan3A_1082#5, %convert_element_type3A_1111 : vector<16xf32>
      %add3A_1143 = arith.constant 1 : i32
      %add3A_1144 = arith.addi %add3A_853, %add3A_1143 : i32
      %swap3A_1145 = arith.index_cast %add3A_1144 : i32 to index
      %swap3A_1146 = arith.constant 80 : index
      %swap3A_1147 = tpu.vector_load %arg7[%swap3A_1145, %swap3A_1146] {strides = array<i32>} : memref<64x300xf32, #tpu.memory_space<vmem>>, vector<16xf32>,
      tpu.vector_store %arg7[%swap3A_1145, %swap3A_1146], %div3A_1142 {strides = array<i32>} : memref<64x300xf32, #tpu.memory_space<vmem>>, vector<16xf32>,
      %div3A_1148 = arith.divf %scan3A_1082#6, %convert_element_type3A_1111 : vector<16xf32>
      %add3A_1149 = arith.constant 1 : i32
      %add3A_1150 = arith.addi %add3A_853, %add3A_1149 : i32
      %swap3A_1151 = arith.index_cast %add3A_1150 : i32 to index
      %swap3A_1152 = arith.constant 96 : index
      %swap3A_1153 = tpu.vector_load %arg7[%swap3A_1151, %swap3A_1152] {strides = array<i32>} : memref<64x300xf32, #tpu.memory_space<vmem>>, vector<16xf32>,
      tpu.vector_store %arg7[%swap3A_1151, %swap3A_1152], %div3A_1148 {strides = array<i32>} : memref<64x300xf32, #tpu.memory_space<vmem>>, vector<16xf32>,
      %div3A_1154 = arith.divf %scan3A_1082#7, %convert_element_type3A_1111 : vector<16xf32>
      %add3A_1155 = arith.constant 1 : i32
      %add3A_1156 = arith.addi %add3A_853, %add3A_1155 : i32
      %swap3A_1157 = arith.index_cast %add3A_1156 : i32 to index
      %swap3A_1158 = arith.constant 112 : index
      %swap3A_1159 = tpu.vector_load %arg7[%swap3A_1157, %swap3A_1158] {strides = array<i32>} : memref<64x300xf32, #tpu.memory_space<vmem>>, vector<16xf32>,
      tpu.vector_store %arg7[%swap3A_1157, %swap3A_1158], %div3A_1154 {strides = array<i32>} : memref<64x300xf32, #tpu.memory_space<vmem>>, vector<16xf32>,
      %div3A_1160 = arith.divf %scan3A_1082#8, %convert_element_type3A_1111 : vector<16xf32>
      %add3A_1161 = arith.constant 1 : i32
      %add3A_1162 = arith.addi %add3A_853, %add3A_1161 : i32
      %swap3A_1163 = arith.index_cast %add3A_1162 : i32 to index
      %swap3A_1164 = arith.constant 128 : index
      %swap3A_1165 = tpu.vector_load %arg7[%swap3A_1163, %swap3A_1164] {strides = array<i32>} : memref<64x300xf32, #tpu.memory_space<vmem>>, vector<16xf32>,
      tpu.vector_store %arg7[%swap3A_1163, %swap3A_1164], %div3A_1160 {strides = array<i32>} : memref<64x300xf32, #tpu.memory_space<vmem>>, vector<16xf32>,
      %div3A_1166 = arith.divf %scan3A_1082#9, %convert_element_type3A_1111 : vector<16xf32>
      %add3A_1167 = arith.constant 1 : i32
      %add3A_1168 = arith.addi %add3A_853, %add3A_1167 : i32
      %swap3A_1169 = arith.index_cast %add3A_1168 : i32 to index
      %swap3A_1170 = arith.constant 144 : index
      %swap3A_1171 = tpu.vector_load %arg7[%swap3A_1169, %swap3A_1170] {strides = array<i32>} : memref<64x300xf32, #tpu.memory_space<vmem>>, vector<16xf32>,
      tpu.vector_store %arg7[%swap3A_1169, %swap3A_1170], %div3A_1166 {strides = array<i32>} : memref<64x300xf32, #tpu.memory_space<vmem>>, vector<16xf32>,
      %div3A_1172 = arith.divf %scan3A_1082#10, %convert_element_type3A_1111 : vector<16xf32>
      %add3A_1173 = arith.constant 1 : i32
      %add3A_1174 = arith.addi %add3A_853, %add3A_1173 : i32
      %swap3A_1175 = arith.index_cast %add3A_1174 : i32 to index
      %swap3A_1176 = arith.constant 160 : index
      %swap3A_1177 = tpu.vector_load %arg7[%swap3A_1175, %swap3A_1176] {strides = array<i32>} : memref<64x300xf32, #tpu.memory_space<vmem>>, vector<16xf32>,
      tpu.vector_store %arg7[%swap3A_1175, %swap3A_1176], %div3A_1172 {strides = array<i32>} : memref<64x300xf32, #tpu.memory_space<vmem>>, vector<16xf32>,
      %div3A_1178 = arith.divf %scan3A_1082#11, %convert_element_type3A_1111 : vector<16xf32>
      %add3A_1179 = arith.constant 1 : i32
      %add3A_1180 = arith.addi %add3A_853, %add3A_1179 : i32
      %swap3A_1181 = arith.index_cast %add3A_1180 : i32 to index
      %swap3A_1182 = arith.constant 176 : index
      %swap3A_1183 = tpu.vector_load %arg7[%swap3A_1181, %swap3A_1182] {strides = array<i32>} : memref<64x300xf32, #tpu.memory_space<vmem>>, vector<16xf32>,
      tpu.vector_store %arg7[%swap3A_1181, %swap3A_1182], %div3A_1178 {strides = array<i32>} : memref<64x300xf32, #tpu.memory_space<vmem>>, vector<16xf32>,
      %div3A_1184 = arith.divf %scan3A_1082#12, %convert_element_type3A_1111 : vector<16xf32>
      %add3A_1185 = arith.constant 1 : i32
      %add3A_1186 = arith.addi %add3A_853, %add3A_1185 : i32
      %swap3A_1187 = arith.index_cast %add3A_1186 : i32 to index
      %swap3A_1188 = arith.constant 192 : index
      %swap3A_1189 = tpu.vector_load %arg7[%swap3A_1187, %swap3A_1188] {strides = array<i32>} : memref<64x300xf32, #tpu.memory_space<vmem>>, vector<16xf32>,
      tpu.vector_store %arg7[%swap3A_1187, %swap3A_1188], %div3A_1184 {strides = array<i32>} : memref<64x300xf32, #tpu.memory_space<vmem>>, vector<16xf32>,
      %div3A_1190 = arith.divf %scan3A_1082#13, %convert_element_type3A_1111 : vector<16xf32>
      %add3A_1191 = arith.constant 1 : i32
      %add3A_1192 = arith.addi %add3A_853, %add3A_1191 : i32
      %swap3A_1193 = arith.index_cast %add3A_1192 : i32 to index
      %swap3A_1194 = arith.constant 208 : index
      %swap3A_1195 = tpu.vector_load %arg7[%swap3A_1193, %swap3A_1194] {strides = array<i32>} : memref<64x300xf32, #tpu.memory_space<vmem>>, vector<16xf32>,
      tpu.vector_store %arg7[%swap3A_1193, %swap3A_1194], %div3A_1190 {strides = array<i32>} : memref<64x300xf32, #tpu.memory_space<vmem>>, vector<16xf32>,
      %div3A_1196 = arith.divf %scan3A_1082#14, %convert_element_type3A_1111 : vector<16xf32>
      %add3A_1197 = arith.constant 1 : i32
      %add3A_1198 = arith.addi %add3A_853, %add3A_1197 : i32
      %swap3A_1199 = arith.index_cast %add3A_1198 : i32 to index
      %swap3A_1200 = arith.constant 224 : index
      %swap3A_1201 = tpu.vector_load %arg7[%swap3A_1199, %swap3A_1200] {strides = array<i32>} : memref<64x300xf32, #tpu.memory_space<vmem>>, vector<16xf32>,
      tpu.vector_store %arg7[%swap3A_1199, %swap3A_1200], %div3A_1196 {strides = array<i32>} : memref<64x300xf32, #tpu.memory_space<vmem>>, vector<16xf32>,
      %div3A_1202 = arith.divf %scan3A_1082#15, %convert_element_type3A_1111 : vector<16xf32>
      %add3A_1203 = arith.constant 1 : i32
      %add3A_1204 = arith.addi %add3A_853, %add3A_1203 : i32
      %swap3A_1205 = arith.index_cast %add3A_1204 : i32 to index
      %swap3A_1206 = arith.constant 240 : index
      %swap3A_1207 = tpu.vector_load %arg7[%swap3A_1205, %swap3A_1206] {strides = array<i32>} : memref<64x300xf32, #tpu.memory_space<vmem>>, vector<16xf32>,
      tpu.vector_store %arg7[%swap3A_1205, %swap3A_1206], %div3A_1202 {strides = array<i32>} : memref<64x300xf32, #tpu.memory_space<vmem>>, vector<16xf32>,
      %div3A_1208 = arith.divf %scan3A_1082#16, %convert_element_type3A_1111 : vector<16xf32>
      %add3A_1209 = arith.constant 1 : i32
      %add3A_1210 = arith.addi %add3A_853, %add3A_1209 : i32
      %swap3A_1211 = arith.index_cast %add3A_1210 : i32 to index
      %swap3A_1212 = arith.constant 256 : index
      %swap3A_1213 = tpu.vector_load %arg7[%swap3A_1211, %swap3A_1212] {strides = array<i32>} : memref<64x300xf32, #tpu.memory_space<vmem>>, vector<16xf32>,
      tpu.vector_store %arg7[%swap3A_1211, %swap3A_1212], %div3A_1208 {strides = array<i32>} : memref<64x300xf32, #tpu.memory_space<vmem>>, vector<16xf32>,
      %div3A_1214 = arith.divf %scan3A_1082#17, %convert_element_type3A_1111 : vector<16xf32>
      %add3A_1215 = arith.constant 1 : i32
      %add3A_1216 = arith.addi %add3A_853, %add3A_1215 : i32
      %swap3A_1217 = arith.index_cast %add3A_1216 : i32 to index
      %swap3A_1218 = arith.constant 272 : index
      %swap3A_1219 = tpu.vector_load %arg7[%swap3A_1217, %swap3A_1218] {strides = array<i32>} : memref<64x300xf32, #tpu.memory_space<vmem>>, vector<16xf32>,
      tpu.vector_store %arg7[%swap3A_1217, %swap3A_1218], %div3A_1214 {strides = array<i32>} : memref<64x300xf32, #tpu.memory_space<vmem>>, vector<16xf32>,
      %div3A_1220 = arith.divf %scan3A_1082#18, %convert_element_type3A_1111 : vector<16xf32>
      %add3A_1221 = arith.constant 1 : i32
      %add3A_1222 = arith.addi %add3A_853, %add3A_1221 : i32
      %swap3A_1223 = arith.index_cast %add3A_1222 : i32 to index
      %swap3A_1224 = arith.constant 284 : index
      %swap3A_1225 = tpu.vector_load %arg7[%swap3A_1223, %swap3A_1224] {strides = array<i32>} : memref<64x300xf32, #tpu.memory_space<vmem>>, vector<16xf32>,
      tpu.vector_store %arg7[%swap3A_1223, %swap3A_1224], %div3A_1220 {strides = array<i32>} : memref<64x300xf32, #tpu.memory_space<vmem>>, vector<16xf32>,
      %broadcast_in_dim3A_1226 = arith.constant 0.000000e+00 : f32
      %broadcast_in_dim3A_1227 = vector.broadcast %broadcast_in_dim3A_1226 : f32 to vector<16xf32>
      %broadcast_in_dim3A_1228 = arith.constant 0.000000e+00 : f32
      %broadcast_in_dim3A_1229 = vector.broadcast %broadcast_in_dim3A_1228 : f32 to vector<16xf32>
      %broadcast_in_dim3A_1230 = arith.constant 0.000000e+00 : f32
      %broadcast_in_dim3A_1231 = vector.broadcast %broadcast_in_dim3A_1230 : f32 to vector<16xf32>
      %broadcast_in_dim3A_1232 = arith.constant 0.000000e+00 : f32
      %broadcast_in_dim3A_1233 = vector.broadcast %broadcast_in_dim3A_1232 : f32 to vector<16xf32>
      %broadcast_in_dim3A_1234 = arith.constant 0.000000e+00 : f32
      %broadcast_in_dim3A_1235 = vector.broadcast %broadcast_in_dim3A_1234 : f32 to vector<16xf32>
      %broadcast_in_dim3A_1236 = arith.constant 0.000000e+00 : f32
      %broadcast_in_dim3A_1237 = vector.broadcast %broadcast_in_dim3A_1236 : f32 to vector<16xf32>
      %broadcast_in_dim3A_1238 = arith.constant 0.000000e+00 : f32
      %broadcast_in_dim3A_1239 = vector.broadcast %broadcast_in_dim3A_1238 : f32 to vector<16xf32>
      %broadcast_in_dim3A_1240 = arith.constant 0.000000e+00 : f32
      %broadcast_in_dim3A_1241 = vector.broadcast %broadcast_in_dim3A_1240 : f32 to vector<16xf32>
      %broadcast_in_dim3A_1242 = arith.constant 0.000000e+00 : f32
      %broadcast_in_dim3A_1243 = vector.broadcast %broadcast_in_dim3A_1242 : f32 to vector<16xf32>
      %broadcast_in_dim3A_1244 = arith.constant 0.000000e+00 : f32
      %broadcast_in_dim3A_1245 = vector.broadcast %broadcast_in_dim3A_1244 : f32 to vector<16xf32>
      %broadcast_in_dim3A_1246 = arith.constant 0.000000e+00 : f32
      %broadcast_in_dim3A_1247 = vector.broadcast %broadcast_in_dim3A_1246 : f32 to vector<16xf32>
      %broadcast_in_dim3A_1248 = arith.constant 0.000000e+00 : f32
      %broadcast_in_dim3A_1249 = vector.broadcast %broadcast_in_dim3A_1248 : f32 to vector<16xf32>
      %broadcast_in_dim3A_1250 = arith.constant 0.000000e+00 : f32
      %broadcast_in_dim3A_1251 = vector.broadcast %broadcast_in_dim3A_1250 : f32 to vector<16xf32>
      %broadcast_in_dim3A_1252 = arith.constant 0.000000e+00 : f32
      %broadcast_in_dim3A_1253 = vector.broadcast %broadcast_in_dim3A_1252 : f32 to vector<16xf32>
      %broadcast_in_dim3A_1254 = arith.constant 0.000000e+00 : f32
      %broadcast_in_dim3A_1255 = vector.broadcast %broadcast_in_dim3A_1254 : f32 to vector<16xf32>
      %broadcast_in_dim3A_1256 = arith.constant 0.000000e+00 : f32
      %broadcast_in_dim3A_1257 = vector.broadcast %broadcast_in_dim3A_1256 : f32 to vector<16xf32>
      %broadcast_in_dim3A_1258 = arith.constant 0.000000e+00 : f32
      %broadcast_in_dim3A_1259 = vector.broadcast %broadcast_in_dim3A_1258 : f32 to vector<16xf32>
      %broadcast_in_dim3A_1260 = arith.constant 0.000000e+00 : f32
      %broadcast_in_dim3A_1261 = vector.broadcast %broadcast_in_dim3A_1260 : f32 to vector<16xf32>
      %broadcast_in_dim3A_1262 = arith.constant 0.000000e+00 : f32
      %broadcast_in_dim3A_1263 = vector.broadcast %broadcast_in_dim3A_1262 : f32 to vector<16xf32>
      %scan3A_1264 = arith.constant 0 : i32
      %scan3A_1265 = arith.constant 20 : i32
      %scan3A_1266 = arith.addi %scan3A_1264, %scan3A_1265 : i32
      %scan3A_1267 = arith.constant 1 : i32
      %scan3A_1268:19 = scf.for %scan3A_1619 = %scan3A_1264 to %scan3A_1266 step %scan3A_1267 iter_args(%scan3A_1620 = %broadcast_in_dim3A_1227, %scan3A_1621 = %broadcast_in_dim3A_1229, %scan3A_1622 = %broadcast_in_dim3A_1231, %scan3A_1623 = %broadcast_in_dim3A_1233, %scan3A_1624 = %broadcast_in_dim3A_1235, %scan3A_1625 = %broadcast_in_dim3A_1237, %scan3A_1626 = %broadcast_in_dim3A_1239, %scan3A_1627 = %broadcast_in_dim3A_1241, %scan3A_1628 = %broadcast_in_dim3A_1243, %scan3A_1629 = %broadcast_in_dim3A_1245, %scan3A_1630 = %broadcast_in_dim3A_1247, %scan3A_1631 = %broadcast_in_dim3A_1249, %scan3A_1632 = %broadcast_in_dim3A_1251, %scan3A_1633 = %broadcast_in_dim3A_1253, %scan3A_1634 = %broadcast_in_dim3A_1255, %scan3A_1635 = %broadcast_in_dim3A_1257, %scan3A_1636 = %broadcast_in_dim3A_1259, %scan3A_1637 = %broadcast_in_dim3A_1261, %scan3A_1638 = %broadcast_in_dim3A_1263) -> (vector<16xf32>, vector<16xf32>, vector<16xf32>, vector<16xf32>, vector<16xf32>, vector<16xf32>, vector<16xf32>, vector<16xf32>, vector<16xf32>, vector<16xf32>, vector<16xf32>, vector<16xf32>, vector<16xf32>, vector<16xf32>, vector<16xf32>, vector<16xf32>, vector<16xf32>, vector<16xf32>, vector<16xf32>)  : i32 {
        %add3A_1639 = arith.constant 40 : i32
        %add3A_1640 = arith.addi %add3A_1639, %scan3A_1619 : i32
        %get3A_1641 = arith.constant 1 : i32
        %get3A_1642 = arith.index_cast %get3A_1641 : i32 to index
        %get3A_1643 = arith.index_cast %add3A_1640 : i32 to index
        %get3A_1644 = arith.constant 0 : index
        %get3A_1645 = tpu.vector_load %arg6[%get3A_1642, %get3A_1643, %get3A_1644] {strides = array<i32>} : memref<2x80x384xf32, #tpu.memory_space<vmem>>, vector<16xf32>,
        %add3A_1646 = arith.addf %scan3A_1620, %get3A_1645 : vector<16xf32>
        %get3A_1647 = arith.constant 1 : i32
        %get3A_1648 = arith.index_cast %get3A_1647 : i32 to index
        %get3A_1649 = arith.index_cast %add3A_1640 : i32 to index
        %get3A_1650 = arith.constant 16 : index
        %get3A_1651 = tpu.vector_load %arg6[%get3A_1648, %get3A_1649, %get3A_1650] {strides = array<i32>} : memref<2x80x384xf32, #tpu.memory_space<vmem>>, vector<16xf32>,
        %add3A_1652 = arith.addf %scan3A_1621, %get3A_1651 : vector<16xf32>
        %get3A_1653 = arith.constant 1 : i32
        %get3A_1654 = arith.index_cast %get3A_1653 : i32 to index
        %get3A_1655 = arith.index_cast %add3A_1640 : i32 to index
        %get3A_1656 = arith.constant 32 : index
        %get3A_1657 = tpu.vector_load %arg6[%get3A_1654, %get3A_1655, %get3A_1656] {strides = array<i32>} : memref<2x80x384xf32, #tpu.memory_space<vmem>>, vector<16xf32>,
        %add3A_1658 = arith.addf %scan3A_1622, %get3A_1657 : vector<16xf32>
        %get3A_1659 = arith.constant 1 : i32
        %get3A_1660 = arith.index_cast %get3A_1659 : i32 to index
        %get3A_1661 = arith.index_cast %add3A_1640 : i32 to index
        %get3A_1662 = arith.constant 48 : index
        %get3A_1663 = tpu.vector_load %arg6[%get3A_1660, %get3A_1661, %get3A_1662] {strides = array<i32>} : memref<2x80x384xf32, #tpu.memory_space<vmem>>, vector<16xf32>,
        %add3A_1664 = arith.addf %scan3A_1623, %get3A_1663 : vector<16xf32>
        %get3A_1665 = arith.constant 1 : i32
        %get3A_1666 = arith.index_cast %get3A_1665 : i32 to index
        %get3A_1667 = arith.index_cast %add3A_1640 : i32 to index
        %get3A_1668 = arith.constant 64 : index
        %get3A_1669 = tpu.vector_load %arg6[%get3A_1666, %get3A_1667, %get3A_1668] {strides = array<i32>} : memref<2x80x384xf32, #tpu.memory_space<vmem>>, vector<16xf32>,
        %add3A_1670 = arith.addf %scan3A_1624, %get3A_1669 : vector<16xf32>
        %get3A_1671 = arith.constant 1 : i32
        %get3A_1672 = arith.index_cast %get3A_1671 : i32 to index
        %get3A_1673 = arith.index_cast %add3A_1640 : i32 to index
        %get3A_1674 = arith.constant 80 : index
        %get3A_1675 = tpu.vector_load %arg6[%get3A_1672, %get3A_1673, %get3A_1674] {strides = array<i32>} : memref<2x80x384xf32, #tpu.memory_space<vmem>>, vector<16xf32>,
        %add3A_1676 = arith.addf %scan3A_1625, %get3A_1675 : vector<16xf32>
        %get3A_1677 = arith.constant 1 : i32
        %get3A_1678 = arith.index_cast %get3A_1677 : i32 to index
        %get3A_1679 = arith.index_cast %add3A_1640 : i32 to index
        %get3A_1680 = arith.constant 96 : index
        %get3A_1681 = tpu.vector_load %arg6[%get3A_1678, %get3A_1679, %get3A_1680] {strides = array<i32>} : memref<2x80x384xf32, #tpu.memory_space<vmem>>, vector<16xf32>,
        %add3A_1682 = arith.addf %scan3A_1626, %get3A_1681 : vector<16xf32>
        %get3A_1683 = arith.constant 1 : i32
        %get3A_1684 = arith.index_cast %get3A_1683 : i32 to index
        %get3A_1685 = arith.index_cast %add3A_1640 : i32 to index
        %get3A_1686 = arith.constant 112 : index
        %get3A_1687 = tpu.vector_load %arg6[%get3A_1684, %get3A_1685, %get3A_1686] {strides = array<i32>} : memref<2x80x384xf32, #tpu.memory_space<vmem>>, vector<16xf32>,
        %add3A_1688 = arith.addf %scan3A_1627, %get3A_1687 : vector<16xf32>
        %get3A_1689 = arith.constant 1 : i32
        %get3A_1690 = arith.index_cast %get3A_1689 : i32 to index
        %get3A_1691 = arith.index_cast %add3A_1640 : i32 to index
        %get3A_1692 = arith.constant 128 : index
        %get3A_1693 = tpu.vector_load %arg6[%get3A_1690, %get3A_1691, %get3A_1692] {strides = array<i32>} : memref<2x80x384xf32, #tpu.memory_space<vmem>>, vector<16xf32>,
        %add3A_1694 = arith.addf %scan3A_1628, %get3A_1693 : vector<16xf32>
        %get3A_1695 = arith.constant 1 : i32
        %get3A_1696 = arith.index_cast %get3A_1695 : i32 to index
        %get3A_1697 = arith.index_cast %add3A_1640 : i32 to index
        %get3A_1698 = arith.constant 144 : index
        %get3A_1699 = tpu.vector_load %arg6[%get3A_1696, %get3A_1697, %get3A_1698] {strides = array<i32>} : memref<2x80x384xf32, #tpu.memory_space<vmem>>, vector<16xf32>,
        %add3A_1700 = arith.addf %scan3A_1629, %get3A_1699 : vector<16xf32>
        %get3A_1701 = arith.constant 1 : i32
        %get3A_1702 = arith.index_cast %get3A_1701 : i32 to index
        %get3A_1703 = arith.index_cast %add3A_1640 : i32 to index
        %get3A_1704 = arith.constant 160 : index
        %get3A_1705 = tpu.vector_load %arg6[%get3A_1702, %get3A_1703, %get3A_1704] {strides = array<i32>} : memref<2x80x384xf32, #tpu.memory_space<vmem>>, vector<16xf32>,
        %add3A_1706 = arith.addf %scan3A_1630, %get3A_1705 : vector<16xf32>
        %get3A_1707 = arith.constant 1 : i32
        %get3A_1708 = arith.index_cast %get3A_1707 : i32 to index
        %get3A_1709 = arith.index_cast %add3A_1640 : i32 to index
        %get3A_1710 = arith.constant 176 : index
        %get3A_1711 = tpu.vector_load %arg6[%get3A_1708, %get3A_1709, %get3A_1710] {strides = array<i32>} : memref<2x80x384xf32, #tpu.memory_space<vmem>>, vector<16xf32>,
        %add3A_1712 = arith.addf %scan3A_1631, %get3A_1711 : vector<16xf32>
        %get3A_1713 = arith.constant 1 : i32
        %get3A_1714 = arith.index_cast %get3A_1713 : i32 to index
        %get3A_1715 = arith.index_cast %add3A_1640 : i32 to index
        %get3A_1716 = arith.constant 192 : index
        %get3A_1717 = tpu.vector_load %arg6[%get3A_1714, %get3A_1715, %get3A_1716] {strides = array<i32>} : memref<2x80x384xf32, #tpu.memory_space<vmem>>, vector<16xf32>,
        %add3A_1718 = arith.addf %scan3A_1632, %get3A_1717 : vector<16xf32>
        %get3A_1719 = arith.constant 1 : i32
        %get3A_1720 = arith.index_cast %get3A_1719 : i32 to index
        %get3A_1721 = arith.index_cast %add3A_1640 : i32 to index
        %get3A_1722 = arith.constant 208 : index
        %get3A_1723 = tpu.vector_load %arg6[%get3A_1720, %get3A_1721, %get3A_1722] {strides = array<i32>} : memref<2x80x384xf32, #tpu.memory_space<vmem>>, vector<16xf32>,
        %add3A_1724 = arith.addf %scan3A_1633, %get3A_1723 : vector<16xf32>
        %get3A_1725 = arith.constant 1 : i32
        %get3A_1726 = arith.index_cast %get3A_1725 : i32 to index
        %get3A_1727 = arith.index_cast %add3A_1640 : i32 to index
        %get3A_1728 = arith.constant 224 : index
        %get3A_1729 = tpu.vector_load %arg6[%get3A_1726, %get3A_1727, %get3A_1728] {strides = array<i32>} : memref<2x80x384xf32, #tpu.memory_space<vmem>>, vector<16xf32>,
        %add3A_1730 = arith.addf %scan3A_1634, %get3A_1729 : vector<16xf32>
        %get3A_1731 = arith.constant 1 : i32
        %get3A_1732 = arith.index_cast %get3A_1731 : i32 to index
        %get3A_1733 = arith.index_cast %add3A_1640 : i32 to index
        %get3A_1734 = arith.constant 240 : index
        %get3A_1735 = tpu.vector_load %arg6[%get3A_1732, %get3A_1733, %get3A_1734] {strides = array<i32>} : memref<2x80x384xf32, #tpu.memory_space<vmem>>, vector<16xf32>,
        %add3A_1736 = arith.addf %scan3A_1635, %get3A_1735 : vector<16xf32>
        %get3A_1737 = arith.constant 1 : i32
        %get3A_1738 = arith.index_cast %get3A_1737 : i32 to index
        %get3A_1739 = arith.index_cast %add3A_1640 : i32 to index
        %get3A_1740 = arith.constant 256 : index
        %get3A_1741 = tpu.vector_load %arg6[%get3A_1738, %get3A_1739, %get3A_1740] {strides = array<i32>} : memref<2x80x384xf32, #tpu.memory_space<vmem>>, vector<16xf32>,
        %add3A_1742 = arith.addf %scan3A_1636, %get3A_1741 : vector<16xf32>
        %get3A_1743 = arith.constant 1 : i32
        %get3A_1744 = arith.index_cast %get3A_1743 : i32 to index
        %get3A_1745 = arith.index_cast %add3A_1640 : i32 to index
        %get3A_1746 = arith.constant 272 : index
        %get3A_1747 = tpu.vector_load %arg6[%get3A_1744, %get3A_1745, %get3A_1746] {strides = array<i32>} : memref<2x80x384xf32, #tpu.memory_space<vmem>>, vector<16xf32>,
        %add3A_1748 = arith.addf %scan3A_1637, %get3A_1747 : vector<16xf32>
        %get3A_1749 = arith.constant 1 : i32
        %get3A_1750 = arith.index_cast %get3A_1749 : i32 to index
        %get3A_1751 = arith.index_cast %add3A_1640 : i32 to index
        %get3A_1752 = arith.constant 284 : index
        %get3A_1753 = tpu.vector_load %arg6[%get3A_1750, %get3A_1751, %get3A_1752] {strides = array<i32>} : memref<2x80x384xf32, #tpu.memory_space<vmem>>, vector<16xf32>,
        %add3A_1754 = arith.addf %scan3A_1638, %get3A_1753 : vector<16xf32>
        scf.yield %add3A_1646, %add3A_1652, %add3A_1658, %add3A_1664, %add3A_1670, %add3A_1676, %add3A_1682, %add3A_1688, %add3A_1694, %add3A_1700, %add3A_1706, %add3A_1712, %add3A_1718, %add3A_1724, %add3A_1730, %add3A_1736, %add3A_1742, %add3A_1748, %add3A_1754 : vector<16xf32>, vector<16xf32>, vector<16xf32>, vector<16xf32>, vector<16xf32>, vector<16xf32>, vector<16xf32>, vector<16xf32>, vector<16xf32>, vector<16xf32>, vector<16xf32>, vector<16xf32>, vector<16xf32>, vector<16xf32>, vector<16xf32>, vector<16xf32>, vector<16xf32>, vector<16xf32>, vector<16xf32>
      }
      %scan3A_1269 = arith.constant 20 : i32
      %get3A_1270 = arith.constant 1 : i32
      %get3A_1271 = arith.index_cast %get3A_1270 : i32 to index
      %get3A_1272 = arith.constant 40 : index
      %get3A_1273 = tpu.vector_load %arg5[%get3A_1271, %get3A_1272] {strides = array<i32>} : memref<2x80xi32, #tpu.memory_space<vmem>>, vector<16xi32>,
      %get3A_1274 = arith.constant 1 : i32
      %get3A_1275 = arith.index_cast %get3A_1274 : i32 to index
      %get3A_1276 = arith.constant 44 : index
      %get3A_1277 = tpu.vector_load %arg5[%get3A_1275, %get3A_1276] {strides = array<i32>} : memref<2x80xi32, #tpu.memory_space<vmem>>, vector<16xi32>,
      %ne3A_1278 = arith.constant 0 : i32
      %ne3A_1279 = vector.broadcast %ne3A_1278 : i32 to vector<16xi32>
      %ne3A_1280 = arith.cmpi ne, %get3A_1273, %ne3A_1279 : vector<16xi32>
      %convert_element_type3A_1281 = arith.extui %ne3A_1280 : vector<16xi1> to vector<16xi32>
      %reduce_sum3A_1282 = arith.constant true
      %reduce_sum3A_1283 = vector.broadcast %reduce_sum3A_1282 : i1 to vector<16xi1>
      %reduce_sum3A_1284 = tpu.scan <sum>, %convert_element_type3A_1281 masked %reduce_sum3A_1283 : vector<16xi32>, vector<16xi1> -> vector<16xi32>
      %reduce_sum3A_1285 = vector.extract %reduce_sum3A_1284[15] : i32 from vector<16xi32>
      %ne3A_1286 = arith.constant 0 : i32
      %ne3A_1287 = vector.broadcast %ne3A_1286 : i32 to vector<16xi32>
      %ne3A_1288 = arith.cmpi ne, %get3A_1277, %ne3A_1287 : vector<16xi32>
      %and3A_1289 = arith.andi %ne3A_1288, %ge3A_831 : vector<16xi1>
      %convert_element_type3A_1290 = arith.extui %and3A_1289 : vector<16xi1> to vector<16xi32>
      %reduce_sum3A_1291 = arith.constant true
      %reduce_sum3A_1292 = vector.broadcast %reduce_sum3A_1291 : i1 to vector<16xi1>
      %reduce_sum3A_1293 = tpu.scan <sum>, %convert_element_type3A_1290 masked %reduce_sum3A_1292 : vector<16xi32>, vector<16xi1> -> vector<16xi32>
      %reduce_sum3A_1294 = vector.extract %reduce_sum3A_1293[15] : i32 from vector<16xi32>
      %add3A_1295 = arith.addi %reduce_sum3A_1285, %reduce_sum3A_1294 : i32
      %broadcast_in_dim3A_1296 = vector.broadcast %add3A_1295 : i32 to vector<16xi32>
      %convert_element_type3A_1297 = arith.sitofp %broadcast_in_dim3A_1296 : vector<16xi32> to vector<16xf32>
      %div3A_1298 = arith.divf %scan3A_1268#0, %convert_element_type3A_1297 : vector<16xf32>
      %add3A_1299 = arith.constant 2 : i32
      %add3A_1300 = arith.addi %add3A_853, %add3A_1299 : i32
      %swap3A_1301 = arith.index_cast %add3A_1300 : i32 to index
      %swap3A_1302 = arith.constant 0 : index
      %swap3A_1303 = tpu.vector_load %arg7[%swap3A_1301, %swap3A_1302] {strides = array<i32>} : memref<64x300xf32, #tpu.memory_space<vmem>>, vector<16xf32>,
      tpu.vector_store %arg7[%swap3A_1301, %swap3A_1302], %div3A_1298 {strides = array<i32>} : memref<64x300xf32, #tpu.memory_space<vmem>>, vector<16xf32>,
      %div3A_1304 = arith.divf %scan3A_1268#1, %convert_element_type3A_1297 : vector<16xf32>
      %add3A_1305 = arith.constant 2 : i32
      %add3A_1306 = arith.addi %add3A_853, %add3A_1305 : i32
      %swap3A_1307 = arith.index_cast %add3A_1306 : i32 to index
      %swap3A_1308 = arith.constant 16 : index
      %swap3A_1309 = tpu.vector_load %arg7[%swap3A_1307, %swap3A_1308] {strides = array<i32>} : memref<64x300xf32, #tpu.memory_space<vmem>>, vector<16xf32>,
      tpu.vector_store %arg7[%swap3A_1307, %swap3A_1308], %div3A_1304 {strides = array<i32>} : memref<64x300xf32, #tpu.memory_space<vmem>>, vector<16xf32>,
      %div3A_1310 = arith.divf %scan3A_1268#2, %convert_element_type3A_1297 : vector<16xf32>
      %add3A_1311 = arith.constant 2 : i32
      %add3A_1312 = arith.addi %add3A_853, %add3A_1311 : i32
      %swap3A_1313 = arith.index_cast %add3A_1312 : i32 to index
      %swap3A_1314 = arith.constant 32 : index
      %swap3A_1315 = tpu.vector_load %arg7[%swap3A_1313, %swap3A_1314] {strides = array<i32>} : memref<64x300xf32, #tpu.memory_space<vmem>>, vector<16xf32>,
      tpu.vector_store %arg7[%swap3A_1313, %swap3A_1314], %div3A_1310 {strides = array<i32>} : memref<64x300xf32, #tpu.memory_space<vmem>>, vector<16xf32>,
      %div3A_1316 = arith.divf %scan3A_1268#3, %convert_element_type3A_1297 : vector<16xf32>
      %add3A_1317 = arith.constant 2 : i32
      %add3A_1318 = arith.addi %add3A_853, %add3A_1317 : i32
      %swap3A_1319 = arith.index_cast %add3A_1318 : i32 to index
      %swap3A_1320 = arith.constant 48 : index
      %swap3A_1321 = tpu.vector_load %arg7[%swap3A_1319, %swap3A_1320] {strides = array<i32>} : memref<64x300xf32, #tpu.memory_space<vmem>>, vector<16xf32>,
      tpu.vector_store %arg7[%swap3A_1319, %swap3A_1320], %div3A_1316 {strides = array<i32>} : memref<64x300xf32, #tpu.memory_space<vmem>>, vector<16xf32>,
      %div3A_1322 = arith.divf %scan3A_1268#4, %convert_element_type3A_1297 : vector<16xf32>
      %add3A_1323 = arith.constant 2 : i32
      %add3A_1324 = arith.addi %add3A_853, %add3A_1323 : i32
      %swap3A_1325 = arith.index_cast %add3A_1324 : i32 to index
      %swap3A_1326 = arith.constant 64 : index
      %swap3A_1327 = tpu.vector_load %arg7[%swap3A_1325, %swap3A_1326] {strides = array<i32>} : memref<64x300xf32, #tpu.memory_space<vmem>>, vector<16xf32>,
      tpu.vector_store %arg7[%swap3A_1325, %swap3A_1326], %div3A_1322 {strides = array<i32>} : memref<64x300xf32, #tpu.memory_space<vmem>>, vector<16xf32>,
      %div3A_1328 = arith.divf %scan3A_1268#5, %convert_element_type3A_1297 : vector<16xf32>
      %add3A_1329 = arith.constant 2 : i32
      %add3A_1330 = arith.addi %add3A_853, %add3A_1329 : i32
      %swap3A_1331 = arith.index_cast %add3A_1330 : i32 to index
      %swap3A_1332 = arith.constant 80 : index
      %swap3A_1333 = tpu.vector_load %arg7[%swap3A_1331, %swap3A_1332] {strides = array<i32>} : memref<64x300xf32, #tpu.memory_space<vmem>>, vector<16xf32>,
      tpu.vector_store %arg7[%swap3A_1331, %swap3A_1332], %div3A_1328 {strides = array<i32>} : memref<64x300xf32, #tpu.memory_space<vmem>>, vector<16xf32>,
      %div3A_1334 = arith.divf %scan3A_1268#6, %convert_element_type3A_1297 : vector<16xf32>
      %add3A_1335 = arith.constant 2 : i32
      %add3A_1336 = arith.addi %add3A_853, %add3A_1335 : i32
      %swap3A_1337 = arith.index_cast %add3A_1336 : i32 to index
      %swap3A_1338 = arith.constant 96 : index
      %swap3A_1339 = tpu.vector_load %arg7[%swap3A_1337, %swap3A_1338] {strides = array<i32>} : memref<64x300xf32, #tpu.memory_space<vmem>>, vector<16xf32>,
      tpu.vector_store %arg7[%swap3A_1337, %swap3A_1338], %div3A_1334 {strides = array<i32>} : memref<64x300xf32, #tpu.memory_space<vmem>>, vector<16xf32>,
      %div3A_1340 = arith.divf %scan3A_1268#7, %convert_element_type3A_1297 : vector<16xf32>
      %add3A_1341 = arith.constant 2 : i32
      %add3A_1342 = arith.addi %add3A_853, %add3A_1341 : i32
      %swap3A_1343 = arith.index_cast %add3A_1342 : i32 to index
      %swap3A_1344 = arith.constant 112 : index
      %swap3A_1345 = tpu.vector_load %arg7[%swap3A_1343, %swap3A_1344] {strides = array<i32>} : memref<64x300xf32, #tpu.memory_space<vmem>>, vector<16xf32>,
      tpu.vector_store %arg7[%swap3A_1343, %swap3A_1344], %div3A_1340 {strides = array<i32>} : memref<64x300xf32, #tpu.memory_space<vmem>>, vector<16xf32>,
      %div3A_1346 = arith.divf %scan3A_1268#8, %convert_element_type3A_1297 : vector<16xf32>
      %add3A_1347 = arith.constant 2 : i32
      %add3A_1348 = arith.addi %add3A_853, %add3A_1347 : i32
      %swap3A_1349 = arith.index_cast %add3A_1348 : i32 to index
      %swap3A_1350 = arith.constant 128 : index
      %swap3A_1351 = tpu.vector_load %arg7[%swap3A_1349, %swap3A_1350] {strides = array<i32>} : memref<64x300xf32, #tpu.memory_space<vmem>>, vector<16xf32>,
      tpu.vector_store %arg7[%swap3A_1349, %swap3A_1350], %div3A_1346 {strides = array<i32>} : memref<64x300xf32, #tpu.memory_space<vmem>>, vector<16xf32>,
      %div3A_1352 = arith.divf %scan3A_1268#9, %convert_element_type3A_1297 : vector<16xf32>
      %add3A_1353 = arith.constant 2 : i32
      %add3A_1354 = arith.addi %add3A_853, %add3A_1353 : i32
      %swap3A_1355 = arith.index_cast %add3A_1354 : i32 to index
      %swap3A_1356 = arith.constant 144 : index
      %swap3A_1357 = tpu.vector_load %arg7[%swap3A_1355, %swap3A_1356] {strides = array<i32>} : memref<64x300xf32, #tpu.memory_space<vmem>>, vector<16xf32>,
      tpu.vector_store %arg7[%swap3A_1355, %swap3A_1356], %div3A_1352 {strides = array<i32>} : memref<64x300xf32, #tpu.memory_space<vmem>>, vector<16xf32>,
      %div3A_1358 = arith.divf %scan3A_1268#10, %convert_element_type3A_1297 : vector<16xf32>
      %add3A_1359 = arith.constant 2 : i32
      %add3A_1360 = arith.addi %add3A_853, %add3A_1359 : i32
      %swap3A_1361 = arith.index_cast %add3A_1360 : i32 to index
      %swap3A_1362 = arith.constant 160 : index
      %swap3A_1363 = tpu.vector_load %arg7[%swap3A_1361, %swap3A_1362] {strides = array<i32>} : memref<64x300xf32, #tpu.memory_space<vmem>>, vector<16xf32>,
      tpu.vector_store %arg7[%swap3A_1361, %swap3A_1362], %div3A_1358 {strides = array<i32>} : memref<64x300xf32, #tpu.memory_space<vmem>>, vector<16xf32>,
      %div3A_1364 = arith.divf %scan3A_1268#11, %convert_element_type3A_1297 : vector<16xf32>
      %add3A_1365 = arith.constant 2 : i32
      %add3A_1366 = arith.addi %add3A_853, %add3A_1365 : i32
      %swap3A_1367 = arith.index_cast %add3A_1366 : i32 to index
      %swap3A_1368 = arith.constant 176 : index
      %swap3A_1369 = tpu.vector_load %arg7[%swap3A_1367, %swap3A_1368] {strides = array<i32>} : memref<64x300xf32, #tpu.memory_space<vmem>>, vector<16xf32>,
      tpu.vector_store %arg7[%swap3A_1367, %swap3A_1368], %div3A_1364 {strides = array<i32>} : memref<64x300xf32, #tpu.memory_space<vmem>>, vector<16xf32>,
      %div3A_1370 = arith.divf %scan3A_1268#12, %convert_element_type3A_1297 : vector<16xf32>
      %add3A_1371 = arith.constant 2 : i32
      %add3A_1372 = arith.addi %add3A_853, %add3A_1371 : i32
      %swap3A_1373 = arith.index_cast %add3A_1372 : i32 to index
      %swap3A_1374 = arith.constant 192 : index
      %swap3A_1375 = tpu.vector_load %arg7[%swap3A_1373, %swap3A_1374] {strides = array<i32>} : memref<64x300xf32, #tpu.memory_space<vmem>>, vector<16xf32>,
      tpu.vector_store %arg7[%swap3A_1373, %swap3A_1374], %div3A_1370 {strides = array<i32>} : memref<64x300xf32, #tpu.memory_space<vmem>>, vector<16xf32>,
      %div3A_1376 = arith.divf %scan3A_1268#13, %convert_element_type3A_1297 : vector<16xf32>
      %add3A_1377 = arith.constant 2 : i32
      %add3A_1378 = arith.addi %add3A_853, %add3A_1377 : i32
      %swap3A_1379 = arith.index_cast %add3A_1378 : i32 to index
      %swap3A_1380 = arith.constant 208 : index
      %swap3A_1381 = tpu.vector_load %arg7[%swap3A_1379, %swap3A_1380] {strides = array<i32>} : memref<64x300xf32, #tpu.memory_space<vmem>>, vector<16xf32>,
      tpu.vector_store %arg7[%swap3A_1379, %swap3A_1380], %div3A_1376 {strides = array<i32>} : memref<64x300xf32, #tpu.memory_space<vmem>>, vector<16xf32>,
      %div3A_1382 = arith.divf %scan3A_1268#14, %convert_element_type3A_1297 : vector<16xf32>
      %add3A_1383 = arith.constant 2 : i32
      %add3A_1384 = arith.addi %add3A_853, %add3A_1383 : i32
      %swap3A_1385 = arith.index_cast %add3A_1384 : i32 to index
      %swap3A_1386 = arith.constant 224 : index
      %swap3A_1387 = tpu.vector_load %arg7[%swap3A_1385, %swap3A_1386] {strides = array<i32>} : memref<64x300xf32, #tpu.memory_space<vmem>>, vector<16xf32>,
      tpu.vector_store %arg7[%swap3A_1385, %swap3A_1386], %div3A_1382 {strides = array<i32>} : memref<64x300xf32, #tpu.memory_space<vmem>>, vector<16xf32>,
      %div3A_1388 = arith.divf %scan3A_1268#15, %convert_element_type3A_1297 : vector<16xf32>
      %add3A_1389 = arith.constant 2 : i32
      %add3A_1390 = arith.addi %add3A_853, %add3A_1389 : i32
      %swap3A_1391 = arith.index_cast %add3A_1390 : i32 to index
      %swap3A_1392 = arith.constant 240 : index
      %swap3A_1393 = tpu.vector_load %arg7[%swap3A_1391, %swap3A_1392] {strides = array<i32>} : memref<64x300xf32, #tpu.memory_space<vmem>>, vector<16xf32>,
      tpu.vector_store %arg7[%swap3A_1391, %swap3A_1392], %div3A_1388 {strides = array<i32>} : memref<64x300xf32, #tpu.memory_space<vmem>>, vector<16xf32>,
      %div3A_1394 = arith.divf %scan3A_1268#16, %convert_element_type3A_1297 : vector<16xf32>
      %add3A_1395 = arith.constant 2 : i32
      %add3A_1396 = arith.addi %add3A_853, %add3A_1395 : i32
      %swap3A_1397 = arith.index_cast %add3A_1396 : i32 to index
      %swap3A_1398 = arith.constant 256 : index
      %swap3A_1399 = tpu.vector_load %arg7[%swap3A_1397, %swap3A_1398] {strides = array<i32>} : memref<64x300xf32, #tpu.memory_space<vmem>>, vector<16xf32>,
      tpu.vector_store %arg7[%swap3A_1397, %swap3A_1398], %div3A_1394 {strides = array<i32>} : memref<64x300xf32, #tpu.memory_space<vmem>>, vector<16xf32>,
      %div3A_1400 = arith.divf %scan3A_1268#17, %convert_element_type3A_1297 : vector<16xf32>
      %add3A_1401 = arith.constant 2 : i32
      %add3A_1402 = arith.addi %add3A_853, %add3A_1401 : i32
      %swap3A_1403 = arith.index_cast %add3A_1402 : i32 to index
      %swap3A_1404 = arith.constant 272 : index
      %swap3A_1405 = tpu.vector_load %arg7[%swap3A_1403, %swap3A_1404] {strides = array<i32>} : memref<64x300xf32, #tpu.memory_space<vmem>>, vector<16xf32>,
      tpu.vector_store %arg7[%swap3A_1403, %swap3A_1404], %div3A_1400 {strides = array<i32>} : memref<64x300xf32, #tpu.memory_space<vmem>>, vector<16xf32>,
      %div3A_1406 = arith.divf %scan3A_1268#18, %convert_element_type3A_1297 : vector<16xf32>
      %add3A_1407 = arith.constant 2 : i32
      %add3A_1408 = arith.addi %add3A_853, %add3A_1407 : i32
      %swap3A_1409 = arith.index_cast %add3A_1408 : i32 to index
      %swap3A_1410 = arith.constant 284 : index
      %swap3A_1411 = tpu.vector_load %arg7[%swap3A_1409, %swap3A_1410] {strides = array<i32>} : memref<64x300xf32, #tpu.memory_space<vmem>>, vector<16xf32>,
      tpu.vector_store %arg7[%swap3A_1409, %swap3A_1410], %div3A_1406 {strides = array<i32>} : memref<64x300xf32, #tpu.memory_space<vmem>>, vector<16xf32>,
      %broadcast_in_dim3A_1412 = arith.constant 0.000000e+00 : f32
      %broadcast_in_dim3A_1413 = vector.broadcast %broadcast_in_dim3A_1412 : f32 to vector<16xf32>
      %broadcast_in_dim3A_1414 = arith.constant 0.000000e+00 : f32
      %broadcast_in_dim3A_1415 = vector.broadcast %broadcast_in_dim3A_1414 : f32 to vector<16xf32>
      %broadcast_in_dim3A_1416 = arith.constant 0.000000e+00 : f32
      %broadcast_in_dim3A_1417 = vector.broadcast %broadcast_in_dim3A_1416 : f32 to vector<16xf32>
      %broadcast_in_dim3A_1418 = arith.constant 0.000000e+00 : f32
      %broadcast_in_dim3A_1419 = vector.broadcast %broadcast_in_dim3A_1418 : f32 to vector<16xf32>
      %broadcast_in_dim3A_1420 = arith.constant 0.000000e+00 : f32
      %broadcast_in_dim3A_1421 = vector.broadcast %broadcast_in_dim3A_1420 : f32 to vector<16xf32>
      %broadcast_in_dim3A_1422 = arith.constant 0.000000e+00 : f32
      %broadcast_in_dim3A_1423 = vector.broadcast %broadcast_in_dim3A_1422 : f32 to vector<16xf32>
      %broadcast_in_dim3A_1424 = arith.constant 0.000000e+00 : f32
      %broadcast_in_dim3A_1425 = vector.broadcast %broadcast_in_dim3A_1424 : f32 to vector<16xf32>
      %broadcast_in_dim3A_1426 = arith.constant 0.000000e+00 : f32
      %broadcast_in_dim3A_1427 = vector.broadcast %broadcast_in_dim3A_1426 : f32 to vector<16xf32>
      %broadcast_in_dim3A_1428 = arith.constant 0.000000e+00 : f32
      %broadcast_in_dim3A_1429 = vector.broadcast %broadcast_in_dim3A_1428 : f32 to vector<16xf32>
      %broadcast_in_dim3A_1430 = arith.constant 0.000000e+00 : f32
      %broadcast_in_dim3A_1431 = vector.broadcast %broadcast_in_dim3A_1430 : f32 to vector<16xf32>
      %broadcast_in_dim3A_1432 = arith.constant 0.000000e+00 : f32
      %broadcast_in_dim3A_1433 = vector.broadcast %broadcast_in_dim3A_1432 : f32 to vector<16xf32>
      %broadcast_in_dim3A_1434 = arith.constant 0.000000e+00 : f32
      %broadcast_in_dim3A_1435 = vector.broadcast %broadcast_in_dim3A_1434 : f32 to vector<16xf32>
      %broadcast_in_dim3A_1436 = arith.constant 0.000000e+00 : f32
      %broadcast_in_dim3A_1437 = vector.broadcast %broadcast_in_dim3A_1436 : f32 to vector<16xf32>
      %broadcast_in_dim3A_1438 = arith.constant 0.000000e+00 : f32
      %broadcast_in_dim3A_1439 = vector.broadcast %broadcast_in_dim3A_1438 : f32 to vector<16xf32>
      %broadcast_in_dim3A_1440 = arith.constant 0.000000e+00 : f32
      %broadcast_in_dim3A_1441 = vector.broadcast %broadcast_in_dim3A_1440 : f32 to vector<16xf32>
      %broadcast_in_dim3A_1442 = arith.constant 0.000000e+00 : f32
      %broadcast_in_dim3A_1443 = vector.broadcast %broadcast_in_dim3A_1442 : f32 to vector<16xf32>
      %broadcast_in_dim3A_1444 = arith.constant 0.000000e+00 : f32
      %broadcast_in_dim3A_1445 = vector.broadcast %broadcast_in_dim3A_1444 : f32 to vector<16xf32>
      %broadcast_in_dim3A_1446 = arith.constant 0.000000e+00 : f32
      %broadcast_in_dim3A_1447 = vector.broadcast %broadcast_in_dim3A_1446 : f32 to vector<16xf32>
      %broadcast_in_dim3A_1448 = arith.constant 0.000000e+00 : f32
      %broadcast_in_dim3A_1449 = vector.broadcast %broadcast_in_dim3A_1448 : f32 to vector<16xf32>
      %scan3A_1450 = arith.constant 0 : i32
      %scan3A_1451 = arith.constant 20 : i32
      %scan3A_1452 = arith.addi %scan3A_1450, %scan3A_1451 : i32
      %scan3A_1453 = arith.constant 1 : i32
      %scan3A_1454:19 = scf.for %scan3A_1619 = %scan3A_1450 to %scan3A_1452 step %scan3A_1453 iter_args(%scan3A_1620 = %broadcast_in_dim3A_1413, %scan3A_1621 = %broadcast_in_dim3A_1415, %scan3A_1622 = %broadcast_in_dim3A_1417, %scan3A_1623 = %broadcast_in_dim3A_1419, %scan3A_1624 = %broadcast_in_dim3A_1421, %scan3A_1625 = %broadcast_in_dim3A_1423, %scan3A_1626 = %broadcast_in_dim3A_1425, %scan3A_1627 = %broadcast_in_dim3A_1427, %scan3A_1628 = %broadcast_in_dim3A_1429, %scan3A_1629 = %broadcast_in_dim3A_1431, %scan3A_1630 = %broadcast_in_dim3A_1433, %scan3A_1631 = %broadcast_in_dim3A_1435, %scan3A_1632 = %broadcast_in_dim3A_1437, %scan3A_1633 = %broadcast_in_dim3A_1439, %scan3A_1634 = %broadcast_in_dim3A_1441, %scan3A_1635 = %broadcast_in_dim3A_1443, %scan3A_1636 = %broadcast_in_dim3A_1445, %scan3A_1637 = %broadcast_in_dim3A_1447, %scan3A_1638 = %broadcast_in_dim3A_1449) -> (vector<16xf32>, vector<16xf32>, vector<16xf32>, vector<16xf32>, vector<16xf32>, vector<16xf32>, vector<16xf32>, vector<16xf32>, vector<16xf32>, vector<16xf32>, vector<16xf32>, vector<16xf32>, vector<16xf32>, vector<16xf32>, vector<16xf32>, vector<16xf32>, vector<16xf32>, vector<16xf32>, vector<16xf32>)  : i32 {
        %add3A_1639 = arith.constant 60 : i32
        %add3A_1640 = arith.addi %add3A_1639, %scan3A_1619 : i32
        %get3A_1641 = arith.constant 1 : i32
        %get3A_1642 = arith.index_cast %get3A_1641 : i32 to index
        %get3A_1643 = arith.index_cast %add3A_1640 : i32 to index
        %get3A_1644 = arith.constant 0 : index
        %get3A_1645 = tpu.vector_load %arg6[%get3A_1642, %get3A_1643, %get3A_1644] {strides = array<i32>} : memref<2x80x384xf32, #tpu.memory_space<vmem>>, vector<16xf32>,
        %add3A_1646 = arith.addf %scan3A_1620, %get3A_1645 : vector<16xf32>
        %get3A_1647 = arith.constant 1 : i32
        %get3A_1648 = arith.index_cast %get3A_1647 : i32 to index
        %get3A_1649 = arith.index_cast %add3A_1640 : i32 to index
        %get3A_1650 = arith.constant 16 : index
        %get3A_1651 = tpu.vector_load %arg6[%get3A_1648, %get3A_1649, %get3A_1650] {strides = array<i32>} : memref<2x80x384xf32, #tpu.memory_space<vmem>>, vector<16xf32>,
        %add3A_1652 = arith.addf %scan3A_1621, %get3A_1651 : vector<16xf32>
        %get3A_1653 = arith.constant 1 : i32
        %get3A_1654 = arith.index_cast %get3A_1653 : i32 to index
        %get3A_1655 = arith.index_cast %add3A_1640 : i32 to index
        %get3A_1656 = arith.constant 32 : index
        %get3A_1657 = tpu.vector_load %arg6[%get3A_1654, %get3A_1655, %get3A_1656] {strides = array<i32>} : memref<2x80x384xf32, #tpu.memory_space<vmem>>, vector<16xf32>,
        %add3A_1658 = arith.addf %scan3A_1622, %get3A_1657 : vector<16xf32>
        %get3A_1659 = arith.constant 1 : i32
        %get3A_1660 = arith.index_cast %get3A_1659 : i32 to index
        %get3A_1661 = arith.index_cast %add3A_1640 : i32 to index
        %get3A_1662 = arith.constant 48 : index
        %get3A_1663 = tpu.vector_load %arg6[%get3A_1660, %get3A_1661, %get3A_1662] {strides = array<i32>} : memref<2x80x384xf32, #tpu.memory_space<vmem>>, vector<16xf32>,
        %add3A_1664 = arith.addf %scan3A_1623, %get3A_1663 : vector<16xf32>
        %get3A_1665 = arith.constant 1 : i32
        %get3A_1666 = arith.index_cast %get3A_1665 : i32 to index
        %get3A_1667 = arith.index_cast %add3A_1640 : i32 to index
        %get3A_1668 = arith.constant 64 : index
        %get3A_1669 = tpu.vector_load %arg6[%get3A_1666, %get3A_1667, %get3A_1668] {strides = array<i32>} : memref<2x80x384xf32, #tpu.memory_space<vmem>>, vector<16xf32>,
        %add3A_1670 = arith.addf %scan3A_1624, %get3A_1669 : vector<16xf32>
        %get3A_1671 = arith.constant 1 : i32
        %get3A_1672 = arith.index_cast %get3A_1671 : i32 to index
        %get3A_1673 = arith.index_cast %add3A_1640 : i32 to index
        %get3A_1674 = arith.constant 80 : index
        %get3A_1675 = tpu.vector_load %arg6[%get3A_1672, %get3A_1673, %get3A_1674] {strides = array<i32>} : memref<2x80x384xf32, #tpu.memory_space<vmem>>, vector<16xf32>,
        %add3A_1676 = arith.addf %scan3A_1625, %get3A_1675 : vector<16xf32>
        %get3A_1677 = arith.constant 1 : i32
        %get3A_1678 = arith.index_cast %get3A_1677 : i32 to index
        %get3A_1679 = arith.index_cast %add3A_1640 : i32 to index
        %get3A_1680 = arith.constant 96 : index
        %get3A_1681 = tpu.vector_load %arg6[%get3A_1678, %get3A_1679, %get3A_1680] {strides = array<i32>} : memref<2x80x384xf32, #tpu.memory_space<vmem>>, vector<16xf32>,
        %add3A_1682 = arith.addf %scan3A_1626, %get3A_1681 : vector<16xf32>
        %get3A_1683 = arith.constant 1 : i32
        %get3A_1684 = arith.index_cast %get3A_1683 : i32 to index
        %get3A_1685 = arith.index_cast %add3A_1640 : i32 to index
        %get3A_1686 = arith.constant 112 : index
        %get3A_1687 = tpu.vector_load %arg6[%get3A_1684, %get3A_1685, %get3A_1686] {strides = array<i32>} : memref<2x80x384xf32, #tpu.memory_space<vmem>>, vector<16xf32>,
        %add3A_1688 = arith.addf %scan3A_1627, %get3A_1687 : vector<16xf32>
        %get3A_1689 = arith.constant 1 : i32
        %get3A_1690 = arith.index_cast %get3A_1689 : i32 to index
        %get3A_1691 = arith.index_cast %add3A_1640 : i32 to index
        %get3A_1692 = arith.constant 128 : index
        %get3A_1693 = tpu.vector_load %arg6[%get3A_1690, %get3A_1691, %get3A_1692] {strides = array<i32>} : memref<2x80x384xf32, #tpu.memory_space<vmem>>, vector<16xf32>,
        %add3A_1694 = arith.addf %scan3A_1628, %get3A_1693 : vector<16xf32>
        %get3A_1695 = arith.constant 1 : i32
        %get3A_1696 = arith.index_cast %get3A_1695 : i32 to index
        %get3A_1697 = arith.index_cast %add3A_1640 : i32 to index
        %get3A_1698 = arith.constant 144 : index
        %get3A_1699 = tpu.vector_load %arg6[%get3A_1696, %get3A_1697, %get3A_1698] {strides = array<i32>} : memref<2x80x384xf32, #tpu.memory_space<vmem>>, vector<16xf32>,
        %add3A_1700 = arith.addf %scan3A_1629, %get3A_1699 : vector<16xf32>
        %get3A_1701 = arith.constant 1 : i32
        %get3A_1702 = arith.index_cast %get3A_1701 : i32 to index
        %get3A_1703 = arith.index_cast %add3A_1640 : i32 to index
        %get3A_1704 = arith.constant 160 : index
        %get3A_1705 = tpu.vector_load %arg6[%get3A_1702, %get3A_1703, %get3A_1704] {strides = array<i32>} : memref<2x80x384xf32, #tpu.memory_space<vmem>>, vector<16xf32>,
        %add3A_1706 = arith.addf %scan3A_1630, %get3A_1705 : vector<16xf32>
        %get3A_1707 = arith.constant 1 : i32
        %get3A_1708 = arith.index_cast %get3A_1707 : i32 to index
        %get3A_1709 = arith.index_cast %add3A_1640 : i32 to index
        %get3A_1710 = arith.constant 176 : index
        %get3A_1711 = tpu.vector_load %arg6[%get3A_1708, %get3A_1709, %get3A_1710] {strides = array<i32>} : memref<2x80x384xf32, #tpu.memory_space<vmem>>, vector<16xf32>,
        %add3A_1712 = arith.addf %scan3A_1631, %get3A_1711 : vector<16xf32>
        %get3A_1713 = arith.constant 1 : i32
        %get3A_1714 = arith.index_cast %get3A_1713 : i32 to index
        %get3A_1715 = arith.index_cast %add3A_1640 : i32 to index
        %get3A_1716 = arith.constant 192 : index
        %get3A_1717 = tpu.vector_load %arg6[%get3A_1714, %get3A_1715, %get3A_1716] {strides = array<i32>} : memref<2x80x384xf32, #tpu.memory_space<vmem>>, vector<16xf32>,
        %add3A_1718 = arith.addf %scan3A_1632, %get3A_1717 : vector<16xf32>
        %get3A_1719 = arith.constant 1 : i32
        %get3A_1720 = arith.index_cast %get3A_1719 : i32 to index
        %get3A_1721 = arith.index_cast %add3A_1640 : i32 to index
        %get3A_1722 = arith.constant 208 : index
        %get3A_1723 = tpu.vector_load %arg6[%get3A_1720, %get3A_1721, %get3A_1722] {strides = array<i32>} : memref<2x80x384xf32, #tpu.memory_space<vmem>>, vector<16xf32>,
        %add3A_1724 = arith.addf %scan3A_1633, %get3A_1723 : vector<16xf32>
        %get3A_1725 = arith.constant 1 : i32
        %get3A_1726 = arith.index_cast %get3A_1725 : i32 to index
        %get3A_1727 = arith.index_cast %add3A_1640 : i32 to index
        %get3A_1728 = arith.constant 224 : index
        %get3A_1729 = tpu.vector_load %arg6[%get3A_1726, %get3A_1727, %get3A_1728] {strides = array<i32>} : memref<2x80x384xf32, #tpu.memory_space<vmem>>, vector<16xf32>,
        %add3A_1730 = arith.addf %scan3A_1634, %get3A_1729 : vector<16xf32>
        %get3A_1731 = arith.constant 1 : i32
        %get3A_1732 = arith.index_cast %get3A_1731 : i32 to index
        %get3A_1733 = arith.index_cast %add3A_1640 : i32 to index
        %get3A_1734 = arith.constant 240 : index
        %get3A_1735 = tpu.vector_load %arg6[%get3A_1732, %get3A_1733, %get3A_1734] {strides = array<i32>} : memref<2x80x384xf32, #tpu.memory_space<vmem>>, vector<16xf32>,
        %add3A_1736 = arith.addf %scan3A_1635, %get3A_1735 : vector<16xf32>
        %get3A_1737 = arith.constant 1 : i32
        %get3A_1738 = arith.index_cast %get3A_1737 : i32 to index
        %get3A_1739 = arith.index_cast %add3A_1640 : i32 to index
        %get3A_1740 = arith.constant 256 : index
        %get3A_1741 = tpu.vector_load %arg6[%get3A_1738, %get3A_1739, %get3A_1740] {strides = array<i32>} : memref<2x80x384xf32, #tpu.memory_space<vmem>>, vector<16xf32>,
        %add3A_1742 = arith.addf %scan3A_1636, %get3A_1741 : vector<16xf32>
        %get3A_1743 = arith.constant 1 : i32
        %get3A_1744 = arith.index_cast %get3A_1743 : i32 to index
        %get3A_1745 = arith.index_cast %add3A_1640 : i32 to index
        %get3A_1746 = arith.constant 272 : index
        %get3A_1747 = tpu.vector_load %arg6[%get3A_1744, %get3A_1745, %get3A_1746] {strides = array<i32>} : memref<2x80x384xf32, #tpu.memory_space<vmem>>, vector<16xf32>,
        %add3A_1748 = arith.addf %scan3A_1637, %get3A_1747 : vector<16xf32>
        %get3A_1749 = arith.constant 1 : i32
        %get3A_1750 = arith.index_cast %get3A_1749 : i32 to index
        %get3A_1751 = arith.index_cast %add3A_1640 : i32 to index
        %get3A_1752 = arith.constant 284 : index
        %get3A_1753 = tpu.vector_load %arg6[%get3A_1750, %get3A_1751, %get3A_1752] {strides = array<i32>} : memref<2x80x384xf32, #tpu.memory_space<vmem>>, vector<16xf32>,
        %add3A_1754 = arith.addf %scan3A_1638, %get3A_1753 : vector<16xf32>
        scf.yield %add3A_1646, %add3A_1652, %add3A_1658, %add3A_1664, %add3A_1670, %add3A_1676, %add3A_1682, %add3A_1688, %add3A_1694, %add3A_1700, %add3A_1706, %add3A_1712, %add3A_1718, %add3A_1724, %add3A_1730, %add3A_1736, %add3A_1742, %add3A_1748, %add3A_1754 : vector<16xf32>, vector<16xf32>, vector<16xf32>, vector<16xf32>, vector<16xf32>, vector<16xf32>, vector<16xf32>, vector<16xf32>, vector<16xf32>, vector<16xf32>, vector<16xf32>, vector<16xf32>, vector<16xf32>, vector<16xf32>, vector<16xf32>, vector<16xf32>, vector<16xf32>, vector<16xf32>, vector<16xf32>
      }
      %scan3A_1455 = arith.constant 20 : i32
      %get3A_1456 = arith.constant 1 : i32
      %get3A_1457 = arith.index_cast %get3A_1456 : i32 to index
      %get3A_1458 = arith.constant 60 : index
      %get3A_1459 = tpu.vector_load %arg5[%get3A_1457, %get3A_1458] {strides = array<i32>} : memref<2x80xi32, #tpu.memory_space<vmem>>, vector<16xi32>,
      %get3A_1460 = arith.constant 1 : i32
      %get3A_1461 = arith.index_cast %get3A_1460 : i32 to index
      %get3A_1462 = arith.constant 64 : index
      %get3A_1463 = tpu.vector_load %arg5[%get3A_1461, %get3A_1462] {strides = array<i32>} : memref<2x80xi32, #tpu.memory_space<vmem>>, vector<16xi32>,
      %ne3A_1464 = arith.constant 0 : i32
      %ne3A_1465 = vector.broadcast %ne3A_1464 : i32 to vector<16xi32>
      %ne3A_1466 = arith.cmpi ne, %get3A_1459, %ne3A_1465 : vector<16xi32>
      %convert_element_type3A_1467 = arith.extui %ne3A_1466 : vector<16xi1> to vector<16xi32>
      %reduce_sum3A_1468 = arith.constant true
      %reduce_sum3A_1469 = vector.broadcast %reduce_sum3A_1468 : i1 to vector<16xi1>
      %reduce_sum3A_1470 = tpu.scan <sum>, %convert_element_type3A_1467 masked %reduce_sum3A_1469 : vector<16xi32>, vector<16xi1> -> vector<16xi32>
      %reduce_sum3A_1471 = vector.extract %reduce_sum3A_1470[15] : i32 from vector<16xi32>
      %ne3A_1472 = arith.constant 0 : i32
      %ne3A_1473 = vector.broadcast %ne3A_1472 : i32 to vector<16xi32>
      %ne3A_1474 = arith.cmpi ne, %get3A_1463, %ne3A_1473 : vector<16xi32>
      %and3A_1475 = arith.andi %ne3A_1474, %ge3A_831 : vector<16xi1>
      %convert_element_type3A_1476 = arith.extui %and3A_1475 : vector<16xi1> to vector<16xi32>
      %reduce_sum3A_1477 = arith.constant true
      %reduce_sum3A_1478 = vector.broadcast %reduce_sum3A_1477 : i1 to vector<16xi1>
      %reduce_sum3A_1479 = tpu.scan <sum>, %convert_element_type3A_1476 masked %reduce_sum3A_1478 : vector<16xi32>, vector<16xi1> -> vector<16xi32>
      %reduce_sum3A_1480 = vector.extract %reduce_sum3A_1479[15] : i32 from vector<16xi32>
      %add3A_1481 = arith.addi %reduce_sum3A_1471, %reduce_sum3A_1480 : i32
      %broadcast_in_dim3A_1482 = vector.broadcast %add3A_1481 : i32 to vector<16xi32>
      %convert_element_type3A_1483 = arith.sitofp %broadcast_in_dim3A_1482 : vector<16xi32> to vector<16xf32>
      %div3A_1484 = arith.divf %scan3A_1454#0, %convert_element_type3A_1483 : vector<16xf32>
      %add3A_1485 = arith.constant 3 : i32
      %add3A_1486 = arith.addi %add3A_853, %add3A_1485 : i32
      %swap3A_1487 = arith.index_cast %add3A_1486 : i32 to index
      %swap3A_1488 = arith.constant 0 : index
      %swap3A_1489 = tpu.vector_load %arg7[%swap3A_1487, %swap3A_1488] {strides = array<i32>} : memref<64x300xf32, #tpu.memory_space<vmem>>, vector<16xf32>,
      tpu.vector_store %arg7[%swap3A_1487, %swap3A_1488], %div3A_1484 {strides = array<i32>} : memref<64x300xf32, #tpu.memory_space<vmem>>, vector<16xf32>,
      %div3A_1490 = arith.divf %scan3A_1454#1, %convert_element_type3A_1483 : vector<16xf32>
      %add3A_1491 = arith.constant 3 : i32
      %add3A_1492 = arith.addi %add3A_853, %add3A_1491 : i32
      %swap3A_1493 = arith.index_cast %add3A_1492 : i32 to index
      %swap3A_1494 = arith.constant 16 : index
      %swap3A_1495 = tpu.vector_load %arg7[%swap3A_1493, %swap3A_1494] {strides = array<i32>} : memref<64x300xf32, #tpu.memory_space<vmem>>, vector<16xf32>,
      tpu.vector_store %arg7[%swap3A_1493, %swap3A_1494], %div3A_1490 {strides = array<i32>} : memref<64x300xf32, #tpu.memory_space<vmem>>, vector<16xf32>,
      %div3A_1496 = arith.divf %scan3A_1454#2, %convert_element_type3A_1483 : vector<16xf32>
      %add3A_1497 = arith.constant 3 : i32
      %add3A_1498 = arith.addi %add3A_853, %add3A_1497 : i32
      %swap3A_1499 = arith.index_cast %add3A_1498 : i32 to index
      %swap3A_1500 = arith.constant 32 : index
      %swap3A_1501 = tpu.vector_load %arg7[%swap3A_1499, %swap3A_1500] {strides = array<i32>} : memref<64x300xf32, #tpu.memory_space<vmem>>, vector<16xf32>,
      tpu.vector_store %arg7[%swap3A_1499, %swap3A_1500], %div3A_1496 {strides = array<i32>} : memref<64x300xf32, #tpu.memory_space<vmem>>, vector<16xf32>,
      %div3A_1502 = arith.divf %scan3A_1454#3, %convert_element_type3A_1483 : vector<16xf32>
      %add3A_1503 = arith.constant 3 : i32
      %add3A_1504 = arith.addi %add3A_853, %add3A_1503 : i32
      %swap3A_1505 = arith.index_cast %add3A_1504 : i32 to index
      %swap3A_1506 = arith.constant 48 : index
      %swap3A_1507 = tpu.vector_load %arg7[%swap3A_1505, %swap3A_1506] {strides = array<i32>} : memref<64x300xf32, #tpu.memory_space<vmem>>, vector<16xf32>,
      tpu.vector_store %arg7[%swap3A_1505, %swap3A_1506], %div3A_1502 {strides = array<i32>} : memref<64x300xf32, #tpu.memory_space<vmem>>, vector<16xf32>,
      %div3A_1508 = arith.divf %scan3A_1454#4, %convert_element_type3A_1483 : vector<16xf32>
      %add3A_1509 = arith.constant 3 : i32
      %add3A_1510 = arith.addi %add3A_853, %add3A_1509 : i32
      %swap3A_1511 = arith.index_cast %add3A_1510 : i32 to index
      %swap3A_1512 = arith.constant 64 : index
      %swap3A_1513 = tpu.vector_load %arg7[%swap3A_1511, %swap3A_1512] {strides = array<i32>} : memref<64x300xf32, #tpu.memory_space<vmem>>, vector<16xf32>,
      tpu.vector_store %arg7[%swap3A_1511, %swap3A_1512], %div3A_1508 {strides = array<i32>} : memref<64x300xf32, #tpu.memory_space<vmem>>, vector<16xf32>,
      %div3A_1514 = arith.divf %scan3A_1454#5, %convert_element_type3A_1483 : vector<16xf32>
      %add3A_1515 = arith.constant 3 : i32
      %add3A_1516 = arith.addi %add3A_853, %add3A_1515 : i32
      %swap3A_1517 = arith.index_cast %add3A_1516 : i32 to index
      %swap3A_1518 = arith.constant 80 : index
      %swap3A_1519 = tpu.vector_load %arg7[%swap3A_1517, %swap3A_1518] {strides = array<i32>} : memref<64x300xf32, #tpu.memory_space<vmem>>, vector<16xf32>,
      tpu.vector_store %arg7[%swap3A_1517, %swap3A_1518], %div3A_1514 {strides = array<i32>} : memref<64x300xf32, #tpu.memory_space<vmem>>, vector<16xf32>,
      %div3A_1520 = arith.divf %scan3A_1454#6, %convert_element_type3A_1483 : vector<16xf32>
      %add3A_1521 = arith.constant 3 : i32
      %add3A_1522 = arith.addi %add3A_853, %add3A_1521 : i32
      %swap3A_1523 = arith.index_cast %add3A_1522 : i32 to index
      %swap3A_1524 = arith.constant 96 : index
      %swap3A_1525 = tpu.vector_load %arg7[%swap3A_1523, %swap3A_1524] {strides = array<i32>} : memref<64x300xf32, #tpu.memory_space<vmem>>, vector<16xf32>,
      tpu.vector_store %arg7[%swap3A_1523, %swap3A_1524], %div3A_1520 {strides = array<i32>} : memref<64x300xf32, #tpu.memory_space<vmem>>, vector<16xf32>,
      %div3A_1526 = arith.divf %scan3A_1454#7, %convert_element_type3A_1483 : vector<16xf32>
      %add3A_1527 = arith.constant 3 : i32
      %add3A_1528 = arith.addi %add3A_853, %add3A_1527 : i32
      %swap3A_1529 = arith.index_cast %add3A_1528 : i32 to index
      %swap3A_1530 = arith.constant 112 : index
      %swap3A_1531 = tpu.vector_load %arg7[%swap3A_1529, %swap3A_1530] {strides = array<i32>} : memref<64x300xf32, #tpu.memory_space<vmem>>, vector<16xf32>,
      tpu.vector_store %arg7[%swap3A_1529, %swap3A_1530], %div3A_1526 {strides = array<i32>} : memref<64x300xf32, #tpu.memory_space<vmem>>, vector<16xf32>,
      %div3A_1532 = arith.divf %scan3A_1454#8, %convert_element_type3A_1483 : vector<16xf32>
      %add3A_1533 = arith.constant 3 : i32
      %add3A_1534 = arith.addi %add3A_853, %add3A_1533 : i32
      %swap3A_1535 = arith.index_cast %add3A_1534 : i32 to index
      %swap3A_1536 = arith.constant 128 : index
      %swap3A_1537 = tpu.vector_load %arg7[%swap3A_1535, %swap3A_1536] {strides = array<i32>} : memref<64x300xf32, #tpu.memory_space<vmem>>, vector<16xf32>,
      tpu.vector_store %arg7[%swap3A_1535, %swap3A_1536], %div3A_1532 {strides = array<i32>} : memref<64x300xf32, #tpu.memory_space<vmem>>, vector<16xf32>,
      %div3A_1538 = arith.divf %scan3A_1454#9, %convert_element_type3A_1483 : vector<16xf32>
      %add3A_1539 = arith.constant 3 : i32
      %add3A_1540 = arith.addi %add3A_853, %add3A_1539 : i32
      %swap3A_1541 = arith.index_cast %add3A_1540 : i32 to index
      %swap3A_1542 = arith.constant 144 : index
      %swap3A_1543 = tpu.vector_load %arg7[%swap3A_1541, %swap3A_1542] {strides = array<i32>} : memref<64x300xf32, #tpu.memory_space<vmem>>, vector<16xf32>,
      tpu.vector_store %arg7[%swap3A_1541, %swap3A_1542], %div3A_1538 {strides = array<i32>} : memref<64x300xf32, #tpu.memory_space<vmem>>, vector<16xf32>,
      %div3A_1544 = arith.divf %scan3A_1454#10, %convert_element_type3A_1483 : vector<16xf32>
      %add3A_1545 = arith.constant 3 : i32
      %add3A_1546 = arith.addi %add3A_853, %add3A_1545 : i32
      %swap3A_1547 = arith.index_cast %add3A_1546 : i32 to index
      %swap3A_1548 = arith.constant 160 : index
      %swap3A_1549 = tpu.vector_load %arg7[%swap3A_1547, %swap3A_1548] {strides = array<i32>} : memref<64x300xf32, #tpu.memory_space<vmem>>, vector<16xf32>,
      tpu.vector_store %arg7[%swap3A_1547, %swap3A_1548], %div3A_1544 {strides = array<i32>} : memref<64x300xf32, #tpu.memory_space<vmem>>, vector<16xf32>,
      %div3A_1550 = arith.divf %scan3A_1454#11, %convert_element_type3A_1483 : vector<16xf32>
      %add3A_1551 = arith.constant 3 : i32
      %add3A_1552 = arith.addi %add3A_853, %add3A_1551 : i32
      %swap3A_1553 = arith.index_cast %add3A_1552 : i32 to index
      %swap3A_1554 = arith.constant 176 : index
      %swap3A_1555 = tpu.vector_load %arg7[%swap3A_1553, %swap3A_1554] {strides = array<i32>} : memref<64x300xf32, #tpu.memory_space<vmem>>, vector<16xf32>,
      tpu.vector_store %arg7[%swap3A_1553, %swap3A_1554], %div3A_1550 {strides = array<i32>} : memref<64x300xf32, #tpu.memory_space<vmem>>, vector<16xf32>,
      %div3A_1556 = arith.divf %scan3A_1454#12, %convert_element_type3A_1483 : vector<16xf32>
      %add3A_1557 = arith.constant 3 : i32
      %add3A_1558 = arith.addi %add3A_853, %add3A_1557 : i32
      %swap3A_1559 = arith.index_cast %add3A_1558 : i32 to index
      %swap3A_1560 = arith.constant 192 : index
      %swap3A_1561 = tpu.vector_load %arg7[%swap3A_1559, %swap3A_1560] {strides = array<i32>} : memref<64x300xf32, #tpu.memory_space<vmem>>, vector<16xf32>,
      tpu.vector_store %arg7[%swap3A_1559, %swap3A_1560], %div3A_1556 {strides = array<i32>} : memref<64x300xf32, #tpu.memory_space<vmem>>, vector<16xf32>,
      %div3A_1562 = arith.divf %scan3A_1454#13, %convert_element_type3A_1483 : vector<16xf32>
      %add3A_1563 = arith.constant 3 : i32
      %add3A_1564 = arith.addi %add3A_853, %add3A_1563 : i32
      %swap3A_1565 = arith.index_cast %add3A_1564 : i32 to index
      %swap3A_1566 = arith.constant 208 : index
      %swap3A_1567 = tpu.vector_load %arg7[%swap3A_1565, %swap3A_1566] {strides = array<i32>} : memref<64x300xf32, #tpu.memory_space<vmem>>, vector<16xf32>,
      tpu.vector_store %arg7[%swap3A_1565, %swap3A_1566], %div3A_1562 {strides = array<i32>} : memref<64x300xf32, #tpu.memory_space<vmem>>, vector<16xf32>,
      %div3A_1568 = arith.divf %scan3A_1454#14, %convert_element_type3A_1483 : vector<16xf32>
      %add3A_1569 = arith.constant 3 : i32
      %add3A_1570 = arith.addi %add3A_853, %add3A_1569 : i32
      %swap3A_1571 = arith.index_cast %add3A_1570 : i32 to index
      %swap3A_1572 = arith.constant 224 : index
      %swap3A_1573 = tpu.vector_load %arg7[%swap3A_1571, %swap3A_1572] {strides = array<i32>} : memref<64x300xf32, #tpu.memory_space<vmem>>, vector<16xf32>,
      tpu.vector_store %arg7[%swap3A_1571, %swap3A_1572], %div3A_1568 {strides = array<i32>} : memref<64x300xf32, #tpu.memory_space<vmem>>, vector<16xf32>,
      %div3A_1574 = arith.divf %scan3A_1454#15, %convert_element_type3A_1483 : vector<16xf32>
      %add3A_1575 = arith.constant 3 : i32
      %add3A_1576 = arith.addi %add3A_853, %add3A_1575 : i32
      %swap3A_1577 = arith.index_cast %add3A_1576 : i32 to index
      %swap3A_1578 = arith.constant 240 : index
      %swap3A_1579 = tpu.vector_load %arg7[%swap3A_1577, %swap3A_1578] {strides = array<i32>} : memref<64x300xf32, #tpu.memory_space<vmem>>, vector<16xf32>,
      tpu.vector_store %arg7[%swap3A_1577, %swap3A_1578], %div3A_1574 {strides = array<i32>} : memref<64x300xf32, #tpu.memory_space<vmem>>, vector<16xf32>,
      %div3A_1580 = arith.divf %scan3A_1454#16, %convert_element_type3A_1483 : vector<16xf32>
      %add3A_1581 = arith.constant 3 : i32
      %add3A_1582 = arith.addi %add3A_853, %add3A_1581 : i32
      %swap3A_1583 = arith.index_cast %add3A_1582 : i32 to index
      %swap3A_1584 = arith.constant 256 : index
      %swap3A_1585 = tpu.vector_load %arg7[%swap3A_1583, %swap3A_1584] {strides = array<i32>} : memref<64x300xf32, #tpu.memory_space<vmem>>, vector<16xf32>,
      tpu.vector_store %arg7[%swap3A_1583, %swap3A_1584], %div3A_1580 {strides = array<i32>} : memref<64x300xf32, #tpu.memory_space<vmem>>, vector<16xf32>,
      %div3A_1586 = arith.divf %scan3A_1454#17, %convert_element_type3A_1483 : vector<16xf32>
      %add3A_1587 = arith.constant 3 : i32
      %add3A_1588 = arith.addi %add3A_853, %add3A_1587 : i32
      %swap3A_1589 = arith.index_cast %add3A_1588 : i32 to index
      %swap3A_1590 = arith.constant 272 : index
      %swap3A_1591 = tpu.vector_load %arg7[%swap3A_1589, %swap3A_1590] {strides = array<i32>} : memref<64x300xf32, #tpu.memory_space<vmem>>, vector<16xf32>,
      tpu.vector_store %arg7[%swap3A_1589, %swap3A_1590], %div3A_1586 {strides = array<i32>} : memref<64x300xf32, #tpu.memory_space<vmem>>, vector<16xf32>,
      %div3A_1592 = arith.divf %scan3A_1454#18, %convert_element_type3A_1483 : vector<16xf32>
      %add3A_1593 = arith.constant 3 : i32
      %add3A_1594 = arith.addi %add3A_853, %add3A_1593 : i32
      %swap3A_1595 = arith.index_cast %add3A_1594 : i32 to index
      %swap3A_1596 = arith.constant 284 : index
      %swap3A_1597 = tpu.vector_load %arg7[%swap3A_1595, %swap3A_1596] {strides = array<i32>} : memref<64x300xf32, #tpu.memory_space<vmem>>, vector<16xf32>,
      tpu.vector_store %arg7[%swap3A_1595, %swap3A_1596], %div3A_1592 {strides = array<i32>} : memref<64x300xf32, #tpu.memory_space<vmem>>, vector<16xf32>,
      %jit3A_1598 = arith.constant 8 : i32
      %eq3A_1599 = arith.constant 0 : i32
      %eq3A_1600 = arith.cmpi eq, %jit3A_1598, %eq3A_1599 : i32
      %jit3A_1601 = arith.constant 1 : i32
      %select_n3A_1602 = arith.select %eq3A_1600, %jit3A_1601, %jit3A_1598 : i32
      %rem3A_1603 = arith.remsi %scan3A_23, %select_n3A_1602 : i32
      %ne3A_1604 = arith.constant 0 : i32
      %ne3A_1605 = arith.cmpi ne, %rem3A_1603, %ne3A_1604 : i32
      %lt3A_1606 = arith.constant 0 : i32
      %lt3A_1607 = arith.cmpi slt, %rem3A_1603, %lt3A_1606 : i32
      %lt3A_1608 = arith.constant 0 : i32
      %lt3A_1609 = arith.cmpi slt, %select_n3A_1602, %lt3A_1608 : i32
      %ne3A_1610 = arith.xori %lt3A_1607, %lt3A_1609 : i1
      %and3A_1611 = arith.andi %ne3A_1610, %ne3A_1605 : i1
      %add3A_1612 = arith.addi %rem3A_1603, %select_n3A_1602 : i32
      %select_n3A_1613 = arith.select %and3A_1611, %add3A_1612, %rem3A_1603 : i32
      %eq3A_1614 = arith.constant 7 : i32
      %eq3A_1615 = arith.cmpi eq, %select_n3A_1613, %eq3A_1614 : i32
      %convert_element_type3A_1616 = arith.extui %eq3A_1615 : i1 to i32
      %cond3A_1617 = arith.constant 0 : i32
      %cond3A_1618 = arith.cmpi ne, %convert_element_type3A_1616, %cond3A_1617 : i32
      scf.if %cond3A_1618 {
        %add3A_1619 = arith.constant 1 : i32
        %add3A_1620 = arith.addi %scan3A_23, %add3A_1619 : i32
        %mul3A_1621 = arith.constant 2 : i32
        %mul3A_1622 = arith.muli %add3A_1620, %mul3A_1621 : i32
        %mul3A_1623 = arith.constant 4 : i32
        %mul3A_1624 = arith.muli %mul3A_1622, %mul3A_1623 : i32
        %add3A_1625 = arith.addi %mul3A_2, %mul3A_1624 : i32
        %sub3A = arith.constant 64 : i32
        %sub3A_1626 = arith.subi %add3A_1625, %sub3A : i32
        "tpu.region"() ({
          %run_scoped3A_1627 = tpu.sem_alloc : memref<!tpu.dma_semaphore, #tpu.memory_space<semaphore_mem>>
          %dma_start3A_1628 = arith.constant 0 : i32
          %dma_start3A_1629 = tpu.memref_slice %arg4[%sub3A_1626, %dma_start3A_1628] : memref<16384x300xf32, #tpu.memory_space<hbm>> -> memref<64x300xf32, #tpu.memory_space<hbm>>
          %dma_start3A_1630 = arith.constant 0 : i32
          %dma_start3A_1631 = tpu.memref_slice %arg4[%sub3A_1626, %dma_start3A_1630] : memref<16384x300xf32, #tpu.memory_space<hbm>> -> memref<64x300xf32, #tpu.memory_space<hbm>>
          tpu.enqueue_dma source(%arg7 : memref<64x300xf32, #tpu.memory_space<vmem>>) target(%dma_start3A_1631 : memref<64x300xf32, #tpu.memory_space<hbm>>) target_semaphore(%run_scoped3A_1627 : memref<!tpu.dma_semaphore, #tpu.memory_space<semaphore_mem>>)
          %dma_wait3A_1632 = arith.constant 0 : i32
          %dma_wait3A_1633 = tpu.memref_slice %arg4[%sub3A_1626, %dma_wait3A_1632] : memref<16384x300xf32, #tpu.memory_space<hbm>> -> memref<64x300xf32, #tpu.memory_space<hbm>>
          %dma_wait3A_1634 = arith.constant 0 : i32
          %dma_wait3A_1635 = tpu.memref_slice %arg4[%sub3A_1626, %dma_wait3A_1634] : memref<16384x300xf32, #tpu.memory_space<hbm>> -> memref<64x300xf32, #tpu.memory_space<hbm>>
          tpu.wait_dma2 semaphore(%run_scoped3A_1627 : memref<!tpu.dma_semaphore, #tpu.memory_space<semaphore_mem>>) src(%arg7 : memref<64x300xf32, #tpu.memory_space<vmem>>) dst(%dma_wait3A_1635 : memref<64x300xf32, #tpu.memory_space<hbm>>)
          tpu.yield
        }) : () -> ()
      } else {
      }
    }
    %scan3A_22 = arith.constant 64 : i32
    return
  }
}

module attributes {stable_mosaic.version = 14 : i64} {
  func.func @_pad_body(%arg0: i32, %arg1: memref<300x2048xf32, #tpu.memory_space<vmem>>, %arg2: memref<2048x384xf32, #tpu.memory_space<vmem>>) attributes {dimension_semantics = [#tpu.dimension_semantics<arbitrary>], iteration_bounds = array<i64: 49>, scalar_prefetch = 0 : i64, scratch_operands = 0 : i64, tpu.core_type = #tpu.core_type<tc>, window_params = [{transform_indices = @transform_0, window_bounds = array<i64: 300, 2048>}, {transform_indices = @transform_1, window_bounds = array<i64: 2048, 384>}]} {
    %get3A = arith.constant 0 : index
    %get3A_0 = arith.constant 0 : index
    %get3A_1 = vector.load %arg1[%get3A, %get3A_0] : memref<300x2048xf32, #tpu.memory_space<vmem>>, vector<300x2048xf32>
    %transpose3A = tpu.transpose %get3A_1, [1, 0] : vector<300x2048xf32> -> vector<2048x300xf32>
    %swap3A = arith.constant 0 : index
    %swap3A_2 = arith.constant 0 : index
    %swap3A_3 = vector.load %arg2[%swap3A, %swap3A_2] : memref<2048x384xf32, #tpu.memory_space<vmem>>, vector<2048x300xf32>
    tpu.vector_store %arg2[%swap3A, %swap3A_2], %transpose3A {strides = array<i32>} : memref<2048x384xf32, #tpu.memory_space<vmem>>, vector<2048x300xf32>,
    return
  }
  func.func @transform_0(%arg0: i32) -> (i32, i32) {
    %c0_i32 = arith.constant 0 : i32
    %c0_i32_0 = arith.constant 0 : i32
    return %c0_i32, %arg0 : i32, i32
  }
  func.func @transform_1(%arg0: i32) -> (i32, i32) {
    %c0_i32 = arith.constant 0 : i32
    %c0_i32_0 = arith.constant 0 : i32
    return %arg0, %c0_i32 : i32, i32
  }
}

</mosaic_0001>

<sc_bundles>
// kernel: kernel.4.cloned.1.call-start
scs
__scs_entry_jumppad:
0x0: {  	(pc) =	sbr.rel $0x88, $3  }
0x1: {  	(tag) =	ssettag $0x0;
	lr =	simm.s32 $0x1  }
0x2: {  	[smem:$0x3F9F] =	sst lr;
	_ =	strace $0xD0000000  }
0x3: {  	_ = 	snop  }
0x4: {  	_ = 	snop  }
0x5: {  	_ = 	snop  }
0x6: {  	_ = 	snop  }
0x7: {  	_ = 	snop  }
__scs_overlays_trampoline_lowered:
0x8: {  	[smem:$0x3FAE] =	sst s0  }
0x9: {  	[smem:$0x3FAF] =	sst s1  }
0xa: {  	[smem:$0x3FB0] =	sst s2  }
0xb: {  	[smem:$0x3FB1] =	sst s3  }
0xc: {  	[smem:$0x3FB2] =	sst s4  }
0xd: {  	[smem:$0x3FB3] =	sst s5  }
0xe: {  	[smem:$0x3FB4] =	sst s6  }
0xf: {  	[smem:$0x3FB5] =	sst s7  }
0x10: {  	[smem:$0x3FB6] =	sst s8  }
0x11: {  	[smem:$0x3FB7] =	sst s9;
	s0 =	simm.s32 @!p0 $0x0  }
0x12: {  	s1 =	sld [smem:$0x3F9D];
	s0 =	simm.s32 @p0 $0x1  }
0x13: {  	[smem:$0x3FB8] =	sst s0;
	s0 =	simm.s32 @!p1 $0x0  }
0x14: {  	s2 =	sld [smem:$0x3F9C];
	s0 =	simm.s32 @p1 $0x1  }
0x15: {  	[smem:$0x3FB9] =	sst s0;
	s0 =	simm.s32 @!p2 $0x0  }
0x16: {  	s3 =	sld [smem:$0x3FDB];
	s0 =	simm.s32 @p2 $0x1  }
0x17: {  	s4 =	simm.s32 $0x1BF5;
	[smem:$0x3FBB] =	sst s0  }
0x18: {  	s0 =	sld [smem:$0x3F9E];
	_ =	swait.ge [sflag:s4], $0x0  }
0x19: {  	s7 =	sld [smem:$0x3F9F]  }
0x1a: {  	s8 =	sadd.s32 $0xFFFFE003, lr  }
0x1b: {  	s9 =	sadd.s32 $0xFFFFFEF7, lr;
	s5 =	simm.s32 $0xFFFFFFFF;
	p2 =	slt.u32 s8, $0xFFFFF086  }
0x1c: {  	p1 =	slt.u32 s9, $0xF7A;
	s5 =	simm.s32 @!p2 $0x0  }
0x1d: {  	s5 =	simm.s32 @p1 $0x1;
	p0 =	seq.s32 s7, s2  }
0x1e: {  	s7 =	smul.u32 @!p0 $0xF7A, s2;
	p2 =	seq.s32 @!p0 s5, $0x0  }
0x1f: {  	s9 =	smul.u32 $0xF7A, s1;
	s8 =	simm.s32 @!p0 $0x1BF5;
	p2 =	por !p2, p0  }
0x20: {  	[sflag:s8] =	ssyncset.s32 @!p0 $0xFFFFF086;
	s6 =	sadd.s32 @!p0 s3, s7;
	s7 =	simm.s32 @!p0 $0x108  }
0x21: {  	s3 =	sadd.s32 s3, s9;
	s6 =	sadd.s32 @!p0 $0x88, s6;
	s7 =	simm.s32 @p2 $0x1082  }
0x22: {  	[simem:s7], [sflag:s8] =	dma.local @!p0 [hbm:s6], $0xF7A  }
0x23: {  	s9 =	sor.u32 $0xD0000000, s2;
	s6 =	simm.s32 $0x108;
	_ =	swait.ge @!p0 [sflag:s8], $0x0  }
0x24: {  	s3 =	sadd.s32 $0x88, s3;
	s6 =	simm.s32 @!p1 $0x1082;
	[sflag:s4] =	ssyncset.s32 $0xFFFFF086  }
0x25: {  	[simem:s6], [sflag:s4] =	dma.local [hbm:s3], $0xF7A  }
0x26: {  	[smem:$0x3F9F] =	sst s1;
	(tag) =	ssettag s2;
	_ =	strace s9  }
0x27: {  	s1 =	sld [smem:$0x3FAF]  }
0x28: {  	s2 =	sld [smem:$0x3FB0]  }
0x29: {  	s4 =	sld [smem:$0x3FB2]  }
0x2a: {  	p0 =	seq.s32 s5, $0x0;
	s5 =	sld [smem:$0x3FB3]  }
0x2b: {  	s6 =	sld [smem:$0x3FB4]  }
0x2c: {  	s7 =	sld [smem:$0x3FB5]  }
0x2d: {  	s3 =	simm.s32 $0x108;
	s8 =	sld [smem:$0x3FB6]  }
0x2e: {  	s3 =	simm.s32 @!p0 $0x1082;
	s9 =	sld [smem:$0x3FB7]  }
0x2f: {  	lr =	sadd.s32 s0, s3;
	s0 =	sld [smem:$0x3FAE]  }
0x30: {  	s3 =	sld [smem:$0x3FB1]  }
0x31: {  	[smem:$0x3FBA] =	sst s10  }
0x32: {  	s10 =	sld [smem:$0x3FB8];
	_ =	sdelay $0x3  }
0x33: {  	p0 =	seq.s32 s10, $0x1;
	s10 =	sld [smem:$0x3FBA];
	_ =	sdelay $0x3  }
0x34: {  	[smem:$0x3FBA] =	sst s10  }
0x35: {  	s10 =	sld [smem:$0x3FB9];
	_ =	sdelay $0x3  }
0x36: {  	p1 =	seq.s32 s10, $0x1;
	s10 =	sld [smem:$0x3FBA];
	_ =	sdelay $0x3  }
0x37: {  	[smem:$0x3FBA] =	sst s10  }
0x38: {  	s10 =	sld [smem:$0x3FBB]  }
0x39: {  	_ = 	snop;
	(pc) =	sbr.ind lr, $3  }
0x3a: {  	_ = 	snop  }
0x3b: {  	_ = 	snop  }
0x3c: {  	p2 =	seq.s32 s10, $0x1;
	s10 =	sld [smem:$0x3FBA]  }
0x3d: {  	_ =	shalt  }
0x3e: {  	_ =	shalt  }
0x3f: {  	_ =	shalt  }
0x40: {  	_ =	shalt  }
0x41: {  	_ =	shalt  }
0x42: {  	_ =	shalt  }
0x43: {  	_ =	shalt  }
0x44: {  	_ =	shalt  }
0x45: {  	_ =	shalt  }
0x46: {  	_ =	shalt  }
0x47: {  	_ =	shalt  }
0x48: {  	_ =	shalt  }
0x49: {  	_ =	shalt  }
0x4a: {  	_ =	shalt  }
0x4b: {  	_ =	shalt  }
0x4c: {  	_ =	shalt  }
0x4d: {  	_ =	shalt  }
0x4e: {  	_ =	shalt  }
0x4f: {  	_ =	shalt  }
0x50: {  	_ =	shalt  }
0x51: {  	_ =	shalt  }
0x52: {  	_ =	shalt  }
0x53: {  	_ =	shalt  }
0x54: {  	_ =	shalt  }
0x55: {  	_ =	shalt  }
0x56: {  	_ =	shalt  }
0x57: {  	_ =	shalt  }
0x58: {  	_ =	shalt  }
0x59: {  	_ =	shalt  }
0x5a: {  	_ =	shalt  }
0x5b: {  	_ =	shalt  }
0x5c: {  	_ =	shalt  }
0x5d: {  	_ =	shalt  }
0x5e: {  	_ =	shalt  }
0x5f: {  	_ =	shalt  }
0x60: {  	_ =	shalt  }
0x61: {  	_ =	shalt  }
0x62: {  	_ =	shalt  }
0x63: {  	_ =	shalt  }
0x64: {  	_ =	shalt  }
0x65: {  	_ =	shalt  }
0x66: {  	_ =	shalt  }
0x67: {  	_ =	shalt  }
0x68: {  	_ =	shalt  }
0x69: {  	_ =	shalt  }
0x6a: {  	_ =	shalt  }
0x6b: {  	_ =	shalt  }
0x6c: {  	_ =	shalt  }
0x6d: {  	_ =	shalt  }
0x6e: {  	_ =	shalt  }
0x6f: {  	_ =	shalt  }
0x70: {  	_ =	shalt  }
0x71: {  	_ =	shalt  }
0x72: {  	_ =	shalt  }
0x73: {  	_ =	shalt  }
0x74: {  	_ =	shalt  }
0x75: {  	_ =	shalt  }
0x76: {  	_ =	shalt  }
0x77: {  	_ =	shalt  }
0x78: {  	_ =	shalt  }
0x79: {  	_ =	shalt  }
0x7a: {  	_ =	shalt  }
0x7b: {  	_ =	shalt  }
0x7c: {  	_ =	shalt  }
0x7d: {  	_ =	shalt  }
0x7e: {  	_ =	shalt  }
0x7f: {  	_ =	shalt  }
0x80: {  	_ =	shalt  }
0x81: {  	_ =	shalt  }
0x82: {  	_ =	shalt  }
0x83: {  	_ =	shalt  }
0x84: {  	_ =	shalt  }
0x85: {  	_ =	shalt  }
0x86: {  	_ =	shalt  }
0x87: {  	_ =	shalt  }
.Lfunc_end0:
.L_simem_size_0:
called_computation_lowered:
.L_overlay_start_0:
0x88: {  	s2 =	sld [smem:$0x3FD9]  }
0x89: {  	s3 =	sld [smem:$0x3FFE];
	_ =	sdelay $0x1  }
0x8a: {  	s1 =	srdreg.scid  }
0x8b: {  	s0 =	sand.u32 $0x1, s1  }
0x8c: {  	s17 =	sshll.u32 s0, $0xA;
	s2 =	sadd.s32 s3, s2  }
0x8d: {  	s2 =	sadd.s32 s2, s17  }
0x8e: {  	[smem:$0x3FC6] =	sst s2  }
0x8f: {  	_ = 	snop  }
0x90: {  	s2 =	sld [smem:$0x3FD0];
	(tm) =	ssettm $0x1  }
0x91: {  	s18 =	sld [smem:$0x3FFB];
	_ =	sdelay $0x3  }
0x92: {  	_ =	strace s18  }
0x93: {  	s3 =	sld [smem:$0x3FFC];
	_ =	sdelay $0x3  }
0x94: {  	_ =	strace s3  }
0x95: {  	s3 =	sld [smem:$0x3FFD];
	_ =	sdelay $0x3  }
0x96: {  	_ =	strace s3  }
0x97: {  	_ =	strace $0x8FFFFFFF  }
0x98: {  	s19 =	sld [smem:$0x3FDB];
	_ =	sdelay $0x1  }
0x99: {  	s4 =	simm.s32 $_scs_section_size  }
0x9a: {  	s5 =	simm.s32 $_size__tile_overlayer_lowered;
	s6 =	simm.s32 $_tile_overlayer_lowered  }
0x9b: {  	s22 =	simm.s32 $0x1BFF;
	s21 =	sshll.u32 s6, $0x1;
	s3 =	sadd.s32 s4, s19  }
0x9c: {  	s7 =	simm.s32 $0x0;
	s20 =	sshll.u32 s5, $0x1;
	s5 =	sadd.s32 s21, s3  }
0x9d: {  	[timem:s7], [sflag:s22] =	dma.local [hbm:s5], s20  }
0x9e: {  	_ =	swait.ge [sflag:s22], s20  }
0x9f: {  	s4 =	ssub.s32 $0x0, s20;
	[sflag:s22] =	ssyncset.done $0x0  }
0xa0: {  	[sflag:s22] =	ssyncadd.s32 s4;
	_ =	sdelay $0x1  }
0xa1: {  	s23 =	simm.s32 $0x1B8B  }
0xa2: {  	_ =	swait.ge [sflag:s23], $0x1  }
0xa3: {  	[sflag:s23] =	ssyncset.done $0x0  }
0xa4: {  	s25 =	simm.s32 $0x1B8E;
	s24 =	sld [smem:$0x3FFE];
	[sflag:s23] =	ssyncadd.s32 $0xFFFFFFFF  }
0xa5: {  	s26 =	simm.s32 $execute0_lowered;
	[smem:$0x3FD2] =	sst s25  }
0xa6: {  	s5 =	sshll.u32 s26, $0x1;
	_ =	strace $0x80000046;
	[dreg:$0x1] =	wrdreg $0xFFFFFFFF  }
0xa7: {  	s28 =	simm.s32 $_size_execute0_lowered;
	s3 =	sadd.s32 s3, s5;
	[dreg:$0x0] =	wrdreg $0x0  }
0xa8: {  	s5 =	sshll.u32 s28, $0x1;
	[dreg:$0x2] =	wrdreg s3  }
0xa9: {  	[dreg:$0x3] =	wrdreg s5  }
0xaa: {  	[dreg:$0x4] =	wrdreg $0xC0  }
0xab: {  	_ =	task [dreg:s7], $0x5FFFF  }
0xac: {  	[dreg:$0x1] =	wrdreg $0xFFFFFFFF  }
0xad: {  	[dreg:$0x0] =	wrdreg $0x60  }
0xae: {  	[dreg:$0x2] =	wrdreg s2  }
0xaf: {  	[dreg:$0x3] =	wrdreg s24  }
0xb0: {  	[dreg:$0x4] =	wrdreg $0x9  }
0xb1: {  	_ =	task.clear_ibuf [dreg:s7], $0x5FFFF;
	_ =	strace $0x90000046  }
0xb2: {  	s29 =	simm.s32 $0x9;
	_ =	strace $0x80000048  }
0xb3: {  	_ =	swait.ge [sflag:s29], $0x1  }
0xb4: {  	[sflag:s29] =	ssyncadd.s32 $0xFFFFFFFF  }
0xb5: {  	_ =	strace $0x90000048  }
0xb6: {  	_ =	sfence  }
0xb7: {  	s30 =	sld [smem:$0x0];
	_ =	sdelay $0x2  }
0xb8: {  	s31 =	sshll.u32 s1, $0xD;
	s1 =	sshrl.u32 s1, $0x2  }
0xb9: {  	s3 =	sand.u32 $0x4000, s31;
	s1 =	sadd.s32 s1, s30  }
0xba: {  	s0 =	sor.u32 s3, s0;
	s1 =	sshll.u32 s1, $0x11  }
0xbb: {  	s0 =	sor.u32 s1, s0  }
0xbc: {  	s0 =	sadd.s32 $0x8F2B, s0  }
0xbd: {  	[sflag:s0] =	ssyncadd.remote.s32 $0x1  }
0xbe: {  	_ =	sfence.sel $0xFFFF  }
0xbf: {  	[dreg:$0x0] =	wrdreg $0xFFFFFFFF;
	(pc) =	sbr.abs _section_cstart, $3  }
0xc0: {  	[dreg:$0x1] =	wrdreg $0xFFFFFFFF  }
0xc1: {  	_ =	task.clear_ibuf [dreg:s7], $0x2FFFF;
	_ =	strace $0x9FFFFFFF  }
0xc2: {  	(tm) =	ssettm $0x7FFFFFFF  }
0xc3: {  	_ =	shalt  }
tec
execute0_lowered:
.L_overlay_start_1:
0x0: {  	(tag) =	ssettag $0x1  }
0x1: {  	s1 =	rddreg [dreg:$0x0]  }
0x2: {  	s0 =	rddreg [dreg:$0x1]  }
0x3: {  	s3 =	simm.s32 $0x0;
	s2 =	srdreg.scid;
	s4 =	stileid.u32  }
0x4: {  	s11 =	simm.s32 $0x4;
	s20 =	simm.s32 $0xA900;
	s21 =	simm.s32 $0xB100  }
0x5: {  	s22 =	simm.s32 $0xB500;
	s23 =	simm.s32 $0xBD00;
	s28 =	simm.s32 $0xD500  }
0x6: {  	s29 =	simm.s32 $0xD900;
	s30 =	simm.s32 $0xE100;
	s31 =	simm.s32 $0xE500  }
0x7: {  	s9 =	simm.s32 $0x2;
	s2 =	sand.u32 $0x1, s2;
	s4 =	sshll.u32 s4, $0x1  }
0x8: {  	s12 =	simm.s32 $0x0;
	s6 =	ssub.s32 $0x2, s2;
	s2 =	sor.u32 s2, s4  }
0x9: {  	[smem:$0x7FF] =	sst s3;
	s5 =	sadd.s32 $0x494200, s0;
	s8 =	smul.u32 $0x500, s2  }
0xa: {  	_ =	strace $0x80000047;
	s4 =	sadd.s32 $0x400, s0;
	s7 =	sshrl.u32 s6, $0x1  }
0xb: {  	s7 =	ssub.s32 s6, s7;
	s6 =	sshll.u32 s2, $0x9;
	s24 =	sadd.s32 s1, s8  }
0xc: {  	s2 =	simm.s32 $0x1;
	s25 =	sor.u32 $0x8, s6;
	[dreg:$0x3] =	wrdreg s24  }
0xd: {  	v2 =	vlaneseq.u32;
	vm0 =	vmmov $0xffff;
	vm1 =	vmmov $0xff;
	s8 =	sadd.s32 $0x500, s0;
	s26 =	smax.u32 s7, $0x1;
	[dreg:$0x4] =	wrdreg s25  }
0xe: {  	v3 =	vimm.s32 $0x0;
	vm2 =	vcmask $0x3F30;
	v1 =	vshrl.u32 v2, $0x3;
	s10 =	sadd.s32 $0xFFFFFFC8, s6;
	s0 =	simm.s32 $0xED00;
	[dreg:$0x5] =	wrdreg s26  }
0xf: {  	v0 =	vand.u32 $0x7, v2;
	v2 =	vor.u32 $0x8, v2;
	v1 =	vmul.u32 $0x8, v1;
	s24 =	simm.s32 $0xC100;
	s25 =	simm.s32 $0xC900;
	s26 =	simm.s32 $0xCD00  }
.LBB2_1:
0x10: {  	[dreg:$0x6] =	wrdreg s12  }
0x11: {  	s7 =	rddreg [dreg:$0x3];
	s15 =	simm.s32 $0x3  }
0x12: {  	[tilespmem:s3], [sflag:$0x3] =	stream.linear.gather [hbm4b:s7+s3], $0x50, $0x38;
	[tilespmem:$0x15100] =	vst v63  }
0x13: {  	_ =	swait.ge [sflag:s15], $0x50  }
0x14: {  	[sflag:s15] =	ssyncset.done $0x0  }
0x15: {  	[sflag:s15] =	ssyncadd.s32 $0xFFFFFFB0  }
0x16: {  	v4 =	vld [tilespmem:$0x0];
	_ =	sdelay $0x4  }
0x17: {  	v5 =	vshrl.u32 v4, $0x3  }
0x18: {  	v5 =	vmul.u32 $0x18, v5  }
0x19: {  	v4 =	vand.u32 $0x7, v4  }
0x1a: {  	v4 =	vor.u32 v4, v5  }
0x1b: {  	v5 =	vperm.xlane v4, v0;
	_ =	sdelay $0x1  }
0x1c: {  	v5 =	vadd.s32 v1, v5;
	_ =	sdelay $0x1  }
0x1d: {  	v4 =	vperm.xlane v4, v2;
	_ =	sdelay $0x1  }
0x1e: {  	s16 =	simm.s32 $0x100;
	v4 =	vadd.s32 v1, v4  }
0x1f: {  	[tilespmem:s16], [sflag:$0x1] =	stream.indirect_vreg.gather [hbm4b:s4+s3], $0x80, v5, vm0, $0xb8;
	[tilespmem:$0x15100] =	vst v63  }
0x20: {  	s17 =	simm.s32 $0x900  }
0x21: {  	[tilespmem:s17], [sflag:$0x1] =	stream.indirect_vreg.gather [hbm4b:s8+s3], $0x80, v5, vm1, $0xb8;
	[tilespmem:$0x15100] =	vst v63  }
0x22: {  	s18 =	simm.s32 $0xD00  }
0x23: {  	[tilespmem:s18], [sflag:$0x1] =	stream.indirect_vreg.gather [hbm4b:s4+s3], $0x80, v4, vm0, $0xb8;
	[tilespmem:$0x15100] =	vst v63  }
0x24: {  	s19 =	simm.s32 $0x1500  }
0x25: {  	[tilespmem:s19], [sflag:$0x1] =	stream.indirect_vreg.gather [hbm4b:s8+s3], $0x80, v4, vm1, $0xb8;
	[tilespmem:$0x15100] =	vst v63  }
0x26: {  	v4 =	vld [tilespmem:$0x10];
	_ =	sdelay $0x4  }
0x27: {  	v5 =	vshrl.u32 v4, $0x3  }
0x28: {  	v5 =	vmul.u32 $0x18, v5  }
0x29: {  	v4 =	vand.u32 $0x7, v4  }
0x2a: {  	v4 =	vor.u32 v4, v5  }
0x2b: {  	v5 =	vperm.xlane v4, v0;
	_ =	sdelay $0x1  }
0x2c: {  	v5 =	vadd.s32 v1, v5;
	_ =	sdelay $0x1  }
0x2d: {  	v4 =	vperm.xlane v4, v2;
	_ =	sdelay $0x1  }
0x2e: {  	s12 =	simm.s32 $0x1900;
	v4 =	vadd.s32 v1, v4  }
0x2f: {  	[tilespmem:s12], [sflag:$0x1] =	stream.indirect_vreg.gather [hbm4b:s4+s3], $0x80, v5, vm0, $0xb8;
	[tilespmem:$0x15100] =	vst v63  }
0x30: {  	s13 =	simm.s32 $0x2100  }
0x31: {  	[tilespmem:s13], [sflag:$0x1] =	stream.indirect_vreg.gather [hbm4b:s8+s3], $0x80, v5, vm1, $0xb8;
	[tilespmem:$0x15100] =	vst v63  }
0x32: {  	s14 =	simm.s32 $0x2500  }
0x33: {  	[tilespmem:s14], [sflag:$0x1] =	stream.indirect_vreg.gather [hbm4b:s4+s3], $0x80, v4, vm0, $0xb8;
	[tilespmem:$0x15100] =	vst v63  }
0x34: {  	s15 =	simm.s32 $0x2D00  }
0x35: {  	[tilespmem:s15], [sflag:$0x1] =	stream.indirect_vreg.gather [hbm4b:s8+s3], $0x80, v4, vm1, $0xb8;
	[tilespmem:$0x15100] =	vst v63  }
0x36: {  	v4 =	vld [tilespmem:$0x20];
	_ =	sdelay $0x4  }
0x37: {  	v5 =	vshrl.u32 v4, $0x3  }
0x38: {  	v5 =	vmul.u32 $0x18, v5  }
0x39: {  	v4 =	vand.u32 $0x7, v4  }
0x3a: {  	v4 =	vor.u32 v4, v5  }
0x3b: {  	v5 =	vperm.xlane v4, v0;
	_ =	sdelay $0x1  }
0x3c: {  	v5 =	vadd.s32 v1, v5;
	_ =	sdelay $0x1  }
0x3d: {  	v4 =	vperm.xlane v4, v2;
	_ =	sdelay $0x1  }
0x3e: {  	s16 =	simm.s32 $0x3100;
	v4 =	vadd.s32 v1, v4  }
0x3f: {  	[tilespmem:s16], [sflag:$0x1] =	stream.indirect_vreg.gather [hbm4b:s4+s3], $0x80, v5, vm0, $0xb8;
	[tilespmem:$0x15100] =	vst v63  }
0x40: {  	s17 =	simm.s32 $0x3900  }
0x41: {  	[tilespmem:s17], [sflag:$0x1] =	stream.indirect_vreg.gather [hbm4b:s8+s3], $0x80, v5, vm1, $0xb8;
	[tilespmem:$0x15100] =	vst v63  }
0x42: {  	s18 =	simm.s32 $0x3D00  }
0x43: {  	[tilespmem:s18], [sflag:$0x1] =	stream.indirect_vreg.gather [hbm4b:s4+s3], $0x80, v4, vm0, $0xb8;
	[tilespmem:$0x15100] =	vst v63  }
0x44: {  	s19 =	simm.s32 $0x4500  }
0x45: {  	[tilespmem:s19], [sflag:$0x1] =	stream.indirect_vreg.gather [hbm4b:s8+s3], $0x80, v4, vm1, $0xb8;
	[tilespmem:$0x15100] =	vst v63  }
0x46: {  	v4 =	vld [tilespmem:$0x30];
	_ =	sdelay $0x4  }
0x47: {  	v5 =	vshrl.u32 v4, $0x3  }
0x48: {  	v5 =	vmul.u32 $0x18, v5  }
0x49: {  	v4 =	vand.u32 $0x7, v4  }
0x4a: {  	v4 =	vor.u32 v4, v5  }
0x4b: {  	v5 =	vperm.xlane v4, v0;
	_ =	sdelay $0x1  }
0x4c: {  	v5 =	vadd.s32 v1, v5;
	_ =	sdelay $0x1  }
0x4d: {  	v4 =	vperm.xlane v4, v2;
	_ =	sdelay $0x1  }
0x4e: {  	s12 =	simm.s32 $0x4900;
	v4 =	vadd.s32 v1, v4  }
0x4f: {  	[tilespmem:s12], [sflag:$0x1] =	stream.indirect_vreg.gather [hbm4b:s4+s3], $0x80, v5, vm0, $0xb8;
	[tilespmem:$0x15100] =	vst v63  }
0x50: {  	s13 =	simm.s32 $0x5100  }
0x51: {  	[tilespmem:s13], [sflag:$0x1] =	stream.indirect_vreg.gather [hbm4b:s8+s3], $0x80, v5, vm1, $0xb8;
	[tilespmem:$0x15100] =	vst v63  }
0x52: {  	s14 =	simm.s32 $0x5500  }
0x53: {  	[tilespmem:s14], [sflag:$0x1] =	stream.indirect_vreg.gather [hbm4b:s4+s3], $0x80, v4, vm0, $0xb8;
	[tilespmem:$0x15100] =	vst v63  }
0x54: {  	s15 =	simm.s32 $0x5D00  }
0x55: {  	[tilespmem:s15], [sflag:$0x1] =	stream.indirect_vreg.gather [hbm4b:s8+s3], $0x80, v4, vm1, $0xb8;
	[tilespmem:$0x15100] =	vst v63  }
0x56: {  	v4 =	vld [tilespmem:$0x40];
	_ =	sdelay $0x4  }
0x57: {  	v5 =	vshrl.u32 v4, $0x3  }
0x58: {  	v5 =	vmul.u32 $0x18, v5  }
0x59: {  	v4 =	vand.u32 $0x7, v4  }
0x5a: {  	v4 =	vor.u32 v4, v5  }
0x5b: {  	v5 =	vperm.xlane v4, v0;
	_ =	sdelay $0x1  }
0x5c: {  	v5 =	vadd.s32 v1, v5;
	_ =	sdelay $0x1  }
0x5d: {  	v4 =	vperm.xlane v4, v2;
	_ =	sdelay $0x1  }
0x5e: {  	s16 =	simm.s32 $0x6100;
	v4 =	vadd.s32 v1, v4  }
0x5f: {  	[tilespmem:s16], [sflag:$0x1] =	stream.indirect_vreg.gather [hbm4b:s4+s3], $0x80, v5, vm0, $0xb8;
	[tilespmem:$0x15100] =	vst v63  }
0x60: {  	s17 =	simm.s32 $0x6900  }
0x61: {  	[tilespmem:s17], [sflag:$0x1] =	stream.indirect_vreg.gather [hbm4b:s8+s3], $0x80, v5, vm1, $0xb8;
	[tilespmem:$0x15100] =	vst v63  }
0x62: {  	s18 =	simm.s32 $0x6D00  }
0x63: {  	[tilespmem:s18], [sflag:$0x1] =	stream.indirect_vreg.gather [hbm4b:s4+s3], $0x80, v4, vm0, $0xb8;
	[tilespmem:$0x15100] =	vst v63  }
0x64: {  	s7 =	simm.s32 $0x0;
	s19 =	simm.s32 $0x7500  }
0x65: {  	[tilespmem:s19], [sflag:$0x1] =	stream.indirect_vreg.gather [hbm4b:s8+s3], $0x80, v4, vm1, $0xb8;
	[tilespmem:$0x15100] =	vst v63  }
.LBB2_2:
0x66: {  	s12 =	sshll.u32 s7, $0x3  }
0x67: {  	s13 =	sadd.s32 s12, s6  }
0x68: {  	s13 =	smul.u32 $0x14, s13;
	_ =	sdelay $0x1  }
0x69: {  	s13 =	sadd.s32 $0x50, s13  }
0x6a: {  	s13 =	sshrl.u32 s13, $0x3  }
0x6b: {  	s15 =	simm.s32 $0x80;
	s14 =	sadd.s32 s1, s13;
	s13 =	simm.s32 $0x0  }
0x6c: {  	[tilespmem:s15], [sflag:$0x4] =	stream.linear.gather [hbm4b:s14+s13], $0x50, $0x38;
	[tilespmem:$0x15100] =	vst v63  }
0x6d: {  	_ =	swait.ge [sflag:s11], $0x50  }
0x6e: {  	[sflag:s11] =	ssyncset.done $0x0  }
0x6f: {  	[sflag:s11] =	ssyncadd.s32 $0xFFFFFFB0  }
0x70: {  	v4 =	vld [tilespmem:$0x80];
	_ =	sdelay $0x4  }
0x71: {  	v5 =	vshrl.u32 v4, $0x3  }
0x72: {  	v5 =	vmul.u32 $0x18, v5  }
0x73: {  	v4 =	vand.u32 $0x7, v4  }
0x74: {  	v4 =	vor.u32 v4, v5  }
0x75: {  	v5 =	vperm.xlane v4, v0;
	_ =	sdelay $0x1  }
0x76: {  	v5 =	vadd.s32 v1, v5;
	_ =	sdelay $0x1  }
0x77: {  	v4 =	vperm.xlane v4, v2;
	_ =	sdelay $0x1  }
0x78: {  	s15 =	simm.s32 $0x7900;
	v4 =	vadd.s32 v1, v4  }
0x79: {  	[tilespmem:s15], [sflag:$0x2] =	stream.indirect_vreg.gather [hbm4b:s4+s13], $0x80, v5, vm0, $0xb8;
	[tilespmem:$0x15100] =	vst v63  }
0x7a: {  	s16 =	simm.s32 $0x8100  }
0x7b: {  	[tilespmem:s16], [sflag:$0x2] =	stream.indirect_vreg.gather [hbm4b:s8+s13], $0x80, v5, vm1, $0xb8;
	[tilespmem:$0x15100] =	vst v63  }
0x7c: {  	s17 =	simm.s32 $0x8500  }
0x7d: {  	[tilespmem:s17], [sflag:$0x2] =	stream.indirect_vreg.gather [hbm4b:s4+s13], $0x80, v4, vm0, $0xb8;
	[tilespmem:$0x15100] =	vst v63  }
0x7e: {  	s18 =	simm.s32 $0x8D00  }
0x7f: {  	[tilespmem:s18], [sflag:$0x2] =	stream.indirect_vreg.gather [hbm4b:s8+s13], $0x80, v4, vm1, $0xb8;
	[tilespmem:$0x15100] =	vst v63  }
0x80: {  	v4 =	vld [tilespmem:$0x90];
	_ =	sdelay $0x4  }
0x81: {  	v5 =	vshrl.u32 v4, $0x3  }
0x82: {  	v5 =	vmul.u32 $0x18, v5  }
0x83: {  	v4 =	vand.u32 $0x7, v4  }
0x84: {  	v4 =	vor.u32 v4, v5  }
0x85: {  	v5 =	vperm.xlane v4, v0;
	_ =	sdelay $0x1  }
0x86: {  	v5 =	vadd.s32 v1, v5;
	_ =	sdelay $0x1  }
0x87: {  	v4 =	vperm.xlane v4, v2;
	_ =	sdelay $0x1  }
0x88: {  	s19 =	simm.s32 $0x9100;
	v4 =	vadd.s32 v1, v4  }
0x89: {  	[tilespmem:s19], [sflag:$0x2] =	stream.indirect_vreg.gather [hbm4b:s4+s13], $0x80, v5, vm0, $0xb8;
	[tilespmem:$0x15100] =	vst v63  }
0x8a: {  	s15 =	simm.s32 $0x9900  }
0x8b: {  	[tilespmem:s15], [sflag:$0x2] =	stream.indirect_vreg.gather [hbm4b:s8+s13], $0x80, v5, vm1, $0xb8;
	[tilespmem:$0x15100] =	vst v63  }
0x8c: {  	s16 =	simm.s32 $0x9D00  }
0x8d: {  	[tilespmem:s16], [sflag:$0x2] =	stream.indirect_vreg.gather [hbm4b:s4+s13], $0x80, v4, vm0, $0xb8;
	[tilespmem:$0x15100] =	vst v63  }
0x8e: {  	s17 =	simm.s32 $0xA500  }
0x8f: {  	[tilespmem:s17], [sflag:$0x2] =	stream.indirect_vreg.gather [hbm4b:s8+s13], $0x80, v4, vm1, $0xb8;
	[tilespmem:$0x15100] =	vst v63  }
0x90: {  	v4 =	vld [tilespmem:$0xA0];
	_ =	sdelay $0x4  }
0x91: {  	v5 =	vshrl.u32 v4, $0x3  }
0x92: {  	v5 =	vmul.u32 $0x18, v5  }
0x93: {  	v4 =	vand.u32 $0x7, v4  }
0x94: {  	v4 =	vor.u32 v4, v5  }
0x95: {  	v5 =	vperm.xlane v4, v0;
	_ =	sdelay $0x1  }
0x96: {  	v5 =	vadd.s32 v1, v5;
	_ =	sdelay $0x1  }
0x97: {  	v4 =	vperm.xlane v4, v2;
	_ =	sdelay $0x1  }
0x98: {  	v4 =	vadd.s32 v1, v4  }
0x99: {  	[tilespmem:s20], [sflag:$0x2] =	stream.indirect_vreg.gather [hbm4b:s4+s13], $0x80, v5, vm0, $0xb8;
	[tilespmem:$0x15100] =	vst v63  }
0x9a: {  	_ = 	snop  }
0x9b: {  	[tilespmem:s21], [sflag:$0x2] =	stream.indirect_vreg.gather [hbm4b:s8+s13], $0x80, v5, vm1, $0xb8;
	[tilespmem:$0x15100] =	vst v63  }
0x9c: {  	_ = 	snop  }
0x9d: {  	[tilespmem:s22], [sflag:$0x2] =	stream.indirect_vreg.gather [hbm4b:s4+s13], $0x80, v4, vm0, $0xb8;
	[tilespmem:$0x15100] =	vst v63  }
0x9e: {  	_ = 	snop  }
0x9f: {  	[tilespmem:s23], [sflag:$0x2] =	stream.indirect_vreg.gather [hbm4b:s8+s13], $0x80, v4, vm1, $0xb8;
	[tilespmem:$0x15100] =	vst v63  }
0xa0: {  	v4 =	vld [tilespmem:$0xB0];
	_ =	sdelay $0x4  }
0xa1: {  	v5 =	vshrl.u32 v4, $0x3  }
0xa2: {  	v5 =	vmul.u32 $0x18, v5  }
0xa3: {  	v4 =	vand.u32 $0x7, v4  }
0xa4: {  	v4 =	vor.u32 v4, v5  }
0xa5: {  	v5 =	vperm.xlane v4, v0;
	_ =	sdelay $0x1  }
0xa6: {  	v5 =	vadd.s32 v1, v5;
	_ =	sdelay $0x1  }
0xa7: {  	v4 =	vperm.xlane v4, v2;
	_ =	sdelay $0x1  }
0xa8: {  	v4 =	vadd.s32 v1, v4  }
0xa9: {  	[tilespmem:s24], [sflag:$0x2] =	stream.indirect_vreg.gather [hbm4b:s4+s13], $0x80, v5, vm0, $0xb8;
	[tilespmem:$0x15100] =	vst v63  }
0xaa: {  	_ = 	snop  }
0xab: {  	[tilespmem:s25], [sflag:$0x2] =	stream.indirect_vreg.gather [hbm4b:s8+s13], $0x80, v5, vm1, $0xb8;
	[tilespmem:$0x15100] =	vst v63  }
0xac: {  	_ = 	snop  }
0xad: {  	[tilespmem:s26], [sflag:$0x2] =	stream.indirect_vreg.gather [hbm4b:s4+s13], $0x80, v4, vm0, $0xb8;
	[tilespmem:$0x15100] =	vst v63  }
0xae: {  	_ = 	snop  }
0xaf: {  	[tilespmem:s28], [sflag:$0x2] =	stream.indirect_vreg.gather [hbm4b:s8+s13], $0x80, v4, vm1, $0xb8;
	[tilespmem:$0x15100] =	vst v63  }
0xb0: {  	v4 =	vld [tilespmem:$0xC0];
	_ =	sdelay $0x4  }
0xb1: {  	v5 =	vshrl.u32 v4, $0x3  }
0xb2: {  	v5 =	vmul.u32 $0x18, v5  }
0xb3: {  	v4 =	vand.u32 $0x7, v4  }
0xb4: {  	v4 =	vor.u32 v4, v5  }
0xb5: {  	v5 =	vperm.xlane v4, v0;
	_ =	sdelay $0x1  }
0xb6: {  	v5 =	vadd.s32 v1, v5;
	_ =	sdelay $0x1  }
0xb7: {  	v4 =	vperm.xlane v4, v2;
	_ =	sdelay $0x1  }
0xb8: {  	v4 =	vadd.s32 v1, v4  }
0xb9: {  	[tilespmem:s29], [sflag:$0x2] =	stream.indirect_vreg.gather [hbm4b:s4+s13], $0x80, v5, vm0, $0xb8;
	[tilespmem:$0x15100] =	vst v63  }
0xba: {  	_ = 	snop  }
0xbb: {  	[tilespmem:s30], [sflag:$0x2] =	stream.indirect_vreg.gather [hbm4b:s8+s13], $0x80, v5, vm1, $0xb8;
	[tilespmem:$0x15100] =	vst v63  }
0xbc: {  	s18 =	simm.s32 $0x0  }
0xbd: {  	[tilespmem:s31], [sflag:$0x2] =	stream.indirect_vreg.gather [hbm4b:s4+s13], $0x80, v4, vm0, $0xb8;
	[tilespmem:$0x15100] =	vst v63  }
0xbe: {  	s14 =	smul.u32 $0x3000, s18  }
0xbf: {  	[tilespmem:s0], [sflag:$0x2] =	stream.indirect_vreg.gather [hbm4b:s8+s13], $0x80, v4, vm1, $0xb8;
	[tilespmem:$0x15100] =	vst v63  }
0xc0: {  	_ =	swait.ge [sflag:s2], $0x7800  }
0xc1: {  	s14 =	sshra.s32 s14, $0x2;
	s19 =	sand.u32 $0x380, s13;
	[sflag:s2] =	ssyncset.done $0x0  }
0xc2: {  	s14 =	sor.u32 s19, s14;
	[sflag:s2] =	ssyncadd.s32 $0xFFFF8800  }
0xc3: {  	v4 =	vld [tilespmem:s14+$0x91C]  }
0xc4: {  	v5 =	vld [tilespmem:s14+$0x100]  }
0xc5: {  	v6 =	vld [tilespmem:s14+$0x110]  }
0xc6: {  	v8 =	vld [tilespmem:s14+$0x120]  }
0xc7: {  	v9 =	vld [tilespmem:s14+$0x130]  }
0xc8: {  	v10 =	vld [tilespmem:s14+$0x140]  }
0xc9: {  	v11 =	vld [tilespmem:s14+$0x150]  }
0xca: {  	v12 =	vld [tilespmem:s14+$0x160]  }
0xcb: {  	v7 =	vimm.f32 $0.0e+00;
	v13 =	vld [tilespmem:s14+$0x170]  }
0xcc: {  	v14 =	vld [tilespmem:s14+$0x500];
	v4 =	vadd.f32 v4, v7  }
0xcd: {  	v22 =	vadd.f32 v5, v7;
	v21 =	vadd.f32 v6, v7  }
0xce: {  	v20 =	vadd.f32 v8, v7;
	v19 =	vadd.f32 v9, v7  }
0xcf: {  	v27 =	vld [tilespmem:s14+$0x510];
	v18 =	vadd.f32 v10, v7;
	v17 =	vadd.f32 v11, v7  }
0xd0: {  	v26 =	vld [tilespmem:s14+$0x520];
	v16 =	vadd.f32 v12, v7;
	v15 =	vadd.f32 v13, v7  }
0xd1: {  	v23 =	vld [tilespmem:s14+$0x530];
	v13 =	vadd.f32 v14, v7;
	v14 =	vimm.f32 $0.0e+00;
	v12 =	vimm.f32 $0.0e+00  }
0xd2: {  	v24 =	vld [tilespmem:s14+$0x540];
	v11 =	vimm.f32 $0.0e+00;
	v10 =	vimm.f32 $0.0e+00;
	v8 =	vimm.f32 $0.0e+00  }
0xd3: {  	s15 =	simm.s32 $0x2;
	s16 =	simm.s32 $0x0;
	v25 =	vld [tilespmem:s14+$0x550];
	v9 =	vimm.f32 $0.0e+00;
	v6 =	vimm.f32 $0.0e+00;
	v5 =	vimm.f32 $0.0e+00  }
.LBB2_3:
0xd4: {  	p0 =	sne.s32 s15, $0x13;
	s16 =	smul.u32 $0x3000, s16;
	v7 =	vadd.f32 v27, v7;
	v27 =	vld [tilespmem:s14+$0x560]  }
0xd5: {  	s13 =	sadd.s32 $0x80, s13;
	v14 =	vadd.f32 v26, v14;
	v26 =	vld [tilespmem:s14+$0x570]  }
0xd6: {  	s17 =	sand.u32 $0x380, s13;
	s16 =	sshra.s32 s16, $0x2;
	v12 =	vadd.f32 v23, v12;
	v23 =	vld [tilespmem:s14+$0x900]  }
0xd7: {  	v11 =	vadd.f32 v24, v11;
	v24 =	vld [tilespmem:s14+$0x910];
	s14 =	sor.u32 s17, s16  }
0xd8: {  	v28 =	vld [tilespmem:s14+$0x91C];
	v10 =	vadd.f32 v25, v10  }
0xd9: {  	v25 =	vld [tilespmem:s14+$0x100];
	v8 =	vadd.f32 v27, v8  }
0xda: {  	v27 =	vld [tilespmem:s14+$0x110];
	v9 =	vadd.f32 v26, v9  }
0xdb: {  	v26 =	vld [tilespmem:s14+$0x120];
	v6 =	vadd.f32 v23, v6  }
0xdc: {  	v23 =	vld [tilespmem:s14+$0x130];
	v5 =	vadd.f32 v24, v5  }
0xdd: {  	v24 =	vld [tilespmem:s14+$0x140];
	v4 =	vadd.f32 v28, v4  }
0xde: {  	v22 =	vadd.f32 v25, v22;
	v25 =	vld [tilespmem:s14+$0x150]  }
0xdf: {  	v21 =	vadd.f32 v27, v21;
	v28 =	vld [tilespmem:s14+$0x160]  }
0xe0: {  	v20 =	vadd.f32 v26, v20;
	v29 =	vld [tilespmem:s14+$0x170]  }
0xe1: {  	v19 =	vadd.f32 v23, v19;
	v30 =	vld [tilespmem:s14+$0x500]  }
.Ltmp0:
0xe2: {  	v18 =	vadd.f32 v24, v18;
	v27 =	vld [tilespmem:s14+$0x510];
	(pc) =	sbr.rel @p0 .LBB2_3-.Ltmp0, $4  }
0xe3: {  	v17 =	vadd.f32 v25, v17;
	v26 =	vld [tilespmem:s14+$0x520]  }
0xe4: {  	v16 =	vadd.f32 v28, v16;
	v23 =	vld [tilespmem:s14+$0x530]  }
0xe5: {  	v15 =	vadd.f32 v29, v15;
	v24 =	vld [tilespmem:s14+$0x540]  }
0xe6: {  	s16 =	sshrl.u32 s15, $0x3;
	s15 =	sadd.s32 $0x1, s15;
	v13 =	vadd.f32 v30, v13;
	v25 =	vld [tilespmem:s14+$0x550]  }
0xe7: {  	v28 =	vld [tilespmem:$0x0]  }
0xe8: {  	v29 =	vld [tilespmem:$0x4];
	_ =	sdelay $0x4  }
0xe9: {  	vm3 =	vne.s32 v28, $0x0;
	vm4 =	vne.s32 v29, $0x0  }
0xea: {  	v28 =	vsel vm3, $0x1, v3;
	vm3 =	vmand vm4, vm2  }
0xeb: {  	(xrf0) =	vadd.scan.msk.s32 $0xffff, v28;
	v28 =	vsel vm3, $0x1, v3  }
0xec: {  	(xrf0) =	vadd.scan.msk.s32 $0xffff, v28;
	_ =	sdelay $0x4  }
0xed: {  	v28, _, _ =	vpop (xrf0)  }
0xee: {  	(v2sf) =	vpush v28, $0xF;
	v28, _, _ =	vpop (xrf0)  }
0xef: {  	(v2sf) =	vpush v28, $0xF;
	_ =	sdelay $0x8  }
0xf0: {  	s15 =	smul.u32 $0x3000, s16  }
0xf1: {  	s13 =	sadd.s32 $0x80, s13  }
0xf2: {  	v30 =	vld [tilespmem:s14+$0x900];
	s13 =	sand.u32 $0x380, s13;
	s15 =	sshra.s32 s15, $0x2  }
0xf3: {  	v31 =	vld [tilespmem:s14+$0x910];
	s13 =	sor.u32 s13, s15  }
0xf4: {  	v32 =	vld [tilespmem:s13+$0x91C]  }
0xf5: {  	v33 =	vld [tilespmem:s13+$0x100];
	s19 =	spop (v2sf)  }
0xf6: {  	v29 =	vld [tilespmem:s14+$0x570];
	s17 =	spop (v2sf)  }
0xf7: {  	v28 =	vld [tilespmem:s14+$0x560];
	s14 =	sadd.s32 s19, s17  }
0xf8: {  	v34 =	vld [tilespmem:s13+$0x110];
	v35 =	vmov s14  }
0xf9: {  	v36 =	vld [tilespmem:s13+$0x120];
	v35 =	vcvt.s32.f32 v35  }
0xfa: {  	v37 =	vld [tilespmem:s13+$0x130]  }
0xfb: {  	v38 =	vld [tilespmem:s13+$0x140];
	v35 =	vbroadcast v35, $0x0  }
0xfc: {  	v39 =	vld [tilespmem:s13+$0x150]  }
0xfd: {  	v40 =	vld [tilespmem:s13+$0x160];
	(erf) = vrcp.f32 v35  }
0xfe: {  	v59 =	vld [tilespmem:s13+$0x170]  }
0xff: {  	v41 =	vld [tilespmem:s13+$0x500]  }
0x100: {  	v42 =	vld [tilespmem:s13+$0x510]  }
0x101: {  	v43 =	vld [tilespmem:s13+$0x520]  }
0x102: {  	v44 =	vld [tilespmem:s13+$0x530]  }
0x103: {  	v45 =	vld [tilespmem:s13+$0x540]  }
0x104: {  	v46 =	vld [tilespmem:s13+$0x550]  }
0x105: {  	v60 =	vld [tilespmem:s13+$0x560];
	v22 =	vadd.f32 v33, v22;
	s14 =	sand.u32 $0x7, s7  }
0x106: {  	v61 =	vld [tilespmem:s13+$0x570];
	v21 =	vadd.f32 v34, v21;
	s18 =	smul.u32 $0x3000, s14;
	v47 =	vpop (erf)  }
0x107: {  	v62 =	vld [tilespmem:s13+$0x900];
	v20 =	vadd.f32 v36, v20;
	v22 =	vmul.f32 v47, v22  }
0x108: {  	v63 =	vld [tilespmem:s13+$0x910];
	v19 =	vadd.f32 v37, v19;
	s13 =	sshrl.u32 s18, $0x2;
	v21 =	vmul.f32 v47, v21  }
0x109: {  	v18 =	vadd.f32 v38, v18;
	v20 =	vmul.f32 v47, v20;
	[tilespmem:s13+$0xF100] =	vst v22  }
0x10a: {  	v17 =	vadd.f32 v39, v17;
	v19 =	vmul.f32 v47, v19;
	[tilespmem:s13+$0xF110] =	vst v21  }
0x10b: {  	v16 =	vadd.f32 v40, v16;
	v18 =	vmul.f32 v47, v18;
	[tilespmem:s13+$0xF120] =	vst v20  }
0x10c: {  	v7 =	vadd.f32 v27, v7;
	v15 =	vadd.f32 v59, v15;
	v17 =	vmul.f32 v47, v17;
	[tilespmem:s13+$0xF130] =	vst v19  }
0x10d: {  	v11 =	vadd.f32 v24, v11;
	v13 =	vadd.f32 v41, v13;
	v16 =	vmul.f32 v47, v16;
	[tilespmem:s13+$0xF140] =	vst v18  }
0x10e: {  	v7 =	vadd.f32 v42, v7;
	v8 =	vadd.f32 v28, v8;
	v15 =	vmul.f32 v47, v15;
	[tilespmem:s13+$0xF150] =	vst v17  }
0x10f: {  	v6 =	vadd.f32 v30, v6;
	v11 =	vadd.f32 v45, v11;
	v13 =	vmul.f32 v47, v13;
	[tilespmem:s13+$0xF160] =	vst v16  }
0x110: {  	v5 =	vadd.f32 v31, v5;
	v8 =	vadd.f32 v60, v8;
	v7 =	vmul.f32 v47, v7;
	[tilespmem:s13+$0xF170] =	vst v15  }
0x111: {  	v12 =	vadd.f32 v23, v12;
	v6 =	vadd.f32 v62, v6;
	v11 =	vmul.f32 v47, v11;
	[tilespmem:s13+$0xF500] =	vst v13  }
0x112: {  	v5 =	vadd.f32 v63, v5;
	v8 =	vmul.f32 v47, v8;
	[tilespmem:s13+$0xF510] =	vst v7  }
0x113: {  	v10 =	vadd.f32 v25, v10;
	v12 =	vadd.f32 v44, v12;
	v6 =	vmul.f32 v47, v6;
	[tilespmem:s13+$0xF540] =	vst v11  }
0x114: {  	v14 =	vadd.f32 v26, v14;
	v4 =	vadd.f32 v32, v4;
	v5 =	vmul.f32 v47, v5;
	[tilespmem:s13+$0xF560] =	vst v8  }
0x115: {  	v10 =	vadd.f32 v46, v10;
	v9 =	vadd.f32 v29, v9;
	v7 =	vmul.f32 v47, v12;
	[tilespmem:s13+$0xF900] =	vst v6  }
0x116: {  	v14 =	vadd.f32 v43, v14;
	v4 =	vmul.f32 v47, v4;
	[tilespmem:s13+$0xF910] =	vst v5  }
0x117: {  	v9 =	vadd.f32 v61, v9;
	s19 =	simm.s32 $0x2;
	[tilespmem:s13+$0xF530] =	vst v7;
	v7 =	vmul.f32 v47, v10  }
0x118: {  	s15 =	smul.u32 $0x3000, s19;
	v13 =	vmul.f32 v47, v14;
	[tilespmem:s13+$0xF91C] =	vst v4  }
0x119: {  	s16 =	simm.s32 $0xA00;
	[tilespmem:s13+$0xF550] =	vst v7;
	v7 =	vmul.f32 v47, v9  }
0x11a: {  	s17 =	sand.u32 $0x380, s16;
	s15 =	sshra.s32 s15, $0x2;
	[tilespmem:s13+$0xF520] =	vst v13  }
0x11b: {  	s15 =	sor.u32 s17, s15;
	[tilespmem:s13+$0xF570] =	vst v7  }
0x11c: {  	v4 =	vld [tilespmem:s15+$0x91C]  }
0x11d: {  	v5 =	vld [tilespmem:s15+$0x100]  }
0x11e: {  	v6 =	vld [tilespmem:s15+$0x110]  }
0x11f: {  	v8 =	vld [tilespmem:s15+$0x120]  }
0x120: {  	v9 =	vld [tilespmem:s15+$0x130]  }
0x121: {  	v10 =	vld [tilespmem:s15+$0x140]  }
0x122: {  	v11 =	vld [tilespmem:s15+$0x150]  }
0x123: {  	v12 =	vld [tilespmem:s15+$0x160]  }
0x124: {  	v7 =	vimm.f32 $0.0e+00;
	v13 =	vld [tilespmem:s15+$0x170]  }
0x125: {  	v14 =	vld [tilespmem:s15+$0x500];
	v4 =	vadd.f32 v4, v7  }
0x126: {  	v22 =	vadd.f32 v5, v7;
	v21 =	vadd.f32 v6, v7  }
0x127: {  	v20 =	vadd.f32 v8, v7;
	v19 =	vadd.f32 v9, v7  }
0x128: {  	v27 =	vld [tilespmem:s15+$0x510];
	v18 =	vadd.f32 v10, v7;
	v17 =	vadd.f32 v11, v7  }
0x129: {  	v26 =	vld [tilespmem:s15+$0x520];
	v16 =	vadd.f32 v12, v7;
	v15 =	vadd.f32 v13, v7  }
0x12a: {  	v23 =	vld [tilespmem:s15+$0x530];
	v13 =	vadd.f32 v14, v7;
	v14 =	vimm.f32 $0.0e+00;
	v12 =	vimm.f32 $0.0e+00  }
0x12b: {  	v24 =	vld [tilespmem:s15+$0x540];
	v11 =	vimm.f32 $0.0e+00;
	v10 =	vimm.f32 $0.0e+00;
	v8 =	vimm.f32 $0.0e+00  }
0x12c: {  	s18 =	simm.s32 $0x2;
	s17 =	simm.s32 $0x16;
	v25 =	vld [tilespmem:s15+$0x550];
	v9 =	vimm.f32 $0.0e+00;
	v6 =	vimm.f32 $0.0e+00;
	v5 =	vimm.f32 $0.0e+00  }
.LBB2_5:
0x12d: {  	p0 =	sne.s32 s17, $0x27;
	s18 =	smul.u32 $0x3000, s18;
	v7 =	vadd.f32 v27, v7;
	v27 =	vld [tilespmem:s15+$0x560]  }
0x12e: {  	s16 =	sadd.s32 $0x80, s16;
	v14 =	vadd.f32 v26, v14;
	v26 =	vld [tilespmem:s15+$0x570]  }
0x12f: {  	s19 =	sand.u32 $0x380, s16;
	s18 =	sshra.s32 s18, $0x2;
	v12 =	vadd.f32 v23, v12;
	v23 =	vld [tilespmem:s15+$0x900]  }
0x130: {  	v11 =	vadd.f32 v24, v11;
	v24 =	vld [tilespmem:s15+$0x910];
	s15 =	sor.u32 s19, s18  }
0x131: {  	v28 =	vld [tilespmem:s15+$0x91C];
	v10 =	vadd.f32 v25, v10  }
0x132: {  	v25 =	vld [tilespmem:s15+$0x100];
	v8 =	vadd.f32 v27, v8  }
0x133: {  	v27 =	vld [tilespmem:s15+$0x110];
	v9 =	vadd.f32 v26, v9  }
0x134: {  	v26 =	vld [tilespmem:s15+$0x120];
	v6 =	vadd.f32 v23, v6  }
0x135: {  	v23 =	vld [tilespmem:s15+$0x130];
	v5 =	vadd.f32 v24, v5  }
0x136: {  	v24 =	vld [tilespmem:s15+$0x140];
	v4 =	vadd.f32 v28, v4  }
0x137: {  	v22 =	vadd.f32 v25, v22;
	v25 =	vld [tilespmem:s15+$0x150]  }
0x138: {  	v21 =	vadd.f32 v27, v21;
	v28 =	vld [tilespmem:s15+$0x160]  }
0x139: {  	v20 =	vadd.f32 v26, v20;
	v29 =	vld [tilespmem:s15+$0x170]  }
0x13a: {  	v19 =	vadd.f32 v23, v19;
	v30 =	vld [tilespmem:s15+$0x500]  }
.Ltmp1:
0x13b: {  	v18 =	vadd.f32 v24, v18;
	v27 =	vld [tilespmem:s15+$0x510];
	(pc) =	sbr.rel @p0 .LBB2_5-.Ltmp1, $4  }
0x13c: {  	v17 =	vadd.f32 v25, v17;
	v26 =	vld [tilespmem:s15+$0x520]  }
0x13d: {  	v16 =	vadd.f32 v28, v16;
	v23 =	vld [tilespmem:s15+$0x530]  }
0x13e: {  	v15 =	vadd.f32 v29, v15;
	v24 =	vld [tilespmem:s15+$0x540]  }
0x13f: {  	s18 =	sshrl.u32 s17, $0x3;
	s17 =	sadd.s32 $0x1, s17;
	v13 =	vadd.f32 v30, v13;
	v25 =	vld [tilespmem:s15+$0x550]  }
0x140: {  	v28 =	vld [tilespmem:$0x14]  }
0x141: {  	v29 =	vld [tilespmem:$0x18];
	_ =	sdelay $0x4  }
0x142: {  	vm3 =	vne.s32 v28, $0x0;
	vm4 =	vne.s32 v29, $0x0  }
0x143: {  	v28 =	vsel vm3, $0x1, v3;
	vm3 =	vmand vm4, vm2  }
0x144: {  	(xrf0) =	vadd.scan.msk.s32 $0xffff, v28;
	v28 =	vsel vm3, $0x1, v3  }
0x145: {  	(xrf0) =	vadd.scan.msk.s32 $0xffff, v28;
	_ =	sdelay $0x4  }
0x146: {  	v28, _, _ =	vpop (xrf0)  }
0x147: {  	(v2sf) =	vpush v28, $0xF;
	v28, _, _ =	vpop (xrf0)  }
0x148: {  	(v2sf) =	vpush v28, $0xF;
	_ =	sdelay $0x9  }
0x149: {  	s17 =	smul.u32 $0x3000, s18  }
0x14a: {  	s16 =	sadd.s32 $0x80, s16  }
0x14b: {  	v30 =	vld [tilespmem:s15+$0x900];
	s16 =	sand.u32 $0x380, s16;
	s17 =	sshra.s32 s17, $0x2  }
0x14c: {  	v31 =	vld [tilespmem:s15+$0x910];
	s16 =	sor.u32 s16, s17  }
0x14d: {  	v32 =	vld [tilespmem:s16+$0x91C];
	s19 =	spop (v2sf)  }
0x14e: {  	v29 =	vld [tilespmem:s15+$0x570];
	s17 =	spop (v2sf)  }
0x14f: {  	v28 =	vld [tilespmem:s15+$0x560];
	s15 =	sadd.s32 s19, s17  }
0x150: {  	v33 =	vld [tilespmem:s16+$0x100];
	v35 =	vmov s15  }
0x151: {  	v34 =	vld [tilespmem:s16+$0x110];
	v35 =	vcvt.s32.f32 v35  }
0x152: {  	v36 =	vld [tilespmem:s16+$0x120]  }
0x153: {  	v37 =	vld [tilespmem:s16+$0x130];
	v35 =	vbroadcast v35, $0x0  }
0x154: {  	v38 =	vld [tilespmem:s16+$0x140]  }
0x155: {  	v39 =	vld [tilespmem:s16+$0x150];
	(erf) = vrcp.f32 v35  }
0x156: {  	v40 =	vld [tilespmem:s16+$0x160]  }
0x157: {  	v59 =	vld [tilespmem:s16+$0x170]  }
0x158: {  	v41 =	vld [tilespmem:s16+$0x500]  }
0x159: {  	v42 =	vld [tilespmem:s16+$0x510]  }
0x15a: {  	v43 =	vld [tilespmem:s16+$0x520]  }
0x15b: {  	v44 =	vld [tilespmem:s16+$0x530]  }
0x15c: {  	v45 =	vld [tilespmem:s16+$0x540]  }
0x15d: {  	v46 =	vld [tilespmem:s16+$0x550];
	v22 =	vadd.f32 v33, v22  }
0x15e: {  	v60 =	vld [tilespmem:s16+$0x560];
	v21 =	vadd.f32 v34, v21;
	v47 =	vpop (erf)  }
0x15f: {  	v61 =	vld [tilespmem:s16+$0x570];
	v20 =	vadd.f32 v36, v20;
	v22 =	vmul.f32 v47, v22  }
0x160: {  	v62 =	vld [tilespmem:s16+$0x900];
	v19 =	vadd.f32 v37, v19;
	v21 =	vmul.f32 v47, v21  }
0x161: {  	v63 =	vld [tilespmem:s16+$0x910];
	v18 =	vadd.f32 v38, v18;
	v20 =	vmul.f32 v47, v20;
	[tilespmem:s13+$0xF180] =	vst v22  }
0x162: {  	v17 =	vadd.f32 v39, v17;
	v19 =	vmul.f32 v47, v19;
	[tilespmem:s13+$0xF190] =	vst v21  }
0x163: {  	v16 =	vadd.f32 v40, v16;
	v18 =	vmul.f32 v47, v18;
	[tilespmem:s13+$0xF1A0] =	vst v20  }
0x164: {  	v7 =	vadd.f32 v27, v7;
	v15 =	vadd.f32 v59, v15;
	v17 =	vmul.f32 v47, v17;
	[tilespmem:s13+$0xF1B0] =	vst v19  }
0x165: {  	v11 =	vadd.f32 v24, v11;
	v13 =	vadd.f32 v41, v13;
	v16 =	vmul.f32 v47, v16;
	[tilespmem:s13+$0xF1C0] =	vst v18  }
0x166: {  	v7 =	vadd.f32 v42, v7;
	v8 =	vadd.f32 v28, v8;
	v15 =	vmul.f32 v47, v15;
	[tilespmem:s13+$0xF1D0] =	vst v17  }
0x167: {  	v6 =	vadd.f32 v30, v6;
	v11 =	vadd.f32 v45, v11;
	v13 =	vmul.f32 v47, v13;
	[tilespmem:s13+$0xF1E0] =	vst v16  }
0x168: {  	v5 =	vadd.f32 v31, v5;
	v8 =	vadd.f32 v60, v8;
	v7 =	vmul.f32 v47, v7;
	[tilespmem:s13+$0xF1F0] =	vst v15  }
0x169: {  	v12 =	vadd.f32 v23, v12;
	v6 =	vadd.f32 v62, v6;
	v11 =	vmul.f32 v47, v11;
	[tilespmem:s13+$0xF580] =	vst v13  }
0x16a: {  	v5 =	vadd.f32 v63, v5;
	v8 =	vmul.f32 v47, v8;
	[tilespmem:s13+$0xF590] =	vst v7  }
0x16b: {  	v10 =	vadd.f32 v25, v10;
	v12 =	vadd.f32 v44, v12;
	v6 =	vmul.f32 v47, v6;
	[tilespmem:s13+$0xF5C0] =	vst v11  }
0x16c: {  	v14 =	vadd.f32 v26, v14;
	v4 =	vadd.f32 v32, v4;
	v5 =	vmul.f32 v47, v5;
	[tilespmem:s13+$0xF5E0] =	vst v8  }
0x16d: {  	v10 =	vadd.f32 v46, v10;
	v9 =	vadd.f32 v29, v9;
	v7 =	vmul.f32 v47, v12;
	[tilespmem:s13+$0xF980] =	vst v6  }
0x16e: {  	v14 =	vadd.f32 v43, v14;
	v4 =	vmul.f32 v47, v4;
	[tilespmem:s13+$0xF990] =	vst v5  }
0x16f: {  	s18 =	simm.s32 $0x5;
	v9 =	vadd.f32 v61, v9;
	[tilespmem:s13+$0xF5B0] =	vst v7;
	v7 =	vmul.f32 v47, v10  }
0x170: {  	s15 =	smul.u32 $0x3000, s18;
	v13 =	vmul.f32 v47, v14;
	[tilespmem:s13+$0xF99C] =	vst v4  }
0x171: {  	s16 =	simm.s32 $0x0;
	[tilespmem:s13+$0xF5D0] =	vst v7;
	v7 =	vmul.f32 v47, v9  }
0x172: {  	s19 =	sand.u32 $0x380, s16;
	s15 =	sshra.s32 s15, $0x2;
	[tilespmem:s13+$0xF5A0] =	vst v13  }
0x173: {  	s15 =	sor.u32 s19, s15;
	[tilespmem:s13+$0xF5F0] =	vst v7  }
0x174: {  	v4 =	vld [tilespmem:s15+$0x91C]  }
0x175: {  	v5 =	vld [tilespmem:s15+$0x100]  }
0x176: {  	v6 =	vld [tilespmem:s15+$0x110]  }
0x177: {  	v8 =	vld [tilespmem:s15+$0x120]  }
0x178: {  	v9 =	vld [tilespmem:s15+$0x130]  }
0x179: {  	v10 =	vld [tilespmem:s15+$0x140]  }
0x17a: {  	v11 =	vld [tilespmem:s15+$0x150]  }
0x17b: {  	v12 =	vld [tilespmem:s15+$0x160]  }
0x17c: {  	v7 =	vimm.f32 $0.0e+00;
	v13 =	vld [tilespmem:s15+$0x170]  }
0x17d: {  	v14 =	vld [tilespmem:s15+$0x500];
	v4 =	vadd.f32 v4, v7  }
0x17e: {  	v22 =	vadd.f32 v5, v7;
	v21 =	vadd.f32 v6, v7  }
0x17f: {  	v20 =	vadd.f32 v8, v7;
	v19 =	vadd.f32 v9, v7  }
0x180: {  	v27 =	vld [tilespmem:s15+$0x510];
	v18 =	vadd.f32 v10, v7;
	v17 =	vadd.f32 v11, v7  }
0x181: {  	v26 =	vld [tilespmem:s15+$0x520];
	v16 =	vadd.f32 v12, v7;
	v15 =	vadd.f32 v13, v7  }
0x182: {  	v23 =	vld [tilespmem:s15+$0x530];
	v13 =	vadd.f32 v14, v7;
	v14 =	vimm.f32 $0.0e+00;
	v12 =	vimm.f32 $0.0e+00  }
0x183: {  	v24 =	vld [tilespmem:s15+$0x540];
	v11 =	vimm.f32 $0.0e+00;
	v10 =	vimm.f32 $0.0e+00;
	v8 =	vimm.f32 $0.0e+00  }
0x184: {  	s17 =	simm.s32 $0x2A;
	s18 =	simm.s32 $0x5;
	v25 =	vld [tilespmem:s15+$0x550];
	v9 =	vimm.f32 $0.0e+00;
	v6 =	vimm.f32 $0.0e+00;
	v5 =	vimm.f32 $0.0e+00  }
.LBB2_7:
0x185: {  	p0 =	sne.s32 s17, $0x3B;
	s18 =	smul.u32 $0x3000, s18;
	v7 =	vadd.f32 v27, v7;
	v27 =	vld [tilespmem:s15+$0x560]  }
0x186: {  	s16 =	sadd.s32 $0x80, s16;
	v14 =	vadd.f32 v26, v14;
	v26 =	vld [tilespmem:s15+$0x570]  }
0x187: {  	s19 =	sand.u32 $0x380, s16;
	s18 =	sshra.s32 s18, $0x2;
	v12 =	vadd.f32 v23, v12;
	v23 =	vld [tilespmem:s15+$0x900]  }
0x188: {  	v11 =	vadd.f32 v24, v11;
	v24 =	vld [tilespmem:s15+$0x910];
	s15 =	sor.u32 s19, s18  }
0x189: {  	v28 =	vld [tilespmem:s15+$0x91C];
	v10 =	vadd.f32 v25, v10  }
0x18a: {  	v25 =	vld [tilespmem:s15+$0x100];
	v8 =	vadd.f32 v27, v8  }
0x18b: {  	v27 =	vld [tilespmem:s15+$0x110];
	v9 =	vadd.f32 v26, v9  }
0x18c: {  	v26 =	vld [tilespmem:s15+$0x120];
	v6 =	vadd.f32 v23, v6  }
0x18d: {  	v23 =	vld [tilespmem:s15+$0x130];
	v5 =	vadd.f32 v24, v5  }
0x18e: {  	v24 =	vld [tilespmem:s15+$0x140];
	v4 =	vadd.f32 v28, v4  }
0x18f: {  	v22 =	vadd.f32 v25, v22;
	v25 =	vld [tilespmem:s15+$0x150]  }
0x190: {  	v21 =	vadd.f32 v27, v21;
	v28 =	vld [tilespmem:s15+$0x160]  }
0x191: {  	v20 =	vadd.f32 v26, v20;
	v29 =	vld [tilespmem:s15+$0x170]  }
0x192: {  	v19 =	vadd.f32 v23, v19;
	v30 =	vld [tilespmem:s15+$0x500]  }
.Ltmp2:
0x193: {  	v18 =	vadd.f32 v24, v18;
	v27 =	vld [tilespmem:s15+$0x510];
	(pc) =	sbr.rel @p0 .LBB2_7-.Ltmp2, $4  }
0x194: {  	v17 =	vadd.f32 v25, v17;
	v26 =	vld [tilespmem:s15+$0x520]  }
0x195: {  	v16 =	vadd.f32 v28, v16;
	v23 =	vld [tilespmem:s15+$0x530]  }
0x196: {  	v15 =	vadd.f32 v29, v15;
	v24 =	vld [tilespmem:s15+$0x540]  }
0x197: {  	s18 =	sshrl.u32 s17, $0x3;
	s17 =	sadd.s32 $0x1, s17;
	v13 =	vadd.f32 v30, v13;
	v25 =	vld [tilespmem:s15+$0x550]  }
0x198: {  	v28 =	vld [tilespmem:$0x28]  }
0x199: {  	v29 =	vld [tilespmem:$0x2C];
	_ =	sdelay $0x4  }
0x19a: {  	vm3 =	vne.s32 v28, $0x0;
	vm4 =	vne.s32 v29, $0x0  }
0x19b: {  	v28 =	vsel vm3, $0x1, v3;
	vm3 =	vmand vm4, vm2  }
0x19c: {  	(xrf0) =	vadd.scan.msk.s32 $0xffff, v28;
	v28 =	vsel vm3, $0x1, v3  }
0x19d: {  	(xrf0) =	vadd.scan.msk.s32 $0xffff, v28;
	_ =	sdelay $0x4  }
0x19e: {  	v28, _, _ =	vpop (xrf0)  }
0x19f: {  	(v2sf) =	vpush v28, $0xF;
	v28, _, _ =	vpop (xrf0)  }
0x1a0: {  	(v2sf) =	vpush v28, $0xF;
	_ =	sdelay $0x9  }
0x1a1: {  	s17 =	smul.u32 $0x3000, s18  }
0x1a2: {  	s16 =	sadd.s32 $0x80, s16  }
0x1a3: {  	v30 =	vld [tilespmem:s15+$0x900];
	s16 =	sand.u32 $0x380, s16;
	s17 =	sshra.s32 s17, $0x2  }
0x1a4: {  	v31 =	vld [tilespmem:s15+$0x910];
	s16 =	sor.u32 s16, s17  }
0x1a5: {  	v32 =	vld [tilespmem:s16+$0x91C];
	s19 =	spop (v2sf)  }
0x1a6: {  	v29 =	vld [tilespmem:s15+$0x570];
	s17 =	spop (v2sf)  }
0x1a7: {  	v28 =	vld [tilespmem:s15+$0x560];
	s15 =	sadd.s32 s19, s17  }
0x1a8: {  	v33 =	vld [tilespmem:s16+$0x100];
	v35 =	vmov s15  }
0x1a9: {  	v34 =	vld [tilespmem:s16+$0x110];
	v35 =	vcvt.s32.f32 v35  }
0x1aa: {  	v36 =	vld [tilespmem:s16+$0x120]  }
0x1ab: {  	v37 =	vld [tilespmem:s16+$0x130];
	v35 =	vbroadcast v35, $0x0  }
0x1ac: {  	v38 =	vld [tilespmem:s16+$0x140]  }
0x1ad: {  	v39 =	vld [tilespmem:s16+$0x150];
	(erf) = vrcp.f32 v35  }
0x1ae: {  	v40 =	vld [tilespmem:s16+$0x160]  }
0x1af: {  	v59 =	vld [tilespmem:s16+$0x170]  }
0x1b0: {  	v41 =	vld [tilespmem:s16+$0x500]  }
0x1b1: {  	v42 =	vld [tilespmem:s16+$0x510]  }
0x1b2: {  	v43 =	vld [tilespmem:s16+$0x520]  }
0x1b3: {  	v44 =	vld [tilespmem:s16+$0x530]  }
0x1b4: {  	v45 =	vld [tilespmem:s16+$0x540]  }
0x1b5: {  	v46 =	vld [tilespmem:s16+$0x550];
	v22 =	vadd.f32 v33, v22  }
0x1b6: {  	v60 =	vld [tilespmem:s16+$0x560];
	v21 =	vadd.f32 v34, v21;
	v47 =	vpop (erf)  }
0x1b7: {  	v61 =	vld [tilespmem:s16+$0x570];
	v20 =	vadd.f32 v36, v20;
	v22 =	vmul.f32 v47, v22  }
0x1b8: {  	v62 =	vld [tilespmem:s16+$0x900];
	v19 =	vadd.f32 v37, v19;
	v21 =	vmul.f32 v47, v21  }
0x1b9: {  	v63 =	vld [tilespmem:s16+$0x910];
	v18 =	vadd.f32 v38, v18;
	v20 =	vmul.f32 v47, v20;
	[tilespmem:s13+$0xF200] =	vst v22  }
0x1ba: {  	v17 =	vadd.f32 v39, v17;
	v19 =	vmul.f32 v47, v19;
	[tilespmem:s13+$0xF210] =	vst v21  }
0x1bb: {  	v16 =	vadd.f32 v40, v16;
	v18 =	vmul.f32 v47, v18;
	[tilespmem:s13+$0xF220] =	vst v20  }
0x1bc: {  	v7 =	vadd.f32 v27, v7;
	v15 =	vadd.f32 v59, v15;
	v17 =	vmul.f32 v47, v17;
	[tilespmem:s13+$0xF230] =	vst v19  }
0x1bd: {  	v11 =	vadd.f32 v24, v11;
	v13 =	vadd.f32 v41, v13;
	v16 =	vmul.f32 v47, v16;
	[tilespmem:s13+$0xF240] =	vst v18  }
0x1be: {  	v7 =	vadd.f32 v42, v7;
	v8 =	vadd.f32 v28, v8;
	v15 =	vmul.f32 v47, v15;
	[tilespmem:s13+$0xF250] =	vst v17  }
0x1bf: {  	v6 =	vadd.f32 v30, v6;
	v11 =	vadd.f32 v45, v11;
	v13 =	vmul.f32 v47, v13;
	[tilespmem:s13+$0xF260] =	vst v16  }
0x1c0: {  	v5 =	vadd.f32 v31, v5;
	v8 =	vadd.f32 v60, v8;
	v7 =	vmul.f32 v47, v7;
	[tilespmem:s13+$0xF270] =	vst v15  }
0x1c1: {  	v12 =	vadd.f32 v23, v12;
	v6 =	vadd.f32 v62, v6;
	v11 =	vmul.f32 v47, v11;
	[tilespmem:s13+$0xF600] =	vst v13  }
0x1c2: {  	v5 =	vadd.f32 v63, v5;
	v8 =	vmul.f32 v47, v8;
	[tilespmem:s13+$0xF610] =	vst v7  }
0x1c3: {  	v10 =	vadd.f32 v25, v10;
	v12 =	vadd.f32 v44, v12;
	v6 =	vmul.f32 v47, v6;
	[tilespmem:s13+$0xF640] =	vst v11  }
0x1c4: {  	v14 =	vadd.f32 v26, v14;
	v4 =	vadd.f32 v32, v4;
	v5 =	vmul.f32 v47, v5;
	[tilespmem:s13+$0xF660] =	vst v8  }
0x1c5: {  	v10 =	vadd.f32 v46, v10;
	v9 =	vadd.f32 v29, v9;
	v7 =	vmul.f32 v47, v12;
	[tilespmem:s13+$0xFA00] =	vst v6  }
0x1c6: {  	v14 =	vadd.f32 v43, v14;
	v4 =	vmul.f32 v47, v4;
	[tilespmem:s13+$0xFA10] =	vst v5  }
0x1c7: {  	s18 =	simm.s32 $0x7;
	v9 =	vadd.f32 v61, v9;
	[tilespmem:s13+$0xF630] =	vst v7;
	v7 =	vmul.f32 v47, v10  }
0x1c8: {  	s15 =	smul.u32 $0x3000, s18;
	v13 =	vmul.f32 v47, v14;
	[tilespmem:s13+$0xFA1C] =	vst v4  }
0x1c9: {  	s16 =	simm.s32 $0x1E00;
	[tilespmem:s13+$0xF650] =	vst v7;
	v7 =	vmul.f32 v47, v9  }
0x1ca: {  	s19 =	sand.u32 $0x380, s16;
	s15 =	sshra.s32 s15, $0x2;
	[tilespmem:s13+$0xF620] =	vst v13  }
0x1cb: {  	s15 =	sor.u32 s19, s15;
	[tilespmem:s13+$0xF670] =	vst v7  }
0x1cc: {  	v4 =	vld [tilespmem:s15+$0x91C]  }
0x1cd: {  	v5 =	vld [tilespmem:s15+$0x100]  }
0x1ce: {  	v6 =	vld [tilespmem:s15+$0x110]  }
0x1cf: {  	v8 =	vld [tilespmem:s15+$0x120]  }
0x1d0: {  	v9 =	vld [tilespmem:s15+$0x130]  }
0x1d1: {  	v10 =	vld [tilespmem:s15+$0x140]  }
0x1d2: {  	v11 =	vld [tilespmem:s15+$0x150]  }
0x1d3: {  	v12 =	vld [tilespmem:s15+$0x160]  }
0x1d4: {  	v7 =	vimm.f32 $0.0e+00;
	v13 =	vld [tilespmem:s15+$0x170]  }
0x1d5: {  	v14 =	vld [tilespmem:s15+$0x500];
	v4 =	vadd.f32 v4, v7  }
0x1d6: {  	v22 =	vadd.f32 v5, v7;
	v21 =	vadd.f32 v6, v7  }
0x1d7: {  	v20 =	vadd.f32 v8, v7;
	v19 =	vadd.f32 v9, v7  }
0x1d8: {  	v27 =	vld [tilespmem:s15+$0x510];
	v18 =	vadd.f32 v10, v7;
	v17 =	vadd.f32 v11, v7  }
0x1d9: {  	v26 =	vld [tilespmem:s15+$0x520];
	v16 =	vadd.f32 v12, v7;
	v15 =	vadd.f32 v13, v7  }
0x1da: {  	v23 =	vld [tilespmem:s15+$0x530];
	v13 =	vadd.f32 v14, v7;
	v14 =	vimm.f32 $0.0e+00;
	v12 =	vimm.f32 $0.0e+00  }
0x1db: {  	v24 =	vld [tilespmem:s15+$0x540];
	v11 =	vimm.f32 $0.0e+00;
	v10 =	vimm.f32 $0.0e+00;
	v8 =	vimm.f32 $0.0e+00  }
0x1dc: {  	s17 =	simm.s32 $0x3E;
	s18 =	simm.s32 $0x7;
	v25 =	vld [tilespmem:s15+$0x550];
	v9 =	vimm.f32 $0.0e+00;
	v6 =	vimm.f32 $0.0e+00;
	v5 =	vimm.f32 $0.0e+00  }
.LBB2_9:
0x1dd: {  	p0 =	sne.s32 s17, $0x4F;
	s18 =	smul.u32 $0x3000, s18;
	v7 =	vadd.f32 v27, v7;
	v27 =	vld [tilespmem:s15+$0x560]  }
0x1de: {  	s16 =	sadd.s32 $0x80, s16;
	v14 =	vadd.f32 v26, v14;
	v26 =	vld [tilespmem:s15+$0x570]  }
0x1df: {  	s19 =	sand.u32 $0x380, s16;
	s18 =	sshra.s32 s18, $0x2;
	v12 =	vadd.f32 v23, v12;
	v23 =	vld [tilespmem:s15+$0x900]  }
0x1e0: {  	v11 =	vadd.f32 v24, v11;
	v24 =	vld [tilespmem:s15+$0x910];
	s15 =	sor.u32 s19, s18  }
0x1e1: {  	v28 =	vld [tilespmem:s15+$0x91C];
	v10 =	vadd.f32 v25, v10  }
0x1e2: {  	v25 =	vld [tilespmem:s15+$0x100];
	v8 =	vadd.f32 v27, v8  }
0x1e3: {  	v27 =	vld [tilespmem:s15+$0x110];
	v9 =	vadd.f32 v26, v9  }
0x1e4: {  	v26 =	vld [tilespmem:s15+$0x120];
	v6 =	vadd.f32 v23, v6  }
0x1e5: {  	v23 =	vld [tilespmem:s15+$0x130];
	v5 =	vadd.f32 v24, v5  }
0x1e6: {  	v24 =	vld [tilespmem:s15+$0x140];
	v4 =	vadd.f32 v28, v4  }
0x1e7: {  	v22 =	vadd.f32 v25, v22;
	v25 =	vld [tilespmem:s15+$0x150]  }
0x1e8: {  	v21 =	vadd.f32 v27, v21;
	v28 =	vld [tilespmem:s15+$0x160]  }
0x1e9: {  	v20 =	vadd.f32 v26, v20;
	v29 =	vld [tilespmem:s15+$0x170]  }
0x1ea: {  	v19 =	vadd.f32 v23, v19;
	v30 =	vld [tilespmem:s15+$0x500]  }
.Ltmp3:
0x1eb: {  	v18 =	vadd.f32 v24, v18;
	v27 =	vld [tilespmem:s15+$0x510];
	(pc) =	sbr.rel @p0 .LBB2_9-.Ltmp3, $4  }
0x1ec: {  	v17 =	vadd.f32 v25, v17;
	v26 =	vld [tilespmem:s15+$0x520]  }
0x1ed: {  	v16 =	vadd.f32 v28, v16;
	v23 =	vld [tilespmem:s15+$0x530]  }
0x1ee: {  	v15 =	vadd.f32 v29, v15;
	v24 =	vld [tilespmem:s15+$0x540]  }
0x1ef: {  	s18 =	sshrl.u32 s17, $0x3;
	s17 =	sadd.s32 $0x1, s17;
	v13 =	vadd.f32 v30, v13;
	v25 =	vld [tilespmem:s15+$0x550]  }
0x1f0: {  	v28 =	vld [tilespmem:$0x3C]  }
0x1f1: {  	v29 =	vld [tilespmem:$0x40];
	_ =	sdelay $0x4  }
0x1f2: {  	vm3 =	vne.s32 v28, $0x0;
	vm4 =	vne.s32 v29, $0x0  }
0x1f3: {  	v28 =	vsel vm3, $0x1, v3;
	vm3 =	vmand vm4, vm2  }
0x1f4: {  	(xrf0) =	vadd.scan.msk.s32 $0xffff, v28;
	v50 =	vsel vm3, $0x1, v3  }
0x1f5: {  	(xrf0) =	vadd.scan.msk.s32 $0xffff, v50;
	_ =	sdelay $0x4  }
0x1f6: {  	v51, _, _ =	vpop (xrf0)  }
0x1f7: {  	(v2sf) =	vpush v51, $0xF;
	v52, _, _ =	vpop (xrf0)  }
0x1f8: {  	(v2sf) =	vpush v52, $0xF;
	_ =	sdelay $0xb  }
0x1f9: {  	s17 =	smul.u32 $0x3000, s18;
	v53 =	vld [tilespmem:s15+$0x560]  }
0x1fa: {  	v54 =	vld [tilespmem:s15+$0x570];
	s16 =	sadd.s32 $0x80, s16  }
0x1fb: {  	v30 =	vld [tilespmem:s15+$0x900];
	s16 =	sand.u32 $0x380, s16;
	s17 =	sshra.s32 s17, $0x2;
	s18 =	spop (v2sf)  }
0x1fc: {  	v31 =	vld [tilespmem:s15+$0x910];
	s16 =	sor.u32 s16, s17;
	s19 =	spop (v2sf)  }
0x1fd: {  	v32 =	vld [tilespmem:s16+$0x91C];
	s15 =	sadd.s32 s18, s19  }
0x1fe: {  	v33 =	vld [tilespmem:s16+$0x100];
	v35 =	vmov s15  }
0x1ff: {  	v34 =	vld [tilespmem:s16+$0x110];
	v35 =	vcvt.s32.f32 v35  }
0x200: {  	v36 =	vld [tilespmem:s16+$0x120]  }
0x201: {  	v37 =	vld [tilespmem:s16+$0x130];
	v35 =	vbroadcast v35, $0x0  }
0x202: {  	v38 =	vld [tilespmem:s16+$0x140]  }
0x203: {  	v39 =	vld [tilespmem:s16+$0x150];
	(erf) = vrcp.f32 v35  }
0x204: {  	v40 =	vld [tilespmem:s16+$0x160]  }
0x205: {  	v55 =	vld [tilespmem:s16+$0x170]  }
0x206: {  	v41 =	vld [tilespmem:s16+$0x500]  }
0x207: {  	v42 =	vld [tilespmem:s16+$0x510]  }
0x208: {  	v43 =	vld [tilespmem:s16+$0x520]  }
0x209: {  	v44 =	vld [tilespmem:s16+$0x530]  }
0x20a: {  	v45 =	vld [tilespmem:s16+$0x540]  }
0x20b: {  	v46 =	vld [tilespmem:s16+$0x550];
	v22 =	vadd.f32 v33, v22  }
0x20c: {  	v56 =	vld [tilespmem:s16+$0x560];
	v21 =	vadd.f32 v34, v21;
	v47 =	vpop (erf)  }
0x20d: {  	v57 =	vld [tilespmem:s16+$0x570];
	v20 =	vadd.f32 v36, v20;
	v22 =	vmul.f32 v47, v22  }
0x20e: {  	v58 =	vld [tilespmem:s16+$0x900];
	v19 =	vadd.f32 v37, v19;
	v21 =	vmul.f32 v47, v21  }
0x20f: {  	v59 =	vld [tilespmem:s16+$0x910];
	v18 =	vadd.f32 v38, v18;
	v20 =	vmul.f32 v47, v20;
	[tilespmem:s13+$0xF280] =	vst v22  }
0x210: {  	v17 =	vadd.f32 v39, v17;
	v19 =	vmul.f32 v47, v19;
	[tilespmem:s13+$0xF290] =	vst v21  }
0x211: {  	v16 =	vadd.f32 v40, v16;
	v18 =	vmul.f32 v47, v18;
	[tilespmem:s13+$0xF2A0] =	vst v20  }
0x212: {  	v7 =	vadd.f32 v27, v7;
	v15 =	vadd.f32 v55, v15;
	v17 =	vmul.f32 v47, v17;
	[tilespmem:s13+$0xF2B0] =	vst v19  }
0x213: {  	v14 =	vadd.f32 v26, v14;
	v13 =	vadd.f32 v41, v13;
	v16 =	vmul.f32 v47, v16;
	[tilespmem:s13+$0xF2C0] =	vst v18  }
0x214: {  	v12 =	vadd.f32 v23, v12;
	v7 =	vadd.f32 v42, v7;
	v15 =	vmul.f32 v47, v15;
	[tilespmem:s13+$0xF2D0] =	vst v17  }
0x215: {  	v11 =	vadd.f32 v24, v11;
	v14 =	vadd.f32 v43, v14;
	v13 =	vmul.f32 v47, v13;
	[tilespmem:s13+$0xF2E0] =	vst v16  }
0x216: {  	v10 =	vadd.f32 v25, v10;
	v12 =	vadd.f32 v44, v12;
	v7 =	vmul.f32 v47, v7;
	[tilespmem:s13+$0xF2F0] =	vst v15  }
0x217: {  	v8 =	vadd.f32 v53, v8;
	v11 =	vadd.f32 v45, v11;
	v60 =	vmul.f32 v47, v14;
	[tilespmem:s13+$0xF680] =	vst v13  }
0x218: {  	v9 =	vadd.f32 v54, v9;
	v10 =	vadd.f32 v46, v10;
	v61 =	vmul.f32 v47, v12;
	[tilespmem:s13+$0xF690] =	vst v7  }
0x219: {  	v6 =	vadd.f32 v30, v6;
	v8 =	vadd.f32 v56, v8;
	v11 =	vmul.f32 v47, v11;
	[tilespmem:s13+$0xF6A0] =	vst v60  }
0x21a: {  	v5 =	vadd.f32 v31, v5;
	v9 =	vadd.f32 v57, v9;
	v62 =	vmul.f32 v47, v10;
	[tilespmem:s13+$0xF6B0] =	vst v61  }
0x21b: {  	v6 =	vadd.f32 v58, v6;
	v8 =	vmul.f32 v47, v8;
	[tilespmem:s13+$0xF6C0] =	vst v11  }
0x21c: {  	p0 =	seq.s32 s7, $0x3F;
	v5 =	vadd.f32 v59, v5;
	v63 =	vmul.f32 v47, v9;
	[tilespmem:s13+$0xF6D0] =	vst v62  }
.Ltmp4:
0x21d: {  	v4 =	vadd.f32 v32, v4;
	v6 =	vmul.f32 v47, v6;
	[tilespmem:s13+$0xF6E0] =	vst v8;
	(pc) =	sbr.rel @p0 .LBB2_12-.Ltmp4, $4  }
0x21e: {  	v5 =	vmul.f32 v47, v5;
	[tilespmem:s13+$0xF6F0] =	vst v63  }
0x21f: {  	v4 =	vmul.f32 v47, v4;
	[tilespmem:s13+$0xFA80] =	vst v6  }
0x220: {  	[tilespmem:s13+$0xFA90] =	vst v5  }
0x221: {  	[tilespmem:s13+$0xFA9C] =	vst v4  }
0x222: {  	s15 =	rddreg [dreg:$0x4]  }
0x223: {  	s15 =	sadd.s32 s12, s15  }
0x224: {  	s15 =	smul.u32 $0x14, s15;
	_ =	sdelay $0x1  }
0x225: {  	s15 =	sshrl.u32 s15, $0x3  }
0x226: {  	s15 =	sadd.s32 s1, s15  }
0x227: {  	[tilespmem:s3], [sflag:$0x4] =	stream.linear.gather [hbm4b:s15+s3], $0x50, $0x38;
	[tilespmem:$0x15100] =	vst v63  }
0x228: {  	_ =	swait.ge [sflag:s11], $0x50  }
0x229: {  	[sflag:s11] =	ssyncset.done $0x0  }
0x22a: {  	[sflag:s11] =	ssyncadd.s32 $0xFFFFFFB0  }
0x22b: {  	v4 =	vld [tilespmem:$0x0];
	_ =	sdelay $0x4  }
0x22c: {  	v5 =	vshrl.u32 v4, $0x3  }
0x22d: {  	v5 =	vmul.u32 $0x18, v5  }
0x22e: {  	v4 =	vand.u32 $0x7, v4  }
0x22f: {  	v4 =	vor.u32 v4, v5  }
0x230: {  	v5 =	vperm.xlane v4, v0;
	_ =	sdelay $0x1  }
0x231: {  	v5 =	vadd.s32 v1, v5;
	_ =	sdelay $0x1  }
0x232: {  	v4 =	vperm.xlane v4, v2;
	_ =	sdelay $0x1  }
0x233: {  	s16 =	simm.s32 $0x100;
	v4 =	vadd.s32 v1, v4  }
0x234: {  	[tilespmem:s16], [sflag:$0x1] =	stream.indirect_vreg.gather [hbm4b:s4+s3], $0x80, v5, vm0, $0xb8;
	[tilespmem:$0x15100] =	vst v63  }
0x235: {  	s17 =	simm.s32 $0x900  }
0x236: {  	[tilespmem:s17], [sflag:$0x1] =	stream.indirect_vreg.gather [hbm4b:s8+s3], $0x80, v5, vm1, $0xb8;
	[tilespmem:$0x15100] =	vst v63  }
0x237: {  	s18 =	simm.s32 $0xD00  }
0x238: {  	[tilespmem:s18], [sflag:$0x1] =	stream.indirect_vreg.gather [hbm4b:s4+s3], $0x80, v4, vm0, $0xb8;
	[tilespmem:$0x15100] =	vst v63  }
0x239: {  	s19 =	simm.s32 $0x1500  }
0x23a: {  	[tilespmem:s19], [sflag:$0x1] =	stream.indirect_vreg.gather [hbm4b:s8+s3], $0x80, v4, vm1, $0xb8;
	[tilespmem:$0x15100] =	vst v63  }
0x23b: {  	v4 =	vld [tilespmem:$0x10];
	_ =	sdelay $0x4  }
0x23c: {  	v5 =	vshrl.u32 v4, $0x3  }
0x23d: {  	v5 =	vmul.u32 $0x18, v5  }
0x23e: {  	v4 =	vand.u32 $0x7, v4  }
0x23f: {  	v4 =	vor.u32 v4, v5  }
0x240: {  	v5 =	vperm.xlane v4, v0;
	_ =	sdelay $0x1  }
0x241: {  	v5 =	vadd.s32 v1, v5;
	_ =	sdelay $0x1  }
0x242: {  	v4 =	vperm.xlane v4, v2;
	_ =	sdelay $0x1  }
0x243: {  	s16 =	simm.s32 $0x1900;
	v4 =	vadd.s32 v1, v4  }
0x244: {  	[tilespmem:s16], [sflag:$0x1] =	stream.indirect_vreg.gather [hbm4b:s4+s3], $0x80, v5, vm0, $0xb8;
	[tilespmem:$0x15100] =	vst v63  }
0x245: {  	s17 =	simm.s32 $0x2100  }
0x246: {  	[tilespmem:s17], [sflag:$0x1] =	stream.indirect_vreg.gather [hbm4b:s8+s3], $0x80, v5, vm1, $0xb8;
	[tilespmem:$0x15100] =	vst v63  }
0x247: {  	s18 =	simm.s32 $0x2500  }
0x248: {  	[tilespmem:s18], [sflag:$0x1] =	stream.indirect_vreg.gather [hbm4b:s4+s3], $0x80, v4, vm0, $0xb8;
	[tilespmem:$0x15100] =	vst v63  }
0x249: {  	s19 =	simm.s32 $0x2D00  }
0x24a: {  	[tilespmem:s19], [sflag:$0x1] =	stream.indirect_vreg.gather [hbm4b:s8+s3], $0x80, v4, vm1, $0xb8;
	[tilespmem:$0x15100] =	vst v63  }
0x24b: {  	v4 =	vld [tilespmem:$0x20];
	_ =	sdelay $0x4  }
0x24c: {  	v5 =	vshrl.u32 v4, $0x3  }
0x24d: {  	v5 =	vmul.u32 $0x18, v5  }
0x24e: {  	v4 =	vand.u32 $0x7, v4  }
0x24f: {  	v4 =	vor.u32 v4, v5  }
0x250: {  	v5 =	vperm.xlane v4, v0;
	_ =	sdelay $0x1  }
0x251: {  	v5 =	vadd.s32 v1, v5;
	_ =	sdelay $0x1  }
0x252: {  	v4 =	vperm.xlane v4, v2;
	_ =	sdelay $0x1  }
0x253: {  	s16 =	simm.s32 $0x3100;
	v4 =	vadd.s32 v1, v4  }
0x254: {  	[tilespmem:s16], [sflag:$0x1] =	stream.indirect_vreg.gather [hbm4b:s4+s3], $0x80, v5, vm0, $0xb8;
	[tilespmem:$0x15100] =	vst v63  }
0x255: {  	s17 =	simm.s32 $0x3900  }
0x256: {  	[tilespmem:s17], [sflag:$0x1] =	stream.indirect_vreg.gather [hbm4b:s8+s3], $0x80, v5, vm1, $0xb8;
	[tilespmem:$0x15100] =	vst v63  }
0x257: {  	s18 =	simm.s32 $0x3D00  }
0x258: {  	[tilespmem:s18], [sflag:$0x1] =	stream.indirect_vreg.gather [hbm4b:s4+s3], $0x80, v4, vm0, $0xb8;
	[tilespmem:$0x15100] =	vst v63  }
0x259: {  	s19 =	simm.s32 $0x4500  }
0x25a: {  	[tilespmem:s19], [sflag:$0x1] =	stream.indirect_vreg.gather [hbm4b:s8+s3], $0x80, v4, vm1, $0xb8;
	[tilespmem:$0x15100] =	vst v63  }
0x25b: {  	v4 =	vld [tilespmem:$0x30];
	_ =	sdelay $0x4  }
0x25c: {  	v5 =	vshrl.u32 v4, $0x3  }
0x25d: {  	v5 =	vmul.u32 $0x18, v5  }
0x25e: {  	v4 =	vand.u32 $0x7, v4  }
0x25f: {  	v4 =	vor.u32 v4, v5  }
0x260: {  	v5 =	vperm.xlane v4, v0;
	_ =	sdelay $0x1  }
0x261: {  	v5 =	vadd.s32 v1, v5;
	_ =	sdelay $0x1  }
0x262: {  	v4 =	vperm.xlane v4, v2;
	_ =	sdelay $0x1  }
0x263: {  	s16 =	simm.s32 $0x4900;
	v4 =	vadd.s32 v1, v4  }
0x264: {  	[tilespmem:s16], [sflag:$0x1] =	stream.indirect_vreg.gather [hbm4b:s4+s3], $0x80, v5, vm0, $0xb8;
	[tilespmem:$0x15100] =	vst v63  }
0x265: {  	s17 =	simm.s32 $0x5100  }
0x266: {  	[tilespmem:s17], [sflag:$0x1] =	stream.indirect_vreg.gather [hbm4b:s8+s3], $0x80, v5, vm1, $0xb8;
	[tilespmem:$0x15100] =	vst v63  }
0x267: {  	s18 =	simm.s32 $0x5500  }
0x268: {  	[tilespmem:s18], [sflag:$0x1] =	stream.indirect_vreg.gather [hbm4b:s4+s3], $0x80, v4, vm0, $0xb8;
	[tilespmem:$0x15100] =	vst v63  }
0x269: {  	s19 =	simm.s32 $0x5D00  }
0x26a: {  	[tilespmem:s19], [sflag:$0x1] =	stream.indirect_vreg.gather [hbm4b:s8+s3], $0x80, v4, vm1, $0xb8;
	[tilespmem:$0x15100] =	vst v63  }
0x26b: {  	v4 =	vld [tilespmem:$0x40];
	_ =	sdelay $0x4  }
0x26c: {  	v5 =	vshrl.u32 v4, $0x3  }
0x26d: {  	v5 =	vmul.u32 $0x18, v5  }
0x26e: {  	v4 =	vand.u32 $0x7, v4  }
0x26f: {  	v4 =	vor.u32 v4, v5  }
0x270: {  	v5 =	vperm.xlane v4, v0;
	_ =	sdelay $0x1  }
0x271: {  	v5 =	vadd.s32 v1, v5;
	_ =	sdelay $0x1  }
0x272: {  	v4 =	vperm.xlane v4, v2;
	_ =	sdelay $0x1  }
0x273: {  	s16 =	simm.s32 $0x6100;
	v4 =	vadd.s32 v1, v4  }
0x274: {  	[tilespmem:s16], [sflag:$0x1] =	stream.indirect_vreg.gather [hbm4b:s4+s3], $0x80, v5, vm0, $0xb8;
	[tilespmem:$0x15100] =	vst v63  }
0x275: {  	s17 =	simm.s32 $0x6900  }
0x276: {  	[tilespmem:s17], [sflag:$0x1] =	stream.indirect_vreg.gather [hbm4b:s8+s3], $0x80, v5, vm1, $0xb8;
	[tilespmem:$0x15100] =	vst v63  }
0x277: {  	s18 =	simm.s32 $0x6D00  }
0x278: {  	[tilespmem:s18], [sflag:$0x1] =	stream.indirect_vreg.gather [hbm4b:s4+s3], $0x80, v4, vm0, $0xb8;
	[tilespmem:$0x15100] =	vst v63  }
0x279: {  	s19 =	simm.s32 $0x7500  }
0x27a: {  	[tilespmem:s19], [sflag:$0x1] =	stream.indirect_vreg.gather [hbm4b:s8+s3], $0x80, v4, vm1, $0xb8;
	[tilespmem:$0x15100] =	vst v63  }
.LBB2_12:
0x27b: {  	s15 =	simm.s32 $0x0  }
0x27c: {  	s15 =	smul.u32 $0x3000, s15  }
0x27d: {  	_ =	swait.ge [sflag:s9], $0x7800;
	s16 =	simm.s32 $0x0  }
0x27e: {  	[sflag:s9] =	ssyncset.done $0x0;
	s17 =	sand.u32 $0x380, s16;
	s15 =	sshra.s32 s15, $0x2  }
0x27f: {  	[sflag:s9] =	ssyncadd.s32 $0xFFFF8800;
	s15 =	sor.u32 s17, s15  }
0x280: {  	v4 =	vld [tilespmem:s15+$0x811C]  }
0x281: {  	v5 =	vld [tilespmem:s15+$0x7900]  }
0x282: {  	v6 =	vld [tilespmem:s15+$0x7910]  }
0x283: {  	v8 =	vld [tilespmem:s15+$0x7920]  }
0x284: {  	v9 =	vld [tilespmem:s15+$0x7930]  }
0x285: {  	v10 =	vld [tilespmem:s15+$0x7940]  }
0x286: {  	v11 =	vld [tilespmem:s15+$0x7950]  }
0x287: {  	v12 =	vld [tilespmem:s15+$0x7960]  }
0x288: {  	v7 =	vimm.f32 $0.0e+00;
	v13 =	vld [tilespmem:s15+$0x7970]  }
0x289: {  	v14 =	vld [tilespmem:s15+$0x7D00];
	v4 =	vadd.f32 v4, v7  }
0x28a: {  	v22 =	vadd.f32 v5, v7;
	v21 =	vadd.f32 v6, v7  }
0x28b: {  	v20 =	vadd.f32 v8, v7;
	v19 =	vadd.f32 v9, v7  }
0x28c: {  	v27 =	vld [tilespmem:s15+$0x7D10];
	v18 =	vadd.f32 v10, v7;
	v17 =	vadd.f32 v11, v7  }
0x28d: {  	v26 =	vld [tilespmem:s15+$0x7D20];
	v16 =	vadd.f32 v12, v7;
	v15 =	vadd.f32 v13, v7  }
0x28e: {  	v23 =	vld [tilespmem:s15+$0x7D30];
	v13 =	vadd.f32 v14, v7;
	v14 =	vimm.f32 $0.0e+00;
	v12 =	vimm.f32 $0.0e+00  }
0x28f: {  	v24 =	vld [tilespmem:s15+$0x7D40];
	v11 =	vimm.f32 $0.0e+00;
	v10 =	vimm.f32 $0.0e+00;
	v8 =	vimm.f32 $0.0e+00  }
0x290: {  	s18 =	simm.s32 $0x0;
	s17 =	simm.s32 $0x2;
	v25 =	vld [tilespmem:s15+$0x7D50];
	v9 =	vimm.f32 $0.0e+00;
	v6 =	vimm.f32 $0.0e+00;
	v5 =	vimm.f32 $0.0e+00  }
.LBB2_13:
0x291: {  	p0 =	sne.s32 s17, $0x13;
	s18 =	smul.u32 $0x3000, s18;
	v7 =	vadd.f32 v27, v7;
	v27 =	vld [tilespmem:s15+$0x7D60]  }
0x292: {  	s16 =	sadd.s32 $0x80, s16;
	v14 =	vadd.f32 v26, v14;
	v26 =	vld [tilespmem:s15+$0x7D70]  }
0x293: {  	s19 =	sand.u32 $0x380, s16;
	s18 =	sshra.s32 s18, $0x2;
	v12 =	vadd.f32 v23, v12;
	v23 =	vld [tilespmem:s15+$0x8100]  }
0x294: {  	v11 =	vadd.f32 v24, v11;
	v24 =	vld [tilespmem:s15+$0x8110];
	s15 =	sor.u32 s19, s18  }
0x295: {  	v28 =	vld [tilespmem:s15+$0x811C];
	v10 =	vadd.f32 v25, v10  }
0x296: {  	v25 =	vld [tilespmem:s15+$0x7900];
	v8 =	vadd.f32 v27, v8  }
0x297: {  	v27 =	vld [tilespmem:s15+$0x7910];
	v9 =	vadd.f32 v26, v9  }
0x298: {  	v26 =	vld [tilespmem:s15+$0x7920];
	v6 =	vadd.f32 v23, v6  }
0x299: {  	v23 =	vld [tilespmem:s15+$0x7930];
	v5 =	vadd.f32 v24, v5  }
0x29a: {  	v24 =	vld [tilespmem:s15+$0x7940];
	v4 =	vadd.f32 v28, v4  }
0x29b: {  	v22 =	vadd.f32 v25, v22;
	v25 =	vld [tilespmem:s15+$0x7950]  }
0x29c: {  	v21 =	vadd.f32 v27, v21;
	v28 =	vld [tilespmem:s15+$0x7960]  }
0x29d: {  	v20 =	vadd.f32 v26, v20;
	v29 =	vld [tilespmem:s15+$0x7970]  }
0x29e: {  	v19 =	vadd.f32 v23, v19;
	v30 =	vld [tilespmem:s15+$0x7D00]  }
.Ltmp5:
0x29f: {  	v18 =	vadd.f32 v24, v18;
	v27 =	vld [tilespmem:s15+$0x7D10];
	(pc) =	sbr.rel @p0 .LBB2_13-.Ltmp5, $4  }
0x2a0: {  	v17 =	vadd.f32 v25, v17;
	v26 =	vld [tilespmem:s15+$0x7D20]  }
0x2a1: {  	v16 =	vadd.f32 v28, v16;
	v23 =	vld [tilespmem:s15+$0x7D30]  }
0x2a2: {  	v15 =	vadd.f32 v29, v15;
	v24 =	vld [tilespmem:s15+$0x7D40]  }
0x2a3: {  	s18 =	sshrl.u32 s17, $0x3;
	s17 =	sadd.s32 $0x1, s17;
	v13 =	vadd.f32 v30, v13;
	v25 =	vld [tilespmem:s15+$0x7D50]  }
0x2a4: {  	v28 =	vld [tilespmem:$0x80]  }
0x2a5: {  	v29 =	vld [tilespmem:$0x84];
	_ =	sdelay $0x4  }
0x2a6: {  	vm3 =	vne.s32 v28, $0x0;
	vm4 =	vne.s32 v29, $0x0  }
0x2a7: {  	v28 =	vsel vm3, $0x1, v3;
	vm3 =	vmand vm4, vm2  }
0x2a8: {  	(xrf0) =	vadd.scan.msk.s32 $0xffff, v28;
	v28 =	vsel vm3, $0x1, v3  }
0x2a9: {  	(xrf0) =	vadd.scan.msk.s32 $0xffff, v28;
	_ =	sdelay $0x4  }
0x2aa: {  	v28, _, _ =	vpop (xrf0)  }
0x2ab: {  	(v2sf) =	vpush v28, $0xF;
	v28, _, _ =	vpop (xrf0)  }
0x2ac: {  	(v2sf) =	vpush v28, $0xF;
	_ =	sdelay $0x9  }
0x2ad: {  	s17 =	smul.u32 $0x3000, s18  }
0x2ae: {  	s16 =	sadd.s32 $0x80, s16  }
0x2af: {  	v30 =	vld [tilespmem:s15+$0x8100];
	s16 =	sand.u32 $0x380, s16;
	s17 =	sshra.s32 s17, $0x2  }
0x2b0: {  	v31 =	vld [tilespmem:s15+$0x8110];
	s16 =	sor.u32 s16, s17  }
0x2b1: {  	v32 =	vld [tilespmem:s16+$0x811C];
	s19 =	spop (v2sf)  }
0x2b2: {  	v29 =	vld [tilespmem:s15+$0x7D70];
	s17 =	spop (v2sf)  }
0x2b3: {  	v28 =	vld [tilespmem:s15+$0x7D60];
	s15 =	sadd.s32 s19, s17  }
0x2b4: {  	v33 =	vld [tilespmem:s16+$0x7900];
	v35 =	vmov s15  }
0x2b5: {  	v34 =	vld [tilespmem:s16+$0x7910];
	v35 =	vcvt.s32.f32 v35  }
0x2b6: {  	v36 =	vld [tilespmem:s16+$0x7920]  }
0x2b7: {  	v37 =	vld [tilespmem:s16+$0x7930];
	v35 =	vbroadcast v35, $0x0  }
0x2b8: {  	v38 =	vld [tilespmem:s16+$0x7940]  }
0x2b9: {  	v39 =	vld [tilespmem:s16+$0x7950];
	(erf) = vrcp.f32 v35  }
0x2ba: {  	v40 =	vld [tilespmem:s16+$0x7960]  }
0x2bb: {  	v59 =	vld [tilespmem:s16+$0x7970]  }
0x2bc: {  	v41 =	vld [tilespmem:s16+$0x7D00]  }
0x2bd: {  	v42 =	vld [tilespmem:s16+$0x7D10]  }
0x2be: {  	v43 =	vld [tilespmem:s16+$0x7D20]  }
0x2bf: {  	v44 =	vld [tilespmem:s16+$0x7D30]  }
0x2c0: {  	v45 =	vld [tilespmem:s16+$0x7D40]  }
0x2c1: {  	v46 =	vld [tilespmem:s16+$0x7D50];
	v22 =	vadd.f32 v33, v22  }
0x2c2: {  	v60 =	vld [tilespmem:s16+$0x7D60];
	v21 =	vadd.f32 v34, v21;
	v47 =	vpop (erf)  }
0x2c3: {  	v61 =	vld [tilespmem:s16+$0x7D70];
	v20 =	vadd.f32 v36, v20;
	v22 =	vmul.f32 v47, v22  }
0x2c4: {  	v62 =	vld [tilespmem:s16+$0x8100];
	v19 =	vadd.f32 v37, v19;
	v21 =	vmul.f32 v47, v21  }
0x2c5: {  	v63 =	vld [tilespmem:s16+$0x8110];
	v18 =	vadd.f32 v38, v18;
	v20 =	vmul.f32 v47, v20;
	[tilespmem:s13+$0xF300] =	vst v22  }
0x2c6: {  	v17 =	vadd.f32 v39, v17;
	v19 =	vmul.f32 v47, v19;
	[tilespmem:s13+$0xF310] =	vst v21  }
0x2c7: {  	v16 =	vadd.f32 v40, v16;
	v18 =	vmul.f32 v47, v18;
	[tilespmem:s13+$0xF320] =	vst v20  }
0x2c8: {  	v7 =	vadd.f32 v27, v7;
	v15 =	vadd.f32 v59, v15;
	v17 =	vmul.f32 v47, v17;
	[tilespmem:s13+$0xF330] =	vst v19  }
0x2c9: {  	v11 =	vadd.f32 v24, v11;
	v13 =	vadd.f32 v41, v13;
	v16 =	vmul.f32 v47, v16;
	[tilespmem:s13+$0xF340] =	vst v18  }
0x2ca: {  	v7 =	vadd.f32 v42, v7;
	v8 =	vadd.f32 v28, v8;
	v15 =	vmul.f32 v47, v15;
	[tilespmem:s13+$0xF350] =	vst v17  }
0x2cb: {  	v6 =	vadd.f32 v30, v6;
	v11 =	vadd.f32 v45, v11;
	v13 =	vmul.f32 v47, v13;
	[tilespmem:s13+$0xF360] =	vst v16  }
0x2cc: {  	v5 =	vadd.f32 v31, v5;
	v8 =	vadd.f32 v60, v8;
	v7 =	vmul.f32 v47, v7;
	[tilespmem:s13+$0xF370] =	vst v15  }
0x2cd: {  	v12 =	vadd.f32 v23, v12;
	v6 =	vadd.f32 v62, v6;
	v11 =	vmul.f32 v47, v11;
	[tilespmem:s13+$0xF700] =	vst v13  }
0x2ce: {  	v5 =	vadd.f32 v63, v5;
	v8 =	vmul.f32 v47, v8;
	[tilespmem:s13+$0xF710] =	vst v7  }
0x2cf: {  	v10 =	vadd.f32 v25, v10;
	v12 =	vadd.f32 v44, v12;
	v6 =	vmul.f32 v47, v6;
	[tilespmem:s13+$0xF740] =	vst v11  }
0x2d0: {  	v14 =	vadd.f32 v26, v14;
	v4 =	vadd.f32 v32, v4;
	v5 =	vmul.f32 v47, v5;
	[tilespmem:s13+$0xF760] =	vst v8  }
0x2d1: {  	v10 =	vadd.f32 v46, v10;
	v9 =	vadd.f32 v29, v9;
	v7 =	vmul.f32 v47, v12;
	[tilespmem:s13+$0xFB00] =	vst v6  }
0x2d2: {  	v14 =	vadd.f32 v43, v14;
	v4 =	vmul.f32 v47, v4;
	[tilespmem:s13+$0xFB10] =	vst v5  }
0x2d3: {  	s18 =	simm.s32 $0x2;
	v9 =	vadd.f32 v61, v9;
	[tilespmem:s13+$0xF730] =	vst v7;
	v7 =	vmul.f32 v47, v10  }
0x2d4: {  	s15 =	smul.u32 $0x3000, s18;
	v13 =	vmul.f32 v47, v14;
	[tilespmem:s13+$0xFB1C] =	vst v4  }
0x2d5: {  	s16 =	simm.s32 $0xA00;
	[tilespmem:s13+$0xF750] =	vst v7;
	v7 =	vmul.f32 v47, v9  }
0x2d6: {  	s19 =	sand.u32 $0x380, s16;
	s15 =	sshra.s32 s15, $0x2;
	[tilespmem:s13+$0xF720] =	vst v13  }
0x2d7: {  	s15 =	sor.u32 s19, s15;
	[tilespmem:s13+$0xF770] =	vst v7  }
0x2d8: {  	v4 =	vld [tilespmem:s15+$0x811C]  }
0x2d9: {  	v5 =	vld [tilespmem:s15+$0x7900]  }
0x2da: {  	v6 =	vld [tilespmem:s15+$0x7910]  }
0x2db: {  	v8 =	vld [tilespmem:s15+$0x7920]  }
0x2dc: {  	v9 =	vld [tilespmem:s15+$0x7930]  }
0x2dd: {  	v10 =	vld [tilespmem:s15+$0x7940]  }
0x2de: {  	v11 =	vld [tilespmem:s15+$0x7950]  }
0x2df: {  	v12 =	vld [tilespmem:s15+$0x7960]  }
0x2e0: {  	v7 =	vimm.f32 $0.0e+00;
	v13 =	vld [tilespmem:s15+$0x7970]  }
0x2e1: {  	v14 =	vld [tilespmem:s15+$0x7D00];
	v4 =	vadd.f32 v4, v7  }
0x2e2: {  	v22 =	vadd.f32 v5, v7;
	v21 =	vadd.f32 v6, v7  }
0x2e3: {  	v20 =	vadd.f32 v8, v7;
	v19 =	vadd.f32 v9, v7  }
0x2e4: {  	v27 =	vld [tilespmem:s15+$0x7D10];
	v18 =	vadd.f32 v10, v7;
	v17 =	vadd.f32 v11, v7  }
0x2e5: {  	v26 =	vld [tilespmem:s15+$0x7D20];
	v16 =	vadd.f32 v12, v7;
	v15 =	vadd.f32 v13, v7  }
0x2e6: {  	v23 =	vld [tilespmem:s15+$0x7D30];
	v13 =	vadd.f32 v14, v7;
	v14 =	vimm.f32 $0.0e+00;
	v12 =	vimm.f32 $0.0e+00  }
0x2e7: {  	v24 =	vld [tilespmem:s15+$0x7D40];
	v11 =	vimm.f32 $0.0e+00;
	v10 =	vimm.f32 $0.0e+00;
	v8 =	vimm.f32 $0.0e+00  }
0x2e8: {  	s17 =	simm.s32 $0x16;
	s18 =	simm.s32 $0x2;
	v25 =	vld [tilespmem:s15+$0x7D50];
	v9 =	vimm.f32 $0.0e+00;
	v6 =	vimm.f32 $0.0e+00;
	v5 =	vimm.f32 $0.0e+00  }
.LBB2_15:
0x2e9: {  	p0 =	sne.s32 s17, $0x27;
	s18 =	smul.u32 $0x3000, s18;
	v7 =	vadd.f32 v27, v7;
	v27 =	vld [tilespmem:s15+$0x7D60]  }
0x2ea: {  	s16 =	sadd.s32 $0x80, s16;
	v14 =	vadd.f32 v26, v14;
	v26 =	vld [tilespmem:s15+$0x7D70]  }
0x2eb: {  	s19 =	sand.u32 $0x380, s16;
	s18 =	sshra.s32 s18, $0x2;
	v12 =	vadd.f32 v23, v12;
	v23 =	vld [tilespmem:s15+$0x8100]  }
0x2ec: {  	v11 =	vadd.f32 v24, v11;
	v24 =	vld [tilespmem:s15+$0x8110];
	s15 =	sor.u32 s19, s18  }
0x2ed: {  	v28 =	vld [tilespmem:s15+$0x811C];
	v10 =	vadd.f32 v25, v10  }
0x2ee: {  	v25 =	vld [tilespmem:s15+$0x7900];
	v8 =	vadd.f32 v27, v8  }
0x2ef: {  	v27 =	vld [tilespmem:s15+$0x7910];
	v9 =	vadd.f32 v26, v9  }
0x2f0: {  	v26 =	vld [tilespmem:s15+$0x7920];
	v6 =	vadd.f32 v23, v6  }
0x2f1: {  	v23 =	vld [tilespmem:s15+$0x7930];
	v5 =	vadd.f32 v24, v5  }
0x2f2: {  	v24 =	vld [tilespmem:s15+$0x7940];
	v4 =	vadd.f32 v28, v4  }
0x2f3: {  	v22 =	vadd.f32 v25, v22;
	v25 =	vld [tilespmem:s15+$0x7950]  }
0x2f4: {  	v21 =	vadd.f32 v27, v21;
	v28 =	vld [tilespmem:s15+$0x7960]  }
0x2f5: {  	v20 =	vadd.f32 v26, v20;
	v29 =	vld [tilespmem:s15+$0x7970]  }
0x2f6: {  	v19 =	vadd.f32 v23, v19;
	v30 =	vld [tilespmem:s15+$0x7D00]  }
.Ltmp6:
0x2f7: {  	v18 =	vadd.f32 v24, v18;
	v27 =	vld [tilespmem:s15+$0x7D10];
	(pc) =	sbr.rel @p0 .LBB2_15-.Ltmp6, $4  }
0x2f8: {  	v17 =	vadd.f32 v25, v17;
	v26 =	vld [tilespmem:s15+$0x7D20]  }
0x2f9: {  	v16 =	vadd.f32 v28, v16;
	v23 =	vld [tilespmem:s15+$0x7D30]  }
0x2fa: {  	v15 =	vadd.f32 v29, v15;
	v24 =	vld [tilespmem:s15+$0x7D40]  }
0x2fb: {  	s18 =	sshrl.u32 s17, $0x3;
	s17 =	sadd.s32 $0x1, s17;
	v13 =	vadd.f32 v30, v13;
	v25 =	vld [tilespmem:s15+$0x7D50]  }
0x2fc: {  	v28 =	vld [tilespmem:$0x94]  }
0x2fd: {  	v29 =	vld [tilespmem:$0x98];
	_ =	sdelay $0x4  }
0x2fe: {  	vm3 =	vne.s32 v28, $0x0;
	vm4 =	vne.s32 v29, $0x0  }
0x2ff: {  	v28 =	vsel vm3, $0x1, v3;
	vm3 =	vmand vm4, vm2  }
0x300: {  	(xrf0) =	vadd.scan.msk.s32 $0xffff, v28;
	v28 =	vsel vm3, $0x1, v3  }
0x301: {  	(xrf0) =	vadd.scan.msk.s32 $0xffff, v28;
	_ =	sdelay $0x4  }
0x302: {  	v28, _, _ =	vpop (xrf0)  }
0x303: {  	(v2sf) =	vpush v28, $0xF;
	v28, _, _ =	vpop (xrf0)  }
0x304: {  	(v2sf) =	vpush v28, $0xF;
	_ =	sdelay $0x9  }
0x305: {  	s17 =	smul.u32 $0x3000, s18  }
0x306: {  	s16 =	sadd.s32 $0x80, s16  }
0x307: {  	v30 =	vld [tilespmem:s15+$0x8100];
	s16 =	sand.u32 $0x380, s16;
	s17 =	sshra.s32 s17, $0x2  }
0x308: {  	v31 =	vld [tilespmem:s15+$0x8110];
	s16 =	sor.u32 s16, s17  }
0x309: {  	v32 =	vld [tilespmem:s16+$0x811C];
	s19 =	spop (v2sf)  }
0x30a: {  	v29 =	vld [tilespmem:s15+$0x7D70];
	s17 =	spop (v2sf)  }
0x30b: {  	v28 =	vld [tilespmem:s15+$0x7D60];
	s15 =	sadd.s32 s19, s17  }
0x30c: {  	v33 =	vld [tilespmem:s16+$0x7900];
	v35 =	vmov s15  }
0x30d: {  	v34 =	vld [tilespmem:s16+$0x7910];
	v35 =	vcvt.s32.f32 v35  }
0x30e: {  	v36 =	vld [tilespmem:s16+$0x7920]  }
0x30f: {  	v37 =	vld [tilespmem:s16+$0x7930];
	v35 =	vbroadcast v35, $0x0  }
0x310: {  	v38 =	vld [tilespmem:s16+$0x7940]  }
0x311: {  	v39 =	vld [tilespmem:s16+$0x7950];
	(erf) = vrcp.f32 v35  }
0x312: {  	v40 =	vld [tilespmem:s16+$0x7960]  }
0x313: {  	v59 =	vld [tilespmem:s16+$0x7970]  }
0x314: {  	v41 =	vld [tilespmem:s16+$0x7D00]  }
0x315: {  	v42 =	vld [tilespmem:s16+$0x7D10]  }
0x316: {  	v43 =	vld [tilespmem:s16+$0x7D20]  }
0x317: {  	v44 =	vld [tilespmem:s16+$0x7D30]  }
0x318: {  	v45 =	vld [tilespmem:s16+$0x7D40]  }
0x319: {  	v46 =	vld [tilespmem:s16+$0x7D50];
	v22 =	vadd.f32 v33, v22  }
0x31a: {  	v60 =	vld [tilespmem:s16+$0x7D60];
	v21 =	vadd.f32 v34, v21;
	v47 =	vpop (erf)  }
0x31b: {  	v61 =	vld [tilespmem:s16+$0x7D70];
	v20 =	vadd.f32 v36, v20;
	v22 =	vmul.f32 v47, v22  }
0x31c: {  	v62 =	vld [tilespmem:s16+$0x8100];
	v19 =	vadd.f32 v37, v19;
	v21 =	vmul.f32 v47, v21  }
0x31d: {  	v63 =	vld [tilespmem:s16+$0x8110];
	v18 =	vadd.f32 v38, v18;
	v20 =	vmul.f32 v47, v20;
	[tilespmem:s13+$0xF380] =	vst v22  }
0x31e: {  	v17 =	vadd.f32 v39, v17;
	v19 =	vmul.f32 v47, v19;
	[tilespmem:s13+$0xF390] =	vst v21  }
0x31f: {  	v16 =	vadd.f32 v40, v16;
	v18 =	vmul.f32 v47, v18;
	[tilespmem:s13+$0xF3A0] =	vst v20  }
0x320: {  	v7 =	vadd.f32 v27, v7;
	v15 =	vadd.f32 v59, v15;
	v17 =	vmul.f32 v47, v17;
	[tilespmem:s13+$0xF3B0] =	vst v19  }
0x321: {  	v11 =	vadd.f32 v24, v11;
	v13 =	vadd.f32 v41, v13;
	v16 =	vmul.f32 v47, v16;
	[tilespmem:s13+$0xF3C0] =	vst v18  }
0x322: {  	v7 =	vadd.f32 v42, v7;
	v8 =	vadd.f32 v28, v8;
	v15 =	vmul.f32 v47, v15;
	[tilespmem:s13+$0xF3D0] =	vst v17  }
0x323: {  	v6 =	vadd.f32 v30, v6;
	v11 =	vadd.f32 v45, v11;
	v13 =	vmul.f32 v47, v13;
	[tilespmem:s13+$0xF3E0] =	vst v16  }
0x324: {  	v5 =	vadd.f32 v31, v5;
	v8 =	vadd.f32 v60, v8;
	v7 =	vmul.f32 v47, v7;
	[tilespmem:s13+$0xF3F0] =	vst v15  }
0x325: {  	v12 =	vadd.f32 v23, v12;
	v6 =	vadd.f32 v62, v6;
	v11 =	vmul.f32 v47, v11;
	[tilespmem:s13+$0xF780] =	vst v13  }
0x326: {  	v5 =	vadd.f32 v63, v5;
	v8 =	vmul.f32 v47, v8;
	[tilespmem:s13+$0xF790] =	vst v7  }
0x327: {  	v10 =	vadd.f32 v25, v10;
	v12 =	vadd.f32 v44, v12;
	v6 =	vmul.f32 v47, v6;
	[tilespmem:s13+$0xF7C0] =	vst v11  }
0x328: {  	v14 =	vadd.f32 v26, v14;
	v4 =	vadd.f32 v32, v4;
	v5 =	vmul.f32 v47, v5;
	[tilespmem:s13+$0xF7E0] =	vst v8  }
0x329: {  	v10 =	vadd.f32 v46, v10;
	v9 =	vadd.f32 v29, v9;
	v7 =	vmul.f32 v47, v12;
	[tilespmem:s13+$0xFB80] =	vst v6  }
0x32a: {  	v14 =	vadd.f32 v43, v14;
	v4 =	vmul.f32 v47, v4;
	[tilespmem:s13+$0xFB90] =	vst v5  }
0x32b: {  	s18 =	simm.s32 $0x5;
	v9 =	vadd.f32 v61, v9;
	[tilespmem:s13+$0xF7B0] =	vst v7;
	v7 =	vmul.f32 v47, v10  }
0x32c: {  	s15 =	smul.u32 $0x3000, s18;
	v13 =	vmul.f32 v47, v14;
	[tilespmem:s13+$0xFB9C] =	vst v4  }
0x32d: {  	s16 =	simm.s32 $0x0;
	[tilespmem:s13+$0xF7D0] =	vst v7;
	v7 =	vmul.f32 v47, v9  }
0x32e: {  	s19 =	sand.u32 $0x380, s16;
	s15 =	sshra.s32 s15, $0x2;
	[tilespmem:s13+$0xF7A0] =	vst v13  }
0x32f: {  	s15 =	sor.u32 s19, s15;
	[tilespmem:s13+$0xF7F0] =	vst v7  }
0x330: {  	v4 =	vld [tilespmem:s15+$0x811C]  }
0x331: {  	v5 =	vld [tilespmem:s15+$0x7900]  }
0x332: {  	v6 =	vld [tilespmem:s15+$0x7910]  }
0x333: {  	v8 =	vld [tilespmem:s15+$0x7920]  }
0x334: {  	v9 =	vld [tilespmem:s15+$0x7930]  }
0x335: {  	v10 =	vld [tilespmem:s15+$0x7940]  }
0x336: {  	v11 =	vld [tilespmem:s15+$0x7950]  }
0x337: {  	v12 =	vld [tilespmem:s15+$0x7960]  }
0x338: {  	v7 =	vimm.f32 $0.0e+00;
	v13 =	vld [tilespmem:s15+$0x7970]  }
0x339: {  	v14 =	vld [tilespmem:s15+$0x7D00];
	v4 =	vadd.f32 v4, v7  }
0x33a: {  	v22 =	vadd.f32 v5, v7;
	v21 =	vadd.f32 v6, v7  }
0x33b: {  	v20 =	vadd.f32 v8, v7;
	v19 =	vadd.f32 v9, v7  }
0x33c: {  	v27 =	vld [tilespmem:s15+$0x7D10];
	v18 =	vadd.f32 v10, v7;
	v17 =	vadd.f32 v11, v7  }
0x33d: {  	v26 =	vld [tilespmem:s15+$0x7D20];
	v16 =	vadd.f32 v12, v7;
	v15 =	vadd.f32 v13, v7  }
0x33e: {  	v23 =	vld [tilespmem:s15+$0x7D30];
	v13 =	vadd.f32 v14, v7;
	v14 =	vimm.f32 $0.0e+00;
	v12 =	vimm.f32 $0.0e+00  }
0x33f: {  	v24 =	vld [tilespmem:s15+$0x7D40];
	v11 =	vimm.f32 $0.0e+00;
	v10 =	vimm.f32 $0.0e+00;
	v8 =	vimm.f32 $0.0e+00  }
0x340: {  	s17 =	simm.s32 $0x2A;
	s18 =	simm.s32 $0x5;
	v25 =	vld [tilespmem:s15+$0x7D50];
	v9 =	vimm.f32 $0.0e+00;
	v6 =	vimm.f32 $0.0e+00;
	v5 =	vimm.f32 $0.0e+00  }
.LBB2_17:
0x341: {  	p0 =	sne.s32 s17, $0x3B;
	s18 =	smul.u32 $0x3000, s18;
	v7 =	vadd.f32 v27, v7;
	v27 =	vld [tilespmem:s15+$0x7D60]  }
0x342: {  	s16 =	sadd.s32 $0x80, s16;
	v14 =	vadd.f32 v26, v14;
	v26 =	vld [tilespmem:s15+$0x7D70]  }
0x343: {  	s19 =	sand.u32 $0x380, s16;
	s18 =	sshra.s32 s18, $0x2;
	v12 =	vadd.f32 v23, v12;
	v23 =	vld [tilespmem:s15+$0x8100]  }
0x344: {  	v11 =	vadd.f32 v24, v11;
	v24 =	vld [tilespmem:s15+$0x8110];
	s15 =	sor.u32 s19, s18  }
0x345: {  	v28 =	vld [tilespmem:s15+$0x811C];
	v10 =	vadd.f32 v25, v10  }
0x346: {  	v25 =	vld [tilespmem:s15+$0x7900];
	v8 =	vadd.f32 v27, v8  }
0x347: {  	v27 =	vld [tilespmem:s15+$0x7910];
	v9 =	vadd.f32 v26, v9  }
0x348: {  	v26 =	vld [tilespmem:s15+$0x7920];
	v6 =	vadd.f32 v23, v6  }
0x349: {  	v23 =	vld [tilespmem:s15+$0x7930];
	v5 =	vadd.f32 v24, v5  }
0x34a: {  	v24 =	vld [tilespmem:s15+$0x7940];
	v4 =	vadd.f32 v28, v4  }
0x34b: {  	v22 =	vadd.f32 v25, v22;
	v25 =	vld [tilespmem:s15+$0x7950]  }
0x34c: {  	v21 =	vadd.f32 v27, v21;
	v28 =	vld [tilespmem:s15+$0x7960]  }
0x34d: {  	v20 =	vadd.f32 v26, v20;
	v29 =	vld [tilespmem:s15+$0x7970]  }
0x34e: {  	v19 =	vadd.f32 v23, v19;
	v30 =	vld [tilespmem:s15+$0x7D00]  }
.Ltmp7:
0x34f: {  	v18 =	vadd.f32 v24, v18;
	v27 =	vld [tilespmem:s15+$0x7D10];
	(pc) =	sbr.rel @p0 .LBB2_17-.Ltmp7, $4  }
0x350: {  	v17 =	vadd.f32 v25, v17;
	v26 =	vld [tilespmem:s15+$0x7D20]  }
0x351: {  	v16 =	vadd.f32 v28, v16;
	v23 =	vld [tilespmem:s15+$0x7D30]  }
0x352: {  	v15 =	vadd.f32 v29, v15;
	v24 =	vld [tilespmem:s15+$0x7D40]  }
0x353: {  	s18 =	sshrl.u32 s17, $0x3;
	s17 =	sadd.s32 $0x1, s17;
	v13 =	vadd.f32 v30, v13;
	v25 =	vld [tilespmem:s15+$0x7D50]  }
0x354: {  	v28 =	vld [tilespmem:$0xA8]  }
0x355: {  	v29 =	vld [tilespmem:$0xAC];
	_ =	sdelay $0x4  }
0x356: {  	vm3 =	vne.s32 v28, $0x0;
	vm4 =	vne.s32 v29, $0x0  }
0x357: {  	v28 =	vsel vm3, $0x1, v3;
	vm3 =	vmand vm4, vm2  }
0x358: {  	(xrf0) =	vadd.scan.msk.s32 $0xffff, v28;
	v28 =	vsel vm3, $0x1, v3  }
0x359: {  	(xrf0) =	vadd.scan.msk.s32 $0xffff, v28;
	_ =	sdelay $0x4  }
0x35a: {  	v28, _, _ =	vpop (xrf0)  }
0x35b: {  	(v2sf) =	vpush v28, $0xF;
	v28, _, _ =	vpop (xrf0)  }
0x35c: {  	(v2sf) =	vpush v28, $0xF;
	_ =	sdelay $0x9  }
0x35d: {  	s17 =	smul.u32 $0x3000, s18  }
0x35e: {  	s16 =	sadd.s32 $0x80, s16  }
0x35f: {  	v30 =	vld [tilespmem:s15+$0x8100];
	s16 =	sand.u32 $0x380, s16;
	s17 =	sshra.s32 s17, $0x2  }
0x360: {  	v31 =	vld [tilespmem:s15+$0x8110];
	s16 =	sor.u32 s16, s17  }
0x361: {  	v32 =	vld [tilespmem:s16+$0x811C];
	s19 =	spop (v2sf)  }
0x362: {  	v29 =	vld [tilespmem:s15+$0x7D70];
	s17 =	spop (v2sf)  }
0x363: {  	v28 =	vld [tilespmem:s15+$0x7D60];
	s15 =	sadd.s32 s19, s17  }
0x364: {  	v33 =	vld [tilespmem:s16+$0x7900];
	v35 =	vmov s15  }
0x365: {  	v34 =	vld [tilespmem:s16+$0x7910];
	v35 =	vcvt.s32.f32 v35  }
0x366: {  	v36 =	vld [tilespmem:s16+$0x7920]  }
0x367: {  	v37 =	vld [tilespmem:s16+$0x7930];
	v35 =	vbroadcast v35, $0x0  }
0x368: {  	v38 =	vld [tilespmem:s16+$0x7940]  }
0x369: {  	v39 =	vld [tilespmem:s16+$0x7950];
	(erf) = vrcp.f32 v35  }
0x36a: {  	v40 =	vld [tilespmem:s16+$0x7960]  }
0x36b: {  	v59 =	vld [tilespmem:s16+$0x7970]  }
0x36c: {  	v41 =	vld [tilespmem:s16+$0x7D00]  }
0x36d: {  	v42 =	vld [tilespmem:s16+$0x7D10]  }
0x36e: {  	v43 =	vld [tilespmem:s16+$0x7D20]  }
0x36f: {  	v44 =	vld [tilespmem:s16+$0x7D30]  }
0x370: {  	v45 =	vld [tilespmem:s16+$0x7D40]  }
0x371: {  	v46 =	vld [tilespmem:s16+$0x7D50];
	v22 =	vadd.f32 v33, v22  }
0x372: {  	v60 =	vld [tilespmem:s16+$0x7D60];
	v21 =	vadd.f32 v34, v21;
	v47 =	vpop (erf)  }
0x373: {  	v61 =	vld [tilespmem:s16+$0x7D70];
	v20 =	vadd.f32 v36, v20;
	v22 =	vmul.f32 v47, v22  }
0x374: {  	v62 =	vld [tilespmem:s16+$0x8100];
	v19 =	vadd.f32 v37, v19;
	v21 =	vmul.f32 v47, v21  }
0x375: {  	v63 =	vld [tilespmem:s16+$0x8110];
	v18 =	vadd.f32 v38, v18;
	v20 =	vmul.f32 v47, v20;
	[tilespmem:s13+$0xF400] =	vst v22  }
0x376: {  	v17 =	vadd.f32 v39, v17;
	v19 =	vmul.f32 v47, v19;
	[tilespmem:s13+$0xF410] =	vst v21  }
0x377: {  	v16 =	vadd.f32 v40, v16;
	v18 =	vmul.f32 v47, v18;
	[tilespmem:s13+$0xF420] =	vst v20  }
0x378: {  	v7 =	vadd.f32 v27, v7;
	v15 =	vadd.f32 v59, v15;
	v17 =	vmul.f32 v47, v17;
	[tilespmem:s13+$0xF430] =	vst v19  }
0x379: {  	v11 =	vadd.f32 v24, v11;
	v13 =	vadd.f32 v41, v13;
	v16 =	vmul.f32 v47, v16;
	[tilespmem:s13+$0xF440] =	vst v18  }
0x37a: {  	v7 =	vadd.f32 v42, v7;
	v8 =	vadd.f32 v28, v8;
	v15 =	vmul.f32 v47, v15;
	[tilespmem:s13+$0xF450] =	vst v17  }
0x37b: {  	v6 =	vadd.f32 v30, v6;
	v11 =	vadd.f32 v45, v11;
	v13 =	vmul.f32 v47, v13;
	[tilespmem:s13+$0xF460] =	vst v16  }
0x37c: {  	v5 =	vadd.f32 v31, v5;
	v8 =	vadd.f32 v60, v8;
	v7 =	vmul.f32 v47, v7;
	[tilespmem:s13+$0xF470] =	vst v15  }
0x37d: {  	v12 =	vadd.f32 v23, v12;
	v6 =	vadd.f32 v62, v6;
	v11 =	vmul.f32 v47, v11;
	[tilespmem:s13+$0xF800] =	vst v13  }
0x37e: {  	v5 =	vadd.f32 v63, v5;
	v8 =	vmul.f32 v47, v8;
	[tilespmem:s13+$0xF810] =	vst v7  }
0x37f: {  	v10 =	vadd.f32 v25, v10;
	v12 =	vadd.f32 v44, v12;
	v6 =	vmul.f32 v47, v6;
	[tilespmem:s13+$0xF840] =	vst v11  }
0x380: {  	v14 =	vadd.f32 v26, v14;
	v4 =	vadd.f32 v32, v4;
	v5 =	vmul.f32 v47, v5;
	[tilespmem:s13+$0xF860] =	vst v8  }
0x381: {  	v10 =	vadd.f32 v46, v10;
	v9 =	vadd.f32 v29, v9;
	v7 =	vmul.f32 v47, v12;
	[tilespmem:s13+$0xFC00] =	vst v6  }
0x382: {  	v14 =	vadd.f32 v43, v14;
	v4 =	vmul.f32 v47, v4;
	[tilespmem:s13+$0xFC10] =	vst v5  }
0x383: {  	s18 =	simm.s32 $0x7;
	v9 =	vadd.f32 v61, v9;
	[tilespmem:s13+$0xF830] =	vst v7;
	v7 =	vmul.f32 v47, v10  }
0x384: {  	s15 =	smul.u32 $0x3000, s18;
	v13 =	vmul.f32 v47, v14;
	[tilespmem:s13+$0xFC1C] =	vst v4  }
0x385: {  	s16 =	simm.s32 $0x1E00;
	[tilespmem:s13+$0xF850] =	vst v7;
	v7 =	vmul.f32 v47, v9  }
0x386: {  	s19 =	sand.u32 $0x380, s16;
	s15 =	sshra.s32 s15, $0x2;
	[tilespmem:s13+$0xF820] =	vst v13  }
0x387: {  	s15 =	sor.u32 s19, s15;
	[tilespmem:s13+$0xF870] =	vst v7  }
0x388: {  	v4 =	vld [tilespmem:s15+$0x811C]  }
0x389: {  	v5 =	vld [tilespmem:s15+$0x7900]  }
0x38a: {  	v6 =	vld [tilespmem:s15+$0x7910]  }
0x38b: {  	v8 =	vld [tilespmem:s15+$0x7920]  }
0x38c: {  	v9 =	vld [tilespmem:s15+$0x7930]  }
0x38d: {  	v10 =	vld [tilespmem:s15+$0x7940]  }
0x38e: {  	v11 =	vld [tilespmem:s15+$0x7950]  }
0x38f: {  	v12 =	vld [tilespmem:s15+$0x7960]  }
0x390: {  	v7 =	vimm.f32 $0.0e+00;
	v13 =	vld [tilespmem:s15+$0x7970]  }
0x391: {  	v14 =	vld [tilespmem:s15+$0x7D00];
	v4 =	vadd.f32 v4, v7  }
0x392: {  	v22 =	vadd.f32 v5, v7;
	v21 =	vadd.f32 v6, v7  }
0x393: {  	v20 =	vadd.f32 v8, v7;
	v19 =	vadd.f32 v9, v7  }
0x394: {  	v27 =	vld [tilespmem:s15+$0x7D10];
	v18 =	vadd.f32 v10, v7;
	v17 =	vadd.f32 v11, v7  }
0x395: {  	v26 =	vld [tilespmem:s15+$0x7D20];
	v16 =	vadd.f32 v12, v7;
	v15 =	vadd.f32 v13, v7  }
0x396: {  	v23 =	vld [tilespmem:s15+$0x7D30];
	v13 =	vadd.f32 v14, v7;
	v14 =	vimm.f32 $0.0e+00;
	v12 =	vimm.f32 $0.0e+00  }
0x397: {  	v24 =	vld [tilespmem:s15+$0x7D40];
	v11 =	vimm.f32 $0.0e+00;
	v10 =	vimm.f32 $0.0e+00;
	v8 =	vimm.f32 $0.0e+00  }
0x398: {  	s17 =	simm.s32 $0x3E;
	s18 =	simm.s32 $0x7;
	v25 =	vld [tilespmem:s15+$0x7D50];
	v9 =	vimm.f32 $0.0e+00;
	v6 =	vimm.f32 $0.0e+00;
	v5 =	vimm.f32 $0.0e+00  }
.LBB2_19:
0x399: {  	p0 =	sne.s32 s17, $0x4F;
	s18 =	smul.u32 $0x3000, s18;
	v7 =	vadd.f32 v27, v7;
	v27 =	vld [tilespmem:s15+$0x7D60]  }
0x39a: {  	s16 =	sadd.s32 $0x80, s16;
	v14 =	vadd.f32 v26, v14;
	v26 =	vld [tilespmem:s15+$0x7D70]  }
0x39b: {  	s19 =	sand.u32 $0x380, s16;
	s18 =	sshra.s32 s18, $0x2;
	v12 =	vadd.f32 v23, v12;
	v23 =	vld [tilespmem:s15+$0x8100]  }
0x39c: {  	v11 =	vadd.f32 v24, v11;
	v24 =	vld [tilespmem:s15+$0x8110];
	s15 =	sor.u32 s19, s18  }
0x39d: {  	v28 =	vld [tilespmem:s15+$0x811C];
	v10 =	vadd.f32 v25, v10  }
0x39e: {  	v25 =	vld [tilespmem:s15+$0x7900];
	v8 =	vadd.f32 v27, v8  }
0x39f: {  	v27 =	vld [tilespmem:s15+$0x7910];
	v9 =	vadd.f32 v26, v9  }
0x3a0: {  	v26 =	vld [tilespmem:s15+$0x7920];
	v6 =	vadd.f32 v23, v6  }
0x3a1: {  	v23 =	vld [tilespmem:s15+$0x7930];
	v5 =	vadd.f32 v24, v5  }
0x3a2: {  	v24 =	vld [tilespmem:s15+$0x7940];
	v4 =	vadd.f32 v28, v4  }
0x3a3: {  	v22 =	vadd.f32 v25, v22;
	v25 =	vld [tilespmem:s15+$0x7950]  }
0x3a4: {  	v21 =	vadd.f32 v27, v21;
	v28 =	vld [tilespmem:s15+$0x7960]  }
0x3a5: {  	v20 =	vadd.f32 v26, v20;
	v29 =	vld [tilespmem:s15+$0x7970]  }
0x3a6: {  	v19 =	vadd.f32 v23, v19;
	v30 =	vld [tilespmem:s15+$0x7D00]  }
.Ltmp8:
0x3a7: {  	v18 =	vadd.f32 v24, v18;
	v27 =	vld [tilespmem:s15+$0x7D10];
	(pc) =	sbr.rel @p0 .LBB2_19-.Ltmp8, $4  }
0x3a8: {  	v17 =	vadd.f32 v25, v17;
	v26 =	vld [tilespmem:s15+$0x7D20]  }
0x3a9: {  	v16 =	vadd.f32 v28, v16;
	v23 =	vld [tilespmem:s15+$0x7D30]  }
0x3aa: {  	v15 =	vadd.f32 v29, v15;
	v24 =	vld [tilespmem:s15+$0x7D40]  }
0x3ab: {  	s18 =	sshrl.u32 s17, $0x3;
	s17 =	sadd.s32 $0x1, s17;
	v13 =	vadd.f32 v30, v13;
	v25 =	vld [tilespmem:s15+$0x7D50]  }
0x3ac: {  	v28 =	vld [tilespmem:$0xBC]  }
0x3ad: {  	v29 =	vld [tilespmem:$0xC0];
	_ =	sdelay $0x4  }
0x3ae: {  	vm3 =	vne.s32 v28, $0x0;
	vm4 =	vne.s32 v29, $0x0  }
0x3af: {  	v28 =	vsel vm3, $0x1, v3;
	vm3 =	vmand vm4, vm2  }
0x3b0: {  	(xrf0) =	vadd.scan.msk.s32 $0xffff, v28;
	v50 =	vsel vm3, $0x1, v3  }
0x3b1: {  	(xrf0) =	vadd.scan.msk.s32 $0xffff, v50;
	_ =	sdelay $0x4  }
0x3b2: {  	v51, _, _ =	vpop (xrf0)  }
0x3b3: {  	(v2sf) =	vpush v51, $0xF;
	v52, _, _ =	vpop (xrf0)  }
0x3b4: {  	(v2sf) =	vpush v52, $0xF;
	_ =	sdelay $0xb  }
0x3b5: {  	s17 =	smul.u32 $0x3000, s18;
	v53 =	vld [tilespmem:s15+$0x7D60]  }
0x3b6: {  	v54 =	vld [tilespmem:s15+$0x7D70];
	s16 =	sadd.s32 $0x80, s16  }
0x3b7: {  	v30 =	vld [tilespmem:s15+$0x8100];
	s16 =	sand.u32 $0x380, s16;
	s17 =	sshra.s32 s17, $0x2;
	s18 =	spop (v2sf)  }
0x3b8: {  	v31 =	vld [tilespmem:s15+$0x8110];
	s16 =	sor.u32 s16, s17;
	s19 =	spop (v2sf)  }
0x3b9: {  	v32 =	vld [tilespmem:s16+$0x811C];
	s15 =	sadd.s32 s18, s19  }
0x3ba: {  	v33 =	vld [tilespmem:s16+$0x7900];
	v35 =	vmov s15  }
0x3bb: {  	v34 =	vld [tilespmem:s16+$0x7910];
	v35 =	vcvt.s32.f32 v35  }
0x3bc: {  	v36 =	vld [tilespmem:s16+$0x7920]  }
0x3bd: {  	v37 =	vld [tilespmem:s16+$0x7930];
	v35 =	vbroadcast v35, $0x0  }
0x3be: {  	v38 =	vld [tilespmem:s16+$0x7940]  }
0x3bf: {  	v39 =	vld [tilespmem:s16+$0x7950];
	(erf) = vrcp.f32 v35  }
0x3c0: {  	v40 =	vld [tilespmem:s16+$0x7960]  }
0x3c1: {  	v55 =	vld [tilespmem:s16+$0x7970]  }
0x3c2: {  	v41 =	vld [tilespmem:s16+$0x7D00]  }
0x3c3: {  	v42 =	vld [tilespmem:s16+$0x7D10]  }
0x3c4: {  	v43 =	vld [tilespmem:s16+$0x7D20]  }
0x3c5: {  	v44 =	vld [tilespmem:s16+$0x7D30]  }
0x3c6: {  	v45 =	vld [tilespmem:s16+$0x7D40]  }
0x3c7: {  	v46 =	vld [tilespmem:s16+$0x7D50];
	v22 =	vadd.f32 v33, v22  }
0x3c8: {  	v56 =	vld [tilespmem:s16+$0x7D60];
	v21 =	vadd.f32 v34, v21;
	v47 =	vpop (erf)  }
0x3c9: {  	v57 =	vld [tilespmem:s16+$0x7D70];
	v20 =	vadd.f32 v36, v20;
	v22 =	vmul.f32 v47, v22  }
0x3ca: {  	v58 =	vld [tilespmem:s16+$0x8100];
	v19 =	vadd.f32 v37, v19;
	v21 =	vmul.f32 v47, v21  }
0x3cb: {  	v59 =	vld [tilespmem:s16+$0x8110];
	v18 =	vadd.f32 v38, v18;
	v20 =	vmul.f32 v47, v20;
	[tilespmem:s13+$0xF480] =	vst v22  }
0x3cc: {  	v17 =	vadd.f32 v39, v17;
	v19 =	vmul.f32 v47, v19;
	[tilespmem:s13+$0xF490] =	vst v21  }
0x3cd: {  	v16 =	vadd.f32 v40, v16;
	v18 =	vmul.f32 v47, v18;
	[tilespmem:s13+$0xF4A0] =	vst v20  }
0x3ce: {  	v7 =	vadd.f32 v27, v7;
	v15 =	vadd.f32 v55, v15;
	v17 =	vmul.f32 v47, v17;
	[tilespmem:s13+$0xF4B0] =	vst v19  }
0x3cf: {  	v14 =	vadd.f32 v26, v14;
	v13 =	vadd.f32 v41, v13;
	v16 =	vmul.f32 v47, v16;
	[tilespmem:s13+$0xF4C0] =	vst v18  }
0x3d0: {  	v12 =	vadd.f32 v23, v12;
	v7 =	vadd.f32 v42, v7;
	v15 =	vmul.f32 v47, v15;
	[tilespmem:s13+$0xF4D0] =	vst v17  }
0x3d1: {  	v11 =	vadd.f32 v24, v11;
	v14 =	vadd.f32 v43, v14;
	v13 =	vmul.f32 v47, v13;
	[tilespmem:s13+$0xF4E0] =	vst v16  }
0x3d2: {  	v10 =	vadd.f32 v25, v10;
	v12 =	vadd.f32 v44, v12;
	v7 =	vmul.f32 v47, v7;
	[tilespmem:s13+$0xF4F0] =	vst v15  }
0x3d3: {  	v8 =	vadd.f32 v53, v8;
	v11 =	vadd.f32 v45, v11;
	v60 =	vmul.f32 v47, v14;
	[tilespmem:s13+$0xF880] =	vst v13  }
0x3d4: {  	v9 =	vadd.f32 v54, v9;
	v10 =	vadd.f32 v46, v10;
	v61 =	vmul.f32 v47, v12;
	[tilespmem:s13+$0xF890] =	vst v7  }
0x3d5: {  	v6 =	vadd.f32 v30, v6;
	v8 =	vadd.f32 v56, v8;
	v11 =	vmul.f32 v47, v11;
	[tilespmem:s13+$0xF8A0] =	vst v60  }
0x3d6: {  	v5 =	vadd.f32 v31, v5;
	v9 =	vadd.f32 v57, v9;
	v62 =	vmul.f32 v47, v10;
	[tilespmem:s13+$0xF8B0] =	vst v61  }
0x3d7: {  	v6 =	vadd.f32 v58, v6;
	v8 =	vmul.f32 v47, v8;
	[tilespmem:s13+$0xF8C0] =	vst v11  }
0x3d8: {  	p0 =	sne.s32 s14, $0x7;
	v5 =	vadd.f32 v59, v5;
	v63 =	vmul.f32 v47, v9;
	[tilespmem:s13+$0xF8D0] =	vst v62  }
0x3d9: {  	s12 =	sadd.s32 @!p0 s12, s10;
	v4 =	vadd.f32 v32, v4;
	v6 =	vmul.f32 v47, v6;
	[tilespmem:s13+$0xF8E0] =	vst v8  }
0x3da: {  	s12 =	sshrl.u32 @!p0 s12, $0x3;
	v5 =	vmul.f32 v47, v5;
	[tilespmem:s13+$0xF8F0] =	vst v63  }
0x3db: {  	s12 =	smul.u32 @!p0 $0x180, s12;
	v4 =	vmul.f32 v47, v4;
	[tilespmem:s13+$0xFC80] =	vst v6  }
0x3dc: {  	s7 =	sadd.s32 $0x1, s7;
	s14 =	simm.s32 @!p0 $0xF100;
	[tilespmem:s13+$0xFC90] =	vst v5  }
0x3dd: {  	p1 =	sne.s32 s7, $0x40;
	s12 =	sadd.s32 @!p0 s5, s12;
	[tilespmem:s13+$0xFC9C] =	vst v4;
	s13 =	simm.s32 @!p0 $0x0  }
0x3de: {  	[hbm4b:s12+s13] =	stream.linear.scatter @!p0 [tilespmem:s14], [sflag:$0x3], $0x6000, $0x38;
	[tilespmem:$0x15100] =	vst v63  }
.Ltmp9:
0x3df: {  	_ = 	snop;
	(pc) =	sbr.rel @p1 .LBB2_2-.Ltmp9, $4  }
0x3e0: {  	s12 =	simm.s32 @!p0 $0x3  }
0x3e1: {  	_ =	swait.ge @!p0 [sflag:s12], $0x6000  }
0x3e2: {  	[sflag:s12] =	ssyncset.done @!p0 $0x0  }
0x3e3: {  	[sflag:s12] =	ssyncadd.s32 @!p0 $0xFFFFA000  }
0x3e4: {  	s12 =	rddreg [dreg:$0x6]  }
0x3e5: {  	s7 =	rddreg [dreg:$0x5];
	s12 =	sadd.s32 $0x1, s12  }
0x3e6: {  	p0 =	sne.s32 s12, s7  }
.Ltmp10:
0x3e7: {  	_ = 	snop;
	(pc) =	sbr.rel @p0 .LBB2_1-.Ltmp10, $1  }
0x3e8: {  	_ =	sdelay $0x3  }
0x3e9: {  	_ =	sfence.sel $0x180000  }
0x3ea: {  	[bflag:$0x0] =	sbarrier.arrive $0xFFFF  }
0x3eb: {  	_ =	strace $0x90000047  }
0x3ec: {  	s0 =	stileid.u32;
	[bflag:$0x2] =	sbarrier.arrive $0xFFFF  }
0x3ed: {  	p0 =	sne.s32 s0, $0x0;
	s0 =	rddreg [dreg:$0x2]  }
0x3ee: {  	s0 =	sadd.s32 @!p0 $0x100000, s0  }
0x3ef: {  	[sflag:s0] =	ssyncadd.tile.s32 @!p0 $0x1;
	_ =	shalt  }
.Lfunc_end2:
_tile_overlayer_lowered:
.L_overlay_start_2:
0x3f0: {  	(tag) =	ssettag $0x2  }
0x3f1: {  	s0 =	rddreg [dreg:$0x0];
	s2 =	stileid.u32  }
0x3f2: {  	s1 =	rddreg [dreg:$0x1];
	p0 =	sne.s32 s2, $0x0  }
0x3f3: {  	s3 =	rddreg [dreg:$0x2];
	[bflag:$0x3] =	sbarrier.arrive $0xFFFF;
	s2 =	simm.s32 @!p0 $0x1C03  }
0x3f4: {  	[timem:s3], [sflag:s2] =	dma.local @!p0 [hbm:s0], s1  }
0x3f5: {  	s0 =	simm.s32 @!p0 $0x3  }
0x3f6: {  	_ =	swait.ge @!p0 [sflag:s0], s1  }
0x3f7: {  	s1 =	ssub.s32 @!p0 $0x0, s1;
	[sflag:s0] =	ssyncset.done @!p0 $0x0  }
0x3f8: {  	[sflag:s0] =	ssyncadd.s32 @!p0 s1  }
0x3f9: {  	[bflag:$0x3] =	sbarrier.arrive $0xFFFF  }
0x3fa: {  	_ =	shalt  }

</sc_bundles>
